<compile_context>
chip_gen: v7x
topology: tpu7x:2x2x1
jax: 0.10.2.dev20260603
libtpu: 0.0.44.dev20260713+nightly
codegen_flags: <defaults>
</compile_context>

<pallas_src>
import functools

import jax
import jax.numpy as jnp
from jax import lax
from jax.experimental import pallas as pl
from jax.experimental.pallas import tpu as pltpu
from jax.experimental.pallas import tpu_sc as plsc

N = 50000
E = 800000
F = 64
FQ = 16
FH = 32
G = 512
NC = 2
NS = 16
CH = 128
IB = 200

EPT = E // NS
CPT = 400
PADT = CPT * CH - EPT
ACC_ROWS = NS * 3200

EPT_D = E // (NC * NS)
CPT_D = 196
PADT_D = CPT_D * CH - EPT_D

NPT = N // NS
PCH = NPT // CH + 1
PTAIL = NPT - (PCH - 1) * CH
POOL_ROWS = 640

_mesh = plsc.VectorSubcoreMesh(core_axis_name="c", subcore_axis_name="s")
_sc_params = pltpu.CompilerParams(use_tc_tiling_on_sc=False)


def _fill_rows(rows, n, value):
    v = jnp.full((16,), value, jnp.float32)

    def body(i, _):
        rows[i, pl.ds(0, 16)] = v
        return 0

    lax.fori_loop(0, n, body, 0)


@functools.partial(
    pl.kernel,
    out_type=jax.ShapeDtypeStruct((NC * ACC_ROWS, FQ), jnp.float32),
    mesh=_mesh,
    compiler_params=_sc_params,
    scratch_types=[
        pltpu.VMEM((CPT_D, CH), jnp.int32),
        pltpu.VMEM((CH, FQ), jnp.float32),
        pltpu.VMEM((IB, FQ), jnp.float32),
        pltpu.VMEM_SHARED((ACC_ROWS, FQ), jnp.float32),
    ],
)
def _deg_kernel(dstd, out, didx, vones, zbuf, acc):
    c = lax.axis_index("c")
    s = lax.axis_index("s")
    w = c * NS + s

    _fill_rows(vones, CH, 1.0)
    _fill_rows(zbuf, IB, 0.0)
    pltpu.sync_copy(dstd.at[pl.ds(w * CPT_D, CPT_D)], didx)

    def zacc(i, _):
        pltpu.sync_copy(zbuf, acc.at[pl.ds(s * 3200 + i * IB, IB)])
        return 0

    lax.fori_loop(0, 3200 // IB, zacc, 0)
    plsc.subcore_barrier()

    def body(j, _):
        pltpu.sync_copy(vones, acc.at[didx.at[j]], add=True)
        return 0

    lax.fori_loop(0, CPT_D, body, 0)
    plsc.subcore_barrier()

    def ocp(i, _):
        pltpu.sync_copy(acc.at[pl.ds(s * 3200 + i * IB, IB)], zbuf)
        pltpu.sync_copy(zbuf, out.at[pl.ds(c * ACC_ROWS + s * 3200 + i * IB,
                                           IB)])
        return 0

    lax.fori_loop(0, 3200 // IB, ocp, 0)


@functools.partial(
    pl.kernel,
    out_type=jax.ShapeDtypeStruct((NC * ACC_ROWS, FQ), jnp.float32),
    mesh=_mesh,
    compiler_params=_sc_params,
    scratch_types=[
        pltpu.VMEM((IB, CH), jnp.int32),
        pltpu.VMEM((IB, CH), jnp.int32),
        pltpu.VMEM((CH, FQ), jnp.float32),
        pltpu.VMEM((CH, FQ), jnp.float32),
        pltpu.VMEM_SHARED((ACC_ROWS, FQ), jnp.float32),
        pltpu.SemaphoreType.DMA,
        pltpu.SemaphoreType.DMA,
    ],
)
def _seg_kernel(srcs, dsts, ytab, out, sidx, didx, rows0, rows1, acc,
                gsem0, gsem1):
    c = lax.axis_index("c")
    s = lax.axis_index("s")
    w = c * NS + s

    _fill_rows(rows0, CH, 0.0)

    def zacc(i, _):
        pltpu.sync_copy(rows0, acc.at[pl.ds(s * 3200 + i * CH, CH)])
        return 0

    lax.fori_loop(0, 3200 // CH, zacc, 0)
    plsc.subcore_barrier()

    for b in range(CPT // IB):
        pltpu.sync_copy(srcs.at[pl.ds(w * CPT + b * IB, IB)], sidx)
        pltpu.sync_copy(dsts.at[pl.ds(w * CPT + b * IB, IB)], didx)
        pltpu.async_copy(ytab.at[sidx.at[0]], rows0, gsem0)

        def body(k, _):
            j = 2 * k
            pltpu.async_copy(ytab.at[sidx.at[j + 1]], rows1, gsem1)
            pltpu.make_async_copy(ytab.at[sidx.at[j]], rows0, gsem0).wait()
            pltpu.sync_copy(rows0, acc.at[didx.at[j]], add=True)

            @pl.when(k < IB // 2 - 1)
            def _():
                pltpu.async_copy(ytab.at[sidx.at[j + 2]], rows0, gsem0)

            pltpu.make_async_copy(ytab.at[sidx.at[j + 1]], rows1, gsem1).wait()
            pltpu.sync_copy(rows1, acc.at[didx.at[j + 1]], add=True)
            return 0

        lax.fori_loop(0, IB // 2, body, 0)
    plsc.subcore_barrier()

    def obase(i):
        return c * ACC_ROWS + s * 3200 + i * CH

    def ocp(i, buf, sem):
        pltpu.sync_copy(acc.at[pl.ds(s * 3200 + i * CH, CH)], buf)
        pltpu.async_copy(buf, out.at[pl.ds(obase(i), CH)], sem)

    ocp(0, rows0, gsem0)

    def obody(k, _):
        i = 2 * k
        ocp(i + 1, rows1, gsem1)
        pltpu.make_async_copy(rows0, out.at[pl.ds(obase(i), CH)],
                              gsem0).wait()

        @pl.when(k < 3200 // CH // 2 - 1)
        def _():
            ocp(i + 2, rows0, gsem0)

        pltpu.make_async_copy(rows1, out.at[pl.ds(obase(i + 1), CH)],
                              gsem1).wait()
        return 0

    lax.fori_loop(0, 3200 // CH // 2, obody, 0)
    last = 3200 // CH - 1
    ocp(last, rows0, gsem0)
    pltpu.make_async_copy(rows0, out.at[pl.ds(obase(last), CH)], gsem0).wait()


@functools.partial(
    pl.kernel,
    out_type=(jax.ShapeDtypeStruct((NC * G, FH), jnp.float32),
              jax.ShapeDtypeStruct((G, FQ), jnp.float32)),
    mesh=_mesh,
    compiler_params=_sc_params,
    scratch_types=[
        pltpu.VMEM((PCH, CH), jnp.int32),
        pltpu.VMEM((CH, FH), jnp.float32),
        pltpu.VMEM((CH, FQ), jnp.float32),
        pltpu.VMEM((POOL_ROWS // NS, FH), jnp.float32),
        pltpu.VMEM((POOL_ROWS // NS, FQ), jnp.float32),
        pltpu.VMEM((G // NS, FH), jnp.float32),
        pltpu.VMEM((G // NS, FQ), jnp.float32),
        pltpu.VMEM_SHARED((POOL_ROWS, FH), jnp.float32),
        pltpu.VMEM_SHARED((POOL_ROWS, FQ), jnp.float32),
    ],
)
def _pool_kernel(t2, batchp, sums, cnts, bidx, rows, vones, zp, zq,
                 obuf, obufc, accp, accc):
    c = lax.axis_index("c")
    s = lax.axis_index("s")
    w = c * NS + s
    base = c * N + s * NPT
    stripe = POOL_ROWS // NS
    z16 = jnp.zeros((16,), jnp.float32)

    _fill_rows(vones, CH, 1.0)
    _fill_rows(zp, stripe, 0.0)
    for i in range(stripe):
        zp[i, pl.ds(FQ, FQ)] = z16
    _fill_rows(zq, stripe, 0.0)

    pltpu.sync_copy(batchp.at[pl.ds(w * PCH, PCH)], bidx)
    pltpu.sync_copy(zp, accp.at[pl.ds(s * stripe, stripe)])
    pltpu.sync_copy(zq, accc.at[pl.ds(s * stripe, stripe)])
    plsc.subcore_barrier()

    def body(j, _):
        pltpu.sync_copy(t2.at[pl.ds(base + j * CH, CH)], rows)
        pltpu.sync_copy(rows, accp.at[bidx.at[j]], add=True)

        @pl.when(c == 0)
        def _():
            pltpu.sync_copy(vones, accc.at[bidx.at[j]], add=True)

        return 0

    lax.fori_loop(0, PCH - 1, body, 0)
    pltpu.sync_copy(t2.at[pl.ds(base + NPT - CH, CH)], rows)
    pltpu.sync_copy(rows, accp.at[bidx.at[PCH - 1]], add=True)

    @pl.when(c == 0)
    def _():
        pltpu.sync_copy(vones, accc.at[bidx.at[PCH - 1]], add=True)

    plsc.subcore_barrier()
    gs = G // NS
    pltpu.sync_copy(accp.at[pl.ds(s * gs, gs)], obuf)
    pltpu.sync_copy(obuf, sums.at[pl.ds(c * G + s * gs, gs)])

    @pl.when(c == 0)
    def _():
        pltpu.sync_copy(accc.at[pl.ds(s * gs, gs)], obufc)
        pltpu.sync_copy(obufc, cnts.at[pl.ds(s * gs, gs)])


RB = 400
NBLK = N // RB


def _mm1_body(h_ref, w_ref, p0_ref, p1_ref, y_ref, dinv_ref):
    deg = p0_ref[...] + p1_ref[...] + 1.0
    dinv = 1.0 / jnp.sqrt(deg)
    xw = lax.dot_general(h_ref[...], w_ref[...], (((1,), (1,)), ((), ())),
                         preferred_element_type=jnp.float32)
    y_ref[...] = xw * dinv
    dinv_ref[...] = dinv


def _mm2_body(s_ref, y_ref, dinv_ref, b_ref, w_ref, o_ref):
    dinv = dinv_ref[...]
    h1 = jnp.maximum(dinv * (s_ref[...] + y_ref[...]) + b_ref[...], 0.0)
    o_ref[...] = lax.dot_general(h1, w_ref[...], (((1,), (1,)), ((), ())),
                                 preferred_element_type=jnp.float32) * dinv


def _post_body(s_ref, y_ref, dinv_ref, b_ref, t_ref):
    t_ref[...] = jnp.maximum(
        dinv_ref[...] * (s_ref[...] + y_ref[...]) + b_ref[...], 0.0)


def _head_body(sums_ref, cnts_ref, f1w_ref, f1b_ref, f2w_ref, f2b_ref, o_ref):
    pooled = sums_ref[...] / jnp.maximum(cnts_ref[...], 1.0)
    e = jnp.maximum(
        lax.dot_general(pooled, f1w_ref[...], (((1,), (1,)), ((), ())),
                        preferred_element_type=jnp.float32) + f1b_ref[...],
        0.0)
    e = lax.dot_general(e, f2w_ref[...], (((1,), (1,)), ((), ())),
                        preferred_element_type=jnp.float32) + f2b_ref[...]
    nrm = jnp.sqrt(jnp.sum(e * e, axis=1, keepdims=True))
    o_ref[...] = e / jnp.maximum(nrm, 1e-12)


def _row_spec(width):
    return pl.BlockSpec((RB, width), lambda i: (i, 0))


_w_spec = pl.BlockSpec((F, F), lambda i: (0, 0))
_b_spec = pl.BlockSpec((1, F), lambda i: (0, 0))

_mm1 = pl.pallas_call(
    _mm1_body,
    grid=(NBLK,),
    in_specs=[_row_spec(F), _w_spec, _row_spec(1), _row_spec(1)],
    out_specs=[_row_spec(F), _row_spec(1)],
    out_shape=[jax.ShapeDtypeStruct((N, F), jnp.float32),
               jax.ShapeDtypeStruct((N, 1), jnp.float32)],
)

_mm2 = pl.pallas_call(
    _mm2_body,
    grid=(NBLK,),
    in_specs=[_row_spec(F), _row_spec(F), _row_spec(1), _b_spec, _w_spec],
    out_specs=_row_spec(F),
    out_shape=jax.ShapeDtypeStruct((N, F), jnp.float32),
)

_post = pl.pallas_call(
    _post_body,
    grid=(NBLK,),
    in_specs=[_row_spec(F), _row_spec(F), _row_spec(1), _b_spec],
    out_specs=_row_spec(F),
    out_shape=jax.ShapeDtypeStruct((N, F), jnp.float32),
)

_head = pl.pallas_call(
    _head_body,
    out_shape=jax.ShapeDtypeStruct((G, F), jnp.float32),
)


def _to_quarters(y):
    return jnp.concatenate([y[:, k * FQ:(k + 1) * FQ] for k in range(4)],
                           axis=0)


def _from_seg(Sa, Sb):
    return jnp.concatenate(
        [Sa[:N], Sa[ACC_ROWS:ACC_ROWS + N],
         Sb[:N], Sb[ACC_ROWS:ACC_ROWS + N]], axis=1)


def kernel(x, edge_index, batch, W1, b1, W2, b2, F1w, F1b, F2w, F2b):
    src = edge_index[0].astype(jnp.int32)
    dst = edge_index[1].astype(jnp.int32)
    bat = batch.astype(jnp.int32)

    pad_s = (jnp.arange(NS * PADT, dtype=jnp.int32) * 4099) % (NC * N)
    pad_s = pad_s.reshape(NS, PADT)
    pad_d = N + (jnp.arange(NS * PADT, dtype=jnp.int32) % (ACC_ROWS - N))
    pad_d = pad_d.reshape(NS, PADT)
    s_t = src.reshape(NS, EPT)
    d_t = dst.reshape(NS, EPT)
    s0 = jnp.concatenate([s_t, pad_s], axis=1)
    s1 = jnp.concatenate([s_t + N, pad_s], axis=1)
    srcs_a = jnp.concatenate([s0, s1], axis=0).reshape(NC * NS * CPT, CH)
    s2 = jnp.concatenate([s_t + 2 * N, pad_s], axis=1)
    s3 = jnp.concatenate([s_t + 3 * N, pad_s], axis=1)
    srcs_b = jnp.concatenate([s2, s3], axis=0).reshape(NC * NS * CPT, CH)
    d0 = jnp.concatenate([d_t, pad_d], axis=1)
    dsts = jnp.concatenate([d0, d0], axis=0).reshape(NC * NS * CPT, CH)

    pad_dd = N + (jnp.arange(NC * NS * PADT_D, dtype=jnp.int32)
                  % (ACC_ROWS - N)).reshape(NC * NS, PADT_D)
    dstd = jnp.concatenate([dst.reshape(NC * NS, EPT_D), pad_dd],
                           axis=1).reshape(NC * NS * CPT_D, CH)

    pad_b = G + (jnp.arange(NS * (CH - PTAIL), dtype=jnp.int32)
                 % (POOL_ROWS - G)).reshape(NS, CH - PTAIL)
    bt = bat.reshape(NS, NPT)
    b_full = bt[:, :(PCH - 1) * CH].reshape(NS, PCH - 1, CH)
    b_tail = jnp.concatenate([pad_b, bt[:, (PCH - 1) * CH:]], axis=1)
    b_t = jnp.concatenate([b_full, b_tail[:, None, :]], axis=1)
    batchp = jnp.concatenate([b_t, b_t], axis=0).reshape(NC * NS * PCH, CH)

    degp = _deg_kernel(dstd)
    p0 = degp[:N, :1]
    p1 = degp[ACC_ROWS:ACC_ROWS + N, :1]

    h = x[:, 1:]
    y1, dinv = _mm1(h, W1, p0, p1)
    ytab1 = _to_quarters(y1)
    S1a = _seg_kernel(srcs_a, dsts, ytab1)
    S1b = _seg_kernel(srcs_b, dsts, ytab1)
    y2 = _mm2(_from_seg(S1a, S1b), y1, dinv, b1.reshape(1, F), W2)
    ytab2 = _to_quarters(y2)
    S2a = _seg_kernel(srcs_a, dsts, ytab2)
    S2b = _seg_kernel(srcs_b, dsts, ytab2)
    t = _post(_from_seg(S2a, S2b), y2, dinv, b2.reshape(1, F))
    t2 = jnp.concatenate([t[:, :FH], t[:, FH:]], axis=0)
    sums, cnts = _pool_kernel(t2, batchp)
    psum = jnp.concatenate([sums[:G], sums[G:]], axis=1)
    return _head(psum, cnts[:, :1], F1w, F1b.reshape(1, F),
                 F2w, F2b.reshape(1, F))

# --- scband reference (transcript-rebuilt; emitter-appended) ---
"""Pipeline reference for scband-graph-encoder-65317862637644 (READ-ONLY COPY).

The authoritative reference and input builder live on the scoring server;
editing this copy changes nothing except your own understanding.
"""

import jax, jax.numpy as jnp
import numpy as np

N_NODES = 50000
N_EDGES = 800000
IN_DIM = 64
HID = 64
EMB = 64
N_GRAPHS = 512


def setup_inputs(seed: int = 0) -> dict:
    key = jax.random.key(seed)
    ks = jax.random.split(key, 12)
    x = jax.random.normal(ks[0], (N_NODES, IN_DIM + 1), dtype=jnp.float32)
    edge_index = jax.random.randint(ks[1], (2, N_EDGES), 0, N_NODES, dtype=jnp.int64)
    batch = jnp.sort(jax.random.randint(ks[2], (N_NODES,), 0, N_GRAPHS, dtype=jnp.int64))
    s = 1.0 / np.sqrt(HID)
    W1 = jax.random.uniform(ks[3], (HID, IN_DIM), jnp.float32, -s, s)
    b1 = jnp.zeros((HID,), jnp.float32)
    W2 = jax.random.uniform(ks[4], (HID, HID), jnp.float32, -s, s)
    b2 = jnp.zeros((HID,), jnp.float32)
    F1w = jax.random.uniform(ks[5], (HID, HID), jnp.float32, -s, s)
    F1b = jax.random.uniform(ks[6], (HID,), jnp.float32, -s, s)
    F2w = jax.random.uniform(ks[7], (EMB, HID), jnp.float32, -s, s)
    F2b = jax.random.uniform(ks[8], (EMB,), jnp.float32, -s, s)
    return {"x": x, "edge_index": edge_index, "batch": batch,
            "W1": W1, "b1": b1, "W2": W2, "b2": b2,
            "F1w": F1w, "F1b": F1b, "F2w": F2w, "F2b": F2b}


def _gcn_conv(x, src, dst, dinv, W, b, n):
    xw = jnp.dot(x, W.T)
    norm = dinv[src] * dinv[dst]
    msg = jnp.take(xw, src, axis=0) * norm[:, None]
    out = jax.ops.segment_sum(msg, dst, num_segments=n)
    return out + b


def reference(x, edge_index, batch, W1, b1, W2, b2, F1w, F1b, F2w, F2b):
    n = x.shape[0]
    # strip first column (matches x = x[:, 1:])
    h = x[:, 1:]
    # add self loops (PyG GCNConv default)
    loop = jnp.arange(n, dtype=edge_index.dtype)
    src = jnp.concatenate([edge_index[0], loop])
    dst = jnp.concatenate([edge_index[1], loop])
    deg = jax.ops.segment_sum(jnp.ones_like(src, dtype=jnp.float32), dst, num_segments=n)
    dinv = jnp.where(deg > 0, 1.0 / jnp.sqrt(deg), 0.0)
    h = jax.nn.relu(_gcn_conv(h, src, dst, dinv, W1, b1, n))
    h = jax.nn.relu(_gcn_conv(h, src, dst, dinv, W2, b2, n))
    # global mean pool over batch segments
    sums = jax.ops.segment_sum(h, batch, num_segments=N_GRAPHS)
    cnts = jax.ops.segment_sum(jnp.ones((n,), jnp.float32), batch, num_segments=N_GRAPHS)
    pooled = sums / jnp.clip(cnts, 1.0)[:, None]
    # embed_fc: Linear -> ReLU -> Linear
    e = jax.nn.relu(jnp.dot(pooled, F1w.T) + F1b)
    e = jnp.dot(e, F2w.T) + F2b
    # L2 normalize
    nrm = jnp.sqrt(jnp.sum(e * e, axis=1, keepdims=True))
    e = e / jnp.maximum(nrm, 1e-12)
    return e

if __name__ == "__main__":
    import jax
    _d = setup_inputs()
    print(jax.jit(kernel)(*tuple(_d.values())))

</pallas_src>

<mosaic_0001>
#map = affine_map<(d0, d1) -> (0, 0)>
module attributes {stable_mosaic.version = 14 : i64} {
  func.func @_deg_kernel(%arg0: i32, %arg1: i32, %arg2: memref<6272x128xi32, #tpu.memory_space<hbm>>, %arg3: memref<102400x16xf32, #tpu.memory_space<hbm>>, %arg4: memref<196x128xi32, #tpu.memory_space<vmem>>, %arg5: memref<128x16xf32, #tpu.memory_space<vmem>>, %arg6: memref<200x16xf32, #tpu.memory_space<vmem>>, %arg7: memref<51200x16xf32, #tpu.memory_space<vmem_shared>>) attributes {dimension_semantics = [#tpu.dimension_semantics<core_parallel>, #tpu.dimension_semantics<subcore_parallel>], iteration_bounds = array<i64: 2, 16>, scalar_prefetch = 0 : i64, scratch_operands = 4 : i64, tpu.core_type = #tpu.core_type<sc_vector_subcore>, window_params = [{transform_indices = #map}, {transform_indices = #map}]} {
    %mul3A = arith.constant 16 : i32
    %mul3A_0 = arith.muli %arg0, %mul3A : i32
    %add3A = arith.addi %mul3A_0, %arg1 : i32
    %broadcast_in_dim3A = arith.constant 1.000000e+00 : f32
    %broadcast_in_dim3A_1 = vector.broadcast %broadcast_in_dim3A : f32 to vector<16xf32>
    %scan3A = arith.constant 0 : i32
    %scan3A_2 = arith.constant 0 : i32
    %scan3A_3 = arith.constant 128 : i32
    %scan3A_4 = arith.addi %scan3A_2, %scan3A_3 : i32
    %scan3A_5 = arith.constant 1 : i32
    %scan3A_6 = scf.for %scan3A_41 = %scan3A_2 to %scan3A_4 step %scan3A_5 iter_args(%scan3A_42 = %scan3A) -> (i32)  : i32 {
      %swap3A = arith.index_cast %scan3A_41 : i32 to index
      %swap3A_43 = arith.constant 0 : index
      %swap3A_44 = tpu.vector_load %arg5[%swap3A, %swap3A_43] {strides = array<i32>} : memref<128x16xf32, #tpu.memory_space<vmem>>, vector<1x16xf32>,
      %swap3A_45 = vector.shape_cast %swap3A_44 : vector<1x16xf32> to vector<16xf32>
      %swap3A_46 = vector.shape_cast %broadcast_in_dim3A_1 : vector<16xf32> to vector<1x16xf32>
      tpu.vector_store %arg5[%swap3A, %swap3A_43], %swap3A_46 {strides = array<i32>} : memref<128x16xf32, #tpu.memory_space<vmem>>, vector<1x16xf32>,
      %scan3A_47 = arith.constant 0 : i32
      scf.yield %scan3A_47 : i32
    }
    %scan3A_7 = arith.constant 128 : i32
    %broadcast_in_dim3A_8 = arith.constant 0.000000e+00 : f32
    %broadcast_in_dim3A_9 = vector.broadcast %broadcast_in_dim3A_8 : f32 to vector<16xf32>
    %scan3A_10 = arith.constant 0 : i32
    %scan3A_11 = arith.constant 0 : i32
    %scan3A_12 = arith.constant 200 : i32
    %scan3A_13 = arith.addi %scan3A_11, %scan3A_12 : i32
    %scan3A_14 = arith.constant 1 : i32
    %scan3A_15 = scf.for %scan3A_41 = %scan3A_11 to %scan3A_13 step %scan3A_14 iter_args(%scan3A_42 = %scan3A_10) -> (i32)  : i32 {
      %swap3A = arith.index_cast %scan3A_41 : i32 to index
      %swap3A_43 = arith.constant 0 : index
      %swap3A_44 = tpu.vector_load %arg6[%swap3A, %swap3A_43] {strides = array<i32>} : memref<200x16xf32, #tpu.memory_space<vmem>>, vector<1x16xf32>,
      %swap3A_45 = vector.shape_cast %swap3A_44 : vector<1x16xf32> to vector<16xf32>
      %swap3A_46 = vector.shape_cast %broadcast_in_dim3A_9 : vector<16xf32> to vector<1x16xf32>
      tpu.vector_store %arg6[%swap3A, %swap3A_43], %swap3A_46 {strides = array<i32>} : memref<200x16xf32, #tpu.memory_space<vmem>>, vector<1x16xf32>,
      %scan3A_47 = arith.constant 0 : i32
      scf.yield %scan3A_47 : i32
    }
    %scan3A_16 = arith.constant 200 : i32
    %mul3A_17 = arith.constant 196 : i32
    %mul3A_18 = arith.muli %add3A, %mul3A_17 : i32
    "tpu.region"() ({
      %run_scoped3A = tpu.sem_alloc : memref<!tpu.dma_semaphore, #tpu.memory_space<semaphore_mem>>
      %dma_start3A = arith.constant 0 : i32
      %dma_start3A_41 = tpu.memref_slice %arg2[%mul3A_18, %dma_start3A] : memref<6272x128xi32, #tpu.memory_space<hbm>> -> memref<196x128xi32, #tpu.memory_space<hbm>>
      %dma_start3A_42 = arith.constant 0 : i32
      %dma_start3A_43 = tpu.memref_slice %arg2[%mul3A_18, %dma_start3A_42] : memref<6272x128xi32, #tpu.memory_space<hbm>> -> memref<196x128xi32, #tpu.memory_space<hbm>>
      tpu.enqueue_dma source(%dma_start3A_43 : memref<196x128xi32, #tpu.memory_space<hbm>>) target(%arg4 : memref<196x128xi32, #tpu.memory_space<vmem>>) target_semaphore(%run_scoped3A : memref<!tpu.dma_semaphore, #tpu.memory_space<semaphore_mem>>)
      %dma_wait3A = arith.constant 0 : i32
      %dma_wait3A_44 = tpu.memref_slice %arg2[%mul3A_18, %dma_wait3A] : memref<6272x128xi32, #tpu.memory_space<hbm>> -> memref<196x128xi32, #tpu.memory_space<hbm>>
      %dma_wait3A_45 = arith.constant 0 : i32
      %dma_wait3A_46 = tpu.memref_slice %arg2[%mul3A_18, %dma_wait3A_45] : memref<6272x128xi32, #tpu.memory_space<hbm>> -> memref<196x128xi32, #tpu.memory_space<hbm>>
      tpu.wait_dma2 semaphore(%run_scoped3A : memref<!tpu.dma_semaphore, #tpu.memory_space<semaphore_mem>>) src(%dma_wait3A_46 : memref<196x128xi32, #tpu.memory_space<hbm>>) dst(%arg4 : memref<196x128xi32, #tpu.memory_space<vmem>>)
      tpu.yield
    }) : () -> ()
    %scan3A_19 = arith.constant 0 : i32
    %scan3A_20 = arith.constant 0 : i32
    %scan3A_21 = arith.constant 16 : i32
    %scan3A_22 = arith.addi %scan3A_20, %scan3A_21 : i32
    %scan3A_23 = arith.constant 1 : i32
    %scan3A_24 = scf.for %scan3A_41 = %scan3A_20 to %scan3A_22 step %scan3A_23 iter_args(%scan3A_42 = %scan3A_19) -> (i32)  : i32 {
      %mul3A_43 = arith.constant 3200 : i32
      %mul3A_44 = arith.muli %arg1, %mul3A_43 : i32
      %mul3A_45 = arith.constant 200 : i32
      %mul3A_46 = arith.muli %scan3A_41, %mul3A_45 : i32
      %add3A_47 = arith.addi %mul3A_44, %mul3A_46 : i32
      "tpu.region"() ({
        %run_scoped3A = tpu.sem_alloc : memref<!tpu.dma_semaphore, #tpu.memory_space<semaphore_mem>>
        %dma_start3A = arith.constant 0 : i32
        %dma_start3A_49 = tpu.memref_slice %arg7[%add3A_47, %dma_start3A] : memref<51200x16xf32, #tpu.memory_space<vmem_shared>> -> memref<200x16xf32, #tpu.memory_space<vmem_shared>>
        %dma_start3A_50 = arith.constant 0 : i32
        %dma_start3A_51 = tpu.memref_slice %arg7[%add3A_47, %dma_start3A_50] : memref<51200x16xf32, #tpu.memory_space<vmem_shared>> -> memref<200x16xf32, #tpu.memory_space<vmem_shared>>
        tpu.enqueue_dma source(%arg6 : memref<200x16xf32, #tpu.memory_space<vmem>>) target(%dma_start3A_51 : memref<200x16xf32, #tpu.memory_space<vmem_shared>>) target_semaphore(%run_scoped3A : memref<!tpu.dma_semaphore, #tpu.memory_space<semaphore_mem>>)
        %dma_wait3A = arith.constant 0 : i32
        %dma_wait3A_52 = tpu.memref_slice %arg7[%add3A_47, %dma_wait3A] : memref<51200x16xf32, #tpu.memory_space<vmem_shared>> -> memref<200x16xf32, #tpu.memory_space<vmem_shared>>
        %dma_wait3A_53 = arith.constant 0 : i32
        %dma_wait3A_54 = tpu.memref_slice %arg7[%add3A_47, %dma_wait3A_53] : memref<51200x16xf32, #tpu.memory_space<vmem_shared>> -> memref<200x16xf32, #tpu.memory_space<vmem_shared>>
        tpu.wait_dma2 semaphore(%run_scoped3A : memref<!tpu.dma_semaphore, #tpu.memory_space<semaphore_mem>>) src(%arg6 : memref<200x16xf32, #tpu.memory_space<vmem>>) dst(%dma_wait3A_54 : memref<200x16xf32, #tpu.memory_space<vmem_shared>>)
        tpu.yield
      }) : () -> ()
      %scan3A_48 = arith.constant 0 : i32
      scf.yield %scan3A_48 : i32
    }
    %scan3A_25 = arith.constant 16 : i32
    %barrier3A = arith.constant 0 : index
    tpu.barrier barrier_id(%barrier3A)
    %scan3A_26 = arith.constant 0 : i32
    %scan3A_27 = arith.constant 0 : i32
    %scan3A_28 = arith.constant 196 : i32
    %scan3A_29 = arith.addi %scan3A_27, %scan3A_28 : i32
    %scan3A_30 = arith.constant 1 : i32
    %scan3A_31 = scf.for %scan3A_41 = %scan3A_27 to %scan3A_29 step %scan3A_30 iter_args(%scan3A_42 = %scan3A_26) -> (i32)  : i32 {
      "tpu.region"() ({
        %run_scoped3A = tpu.sem_alloc : memref<!tpu.dma_semaphore, #tpu.memory_space<semaphore_mem>>
        %dma_start3A = arith.constant 0 : i32
        %dma_start3A_44 = tpu.memref_slice %arg4[%scan3A_41, %dma_start3A] : memref<196x128xi32, #tpu.memory_space<vmem>> -> memref<1x128xi32, #tpu.memory_space<vmem>>
        %dma_start3A_45 = tpu.memref_squeeze %dma_start3A_44 : memref<1x128xi32, #tpu.memory_space<vmem>> -> memref<128xi32, #tpu.memory_space<vmem>>
        %dma_start3A_46 = arith.constant 0 : i32
        %dma_start3A_47 = arith.constant 0 : i32
        %dma_start3A_48 = tpu.memref_slice %arg7[%dma_start3A_46, %dma_start3A_47] : memref<51200x16xf32, #tpu.memory_space<vmem_shared>> -> memref<51200x16xf32, #tpu.memory_space<vmem_shared>>
        tpu.enqueue_indirect_dma source(%arg5 : memref<128x16xf32, #tpu.memory_space<vmem>>) target(%dma_start3A_48 : memref<51200x16xf32, #tpu.memory_space<vmem_shared>>) offsets(%dma_start3A_45 : memref<128xi32, #tpu.memory_space<vmem>>) semaphore(%run_scoped3A : memref<!tpu.dma_semaphore, #tpu.memory_space<semaphore_mem>>) {add = true}
        %dma_wait3A = arith.constant 0 : i32
        %dma_wait3A_49 = tpu.memref_slice %arg4[%scan3A_41, %dma_wait3A] : memref<196x128xi32, #tpu.memory_space<vmem>> -> memref<1x128xi32, #tpu.memory_space<vmem>>
        %dma_wait3A_50 = tpu.memref_squeeze %dma_wait3A_49 : memref<1x128xi32, #tpu.memory_space<vmem>> -> memref<128xi32, #tpu.memory_space<vmem>>
        %dma_wait3A_51 = arith.constant 0 : i32
        %dma_wait3A_52 = arith.constant 0 : i32
        %dma_wait3A_53 = tpu.memref_slice %arg7[%dma_wait3A_51, %dma_wait3A_52] : memref<51200x16xf32, #tpu.memory_space<vmem_shared>> -> memref<51200x16xf32, #tpu.memory_space<vmem_shared>>
        tpu.wait_indirect_dma semaphore(%run_scoped3A : memref<!tpu.dma_semaphore, #tpu.memory_space<semaphore_mem>>) src(%arg5 : memref<128x16xf32, #tpu.memory_space<vmem>>) dst(%dma_wait3A_53 : memref<51200x16xf32, #tpu.memory_space<vmem_shared>>)
        tpu.yield
      }) : () -> ()
      %scan3A_43 = arith.constant 0 : i32
      scf.yield %scan3A_43 : i32
    }
    %scan3A_32 = arith.constant 196 : i32
    %barrier3A_33 = arith.constant 0 : index
    tpu.barrier barrier_id(%barrier3A_33)
    %scan3A_34 = arith.constant 0 : i32
    %scan3A_35 = arith.constant 0 : i32
    %scan3A_36 = arith.constant 16 : i32
    %scan3A_37 = arith.addi %scan3A_35, %scan3A_36 : i32
    %scan3A_38 = arith.constant 1 : i32
    %scan3A_39 = scf.for %scan3A_41 = %scan3A_35 to %scan3A_37 step %scan3A_38 iter_args(%scan3A_42 = %scan3A_34) -> (i32)  : i32 {
      %mul3A_43 = arith.constant 3200 : i32
      %mul3A_44 = arith.muli %arg1, %mul3A_43 : i32
      %mul3A_45 = arith.constant 200 : i32
      %mul3A_46 = arith.muli %scan3A_41, %mul3A_45 : i32
      %add3A_47 = arith.addi %mul3A_44, %mul3A_46 : i32
      "tpu.region"() ({
        %run_scoped3A = tpu.sem_alloc : memref<!tpu.dma_semaphore, #tpu.memory_space<semaphore_mem>>
        %dma_start3A = arith.constant 0 : i32
        %dma_start3A_57 = tpu.memref_slice %arg7[%add3A_47, %dma_start3A] : memref<51200x16xf32, #tpu.memory_space<vmem_shared>> -> memref<200x16xf32, #tpu.memory_space<vmem_shared>>
        %dma_start3A_58 = arith.constant 0 : i32
        %dma_start3A_59 = tpu.memref_slice %arg7[%add3A_47, %dma_start3A_58] : memref<51200x16xf32, #tpu.memory_space<vmem_shared>> -> memref<200x16xf32, #tpu.memory_space<vmem_shared>>
        tpu.enqueue_dma source(%dma_start3A_59 : memref<200x16xf32, #tpu.memory_space<vmem_shared>>) target(%arg6 : memref<200x16xf32, #tpu.memory_space<vmem>>) target_semaphore(%run_scoped3A : memref<!tpu.dma_semaphore, #tpu.memory_space<semaphore_mem>>)
        %dma_wait3A = arith.constant 0 : i32
        %dma_wait3A_60 = tpu.memref_slice %arg7[%add3A_47, %dma_wait3A] : memref<51200x16xf32, #tpu.memory_space<vmem_shared>> -> memref<200x16xf32, #tpu.memory_space<vmem_shared>>
        %dma_wait3A_61 = arith.constant 0 : i32
        %dma_wait3A_62 = tpu.memref_slice %arg7[%add3A_47, %dma_wait3A_61] : memref<51200x16xf32, #tpu.memory_space<vmem_shared>> -> memref<200x16xf32, #tpu.memory_space<vmem_shared>>
        tpu.wait_dma2 semaphore(%run_scoped3A : memref<!tpu.dma_semaphore, #tpu.memory_space<semaphore_mem>>) src(%dma_wait3A_62 : memref<200x16xf32, #tpu.memory_space<vmem_shared>>) dst(%arg6 : memref<200x16xf32, #tpu.memory_space<vmem>>)
        tpu.yield
      }) : () -> ()
      %mul3A_48 = arith.constant 51200 : i32
      %mul3A_49 = arith.muli %arg0, %mul3A_48 : i32
      %mul3A_50 = arith.constant 3200 : i32
      %mul3A_51 = arith.muli %arg1, %mul3A_50 : i32
      %add3A_52 = arith.addi %mul3A_49, %mul3A_51 : i32
      %mul3A_53 = arith.constant 200 : i32
      %mul3A_54 = arith.muli %scan3A_41, %mul3A_53 : i32
      %add3A_55 = arith.addi %add3A_52, %mul3A_54 : i32
      "tpu.region"() ({
        %run_scoped3A = tpu.sem_alloc : memref<!tpu.dma_semaphore, #tpu.memory_space<semaphore_mem>>
        %dma_start3A = arith.constant 0 : i32
        %dma_start3A_57 = tpu.memref_slice %arg3[%add3A_55, %dma_start3A] : memref<102400x16xf32, #tpu.memory_space<hbm>> -> memref<200x16xf32, #tpu.memory_space<hbm>>
        %dma_start3A_58 = arith.constant 0 : i32
        %dma_start3A_59 = tpu.memref_slice %arg3[%add3A_55, %dma_start3A_58] : memref<102400x16xf32, #tpu.memory_space<hbm>> -> memref<200x16xf32, #tpu.memory_space<hbm>>
        tpu.enqueue_dma source(%arg6 : memref<200x16xf32, #tpu.memory_space<vmem>>) target(%dma_start3A_59 : memref<200x16xf32, #tpu.memory_space<hbm>>) target_semaphore(%run_scoped3A : memref<!tpu.dma_semaphore, #tpu.memory_space<semaphore_mem>>)
        %dma_wait3A = arith.constant 0 : i32
        %dma_wait3A_60 = tpu.memref_slice %arg3[%add3A_55, %dma_wait3A] : memref<102400x16xf32, #tpu.memory_space<hbm>> -> memref<200x16xf32, #tpu.memory_space<hbm>>
        %dma_wait3A_61 = arith.constant 0 : i32
        %dma_wait3A_62 = tpu.memref_slice %arg3[%add3A_55, %dma_wait3A_61] : memref<102400x16xf32, #tpu.memory_space<hbm>> -> memref<200x16xf32, #tpu.memory_space<hbm>>
        tpu.wait_dma2 semaphore(%run_scoped3A : memref<!tpu.dma_semaphore, #tpu.memory_space<semaphore_mem>>) src(%arg6 : memref<200x16xf32, #tpu.memory_space<vmem>>) dst(%dma_wait3A_62 : memref<200x16xf32, #tpu.memory_space<hbm>>)
        tpu.yield
      }) : () -> ()
      %scan3A_56 = arith.constant 0 : i32
      scf.yield %scan3A_56 : i32
    }
    %scan3A_40 = arith.constant 16 : i32
    return
  }
}

#map = affine_map<(d0, d1) -> (0, 0)>
module attributes {stable_mosaic.version = 14 : i64} {
  func.func @_seg_kernel(%arg0: i32, %arg1: i32, %arg2: memref<12800x128xi32, #tpu.memory_space<hbm>>, %arg3: memref<12800x128xi32, #tpu.memory_space<hbm>>, %arg4: memref<200000x16xf32, #tpu.memory_space<hbm>>, %arg5: memref<102400x16xf32, #tpu.memory_space<hbm>>, %arg6: memref<200x128xi32, #tpu.memory_space<vmem>>, %arg7: memref<200x128xi32, #tpu.memory_space<vmem>>, %arg8: memref<128x16xf32, #tpu.memory_space<vmem>>, %arg9: memref<128x16xf32, #tpu.memory_space<vmem>>, %arg10: memref<51200x16xf32, #tpu.memory_space<vmem_shared>>, %arg11: memref<!tpu.dma_semaphore, #tpu.memory_space<semaphore_mem>>, %arg12: memref<!tpu.dma_semaphore, #tpu.memory_space<semaphore_mem>>) attributes {dimension_semantics = [#tpu.dimension_semantics<core_parallel>, #tpu.dimension_semantics<subcore_parallel>], iteration_bounds = array<i64: 2, 16>, scalar_prefetch = 0 : i64, scratch_operands = 7 : i64, tpu.core_type = #tpu.core_type<sc_vector_subcore>, window_params = [{transform_indices = #map}, {transform_indices = #map}, {transform_indices = #map}, {transform_indices = #map}]} {
    %mul3A = arith.constant 16 : i32
    %mul3A_0 = arith.muli %arg0, %mul3A : i32
    %add3A = arith.addi %mul3A_0, %arg1 : i32
    %broadcast_in_dim3A = arith.constant 0.000000e+00 : f32
    %broadcast_in_dim3A_1 = vector.broadcast %broadcast_in_dim3A : f32 to vector<16xf32>
    %scan3A = arith.constant 0 : i32
    %scan3A_2 = arith.constant 0 : i32
    %scan3A_3 = arith.constant 128 : i32
    %scan3A_4 = arith.addi %scan3A_2, %scan3A_3 : i32
    %scan3A_5 = arith.constant 1 : i32
    %scan3A_6 = scf.for %scan3A_106 = %scan3A_2 to %scan3A_4 step %scan3A_5 iter_args(%scan3A_107 = %scan3A) -> (i32)  : i32 {
      %swap3A = arith.index_cast %scan3A_106 : i32 to index
      %swap3A_108 = arith.constant 0 : index
      %swap3A_109 = tpu.vector_load %arg8[%swap3A, %swap3A_108] {strides = array<i32>} : memref<128x16xf32, #tpu.memory_space<vmem>>, vector<1x16xf32>,
      %swap3A_110 = vector.shape_cast %swap3A_109 : vector<1x16xf32> to vector<16xf32>
      %swap3A_111 = vector.shape_cast %broadcast_in_dim3A_1 : vector<16xf32> to vector<1x16xf32>
      tpu.vector_store %arg8[%swap3A, %swap3A_108], %swap3A_111 {strides = array<i32>} : memref<128x16xf32, #tpu.memory_space<vmem>>, vector<1x16xf32>,
      %scan3A_112 = arith.constant 0 : i32
      scf.yield %scan3A_112 : i32
    }
    %scan3A_7 = arith.constant 128 : i32
    %scan3A_8 = arith.constant 0 : i32
    %scan3A_9 = arith.constant 0 : i32
    %scan3A_10 = arith.constant 25 : i32
    %scan3A_11 = arith.addi %scan3A_9, %scan3A_10 : i32
    %scan3A_12 = arith.constant 1 : i32
    %scan3A_13 = scf.for %scan3A_106 = %scan3A_9 to %scan3A_11 step %scan3A_12 iter_args(%scan3A_107 = %scan3A_8) -> (i32)  : i32 {
      %mul3A_108 = arith.constant 3200 : i32
      %mul3A_109 = arith.muli %arg1, %mul3A_108 : i32
      %mul3A_110 = arith.constant 128 : i32
      %mul3A_111 = arith.muli %scan3A_106, %mul3A_110 : i32
      %add3A_112 = arith.addi %mul3A_109, %mul3A_111 : i32
      "tpu.region"() ({
        %run_scoped3A = tpu.sem_alloc : memref<!tpu.dma_semaphore, #tpu.memory_space<semaphore_mem>>
        %dma_start3A_114 = arith.constant 0 : i32
        %dma_start3A_115 = tpu.memref_slice %arg10[%add3A_112, %dma_start3A_114] : memref<51200x16xf32, #tpu.memory_space<vmem_shared>> -> memref<128x16xf32, #tpu.memory_space<vmem_shared>>
        %dma_start3A_116 = arith.constant 0 : i32
        %dma_start3A_117 = tpu.memref_slice %arg10[%add3A_112, %dma_start3A_116] : memref<51200x16xf32, #tpu.memory_space<vmem_shared>> -> memref<128x16xf32, #tpu.memory_space<vmem_shared>>
        tpu.enqueue_dma source(%arg8 : memref<128x16xf32, #tpu.memory_space<vmem>>) target(%dma_start3A_117 : memref<128x16xf32, #tpu.memory_space<vmem_shared>>) target_semaphore(%run_scoped3A : memref<!tpu.dma_semaphore, #tpu.memory_space<semaphore_mem>>)
        %dma_wait3A_118 = arith.constant 0 : i32
        %dma_wait3A_119 = tpu.memref_slice %arg10[%add3A_112, %dma_wait3A_118] : memref<51200x16xf32, #tpu.memory_space<vmem_shared>> -> memref<128x16xf32, #tpu.memory_space<vmem_shared>>
        %dma_wait3A_120 = arith.constant 0 : i32
        %dma_wait3A_121 = tpu.memref_slice %arg10[%add3A_112, %dma_wait3A_120] : memref<51200x16xf32, #tpu.memory_space<vmem_shared>> -> memref<128x16xf32, #tpu.memory_space<vmem_shared>>
        tpu.wait_dma2 semaphore(%run_scoped3A : memref<!tpu.dma_semaphore, #tpu.memory_space<semaphore_mem>>) src(%arg8 : memref<128x16xf32, #tpu.memory_space<vmem>>) dst(%dma_wait3A_121 : memref<128x16xf32, #tpu.memory_space<vmem_shared>>)
        tpu.yield
      }) : () -> ()
      %scan3A_113 = arith.constant 0 : i32
      scf.yield %scan3A_113 : i32
    }
    %scan3A_14 = arith.constant 25 : i32
    %barrier3A = arith.constant 0 : index
    tpu.barrier barrier_id(%barrier3A)
    %mul3A_15 = arith.constant 400 : i32
    %mul3A_16 = arith.muli %add3A, %mul3A_15 : i32
    %add3A_17 = arith.constant 0 : i32
    %add3A_18 = arith.addi %mul3A_16, %add3A_17 : i32
    "tpu.region"() ({
      %run_scoped3A = tpu.sem_alloc : memref<!tpu.dma_semaphore, #tpu.memory_space<semaphore_mem>>
      %dma_start3A_106 = arith.constant 0 : i32
      %dma_start3A_107 = tpu.memref_slice %arg2[%add3A_18, %dma_start3A_106] : memref<12800x128xi32, #tpu.memory_space<hbm>> -> memref<200x128xi32, #tpu.memory_space<hbm>>
      %dma_start3A_108 = arith.constant 0 : i32
      %dma_start3A_109 = tpu.memref_slice %arg2[%add3A_18, %dma_start3A_108] : memref<12800x128xi32, #tpu.memory_space<hbm>> -> memref<200x128xi32, #tpu.memory_space<hbm>>
      tpu.enqueue_dma source(%dma_start3A_109 : memref<200x128xi32, #tpu.memory_space<hbm>>) target(%arg6 : memref<200x128xi32, #tpu.memory_space<vmem>>) target_semaphore(%run_scoped3A : memref<!tpu.dma_semaphore, #tpu.memory_space<semaphore_mem>>)
      %dma_wait3A_110 = arith.constant 0 : i32
      %dma_wait3A_111 = tpu.memref_slice %arg2[%add3A_18, %dma_wait3A_110] : memref<12800x128xi32, #tpu.memory_space<hbm>> -> memref<200x128xi32, #tpu.memory_space<hbm>>
      %dma_wait3A_112 = arith.constant 0 : i32
      %dma_wait3A_113 = tpu.memref_slice %arg2[%add3A_18, %dma_wait3A_112] : memref<12800x128xi32, #tpu.memory_space<hbm>> -> memref<200x128xi32, #tpu.memory_space<hbm>>
      tpu.wait_dma2 semaphore(%run_scoped3A : memref<!tpu.dma_semaphore, #tpu.memory_space<semaphore_mem>>) src(%dma_wait3A_113 : memref<200x128xi32, #tpu.memory_space<hbm>>) dst(%arg6 : memref<200x128xi32, #tpu.memory_space<vmem>>)
      tpu.yield
    }) : () -> ()
    %mul3A_19 = arith.constant 400 : i32
    %mul3A_20 = arith.muli %add3A, %mul3A_19 : i32
    %add3A_21 = arith.constant 0 : i32
    %add3A_22 = arith.addi %mul3A_20, %add3A_21 : i32
    "tpu.region"() ({
      %run_scoped3A = tpu.sem_alloc : memref<!tpu.dma_semaphore, #tpu.memory_space<semaphore_mem>>
      %dma_start3A_106 = arith.constant 0 : i32
      %dma_start3A_107 = tpu.memref_slice %arg3[%add3A_22, %dma_start3A_106] : memref<12800x128xi32, #tpu.memory_space<hbm>> -> memref<200x128xi32, #tpu.memory_space<hbm>>
      %dma_start3A_108 = arith.constant 0 : i32
      %dma_start3A_109 = tpu.memref_slice %arg3[%add3A_22, %dma_start3A_108] : memref<12800x128xi32, #tpu.memory_space<hbm>> -> memref<200x128xi32, #tpu.memory_space<hbm>>
      tpu.enqueue_dma source(%dma_start3A_109 : memref<200x128xi32, #tpu.memory_space<hbm>>) target(%arg7 : memref<200x128xi32, #tpu.memory_space<vmem>>) target_semaphore(%run_scoped3A : memref<!tpu.dma_semaphore, #tpu.memory_space<semaphore_mem>>)
      %dma_wait3A_110 = arith.constant 0 : i32
      %dma_wait3A_111 = tpu.memref_slice %arg3[%add3A_22, %dma_wait3A_110] : memref<12800x128xi32, #tpu.memory_space<hbm>> -> memref<200x128xi32, #tpu.memory_space<hbm>>
      %dma_wait3A_112 = arith.constant 0 : i32
      %dma_wait3A_113 = tpu.memref_slice %arg3[%add3A_22, %dma_wait3A_112] : memref<12800x128xi32, #tpu.memory_space<hbm>> -> memref<200x128xi32, #tpu.memory_space<hbm>>
      tpu.wait_dma2 semaphore(%run_scoped3A : memref<!tpu.dma_semaphore, #tpu.memory_space<semaphore_mem>>) src(%dma_wait3A_113 : memref<200x128xi32, #tpu.memory_space<hbm>>) dst(%arg7 : memref<200x128xi32, #tpu.memory_space<vmem>>)
      tpu.yield
    }) : () -> ()
    %dma_start3A = arith.constant 0 : i32
    %dma_start3A_23 = arith.constant 0 : i32
    %dma_start3A_24 = tpu.memref_slice %arg6[%dma_start3A, %dma_start3A_23] : memref<200x128xi32, #tpu.memory_space<vmem>> -> memref<1x128xi32, #tpu.memory_space<vmem>>
    %dma_start3A_25 = tpu.memref_squeeze %dma_start3A_24 : memref<1x128xi32, #tpu.memory_space<vmem>> -> memref<128xi32, #tpu.memory_space<vmem>>
    %dma_start3A_26 = arith.constant 0 : i32
    %dma_start3A_27 = arith.constant 0 : i32
    %dma_start3A_28 = tpu.memref_slice %arg4[%dma_start3A_26, %dma_start3A_27] : memref<200000x16xf32, #tpu.memory_space<hbm>> -> memref<200000x16xf32, #tpu.memory_space<hbm>>
    tpu.enqueue_indirect_dma source(%dma_start3A_28 : memref<200000x16xf32, #tpu.memory_space<hbm>>) target(%arg8 : memref<128x16xf32, #tpu.memory_space<vmem>>) offsets(%dma_start3A_25 : memref<128xi32, #tpu.memory_space<vmem>>) semaphore(%arg11 : memref<!tpu.dma_semaphore, #tpu.memory_space<semaphore_mem>>)
    %scan3A_29 = arith.constant 0 : i32
    %scan3A_30 = arith.constant 0 : i32
    %scan3A_31 = arith.constant 100 : i32
    %scan3A_32 = arith.addi %scan3A_30, %scan3A_31 : i32
    %scan3A_33 = arith.constant 1 : i32
    %scan3A_34 = scf.for %scan3A_106 = %scan3A_30 to %scan3A_32 step %scan3A_33 iter_args(%scan3A_107 = %scan3A_29) -> (i32)  : i32 {
      %mul3A_108 = arith.constant 2 : i32
      %mul3A_109 = arith.muli %mul3A_108, %scan3A_106 : i32
      %add3A_110 = arith.constant 1 : i32
      %add3A_111 = arith.addi %mul3A_109, %add3A_110 : i32
      %dma_start3A_112 = arith.constant 0 : i32
      %dma_start3A_113 = tpu.memref_slice %arg6[%add3A_111, %dma_start3A_112] : memref<200x128xi32, #tpu.memory_space<vmem>> -> memref<1x128xi32, #tpu.memory_space<vmem>>
      %dma_start3A_114 = tpu.memref_squeeze %dma_start3A_113 : memref<1x128xi32, #tpu.memory_space<vmem>> -> memref<128xi32, #tpu.memory_space<vmem>>
      %dma_start3A_115 = arith.constant 0 : i32
      %dma_start3A_116 = arith.constant 0 : i32
      %dma_start3A_117 = tpu.memref_slice %arg4[%dma_start3A_115, %dma_start3A_116] : memref<200000x16xf32, #tpu.memory_space<hbm>> -> memref<200000x16xf32, #tpu.memory_space<hbm>>
      tpu.enqueue_indirect_dma source(%dma_start3A_117 : memref<200000x16xf32, #tpu.memory_space<hbm>>) target(%arg9 : memref<128x16xf32, #tpu.memory_space<vmem>>) offsets(%dma_start3A_114 : memref<128xi32, #tpu.memory_space<vmem>>) semaphore(%arg12 : memref<!tpu.dma_semaphore, #tpu.memory_space<semaphore_mem>>)
      %dma_wait3A_118 = arith.constant 0 : i32
      %dma_wait3A_119 = tpu.memref_slice %arg6[%mul3A_109, %dma_wait3A_118] : memref<200x128xi32, #tpu.memory_space<vmem>> -> memref<1x128xi32, #tpu.memory_space<vmem>>
      %dma_wait3A_120 = tpu.memref_squeeze %dma_wait3A_119 : memref<1x128xi32, #tpu.memory_space<vmem>> -> memref<128xi32, #tpu.memory_space<vmem>>
      %dma_wait3A_121 = arith.constant 0 : i32
      %dma_wait3A_122 = arith.constant 0 : i32
      %dma_wait3A_123 = tpu.memref_slice %arg4[%dma_wait3A_121, %dma_wait3A_122] : memref<200000x16xf32, #tpu.memory_space<hbm>> -> memref<200000x16xf32, #tpu.memory_space<hbm>>
      tpu.wait_indirect_dma semaphore(%arg11 : memref<!tpu.dma_semaphore, #tpu.memory_space<semaphore_mem>>) src(%dma_wait3A_123 : memref<200000x16xf32, #tpu.memory_space<hbm>>) dst(%arg8 : memref<128x16xf32, #tpu.memory_space<vmem>>)
      "tpu.region"() ({
        %run_scoped3A = tpu.sem_alloc : memref<!tpu.dma_semaphore, #tpu.memory_space<semaphore_mem>>
        %dma_start3A_137 = arith.constant 0 : i32
        %dma_start3A_138 = tpu.memref_slice %arg7[%mul3A_109, %dma_start3A_137] : memref<200x128xi32, #tpu.memory_space<vmem>> -> memref<1x128xi32, #tpu.memory_space<vmem>>
        %dma_start3A_139 = tpu.memref_squeeze %dma_start3A_138 : memref<1x128xi32, #tpu.memory_space<vmem>> -> memref<128xi32, #tpu.memory_space<vmem>>
        %dma_start3A_140 = arith.constant 0 : i32
        %dma_start3A_141 = arith.constant 0 : i32
        %dma_start3A_142 = tpu.memref_slice %arg10[%dma_start3A_140, %dma_start3A_141] : memref<51200x16xf32, #tpu.memory_space<vmem_shared>> -> memref<51200x16xf32, #tpu.memory_space<vmem_shared>>
        tpu.enqueue_indirect_dma source(%arg8 : memref<128x16xf32, #tpu.memory_space<vmem>>) target(%dma_start3A_142 : memref<51200x16xf32, #tpu.memory_space<vmem_shared>>) offsets(%dma_start3A_139 : memref<128xi32, #tpu.memory_space<vmem>>) semaphore(%run_scoped3A : memref<!tpu.dma_semaphore, #tpu.memory_space<semaphore_mem>>) {add = true}
        %dma_wait3A_143 = arith.constant 0 : i32
        %dma_wait3A_144 = tpu.memref_slice %arg7[%mul3A_109, %dma_wait3A_143] : memref<200x128xi32, #tpu.memory_space<vmem>> -> memref<1x128xi32, #tpu.memory_space<vmem>>
        %dma_wait3A_145 = tpu.memref_squeeze %dma_wait3A_144 : memref<1x128xi32, #tpu.memory_space<vmem>> -> memref<128xi32, #tpu.memory_space<vmem>>
        %dma_wait3A_146 = arith.constant 0 : i32
        %dma_wait3A_147 = arith.constant 0 : i32
        %dma_wait3A_148 = tpu.memref_slice %arg10[%dma_wait3A_146, %dma_wait3A_147] : memref<51200x16xf32, #tpu.memory_space<vmem_shared>> -> memref<51200x16xf32, #tpu.memory_space<vmem_shared>>
        tpu.wait_indirect_dma semaphore(%run_scoped3A : memref<!tpu.dma_semaphore, #tpu.memory_space<semaphore_mem>>) src(%arg8 : memref<128x16xf32, #tpu.memory_space<vmem>>) dst(%dma_wait3A_148 : memref<51200x16xf32, #tpu.memory_space<vmem_shared>>)
        tpu.yield
      }) : () -> ()
      %lt3A = arith.constant 99 : i32
      %lt3A_124 = arith.cmpi slt, %scan3A_106, %lt3A : i32
      %convert_element_type3A = arith.extui %lt3A_124 : i1 to i32
      %cond3A = arith.constant 0 : i32
      %cond3A_125 = arith.cmpi ne, %convert_element_type3A, %cond3A : i32
      scf.if %cond3A_125 {
        %add3A_137 = arith.constant 2 : i32
        %add3A_138 = arith.addi %mul3A_109, %add3A_137 : i32
        %dma_start3A_139 = arith.constant 0 : i32
        %dma_start3A_140 = tpu.memref_slice %arg6[%add3A_138, %dma_start3A_139] : memref<200x128xi32, #tpu.memory_space<vmem>> -> memref<1x128xi32, #tpu.memory_space<vmem>>
        %dma_start3A_141 = tpu.memref_squeeze %dma_start3A_140 : memref<1x128xi32, #tpu.memory_space<vmem>> -> memref<128xi32, #tpu.memory_space<vmem>>
        %dma_start3A_142 = arith.constant 0 : i32
        %dma_start3A_143 = arith.constant 0 : i32
        %dma_start3A_144 = tpu.memref_slice %arg4[%dma_start3A_142, %dma_start3A_143] : memref<200000x16xf32, #tpu.memory_space<hbm>> -> memref<200000x16xf32, #tpu.memory_space<hbm>>
        tpu.enqueue_indirect_dma source(%dma_start3A_144 : memref<200000x16xf32, #tpu.memory_space<hbm>>) target(%arg8 : memref<128x16xf32, #tpu.memory_space<vmem>>) offsets(%dma_start3A_141 : memref<128xi32, #tpu.memory_space<vmem>>) semaphore(%arg11 : memref<!tpu.dma_semaphore, #tpu.memory_space<semaphore_mem>>)
      } else {
      }
      %add3A_126 = arith.constant 1 : i32
      %add3A_127 = arith.addi %mul3A_109, %add3A_126 : i32
      %dma_wait3A_128 = arith.constant 0 : i32
      %dma_wait3A_129 = tpu.memref_slice %arg6[%add3A_127, %dma_wait3A_128] : memref<200x128xi32, #tpu.memory_space<vmem>> -> memref<1x128xi32, #tpu.memory_space<vmem>>
      %dma_wait3A_130 = tpu.memref_squeeze %dma_wait3A_129 : memref<1x128xi32, #tpu.memory_space<vmem>> -> memref<128xi32, #tpu.memory_space<vmem>>
      %dma_wait3A_131 = arith.constant 0 : i32
      %dma_wait3A_132 = arith.constant 0 : i32
      %dma_wait3A_133 = tpu.memref_slice %arg4[%dma_wait3A_131, %dma_wait3A_132] : memref<200000x16xf32, #tpu.memory_space<hbm>> -> memref<200000x16xf32, #tpu.memory_space<hbm>>
      tpu.wait_indirect_dma semaphore(%arg12 : memref<!tpu.dma_semaphore, #tpu.memory_space<semaphore_mem>>) src(%dma_wait3A_133 : memref<200000x16xf32, #tpu.memory_space<hbm>>) dst(%arg9 : memref<128x16xf32, #tpu.memory_space<vmem>>)
      %add3A_134 = arith.constant 1 : i32
      %add3A_135 = arith.addi %mul3A_109, %add3A_134 : i32
      "tpu.region"() ({
        %run_scoped3A = tpu.sem_alloc : memref<!tpu.dma_semaphore, #tpu.memory_space<semaphore_mem>>
        %dma_start3A_137 = arith.constant 0 : i32
        %dma_start3A_138 = tpu.memref_slice %arg7[%add3A_135, %dma_start3A_137] : memref<200x128xi32, #tpu.memory_space<vmem>> -> memref<1x128xi32, #tpu.memory_space<vmem>>
        %dma_start3A_139 = tpu.memref_squeeze %dma_start3A_138 : memref<1x128xi32, #tpu.memory_space<vmem>> -> memref<128xi32, #tpu.memory_space<vmem>>
        %dma_start3A_140 = arith.constant 0 : i32
        %dma_start3A_141 = arith.constant 0 : i32
        %dma_start3A_142 = tpu.memref_slice %arg10[%dma_start3A_140, %dma_start3A_141] : memref<51200x16xf32, #tpu.memory_space<vmem_shared>> -> memref<51200x16xf32, #tpu.memory_space<vmem_shared>>
        tpu.enqueue_indirect_dma source(%arg9 : memref<128x16xf32, #tpu.memory_space<vmem>>) target(%dma_start3A_142 : memref<51200x16xf32, #tpu.memory_space<vmem_shared>>) offsets(%dma_start3A_139 : memref<128xi32, #tpu.memory_space<vmem>>) semaphore(%run_scoped3A : memref<!tpu.dma_semaphore, #tpu.memory_space<semaphore_mem>>) {add = true}
        %dma_wait3A_143 = arith.constant 0 : i32
        %dma_wait3A_144 = tpu.memref_slice %arg7[%add3A_135, %dma_wait3A_143] : memref<200x128xi32, #tpu.memory_space<vmem>> -> memref<1x128xi32, #tpu.memory_space<vmem>>
        %dma_wait3A_145 = tpu.memref_squeeze %dma_wait3A_144 : memref<1x128xi32, #tpu.memory_space<vmem>> -> memref<128xi32, #tpu.memory_space<vmem>>
        %dma_wait3A_146 = arith.constant 0 : i32
        %dma_wait3A_147 = arith.constant 0 : i32
        %dma_wait3A_148 = tpu.memref_slice %arg10[%dma_wait3A_146, %dma_wait3A_147] : memref<51200x16xf32, #tpu.memory_space<vmem_shared>> -> memref<51200x16xf32, #tpu.memory_space<vmem_shared>>
        tpu.wait_indirect_dma semaphore(%run_scoped3A : memref<!tpu.dma_semaphore, #tpu.memory_space<semaphore_mem>>) src(%arg9 : memref<128x16xf32, #tpu.memory_space<vmem>>) dst(%dma_wait3A_148 : memref<51200x16xf32, #tpu.memory_space<vmem_shared>>)
        tpu.yield
      }) : () -> ()
      %scan3A_136 = arith.constant 0 : i32
      scf.yield %scan3A_136 : i32
    }
    %scan3A_35 = arith.constant 100 : i32
    %mul3A_36 = arith.constant 400 : i32
    %mul3A_37 = arith.muli %add3A, %mul3A_36 : i32
    %add3A_38 = arith.constant 200 : i32
    %add3A_39 = arith.addi %mul3A_37, %add3A_38 : i32
    "tpu.region"() ({
      %run_scoped3A = tpu.sem_alloc : memref<!tpu.dma_semaphore, #tpu.memory_space<semaphore_mem>>
      %dma_start3A_106 = arith.constant 0 : i32
      %dma_start3A_107 = tpu.memref_slice %arg2[%add3A_39, %dma_start3A_106] : memref<12800x128xi32, #tpu.memory_space<hbm>> -> memref<200x128xi32, #tpu.memory_space<hbm>>
      %dma_start3A_108 = arith.constant 0 : i32
      %dma_start3A_109 = tpu.memref_slice %arg2[%add3A_39, %dma_start3A_108] : memref<12800x128xi32, #tpu.memory_space<hbm>> -> memref<200x128xi32, #tpu.memory_space<hbm>>
      tpu.enqueue_dma source(%dma_start3A_109 : memref<200x128xi32, #tpu.memory_space<hbm>>) target(%arg6 : memref<200x128xi32, #tpu.memory_space<vmem>>) target_semaphore(%run_scoped3A : memref<!tpu.dma_semaphore, #tpu.memory_space<semaphore_mem>>)
      %dma_wait3A_110 = arith.constant 0 : i32
      %dma_wait3A_111 = tpu.memref_slice %arg2[%add3A_39, %dma_wait3A_110] : memref<12800x128xi32, #tpu.memory_space<hbm>> -> memref<200x128xi32, #tpu.memory_space<hbm>>
      %dma_wait3A_112 = arith.constant 0 : i32
      %dma_wait3A_113 = tpu.memref_slice %arg2[%add3A_39, %dma_wait3A_112] : memref<12800x128xi32, #tpu.memory_space<hbm>> -> memref<200x128xi32, #tpu.memory_space<hbm>>
      tpu.wait_dma2 semaphore(%run_scoped3A : memref<!tpu.dma_semaphore, #tpu.memory_space<semaphore_mem>>) src(%dma_wait3A_113 : memref<200x128xi32, #tpu.memory_space<hbm>>) dst(%arg6 : memref<200x128xi32, #tpu.memory_space<vmem>>)
      tpu.yield
    }) : () -> ()
    %mul3A_40 = arith.constant 400 : i32
    %mul3A_41 = arith.muli %add3A, %mul3A_40 : i32
    %add3A_42 = arith.constant 200 : i32
    %add3A_43 = arith.addi %mul3A_41, %add3A_42 : i32
    "tpu.region"() ({
      %run_scoped3A = tpu.sem_alloc : memref<!tpu.dma_semaphore, #tpu.memory_space<semaphore_mem>>
      %dma_start3A_106 = arith.constant 0 : i32
      %dma_start3A_107 = tpu.memref_slice %arg3[%add3A_43, %dma_start3A_106] : memref<12800x128xi32, #tpu.memory_space<hbm>> -> memref<200x128xi32, #tpu.memory_space<hbm>>
      %dma_start3A_108 = arith.constant 0 : i32
      %dma_start3A_109 = tpu.memref_slice %arg3[%add3A_43, %dma_start3A_108] : memref<12800x128xi32, #tpu.memory_space<hbm>> -> memref<200x128xi32, #tpu.memory_space<hbm>>
      tpu.enqueue_dma source(%dma_start3A_109 : memref<200x128xi32, #tpu.memory_space<hbm>>) target(%arg7 : memref<200x128xi32, #tpu.memory_space<vmem>>) target_semaphore(%run_scoped3A : memref<!tpu.dma_semaphore, #tpu.memory_space<semaphore_mem>>)
      %dma_wait3A_110 = arith.constant 0 : i32
      %dma_wait3A_111 = tpu.memref_slice %arg3[%add3A_43, %dma_wait3A_110] : memref<12800x128xi32, #tpu.memory_space<hbm>> -> memref<200x128xi32, #tpu.memory_space<hbm>>
      %dma_wait3A_112 = arith.constant 0 : i32
      %dma_wait3A_113 = tpu.memref_slice %arg3[%add3A_43, %dma_wait3A_112] : memref<12800x128xi32, #tpu.memory_space<hbm>> -> memref<200x128xi32, #tpu.memory_space<hbm>>
      tpu.wait_dma2 semaphore(%run_scoped3A : memref<!tpu.dma_semaphore, #tpu.memory_space<semaphore_mem>>) src(%dma_wait3A_113 : memref<200x128xi32, #tpu.memory_space<hbm>>) dst(%arg7 : memref<200x128xi32, #tpu.memory_space<vmem>>)
      tpu.yield
    }) : () -> ()
    %dma_start3A_44 = arith.constant 0 : i32
    %dma_start3A_45 = arith.constant 0 : i32
    %dma_start3A_46 = tpu.memref_slice %arg6[%dma_start3A_44, %dma_start3A_45] : memref<200x128xi32, #tpu.memory_space<vmem>> -> memref<1x128xi32, #tpu.memory_space<vmem>>
    %dma_start3A_47 = tpu.memref_squeeze %dma_start3A_46 : memref<1x128xi32, #tpu.memory_space<vmem>> -> memref<128xi32, #tpu.memory_space<vmem>>
    %dma_start3A_48 = arith.constant 0 : i32
    %dma_start3A_49 = arith.constant 0 : i32
    %dma_start3A_50 = tpu.memref_slice %arg4[%dma_start3A_48, %dma_start3A_49] : memref<200000x16xf32, #tpu.memory_space<hbm>> -> memref<200000x16xf32, #tpu.memory_space<hbm>>
    tpu.enqueue_indirect_dma source(%dma_start3A_50 : memref<200000x16xf32, #tpu.memory_space<hbm>>) target(%arg8 : memref<128x16xf32, #tpu.memory_space<vmem>>) offsets(%dma_start3A_47 : memref<128xi32, #tpu.memory_space<vmem>>) semaphore(%arg11 : memref<!tpu.dma_semaphore, #tpu.memory_space<semaphore_mem>>)
    %scan3A_51 = arith.constant 0 : i32
    %scan3A_52 = arith.constant 0 : i32
    %scan3A_53 = arith.constant 100 : i32
    %scan3A_54 = arith.addi %scan3A_52, %scan3A_53 : i32
    %scan3A_55 = arith.constant 1 : i32
    %scan3A_56 = scf.for %scan3A_106 = %scan3A_52 to %scan3A_54 step %scan3A_55 iter_args(%scan3A_107 = %scan3A_51) -> (i32)  : i32 {
      %mul3A_108 = arith.constant 2 : i32
      %mul3A_109 = arith.muli %mul3A_108, %scan3A_106 : i32
      %add3A_110 = arith.constant 1 : i32
      %add3A_111 = arith.addi %mul3A_109, %add3A_110 : i32
      %dma_start3A_112 = arith.constant 0 : i32
      %dma_start3A_113 = tpu.memref_slice %arg6[%add3A_111, %dma_start3A_112] : memref<200x128xi32, #tpu.memory_space<vmem>> -> memref<1x128xi32, #tpu.memory_space<vmem>>
      %dma_start3A_114 = tpu.memref_squeeze %dma_start3A_113 : memref<1x128xi32, #tpu.memory_space<vmem>> -> memref<128xi32, #tpu.memory_space<vmem>>
      %dma_start3A_115 = arith.constant 0 : i32
      %dma_start3A_116 = arith.constant 0 : i32
      %dma_start3A_117 = tpu.memref_slice %arg4[%dma_start3A_115, %dma_start3A_116] : memref<200000x16xf32, #tpu.memory_space<hbm>> -> memref<200000x16xf32, #tpu.memory_space<hbm>>
      tpu.enqueue_indirect_dma source(%dma_start3A_117 : memref<200000x16xf32, #tpu.memory_space<hbm>>) target(%arg9 : memref<128x16xf32, #tpu.memory_space<vmem>>) offsets(%dma_start3A_114 : memref<128xi32, #tpu.memory_space<vmem>>) semaphore(%arg12 : memref<!tpu.dma_semaphore, #tpu.memory_space<semaphore_mem>>)
      %dma_wait3A_118 = arith.constant 0 : i32
      %dma_wait3A_119 = tpu.memref_slice %arg6[%mul3A_109, %dma_wait3A_118] : memref<200x128xi32, #tpu.memory_space<vmem>> -> memref<1x128xi32, #tpu.memory_space<vmem>>
      %dma_wait3A_120 = tpu.memref_squeeze %dma_wait3A_119 : memref<1x128xi32, #tpu.memory_space<vmem>> -> memref<128xi32, #tpu.memory_space<vmem>>
      %dma_wait3A_121 = arith.constant 0 : i32
      %dma_wait3A_122 = arith.constant 0 : i32
      %dma_wait3A_123 = tpu.memref_slice %arg4[%dma_wait3A_121, %dma_wait3A_122] : memref<200000x16xf32, #tpu.memory_space<hbm>> -> memref<200000x16xf32, #tpu.memory_space<hbm>>
      tpu.wait_indirect_dma semaphore(%arg11 : memref<!tpu.dma_semaphore, #tpu.memory_space<semaphore_mem>>) src(%dma_wait3A_123 : memref<200000x16xf32, #tpu.memory_space<hbm>>) dst(%arg8 : memref<128x16xf32, #tpu.memory_space<vmem>>)
      "tpu.region"() ({
        %run_scoped3A = tpu.sem_alloc : memref<!tpu.dma_semaphore, #tpu.memory_space<semaphore_mem>>
        %dma_start3A_137 = arith.constant 0 : i32
        %dma_start3A_138 = tpu.memref_slice %arg7[%mul3A_109, %dma_start3A_137] : memref<200x128xi32, #tpu.memory_space<vmem>> -> memref<1x128xi32, #tpu.memory_space<vmem>>
        %dma_start3A_139 = tpu.memref_squeeze %dma_start3A_138 : memref<1x128xi32, #tpu.memory_space<vmem>> -> memref<128xi32, #tpu.memory_space<vmem>>
        %dma_start3A_140 = arith.constant 0 : i32
        %dma_start3A_141 = arith.constant 0 : i32
        %dma_start3A_142 = tpu.memref_slice %arg10[%dma_start3A_140, %dma_start3A_141] : memref<51200x16xf32, #tpu.memory_space<vmem_shared>> -> memref<51200x16xf32, #tpu.memory_space<vmem_shared>>
        tpu.enqueue_indirect_dma source(%arg8 : memref<128x16xf32, #tpu.memory_space<vmem>>) target(%dma_start3A_142 : memref<51200x16xf32, #tpu.memory_space<vmem_shared>>) offsets(%dma_start3A_139 : memref<128xi32, #tpu.memory_space<vmem>>) semaphore(%run_scoped3A : memref<!tpu.dma_semaphore, #tpu.memory_space<semaphore_mem>>) {add = true}
        %dma_wait3A_143 = arith.constant 0 : i32
        %dma_wait3A_144 = tpu.memref_slice %arg7[%mul3A_109, %dma_wait3A_143] : memref<200x128xi32, #tpu.memory_space<vmem>> -> memref<1x128xi32, #tpu.memory_space<vmem>>
        %dma_wait3A_145 = tpu.memref_squeeze %dma_wait3A_144 : memref<1x128xi32, #tpu.memory_space<vmem>> -> memref<128xi32, #tpu.memory_space<vmem>>
        %dma_wait3A_146 = arith.constant 0 : i32
        %dma_wait3A_147 = arith.constant 0 : i32
        %dma_wait3A_148 = tpu.memref_slice %arg10[%dma_wait3A_146, %dma_wait3A_147] : memref<51200x16xf32, #tpu.memory_space<vmem_shared>> -> memref<51200x16xf32, #tpu.memory_space<vmem_shared>>
        tpu.wait_indirect_dma semaphore(%run_scoped3A : memref<!tpu.dma_semaphore, #tpu.memory_space<semaphore_mem>>) src(%arg8 : memref<128x16xf32, #tpu.memory_space<vmem>>) dst(%dma_wait3A_148 : memref<51200x16xf32, #tpu.memory_space<vmem_shared>>)
        tpu.yield
      }) : () -> ()
      %lt3A = arith.constant 99 : i32
      %lt3A_124 = arith.cmpi slt, %scan3A_106, %lt3A : i32
      %convert_element_type3A = arith.extui %lt3A_124 : i1 to i32
      %cond3A = arith.constant 0 : i32
      %cond3A_125 = arith.cmpi ne, %convert_element_type3A, %cond3A : i32
      scf.if %cond3A_125 {
        %add3A_137 = arith.constant 2 : i32
        %add3A_138 = arith.addi %mul3A_109, %add3A_137 : i32
        %dma_start3A_139 = arith.constant 0 : i32
        %dma_start3A_140 = tpu.memref_slice %arg6[%add3A_138, %dma_start3A_139] : memref<200x128xi32, #tpu.memory_space<vmem>> -> memref<1x128xi32, #tpu.memory_space<vmem>>
        %dma_start3A_141 = tpu.memref_squeeze %dma_start3A_140 : memref<1x128xi32, #tpu.memory_space<vmem>> -> memref<128xi32, #tpu.memory_space<vmem>>
        %dma_start3A_142 = arith.constant 0 : i32
        %dma_start3A_143 = arith.constant 0 : i32
        %dma_start3A_144 = tpu.memref_slice %arg4[%dma_start3A_142, %dma_start3A_143] : memref<200000x16xf32, #tpu.memory_space<hbm>> -> memref<200000x16xf32, #tpu.memory_space<hbm>>
        tpu.enqueue_indirect_dma source(%dma_start3A_144 : memref<200000x16xf32, #tpu.memory_space<hbm>>) target(%arg8 : memref<128x16xf32, #tpu.memory_space<vmem>>) offsets(%dma_start3A_141 : memref<128xi32, #tpu.memory_space<vmem>>) semaphore(%arg11 : memref<!tpu.dma_semaphore, #tpu.memory_space<semaphore_mem>>)
      } else {
      }
      %add3A_126 = arith.constant 1 : i32
      %add3A_127 = arith.addi %mul3A_109, %add3A_126 : i32
      %dma_wait3A_128 = arith.constant 0 : i32
      %dma_wait3A_129 = tpu.memref_slice %arg6[%add3A_127, %dma_wait3A_128] : memref<200x128xi32, #tpu.memory_space<vmem>> -> memref<1x128xi32, #tpu.memory_space<vmem>>
      %dma_wait3A_130 = tpu.memref_squeeze %dma_wait3A_129 : memref<1x128xi32, #tpu.memory_space<vmem>> -> memref<128xi32, #tpu.memory_space<vmem>>
      %dma_wait3A_131 = arith.constant 0 : i32
      %dma_wait3A_132 = arith.constant 0 : i32
      %dma_wait3A_133 = tpu.memref_slice %arg4[%dma_wait3A_131, %dma_wait3A_132] : memref<200000x16xf32, #tpu.memory_space<hbm>> -> memref<200000x16xf32, #tpu.memory_space<hbm>>
      tpu.wait_indirect_dma semaphore(%arg12 : memref<!tpu.dma_semaphore, #tpu.memory_space<semaphore_mem>>) src(%dma_wait3A_133 : memref<200000x16xf32, #tpu.memory_space<hbm>>) dst(%arg9 : memref<128x16xf32, #tpu.memory_space<vmem>>)
      %add3A_134 = arith.constant 1 : i32
      %add3A_135 = arith.addi %mul3A_109, %add3A_134 : i32
      "tpu.region"() ({
        %run_scoped3A = tpu.sem_alloc : memref<!tpu.dma_semaphore, #tpu.memory_space<semaphore_mem>>
        %dma_start3A_137 = arith.constant 0 : i32
        %dma_start3A_138 = tpu.memref_slice %arg7[%add3A_135, %dma_start3A_137] : memref<200x128xi32, #tpu.memory_space<vmem>> -> memref<1x128xi32, #tpu.memory_space<vmem>>
        %dma_start3A_139 = tpu.memref_squeeze %dma_start3A_138 : memref<1x128xi32, #tpu.memory_space<vmem>> -> memref<128xi32, #tpu.memory_space<vmem>>
        %dma_start3A_140 = arith.constant 0 : i32
        %dma_start3A_141 = arith.constant 0 : i32
        %dma_start3A_142 = tpu.memref_slice %arg10[%dma_start3A_140, %dma_start3A_141] : memref<51200x16xf32, #tpu.memory_space<vmem_shared>> -> memref<51200x16xf32, #tpu.memory_space<vmem_shared>>
        tpu.enqueue_indirect_dma source(%arg9 : memref<128x16xf32, #tpu.memory_space<vmem>>) target(%dma_start3A_142 : memref<51200x16xf32, #tpu.memory_space<vmem_shared>>) offsets(%dma_start3A_139 : memref<128xi32, #tpu.memory_space<vmem>>) semaphore(%run_scoped3A : memref<!tpu.dma_semaphore, #tpu.memory_space<semaphore_mem>>) {add = true}
        %dma_wait3A_143 = arith.constant 0 : i32
        %dma_wait3A_144 = tpu.memref_slice %arg7[%add3A_135, %dma_wait3A_143] : memref<200x128xi32, #tpu.memory_space<vmem>> -> memref<1x128xi32, #tpu.memory_space<vmem>>
        %dma_wait3A_145 = tpu.memref_squeeze %dma_wait3A_144 : memref<1x128xi32, #tpu.memory_space<vmem>> -> memref<128xi32, #tpu.memory_space<vmem>>
        %dma_wait3A_146 = arith.constant 0 : i32
        %dma_wait3A_147 = arith.constant 0 : i32
        %dma_wait3A_148 = tpu.memref_slice %arg10[%dma_wait3A_146, %dma_wait3A_147] : memref<51200x16xf32, #tpu.memory_space<vmem_shared>> -> memref<51200x16xf32, #tpu.memory_space<vmem_shared>>
        tpu.wait_indirect_dma semaphore(%run_scoped3A : memref<!tpu.dma_semaphore, #tpu.memory_space<semaphore_mem>>) src(%arg9 : memref<128x16xf32, #tpu.memory_space<vmem>>) dst(%dma_wait3A_148 : memref<51200x16xf32, #tpu.memory_space<vmem_shared>>)
        tpu.yield
      }) : () -> ()
      %scan3A_136 = arith.constant 0 : i32
      scf.yield %scan3A_136 : i32
    }
    %scan3A_57 = arith.constant 100 : i32
    %barrier3A_58 = arith.constant 0 : index
    tpu.barrier barrier_id(%barrier3A_58)
    %mul3A_59 = arith.constant 3200 : i32
    %mul3A_60 = arith.muli %arg1, %mul3A_59 : i32
    %add3A_61 = arith.constant 0 : i32
    %add3A_62 = arith.addi %mul3A_60, %add3A_61 : i32
    "tpu.region"() ({
      %run_scoped3A = tpu.sem_alloc : memref<!tpu.dma_semaphore, #tpu.memory_space<semaphore_mem>>
      %dma_start3A_106 = arith.constant 0 : i32
      %dma_start3A_107 = tpu.memref_slice %arg10[%add3A_62, %dma_start3A_106] : memref<51200x16xf32, #tpu.memory_space<vmem_shared>> -> memref<128x16xf32, #tpu.memory_space<vmem_shared>>
      %dma_start3A_108 = arith.constant 0 : i32
      %dma_start3A_109 = tpu.memref_slice %arg10[%add3A_62, %dma_start3A_108] : memref<51200x16xf32, #tpu.memory_space<vmem_shared>> -> memref<128x16xf32, #tpu.memory_space<vmem_shared>>
      tpu.enqueue_dma source(%dma_start3A_109 : memref<128x16xf32, #tpu.memory_space<vmem_shared>>) target(%arg8 : memref<128x16xf32, #tpu.memory_space<vmem>>) target_semaphore(%run_scoped3A : memref<!tpu.dma_semaphore, #tpu.memory_space<semaphore_mem>>)
      %dma_wait3A_110 = arith.constant 0 : i32
      %dma_wait3A_111 = tpu.memref_slice %arg10[%add3A_62, %dma_wait3A_110] : memref<51200x16xf32, #tpu.memory_space<vmem_shared>> -> memref<128x16xf32, #tpu.memory_space<vmem_shared>>
      %dma_wait3A_112 = arith.constant 0 : i32
      %dma_wait3A_113 = tpu.memref_slice %arg10[%add3A_62, %dma_wait3A_112] : memref<51200x16xf32, #tpu.memory_space<vmem_shared>> -> memref<128x16xf32, #tpu.memory_space<vmem_shared>>
      tpu.wait_dma2 semaphore(%run_scoped3A : memref<!tpu.dma_semaphore, #tpu.memory_space<semaphore_mem>>) src(%dma_wait3A_113 : memref<128x16xf32, #tpu.memory_space<vmem_shared>>) dst(%arg8 : memref<128x16xf32, #tpu.memory_space<vmem>>)
      tpu.yield
    }) : () -> ()
    %mul3A_63 = arith.constant 51200 : i32
    %mul3A_64 = arith.muli %arg0, %mul3A_63 : i32
    %mul3A_65 = arith.constant 3200 : i32
    %mul3A_66 = arith.muli %arg1, %mul3A_65 : i32
    %add3A_67 = arith.addi %mul3A_64, %mul3A_66 : i32
    %add3A_68 = arith.constant 0 : i32
    %add3A_69 = arith.addi %add3A_67, %add3A_68 : i32
    %dma_start3A_70 = arith.constant 0 : i32
    %dma_start3A_71 = tpu.memref_slice %arg5[%add3A_69, %dma_start3A_70] : memref<102400x16xf32, #tpu.memory_space<hbm>> -> memref<128x16xf32, #tpu.memory_space<hbm>>
    %dma_start3A_72 = arith.constant 0 : i32
    %dma_start3A_73 = tpu.memref_slice %arg5[%add3A_69, %dma_start3A_72] : memref<102400x16xf32, #tpu.memory_space<hbm>> -> memref<128x16xf32, #tpu.memory_space<hbm>>
    tpu.enqueue_dma source(%arg8 : memref<128x16xf32, #tpu.memory_space<vmem>>) target(%dma_start3A_73 : memref<128x16xf32, #tpu.memory_space<hbm>>) target_semaphore(%arg11 : memref<!tpu.dma_semaphore, #tpu.memory_space<semaphore_mem>>)
    %scan3A_74 = arith.constant 0 : i32
    %scan3A_75 = arith.constant 0 : i32
    %scan3A_76 = arith.constant 12 : i32
    %scan3A_77 = arith.addi %scan3A_75, %scan3A_76 : i32
    %scan3A_78 = arith.constant 1 : i32
    %scan3A_79 = scf.for %scan3A_106 = %scan3A_75 to %scan3A_77 step %scan3A_78 iter_args(%scan3A_107 = %scan3A_74) -> (i32)  : i32 {
      %mul3A_108 = arith.constant 2 : i32
      %mul3A_109 = arith.muli %mul3A_108, %scan3A_106 : i32
      %add3A_110 = arith.constant 1 : i32
      %add3A_111 = arith.addi %mul3A_109, %add3A_110 : i32
      %mul3A_112 = arith.constant 3200 : i32
      %mul3A_113 = arith.muli %arg1, %mul3A_112 : i32
      %mul3A_114 = arith.constant 128 : i32
      %mul3A_115 = arith.muli %add3A_111, %mul3A_114 : i32
      %add3A_116 = arith.addi %mul3A_113, %mul3A_115 : i32
      "tpu.region"() ({
        %run_scoped3A = tpu.sem_alloc : memref<!tpu.dma_semaphore, #tpu.memory_space<semaphore_mem>>
        %dma_start3A_158 = arith.constant 0 : i32
        %dma_start3A_159 = tpu.memref_slice %arg10[%add3A_116, %dma_start3A_158] : memref<51200x16xf32, #tpu.memory_space<vmem_shared>> -> memref<128x16xf32, #tpu.memory_space<vmem_shared>>
        %dma_start3A_160 = arith.constant 0 : i32
        %dma_start3A_161 = tpu.memref_slice %arg10[%add3A_116, %dma_start3A_160] : memref<51200x16xf32, #tpu.memory_space<vmem_shared>> -> memref<128x16xf32, #tpu.memory_space<vmem_shared>>
        tpu.enqueue_dma source(%dma_start3A_161 : memref<128x16xf32, #tpu.memory_space<vmem_shared>>) target(%arg9 : memref<128x16xf32, #tpu.memory_space<vmem>>) target_semaphore(%run_scoped3A : memref<!tpu.dma_semaphore, #tpu.memory_space<semaphore_mem>>)
        %dma_wait3A_162 = arith.constant 0 : i32
        %dma_wait3A_163 = tpu.memref_slice %arg10[%add3A_116, %dma_wait3A_162] : memref<51200x16xf32, #tpu.memory_space<vmem_shared>> -> memref<128x16xf32, #tpu.memory_space<vmem_shared>>
        %dma_wait3A_164 = arith.constant 0 : i32
        %dma_wait3A_165 = tpu.memref_slice %arg10[%add3A_116, %dma_wait3A_164] : memref<51200x16xf32, #tpu.memory_space<vmem_shared>> -> memref<128x16xf32, #tpu.memory_space<vmem_shared>>
        tpu.wait_dma2 semaphore(%run_scoped3A : memref<!tpu.dma_semaphore, #tpu.memory_space<semaphore_mem>>) src(%dma_wait3A_165 : memref<128x16xf32, #tpu.memory_space<vmem_shared>>) dst(%arg9 : memref<128x16xf32, #tpu.memory_space<vmem>>)
        tpu.yield
      }) : () -> ()
      %mul3A_117 = arith.constant 51200 : i32
      %mul3A_118 = arith.muli %arg0, %mul3A_117 : i32
      %mul3A_119 = arith.constant 3200 : i32
      %mul3A_120 = arith.muli %arg1, %mul3A_119 : i32
      %add3A_121 = arith.addi %mul3A_118, %mul3A_120 : i32
      %mul3A_122 = arith.constant 128 : i32
      %mul3A_123 = arith.muli %add3A_111, %mul3A_122 : i32
      %add3A_124 = arith.addi %add3A_121, %mul3A_123 : i32
      %dma_start3A_125 = arith.constant 0 : i32
      %dma_start3A_126 = tpu.memref_slice %arg5[%add3A_124, %dma_start3A_125] : memref<102400x16xf32, #tpu.memory_space<hbm>> -> memref<128x16xf32, #tpu.memory_space<hbm>>
      %dma_start3A_127 = arith.constant 0 : i32
      %dma_start3A_128 = tpu.memref_slice %arg5[%add3A_124, %dma_start3A_127] : memref<102400x16xf32, #tpu.memory_space<hbm>> -> memref<128x16xf32, #tpu.memory_space<hbm>>
      tpu.enqueue_dma source(%arg9 : memref<128x16xf32, #tpu.memory_space<vmem>>) target(%dma_start3A_128 : memref<128x16xf32, #tpu.memory_space<hbm>>) target_semaphore(%arg12 : memref<!tpu.dma_semaphore, #tpu.memory_space<semaphore_mem>>)
      %mul3A_129 = arith.constant 51200 : i32
      %mul3A_130 = arith.muli %arg0, %mul3A_129 : i32
      %mul3A_131 = arith.constant 3200 : i32
      %mul3A_132 = arith.muli %arg1, %mul3A_131 : i32
      %add3A_133 = arith.addi %mul3A_130, %mul3A_132 : i32
      %mul3A_134 = arith.constant 128 : i32
      %mul3A_135 = arith.muli %mul3A_109, %mul3A_134 : i32
      %add3A_136 = arith.addi %add3A_133, %mul3A_135 : i32
      %dma_wait3A_137 = arith.constant 0 : i32
      %dma_wait3A_138 = tpu.memref_slice %arg5[%add3A_136, %dma_wait3A_137] : memref<102400x16xf32, #tpu.memory_space<hbm>> -> memref<128x16xf32, #tpu.memory_space<hbm>>
      %dma_wait3A_139 = arith.constant 0 : i32
      %dma_wait3A_140 = tpu.memref_slice %arg5[%add3A_136, %dma_wait3A_139] : memref<102400x16xf32, #tpu.memory_space<hbm>> -> memref<128x16xf32, #tpu.memory_space<hbm>>
      tpu.wait_dma2 semaphore(%arg11 : memref<!tpu.dma_semaphore, #tpu.memory_space<semaphore_mem>>) src(%arg8 : memref<128x16xf32, #tpu.memory_space<vmem>>) dst(%dma_wait3A_140 : memref<128x16xf32, #tpu.memory_space<hbm>>)
      %lt3A = arith.constant 11 : i32
      %lt3A_141 = arith.cmpi slt, %scan3A_106, %lt3A : i32
      %convert_element_type3A = arith.extui %lt3A_141 : i1 to i32
      %cond3A = arith.constant 0 : i32
      %cond3A_142 = arith.cmpi ne, %convert_element_type3A, %cond3A : i32
      scf.if %cond3A_142 {
        %add3A_158 = arith.constant 2 : i32
        %add3A_159 = arith.addi %mul3A_109, %add3A_158 : i32
        %mul3A_160 = arith.constant 3200 : i32
        %mul3A_161 = arith.muli %arg1, %mul3A_160 : i32
        %mul3A_162 = arith.constant 128 : i32
        %mul3A_163 = arith.muli %add3A_159, %mul3A_162 : i32
        %add3A_164 = arith.addi %mul3A_161, %mul3A_163 : i32
        "tpu.region"() ({
          %run_scoped3A = tpu.sem_alloc : memref<!tpu.dma_semaphore, #tpu.memory_space<semaphore_mem>>
          %dma_start3A_177 = arith.constant 0 : i32
          %dma_start3A_178 = tpu.memref_slice %arg10[%add3A_164, %dma_start3A_177] : memref<51200x16xf32, #tpu.memory_space<vmem_shared>> -> memref<128x16xf32, #tpu.memory_space<vmem_shared>>
          %dma_start3A_179 = arith.constant 0 : i32
          %dma_start3A_180 = tpu.memref_slice %arg10[%add3A_164, %dma_start3A_179] : memref<51200x16xf32, #tpu.memory_space<vmem_shared>> -> memref<128x16xf32, #tpu.memory_space<vmem_shared>>
          tpu.enqueue_dma source(%dma_start3A_180 : memref<128x16xf32, #tpu.memory_space<vmem_shared>>) target(%arg8 : memref<128x16xf32, #tpu.memory_space<vmem>>) target_semaphore(%run_scoped3A : memref<!tpu.dma_semaphore, #tpu.memory_space<semaphore_mem>>)
          %dma_wait3A_181 = arith.constant 0 : i32
          %dma_wait3A_182 = tpu.memref_slice %arg10[%add3A_164, %dma_wait3A_181] : memref<51200x16xf32, #tpu.memory_space<vmem_shared>> -> memref<128x16xf32, #tpu.memory_space<vmem_shared>>
          %dma_wait3A_183 = arith.constant 0 : i32
          %dma_wait3A_184 = tpu.memref_slice %arg10[%add3A_164, %dma_wait3A_183] : memref<51200x16xf32, #tpu.memory_space<vmem_shared>> -> memref<128x16xf32, #tpu.memory_space<vmem_shared>>
          tpu.wait_dma2 semaphore(%run_scoped3A : memref<!tpu.dma_semaphore, #tpu.memory_space<semaphore_mem>>) src(%dma_wait3A_184 : memref<128x16xf32, #tpu.memory_space<vmem_shared>>) dst(%arg8 : memref<128x16xf32, #tpu.memory_space<vmem>>)
          tpu.yield
        }) : () -> ()
        %mul3A_165 = arith.constant 51200 : i32
        %mul3A_166 = arith.muli %arg0, %mul3A_165 : i32
        %mul3A_167 = arith.constant 3200 : i32
        %mul3A_168 = arith.muli %arg1, %mul3A_167 : i32
        %add3A_169 = arith.addi %mul3A_166, %mul3A_168 : i32
        %mul3A_170 = arith.constant 128 : i32
        %mul3A_171 = arith.muli %add3A_159, %mul3A_170 : i32
        %add3A_172 = arith.addi %add3A_169, %mul3A_171 : i32
        %dma_start3A_173 = arith.constant 0 : i32
        %dma_start3A_174 = tpu.memref_slice %arg5[%add3A_172, %dma_start3A_173] : memref<102400x16xf32, #tpu.memory_space<hbm>> -> memref<128x16xf32, #tpu.memory_space<hbm>>
        %dma_start3A_175 = arith.constant 0 : i32
        %dma_start3A_176 = tpu.memref_slice %arg5[%add3A_172, %dma_start3A_175] : memref<102400x16xf32, #tpu.memory_space<hbm>> -> memref<128x16xf32, #tpu.memory_space<hbm>>
        tpu.enqueue_dma source(%arg8 : memref<128x16xf32, #tpu.memory_space<vmem>>) target(%dma_start3A_176 : memref<128x16xf32, #tpu.memory_space<hbm>>) target_semaphore(%arg11 : memref<!tpu.dma_semaphore, #tpu.memory_space<semaphore_mem>>)
      } else {
      }
      %add3A_143 = arith.constant 1 : i32
      %add3A_144 = arith.addi %mul3A_109, %add3A_143 : i32
      %mul3A_145 = arith.constant 51200 : i32
      %mul3A_146 = arith.muli %arg0, %mul3A_145 : i32
      %mul3A_147 = arith.constant 3200 : i32
      %mul3A_148 = arith.muli %arg1, %mul3A_147 : i32
      %add3A_149 = arith.addi %mul3A_146, %mul3A_148 : i32
      %mul3A_150 = arith.constant 128 : i32
      %mul3A_151 = arith.muli %add3A_144, %mul3A_150 : i32
      %add3A_152 = arith.addi %add3A_149, %mul3A_151 : i32
      %dma_wait3A_153 = arith.constant 0 : i32
      %dma_wait3A_154 = tpu.memref_slice %arg5[%add3A_152, %dma_wait3A_153] : memref<102400x16xf32, #tpu.memory_space<hbm>> -> memref<128x16xf32, #tpu.memory_space<hbm>>
      %dma_wait3A_155 = arith.constant 0 : i32
      %dma_wait3A_156 = tpu.memref_slice %arg5[%add3A_152, %dma_wait3A_155] : memref<102400x16xf32, #tpu.memory_space<hbm>> -> memref<128x16xf32, #tpu.memory_space<hbm>>
      tpu.wait_dma2 semaphore(%arg12 : memref<!tpu.dma_semaphore, #tpu.memory_space<semaphore_mem>>) src(%arg9 : memref<128x16xf32, #tpu.memory_space<vmem>>) dst(%dma_wait3A_156 : memref<128x16xf32, #tpu.memory_space<hbm>>)
      %scan3A_157 = arith.constant 0 : i32
      scf.yield %scan3A_157 : i32
    }
    %scan3A_80 = arith.constant 12 : i32
    %mul3A_81 = arith.constant 3200 : i32
    %mul3A_82 = arith.muli %arg1, %mul3A_81 : i32
    %add3A_83 = arith.constant 3072 : i32
    %add3A_84 = arith.addi %mul3A_82, %add3A_83 : i32
    "tpu.region"() ({
      %run_scoped3A = tpu.sem_alloc : memref<!tpu.dma_semaphore, #tpu.memory_space<semaphore_mem>>
      %dma_start3A_106 = arith.constant 0 : i32
      %dma_start3A_107 = tpu.memref_slice %arg10[%add3A_84, %dma_start3A_106] : memref<51200x16xf32, #tpu.memory_space<vmem_shared>> -> memref<128x16xf32, #tpu.memory_space<vmem_shared>>
      %dma_start3A_108 = arith.constant 0 : i32
      %dma_start3A_109 = tpu.memref_slice %arg10[%add3A_84, %dma_start3A_108] : memref<51200x16xf32, #tpu.memory_space<vmem_shared>> -> memref<128x16xf32, #tpu.memory_space<vmem_shared>>
      tpu.enqueue_dma source(%dma_start3A_109 : memref<128x16xf32, #tpu.memory_space<vmem_shared>>) target(%arg8 : memref<128x16xf32, #tpu.memory_space<vmem>>) target_semaphore(%run_scoped3A : memref<!tpu.dma_semaphore, #tpu.memory_space<semaphore_mem>>)
      %dma_wait3A_110 = arith.constant 0 : i32
      %dma_wait3A_111 = tpu.memref_slice %arg10[%add3A_84, %dma_wait3A_110] : memref<51200x16xf32, #tpu.memory_space<vmem_shared>> -> memref<128x16xf32, #tpu.memory_space<vmem_shared>>
      %dma_wait3A_112 = arith.constant 0 : i32
      %dma_wait3A_113 = tpu.memref_slice %arg10[%add3A_84, %dma_wait3A_112] : memref<51200x16xf32, #tpu.memory_space<vmem_shared>> -> memref<128x16xf32, #tpu.memory_space<vmem_shared>>
      tpu.wait_dma2 semaphore(%run_scoped3A : memref<!tpu.dma_semaphore, #tpu.memory_space<semaphore_mem>>) src(%dma_wait3A_113 : memref<128x16xf32, #tpu.memory_space<vmem_shared>>) dst(%arg8 : memref<128x16xf32, #tpu.memory_space<vmem>>)
      tpu.yield
    }) : () -> ()
    %mul3A_85 = arith.constant 51200 : i32
    %mul3A_86 = arith.muli %arg0, %mul3A_85 : i32
    %mul3A_87 = arith.constant 3200 : i32
    %mul3A_88 = arith.muli %arg1, %mul3A_87 : i32
    %add3A_89 = arith.addi %mul3A_86, %mul3A_88 : i32
    %add3A_90 = arith.constant 3072 : i32
    %add3A_91 = arith.addi %add3A_89, %add3A_90 : i32
    %dma_start3A_92 = arith.constant 0 : i32
    %dma_start3A_93 = tpu.memref_slice %arg5[%add3A_91, %dma_start3A_92] : memref<102400x16xf32, #tpu.memory_space<hbm>> -> memref<128x16xf32, #tpu.memory_space<hbm>>
    %dma_start3A_94 = arith.constant 0 : i32
    %dma_start3A_95 = tpu.memref_slice %arg5[%add3A_91, %dma_start3A_94] : memref<102400x16xf32, #tpu.memory_space<hbm>> -> memref<128x16xf32, #tpu.memory_space<hbm>>
    tpu.enqueue_dma source(%arg8 : memref<128x16xf32, #tpu.memory_space<vmem>>) target(%dma_start3A_95 : memref<128x16xf32, #tpu.memory_space<hbm>>) target_semaphore(%arg11 : memref<!tpu.dma_semaphore, #tpu.memory_space<semaphore_mem>>)
    %mul3A_96 = arith.constant 51200 : i32
    %mul3A_97 = arith.muli %arg0, %mul3A_96 : i32
    %mul3A_98 = arith.constant 3200 : i32
    %mul3A_99 = arith.muli %arg1, %mul3A_98 : i32
    %add3A_100 = arith.addi %mul3A_97, %mul3A_99 : i32
    %add3A_101 = arith.constant 3072 : i32
    %add3A_102 = arith.addi %add3A_100, %add3A_101 : i32
    %dma_wait3A = arith.constant 0 : i32
    %dma_wait3A_103 = tpu.memref_slice %arg5[%add3A_102, %dma_wait3A] : memref<102400x16xf32, #tpu.memory_space<hbm>> -> memref<128x16xf32, #tpu.memory_space<hbm>>
    %dma_wait3A_104 = arith.constant 0 : i32
    %dma_wait3A_105 = tpu.memref_slice %arg5[%add3A_102, %dma_wait3A_104] : memref<102400x16xf32, #tpu.memory_space<hbm>> -> memref<128x16xf32, #tpu.memory_space<hbm>>
    tpu.wait_dma2 semaphore(%arg11 : memref<!tpu.dma_semaphore, #tpu.memory_space<semaphore_mem>>) src(%arg8 : memref<128x16xf32, #tpu.memory_space<vmem>>) dst(%dma_wait3A_105 : memref<128x16xf32, #tpu.memory_space<hbm>>)
    return
  }
}

#map = affine_map<(d0, d1) -> (0, 0)>
module attributes {stable_mosaic.version = 14 : i64} {
  func.func @_seg_kernel(%arg0: i32, %arg1: i32, %arg2: memref<12800x128xi32, #tpu.memory_space<hbm>>, %arg3: memref<12800x128xi32, #tpu.memory_space<hbm>>, %arg4: memref<200000x16xf32, #tpu.memory_space<hbm>>, %arg5: memref<102400x16xf32, #tpu.memory_space<hbm>>, %arg6: memref<200x128xi32, #tpu.memory_space<vmem>>, %arg7: memref<200x128xi32, #tpu.memory_space<vmem>>, %arg8: memref<128x16xf32, #tpu.memory_space<vmem>>, %arg9: memref<128x16xf32, #tpu.memory_space<vmem>>, %arg10: memref<51200x16xf32, #tpu.memory_space<vmem_shared>>, %arg11: memref<!tpu.dma_semaphore, #tpu.memory_space<semaphore_mem>>, %arg12: memref<!tpu.dma_semaphore, #tpu.memory_space<semaphore_mem>>) attributes {dimension_semantics = [#tpu.dimension_semantics<core_parallel>, #tpu.dimension_semantics<subcore_parallel>], iteration_bounds = array<i64: 2, 16>, scalar_prefetch = 0 : i64, scratch_operands = 7 : i64, tpu.core_type = #tpu.core_type<sc_vector_subcore>, window_params = [{transform_indices = #map}, {transform_indices = #map}, {transform_indices = #map}, {transform_indices = #map}]} {
    %mul3A = arith.constant 16 : i32
    %mul3A_0 = arith.muli %arg0, %mul3A : i32
    %add3A = arith.addi %mul3A_0, %arg1 : i32
    %broadcast_in_dim3A = arith.constant 0.000000e+00 : f32
    %broadcast_in_dim3A_1 = vector.broadcast %broadcast_in_dim3A : f32 to vector<16xf32>
    %scan3A = arith.constant 0 : i32
    %scan3A_2 = arith.constant 0 : i32
    %scan3A_3 = arith.constant 128 : i32
    %scan3A_4 = arith.addi %scan3A_2, %scan3A_3 : i32
    %scan3A_5 = arith.constant 1 : i32
    %scan3A_6 = scf.for %scan3A_106 = %scan3A_2 to %scan3A_4 step %scan3A_5 iter_args(%scan3A_107 = %scan3A) -> (i32)  : i32 {
      %swap3A = arith.index_cast %scan3A_106 : i32 to index
      %swap3A_108 = arith.constant 0 : index
      %swap3A_109 = tpu.vector_load %arg8[%swap3A, %swap3A_108] {strides = array<i32>} : memref<128x16xf32, #tpu.memory_space<vmem>>, vector<1x16xf32>,
      %swap3A_110 = vector.shape_cast %swap3A_109 : vector<1x16xf32> to vector<16xf32>
      %swap3A_111 = vector.shape_cast %broadcast_in_dim3A_1 : vector<16xf32> to vector<1x16xf32>
      tpu.vector_store %arg8[%swap3A, %swap3A_108], %swap3A_111 {strides = array<i32>} : memref<128x16xf32, #tpu.memory_space<vmem>>, vector<1x16xf32>,
      %scan3A_112 = arith.constant 0 : i32
      scf.yield %scan3A_112 : i32
    }
    %scan3A_7 = arith.constant 128 : i32
    %scan3A_8 = arith.constant 0 : i32
    %scan3A_9 = arith.constant 0 : i32
    %scan3A_10 = arith.constant 25 : i32
    %scan3A_11 = arith.addi %scan3A_9, %scan3A_10 : i32
    %scan3A_12 = arith.constant 1 : i32
    %scan3A_13 = scf.for %scan3A_106 = %scan3A_9 to %scan3A_11 step %scan3A_12 iter_args(%scan3A_107 = %scan3A_8) -> (i32)  : i32 {
      %mul3A_108 = arith.constant 3200 : i32
      %mul3A_109 = arith.muli %arg1, %mul3A_108 : i32
      %mul3A_110 = arith.constant 128 : i32
      %mul3A_111 = arith.muli %scan3A_106, %mul3A_110 : i32
      %add3A_112 = arith.addi %mul3A_109, %mul3A_111 : i32
      "tpu.region"() ({
        %run_scoped3A = tpu.sem_alloc : memref<!tpu.dma_semaphore, #tpu.memory_space<semaphore_mem>>
        %dma_start3A_114 = arith.constant 0 : i32
        %dma_start3A_115 = tpu.memref_slice %arg10[%add3A_112, %dma_start3A_114] : memref<51200x16xf32, #tpu.memory_space<vmem_shared>> -> memref<128x16xf32, #tpu.memory_space<vmem_shared>>
        %dma_start3A_116 = arith.constant 0 : i32
        %dma_start3A_117 = tpu.memref_slice %arg10[%add3A_112, %dma_start3A_116] : memref<51200x16xf32, #tpu.memory_space<vmem_shared>> -> memref<128x16xf32, #tpu.memory_space<vmem_shared>>
        tpu.enqueue_dma source(%arg8 : memref<128x16xf32, #tpu.memory_space<vmem>>) target(%dma_start3A_117 : memref<128x16xf32, #tpu.memory_space<vmem_shared>>) target_semaphore(%run_scoped3A : memref<!tpu.dma_semaphore, #tpu.memory_space<semaphore_mem>>)
        %dma_wait3A_118 = arith.constant 0 : i32
        %dma_wait3A_119 = tpu.memref_slice %arg10[%add3A_112, %dma_wait3A_118] : memref<51200x16xf32, #tpu.memory_space<vmem_shared>> -> memref<128x16xf32, #tpu.memory_space<vmem_shared>>
        %dma_wait3A_120 = arith.constant 0 : i32
        %dma_wait3A_121 = tpu.memref_slice %arg10[%add3A_112, %dma_wait3A_120] : memref<51200x16xf32, #tpu.memory_space<vmem_shared>> -> memref<128x16xf32, #tpu.memory_space<vmem_shared>>
        tpu.wait_dma2 semaphore(%run_scoped3A : memref<!tpu.dma_semaphore, #tpu.memory_space<semaphore_mem>>) src(%arg8 : memref<128x16xf32, #tpu.memory_space<vmem>>) dst(%dma_wait3A_121 : memref<128x16xf32, #tpu.memory_space<vmem_shared>>)
        tpu.yield
      }) : () -> ()
      %scan3A_113 = arith.constant 0 : i32
      scf.yield %scan3A_113 : i32
    }
    %scan3A_14 = arith.constant 25 : i32
    %barrier3A = arith.constant 0 : index
    tpu.barrier barrier_id(%barrier3A)
    %mul3A_15 = arith.constant 400 : i32
    %mul3A_16 = arith.muli %add3A, %mul3A_15 : i32
    %add3A_17 = arith.constant 0 : i32
    %add3A_18 = arith.addi %mul3A_16, %add3A_17 : i32
    "tpu.region"() ({
      %run_scoped3A = tpu.sem_alloc : memref<!tpu.dma_semaphore, #tpu.memory_space<semaphore_mem>>
      %dma_start3A_106 = arith.constant 0 : i32
      %dma_start3A_107 = tpu.memref_slice %arg2[%add3A_18, %dma_start3A_106] : memref<12800x128xi32, #tpu.memory_space<hbm>> -> memref<200x128xi32, #tpu.memory_space<hbm>>
      %dma_start3A_108 = arith.constant 0 : i32
      %dma_start3A_109 = tpu.memref_slice %arg2[%add3A_18, %dma_start3A_108] : memref<12800x128xi32, #tpu.memory_space<hbm>> -> memref<200x128xi32, #tpu.memory_space<hbm>>
      tpu.enqueue_dma source(%dma_start3A_109 : memref<200x128xi32, #tpu.memory_space<hbm>>) target(%arg6 : memref<200x128xi32, #tpu.memory_space<vmem>>) target_semaphore(%run_scoped3A : memref<!tpu.dma_semaphore, #tpu.memory_space<semaphore_mem>>)
      %dma_wait3A_110 = arith.constant 0 : i32
      %dma_wait3A_111 = tpu.memref_slice %arg2[%add3A_18, %dma_wait3A_110] : memref<12800x128xi32, #tpu.memory_space<hbm>> -> memref<200x128xi32, #tpu.memory_space<hbm>>
      %dma_wait3A_112 = arith.constant 0 : i32
      %dma_wait3A_113 = tpu.memref_slice %arg2[%add3A_18, %dma_wait3A_112] : memref<12800x128xi32, #tpu.memory_space<hbm>> -> memref<200x128xi32, #tpu.memory_space<hbm>>
      tpu.wait_dma2 semaphore(%run_scoped3A : memref<!tpu.dma_semaphore, #tpu.memory_space<semaphore_mem>>) src(%dma_wait3A_113 : memref<200x128xi32, #tpu.memory_space<hbm>>) dst(%arg6 : memref<200x128xi32, #tpu.memory_space<vmem>>)
      tpu.yield
    }) : () -> ()
    %mul3A_19 = arith.constant 400 : i32
    %mul3A_20 = arith.muli %add3A, %mul3A_19 : i32
    %add3A_21 = arith.constant 0 : i32
    %add3A_22 = arith.addi %mul3A_20, %add3A_21 : i32
    "tpu.region"() ({
      %run_scoped3A = tpu.sem_alloc : memref<!tpu.dma_semaphore, #tpu.memory_space<semaphore_mem>>
      %dma_start3A_106 = arith.constant 0 : i32
      %dma_start3A_107 = tpu.memref_slice %arg3[%add3A_22, %dma_start3A_106] : memref<12800x128xi32, #tpu.memory_space<hbm>> -> memref<200x128xi32, #tpu.memory_space<hbm>>
      %dma_start3A_108 = arith.constant 0 : i32
      %dma_start3A_109 = tpu.memref_slice %arg3[%add3A_22, %dma_start3A_108] : memref<12800x128xi32, #tpu.memory_space<hbm>> -> memref<200x128xi32, #tpu.memory_space<hbm>>
      tpu.enqueue_dma source(%dma_start3A_109 : memref<200x128xi32, #tpu.memory_space<hbm>>) target(%arg7 : memref<200x128xi32, #tpu.memory_space<vmem>>) target_semaphore(%run_scoped3A : memref<!tpu.dma_semaphore, #tpu.memory_space<semaphore_mem>>)
      %dma_wait3A_110 = arith.constant 0 : i32
      %dma_wait3A_111 = tpu.memref_slice %arg3[%add3A_22, %dma_wait3A_110] : memref<12800x128xi32, #tpu.memory_space<hbm>> -> memref<200x128xi32, #tpu.memory_space<hbm>>
      %dma_wait3A_112 = arith.constant 0 : i32
      %dma_wait3A_113 = tpu.memref_slice %arg3[%add3A_22, %dma_wait3A_112] : memref<12800x128xi32, #tpu.memory_space<hbm>> -> memref<200x128xi32, #tpu.memory_space<hbm>>
      tpu.wait_dma2 semaphore(%run_scoped3A : memref<!tpu.dma_semaphore, #tpu.memory_space<semaphore_mem>>) src(%dma_wait3A_113 : memref<200x128xi32, #tpu.memory_space<hbm>>) dst(%arg7 : memref<200x128xi32, #tpu.memory_space<vmem>>)
      tpu.yield
    }) : () -> ()
    %dma_start3A = arith.constant 0 : i32
    %dma_start3A_23 = arith.constant 0 : i32
    %dma_start3A_24 = tpu.memref_slice %arg6[%dma_start3A, %dma_start3A_23] : memref<200x128xi32, #tpu.memory_space<vmem>> -> memref<1x128xi32, #tpu.memory_space<vmem>>
    %dma_start3A_25 = tpu.memref_squeeze %dma_start3A_24 : memref<1x128xi32, #tpu.memory_space<vmem>> -> memref<128xi32, #tpu.memory_space<vmem>>
    %dma_start3A_26 = arith.constant 0 : i32
    %dma_start3A_27 = arith.constant 0 : i32
    %dma_start3A_28 = tpu.memref_slice %arg4[%dma_start3A_26, %dma_start3A_27] : memref<200000x16xf32, #tpu.memory_space<hbm>> -> memref<200000x16xf32, #tpu.memory_space<hbm>>
    tpu.enqueue_indirect_dma source(%dma_start3A_28 : memref<200000x16xf32, #tpu.memory_space<hbm>>) target(%arg8 : memref<128x16xf32, #tpu.memory_space<vmem>>) offsets(%dma_start3A_25 : memref<128xi32, #tpu.memory_space<vmem>>) semaphore(%arg11 : memref<!tpu.dma_semaphore, #tpu.memory_space<semaphore_mem>>)
    %scan3A_29 = arith.constant 0 : i32
    %scan3A_30 = arith.constant 0 : i32
    %scan3A_31 = arith.constant 100 : i32
    %scan3A_32 = arith.addi %scan3A_30, %scan3A_31 : i32
    %scan3A_33 = arith.constant 1 : i32
    %scan3A_34 = scf.for %scan3A_106 = %scan3A_30 to %scan3A_32 step %scan3A_33 iter_args(%scan3A_107 = %scan3A_29) -> (i32)  : i32 {
      %mul3A_108 = arith.constant 2 : i32
      %mul3A_109 = arith.muli %mul3A_108, %scan3A_106 : i32
      %add3A_110 = arith.constant 1 : i32
      %add3A_111 = arith.addi %mul3A_109, %add3A_110 : i32
      %dma_start3A_112 = arith.constant 0 : i32
      %dma_start3A_113 = tpu.memref_slice %arg6[%add3A_111, %dma_start3A_112] : memref<200x128xi32, #tpu.memory_space<vmem>> -> memref<1x128xi32, #tpu.memory_space<vmem>>
      %dma_start3A_114 = tpu.memref_squeeze %dma_start3A_113 : memref<1x128xi32, #tpu.memory_space<vmem>> -> memref<128xi32, #tpu.memory_space<vmem>>
      %dma_start3A_115 = arith.constant 0 : i32
      %dma_start3A_116 = arith.constant 0 : i32
      %dma_start3A_117 = tpu.memref_slice %arg4[%dma_start3A_115, %dma_start3A_116] : memref<200000x16xf32, #tpu.memory_space<hbm>> -> memref<200000x16xf32, #tpu.memory_space<hbm>>
      tpu.enqueue_indirect_dma source(%dma_start3A_117 : memref<200000x16xf32, #tpu.memory_space<hbm>>) target(%arg9 : memref<128x16xf32, #tpu.memory_space<vmem>>) offsets(%dma_start3A_114 : memref<128xi32, #tpu.memory_space<vmem>>) semaphore(%arg12 : memref<!tpu.dma_semaphore, #tpu.memory_space<semaphore_mem>>)
      %dma_wait3A_118 = arith.constant 0 : i32
      %dma_wait3A_119 = tpu.memref_slice %arg6[%mul3A_109, %dma_wait3A_118] : memref<200x128xi32, #tpu.memory_space<vmem>> -> memref<1x128xi32, #tpu.memory_space<vmem>>
      %dma_wait3A_120 = tpu.memref_squeeze %dma_wait3A_119 : memref<1x128xi32, #tpu.memory_space<vmem>> -> memref<128xi32, #tpu.memory_space<vmem>>
      %dma_wait3A_121 = arith.constant 0 : i32
      %dma_wait3A_122 = arith.constant 0 : i32
      %dma_wait3A_123 = tpu.memref_slice %arg4[%dma_wait3A_121, %dma_wait3A_122] : memref<200000x16xf32, #tpu.memory_space<hbm>> -> memref<200000x16xf32, #tpu.memory_space<hbm>>
      tpu.wait_indirect_dma semaphore(%arg11 : memref<!tpu.dma_semaphore, #tpu.memory_space<semaphore_mem>>) src(%dma_wait3A_123 : memref<200000x16xf32, #tpu.memory_space<hbm>>) dst(%arg8 : memref<128x16xf32, #tpu.memory_space<vmem>>)
      "tpu.region"() ({
        %run_scoped3A = tpu.sem_alloc : memref<!tpu.dma_semaphore, #tpu.memory_space<semaphore_mem>>
        %dma_start3A_137 = arith.constant 0 : i32
        %dma_start3A_138 = tpu.memref_slice %arg7[%mul3A_109, %dma_start3A_137] : memref<200x128xi32, #tpu.memory_space<vmem>> -> memref<1x128xi32, #tpu.memory_space<vmem>>
        %dma_start3A_139 = tpu.memref_squeeze %dma_start3A_138 : memref<1x128xi32, #tpu.memory_space<vmem>> -> memref<128xi32, #tpu.memory_space<vmem>>
        %dma_start3A_140 = arith.constant 0 : i32
        %dma_start3A_141 = arith.constant 0 : i32
        %dma_start3A_142 = tpu.memref_slice %arg10[%dma_start3A_140, %dma_start3A_141] : memref<51200x16xf32, #tpu.memory_space<vmem_shared>> -> memref<51200x16xf32, #tpu.memory_space<vmem_shared>>
        tpu.enqueue_indirect_dma source(%arg8 : memref<128x16xf32, #tpu.memory_space<vmem>>) target(%dma_start3A_142 : memref<51200x16xf32, #tpu.memory_space<vmem_shared>>) offsets(%dma_start3A_139 : memref<128xi32, #tpu.memory_space<vmem>>) semaphore(%run_scoped3A : memref<!tpu.dma_semaphore, #tpu.memory_space<semaphore_mem>>) {add = true}
        %dma_wait3A_143 = arith.constant 0 : i32
        %dma_wait3A_144 = tpu.memref_slice %arg7[%mul3A_109, %dma_wait3A_143] : memref<200x128xi32, #tpu.memory_space<vmem>> -> memref<1x128xi32, #tpu.memory_space<vmem>>
        %dma_wait3A_145 = tpu.memref_squeeze %dma_wait3A_144 : memref<1x128xi32, #tpu.memory_space<vmem>> -> memref<128xi32, #tpu.memory_space<vmem>>
        %dma_wait3A_146 = arith.constant 0 : i32
        %dma_wait3A_147 = arith.constant 0 : i32
        %dma_wait3A_148 = tpu.memref_slice %arg10[%dma_wait3A_146, %dma_wait3A_147] : memref<51200x16xf32, #tpu.memory_space<vmem_shared>> -> memref<51200x16xf32, #tpu.memory_space<vmem_shared>>
        tpu.wait_indirect_dma semaphore(%run_scoped3A : memref<!tpu.dma_semaphore, #tpu.memory_space<semaphore_mem>>) src(%arg8 : memref<128x16xf32, #tpu.memory_space<vmem>>) dst(%dma_wait3A_148 : memref<51200x16xf32, #tpu.memory_space<vmem_shared>>)
        tpu.yield
      }) : () -> ()
      %lt3A = arith.constant 99 : i32
      %lt3A_124 = arith.cmpi slt, %scan3A_106, %lt3A : i32
      %convert_element_type3A = arith.extui %lt3A_124 : i1 to i32
      %cond3A = arith.constant 0 : i32
      %cond3A_125 = arith.cmpi ne, %convert_element_type3A, %cond3A : i32
      scf.if %cond3A_125 {
        %add3A_137 = arith.constant 2 : i32
        %add3A_138 = arith.addi %mul3A_109, %add3A_137 : i32
        %dma_start3A_139 = arith.constant 0 : i32
        %dma_start3A_140 = tpu.memref_slice %arg6[%add3A_138, %dma_start3A_139] : memref<200x128xi32, #tpu.memory_space<vmem>> -> memref<1x128xi32, #tpu.memory_space<vmem>>
        %dma_start3A_141 = tpu.memref_squeeze %dma_start3A_140 : memref<1x128xi32, #tpu.memory_space<vmem>> -> memref<128xi32, #tpu.memory_space<vmem>>
        %dma_start3A_142 = arith.constant 0 : i32
        %dma_start3A_143 = arith.constant 0 : i32
        %dma_start3A_144 = tpu.memref_slice %arg4[%dma_start3A_142, %dma_start3A_143] : memref<200000x16xf32, #tpu.memory_space<hbm>> -> memref<200000x16xf32, #tpu.memory_space<hbm>>
        tpu.enqueue_indirect_dma source(%dma_start3A_144 : memref<200000x16xf32, #tpu.memory_space<hbm>>) target(%arg8 : memref<128x16xf32, #tpu.memory_space<vmem>>) offsets(%dma_start3A_141 : memref<128xi32, #tpu.memory_space<vmem>>) semaphore(%arg11 : memref<!tpu.dma_semaphore, #tpu.memory_space<semaphore_mem>>)
      } else {
      }
      %add3A_126 = arith.constant 1 : i32
      %add3A_127 = arith.addi %mul3A_109, %add3A_126 : i32
      %dma_wait3A_128 = arith.constant 0 : i32
      %dma_wait3A_129 = tpu.memref_slice %arg6[%add3A_127, %dma_wait3A_128] : memref<200x128xi32, #tpu.memory_space<vmem>> -> memref<1x128xi32, #tpu.memory_space<vmem>>
      %dma_wait3A_130 = tpu.memref_squeeze %dma_wait3A_129 : memref<1x128xi32, #tpu.memory_space<vmem>> -> memref<128xi32, #tpu.memory_space<vmem>>
      %dma_wait3A_131 = arith.constant 0 : i32
      %dma_wait3A_132 = arith.constant 0 : i32
      %dma_wait3A_133 = tpu.memref_slice %arg4[%dma_wait3A_131, %dma_wait3A_132] : memref<200000x16xf32, #tpu.memory_space<hbm>> -> memref<200000x16xf32, #tpu.memory_space<hbm>>
      tpu.wait_indirect_dma semaphore(%arg12 : memref<!tpu.dma_semaphore, #tpu.memory_space<semaphore_mem>>) src(%dma_wait3A_133 : memref<200000x16xf32, #tpu.memory_space<hbm>>) dst(%arg9 : memref<128x16xf32, #tpu.memory_space<vmem>>)
      %add3A_134 = arith.constant 1 : i32
      %add3A_135 = arith.addi %mul3A_109, %add3A_134 : i32
      "tpu.region"() ({
        %run_scoped3A = tpu.sem_alloc : memref<!tpu.dma_semaphore, #tpu.memory_space<semaphore_mem>>
        %dma_start3A_137 = arith.constant 0 : i32
        %dma_start3A_138 = tpu.memref_slice %arg7[%add3A_135, %dma_start3A_137] : memref<200x128xi32, #tpu.memory_space<vmem>> -> memref<1x128xi32, #tpu.memory_space<vmem>>
        %dma_start3A_139 = tpu.memref_squeeze %dma_start3A_138 : memref<1x128xi32, #tpu.memory_space<vmem>> -> memref<128xi32, #tpu.memory_space<vmem>>
        %dma_start3A_140 = arith.constant 0 : i32
        %dma_start3A_141 = arith.constant 0 : i32
        %dma_start3A_142 = tpu.memref_slice %arg10[%dma_start3A_140, %dma_start3A_141] : memref<51200x16xf32, #tpu.memory_space<vmem_shared>> -> memref<51200x16xf32, #tpu.memory_space<vmem_shared>>
        tpu.enqueue_indirect_dma source(%arg9 : memref<128x16xf32, #tpu.memory_space<vmem>>) target(%dma_start3A_142 : memref<51200x16xf32, #tpu.memory_space<vmem_shared>>) offsets(%dma_start3A_139 : memref<128xi32, #tpu.memory_space<vmem>>) semaphore(%run_scoped3A : memref<!tpu.dma_semaphore, #tpu.memory_space<semaphore_mem>>) {add = true}
        %dma_wait3A_143 = arith.constant 0 : i32
        %dma_wait3A_144 = tpu.memref_slice %arg7[%add3A_135, %dma_wait3A_143] : memref<200x128xi32, #tpu.memory_space<vmem>> -> memref<1x128xi32, #tpu.memory_space<vmem>>
        %dma_wait3A_145 = tpu.memref_squeeze %dma_wait3A_144 : memref<1x128xi32, #tpu.memory_space<vmem>> -> memref<128xi32, #tpu.memory_space<vmem>>
        %dma_wait3A_146 = arith.constant 0 : i32
        %dma_wait3A_147 = arith.constant 0 : i32
        %dma_wait3A_148 = tpu.memref_slice %arg10[%dma_wait3A_146, %dma_wait3A_147] : memref<51200x16xf32, #tpu.memory_space<vmem_shared>> -> memref<51200x16xf32, #tpu.memory_space<vmem_shared>>
        tpu.wait_indirect_dma semaphore(%run_scoped3A : memref<!tpu.dma_semaphore, #tpu.memory_space<semaphore_mem>>) src(%arg9 : memref<128x16xf32, #tpu.memory_space<vmem>>) dst(%dma_wait3A_148 : memref<51200x16xf32, #tpu.memory_space<vmem_shared>>)
        tpu.yield
      }) : () -> ()
      %scan3A_136 = arith.constant 0 : i32
      scf.yield %scan3A_136 : i32
    }
    %scan3A_35 = arith.constant 100 : i32
    %mul3A_36 = arith.constant 400 : i32
    %mul3A_37 = arith.muli %add3A, %mul3A_36 : i32
    %add3A_38 = arith.constant 200 : i32
    %add3A_39 = arith.addi %mul3A_37, %add3A_38 : i32
    "tpu.region"() ({
      %run_scoped3A = tpu.sem_alloc : memref<!tpu.dma_semaphore, #tpu.memory_space<semaphore_mem>>
      %dma_start3A_106 = arith.constant 0 : i32
      %dma_start3A_107 = tpu.memref_slice %arg2[%add3A_39, %dma_start3A_106] : memref<12800x128xi32, #tpu.memory_space<hbm>> -> memref<200x128xi32, #tpu.memory_space<hbm>>
      %dma_start3A_108 = arith.constant 0 : i32
      %dma_start3A_109 = tpu.memref_slice %arg2[%add3A_39, %dma_start3A_108] : memref<12800x128xi32, #tpu.memory_space<hbm>> -> memref<200x128xi32, #tpu.memory_space<hbm>>
      tpu.enqueue_dma source(%dma_start3A_109 : memref<200x128xi32, #tpu.memory_space<hbm>>) target(%arg6 : memref<200x128xi32, #tpu.memory_space<vmem>>) target_semaphore(%run_scoped3A : memref<!tpu.dma_semaphore, #tpu.memory_space<semaphore_mem>>)
      %dma_wait3A_110 = arith.constant 0 : i32
      %dma_wait3A_111 = tpu.memref_slice %arg2[%add3A_39, %dma_wait3A_110] : memref<12800x128xi32, #tpu.memory_space<hbm>> -> memref<200x128xi32, #tpu.memory_space<hbm>>
      %dma_wait3A_112 = arith.constant 0 : i32
      %dma_wait3A_113 = tpu.memref_slice %arg2[%add3A_39, %dma_wait3A_112] : memref<12800x128xi32, #tpu.memory_space<hbm>> -> memref<200x128xi32, #tpu.memory_space<hbm>>
      tpu.wait_dma2 semaphore(%run_scoped3A : memref<!tpu.dma_semaphore, #tpu.memory_space<semaphore_mem>>) src(%dma_wait3A_113 : memref<200x128xi32, #tpu.memory_space<hbm>>) dst(%arg6 : memref<200x128xi32, #tpu.memory_space<vmem>>)
      tpu.yield
    }) : () -> ()
    %mul3A_40 = arith.constant 400 : i32
    %mul3A_41 = arith.muli %add3A, %mul3A_40 : i32
    %add3A_42 = arith.constant 200 : i32
    %add3A_43 = arith.addi %mul3A_41, %add3A_42 : i32
    "tpu.region"() ({
      %run_scoped3A = tpu.sem_alloc : memref<!tpu.dma_semaphore, #tpu.memory_space<semaphore_mem>>
      %dma_start3A_106 = arith.constant 0 : i32
      %dma_start3A_107 = tpu.memref_slice %arg3[%add3A_43, %dma_start3A_106] : memref<12800x128xi32, #tpu.memory_space<hbm>> -> memref<200x128xi32, #tpu.memory_space<hbm>>
      %dma_start3A_108 = arith.constant 0 : i32
      %dma_start3A_109 = tpu.memref_slice %arg3[%add3A_43, %dma_start3A_108] : memref<12800x128xi32, #tpu.memory_space<hbm>> -> memref<200x128xi32, #tpu.memory_space<hbm>>
      tpu.enqueue_dma source(%dma_start3A_109 : memref<200x128xi32, #tpu.memory_space<hbm>>) target(%arg7 : memref<200x128xi32, #tpu.memory_space<vmem>>) target_semaphore(%run_scoped3A : memref<!tpu.dma_semaphore, #tpu.memory_space<semaphore_mem>>)
      %dma_wait3A_110 = arith.constant 0 : i32
      %dma_wait3A_111 = tpu.memref_slice %arg3[%add3A_43, %dma_wait3A_110] : memref<12800x128xi32, #tpu.memory_space<hbm>> -> memref<200x128xi32, #tpu.memory_space<hbm>>
      %dma_wait3A_112 = arith.constant 0 : i32
      %dma_wait3A_113 = tpu.memref_slice %arg3[%add3A_43, %dma_wait3A_112] : memref<12800x128xi32, #tpu.memory_space<hbm>> -> memref<200x128xi32, #tpu.memory_space<hbm>>
      tpu.wait_dma2 semaphore(%run_scoped3A : memref<!tpu.dma_semaphore, #tpu.memory_space<semaphore_mem>>) src(%dma_wait3A_113 : memref<200x128xi32, #tpu.memory_space<hbm>>) dst(%arg7 : memref<200x128xi32, #tpu.memory_space<vmem>>)
      tpu.yield
    }) : () -> ()
    %dma_start3A_44 = arith.constant 0 : i32
    %dma_start3A_45 = arith.constant 0 : i32
    %dma_start3A_46 = tpu.memref_slice %arg6[%dma_start3A_44, %dma_start3A_45] : memref<200x128xi32, #tpu.memory_space<vmem>> -> memref<1x128xi32, #tpu.memory_space<vmem>>
    %dma_start3A_47 = tpu.memref_squeeze %dma_start3A_46 : memref<1x128xi32, #tpu.memory_space<vmem>> -> memref<128xi32, #tpu.memory_space<vmem>>
    %dma_start3A_48 = arith.constant 0 : i32
    %dma_start3A_49 = arith.constant 0 : i32
    %dma_start3A_50 = tpu.memref_slice %arg4[%dma_start3A_48, %dma_start3A_49] : memref<200000x16xf32, #tpu.memory_space<hbm>> -> memref<200000x16xf32, #tpu.memory_space<hbm>>
    tpu.enqueue_indirect_dma source(%dma_start3A_50 : memref<200000x16xf32, #tpu.memory_space<hbm>>) target(%arg8 : memref<128x16xf32, #tpu.memory_space<vmem>>) offsets(%dma_start3A_47 : memref<128xi32, #tpu.memory_space<vmem>>) semaphore(%arg11 : memref<!tpu.dma_semaphore, #tpu.memory_space<semaphore_mem>>)
    %scan3A_51 = arith.constant 0 : i32
    %scan3A_52 = arith.constant 0 : i32
    %scan3A_53 = arith.constant 100 : i32
    %scan3A_54 = arith.addi %scan3A_52, %scan3A_53 : i32
    %scan3A_55 = arith.constant 1 : i32
    %scan3A_56 = scf.for %scan3A_106 = %scan3A_52 to %scan3A_54 step %scan3A_55 iter_args(%scan3A_107 = %scan3A_51) -> (i32)  : i32 {
      %mul3A_108 = arith.constant 2 : i32
      %mul3A_109 = arith.muli %mul3A_108, %scan3A_106 : i32
      %add3A_110 = arith.constant 1 : i32
      %add3A_111 = arith.addi %mul3A_109, %add3A_110 : i32
      %dma_start3A_112 = arith.constant 0 : i32
      %dma_start3A_113 = tpu.memref_slice %arg6[%add3A_111, %dma_start3A_112] : memref<200x128xi32, #tpu.memory_space<vmem>> -> memref<1x128xi32, #tpu.memory_space<vmem>>
      %dma_start3A_114 = tpu.memref_squeeze %dma_start3A_113 : memref<1x128xi32, #tpu.memory_space<vmem>> -> memref<128xi32, #tpu.memory_space<vmem>>
      %dma_start3A_115 = arith.constant 0 : i32
      %dma_start3A_116 = arith.constant 0 : i32
      %dma_start3A_117 = tpu.memref_slice %arg4[%dma_start3A_115, %dma_start3A_116] : memref<200000x16xf32, #tpu.memory_space<hbm>> -> memref<200000x16xf32, #tpu.memory_space<hbm>>
      tpu.enqueue_indirect_dma source(%dma_start3A_117 : memref<200000x16xf32, #tpu.memory_space<hbm>>) target(%arg9 : memref<128x16xf32, #tpu.memory_space<vmem>>) offsets(%dma_start3A_114 : memref<128xi32, #tpu.memory_space<vmem>>) semaphore(%arg12 : memref<!tpu.dma_semaphore, #tpu.memory_space<semaphore_mem>>)
      %dma_wait3A_118 = arith.constant 0 : i32
      %dma_wait3A_119 = tpu.memref_slice %arg6[%mul3A_109, %dma_wait3A_118] : memref<200x128xi32, #tpu.memory_space<vmem>> -> memref<1x128xi32, #tpu.memory_space<vmem>>
      %dma_wait3A_120 = tpu.memref_squeeze %dma_wait3A_119 : memref<1x128xi32, #tpu.memory_space<vmem>> -> memref<128xi32, #tpu.memory_space<vmem>>
      %dma_wait3A_121 = arith.constant 0 : i32
      %dma_wait3A_122 = arith.constant 0 : i32
      %dma_wait3A_123 = tpu.memref_slice %arg4[%dma_wait3A_121, %dma_wait3A_122] : memref<200000x16xf32, #tpu.memory_space<hbm>> -> memref<200000x16xf32, #tpu.memory_space<hbm>>
      tpu.wait_indirect_dma semaphore(%arg11 : memref<!tpu.dma_semaphore, #tpu.memory_space<semaphore_mem>>) src(%dma_wait3A_123 : memref<200000x16xf32, #tpu.memory_space<hbm>>) dst(%arg8 : memref<128x16xf32, #tpu.memory_space<vmem>>)
      "tpu.region"() ({
        %run_scoped3A = tpu.sem_alloc : memref<!tpu.dma_semaphore, #tpu.memory_space<semaphore_mem>>
        %dma_start3A_137 = arith.constant 0 : i32
        %dma_start3A_138 = tpu.memref_slice %arg7[%mul3A_109, %dma_start3A_137] : memref<200x128xi32, #tpu.memory_space<vmem>> -> memref<1x128xi32, #tpu.memory_space<vmem>>
        %dma_start3A_139 = tpu.memref_squeeze %dma_start3A_138 : memref<1x128xi32, #tpu.memory_space<vmem>> -> memref<128xi32, #tpu.memory_space<vmem>>
        %dma_start3A_140 = arith.constant 0 : i32
        %dma_start3A_141 = arith.constant 0 : i32
        %dma_start3A_142 = tpu.memref_slice %arg10[%dma_start3A_140, %dma_start3A_141] : memref<51200x16xf32, #tpu.memory_space<vmem_shared>> -> memref<51200x16xf32, #tpu.memory_space<vmem_shared>>
        tpu.enqueue_indirect_dma source(%arg8 : memref<128x16xf32, #tpu.memory_space<vmem>>) target(%dma_start3A_142 : memref<51200x16xf32, #tpu.memory_space<vmem_shared>>) offsets(%dma_start3A_139 : memref<128xi32, #tpu.memory_space<vmem>>) semaphore(%run_scoped3A : memref<!tpu.dma_semaphore, #tpu.memory_space<semaphore_mem>>) {add = true}
        %dma_wait3A_143 = arith.constant 0 : i32
        %dma_wait3A_144 = tpu.memref_slice %arg7[%mul3A_109, %dma_wait3A_143] : memref<200x128xi32, #tpu.memory_space<vmem>> -> memref<1x128xi32, #tpu.memory_space<vmem>>
        %dma_wait3A_145 = tpu.memref_squeeze %dma_wait3A_144 : memref<1x128xi32, #tpu.memory_space<vmem>> -> memref<128xi32, #tpu.memory_space<vmem>>
        %dma_wait3A_146 = arith.constant 0 : i32
        %dma_wait3A_147 = arith.constant 0 : i32
        %dma_wait3A_148 = tpu.memref_slice %arg10[%dma_wait3A_146, %dma_wait3A_147] : memref<51200x16xf32, #tpu.memory_space<vmem_shared>> -> memref<51200x16xf32, #tpu.memory_space<vmem_shared>>
        tpu.wait_indirect_dma semaphore(%run_scoped3A : memref<!tpu.dma_semaphore, #tpu.memory_space<semaphore_mem>>) src(%arg8 : memref<128x16xf32, #tpu.memory_space<vmem>>) dst(%dma_wait3A_148 : memref<51200x16xf32, #tpu.memory_space<vmem_shared>>)
        tpu.yield
      }) : () -> ()
      %lt3A = arith.constant 99 : i32
      %lt3A_124 = arith.cmpi slt, %scan3A_106, %lt3A : i32
      %convert_element_type3A = arith.extui %lt3A_124 : i1 to i32
      %cond3A = arith.constant 0 : i32
      %cond3A_125 = arith.cmpi ne, %convert_element_type3A, %cond3A : i32
      scf.if %cond3A_125 {
        %add3A_137 = arith.constant 2 : i32
        %add3A_138 = arith.addi %mul3A_109, %add3A_137 : i32
        %dma_start3A_139 = arith.constant 0 : i32
        %dma_start3A_140 = tpu.memref_slice %arg6[%add3A_138, %dma_start3A_139] : memref<200x128xi32, #tpu.memory_space<vmem>> -> memref<1x128xi32, #tpu.memory_space<vmem>>
        %dma_start3A_141 = tpu.memref_squeeze %dma_start3A_140 : memref<1x128xi32, #tpu.memory_space<vmem>> -> memref<128xi32, #tpu.memory_space<vmem>>
        %dma_start3A_142 = arith.constant 0 : i32
        %dma_start3A_143 = arith.constant 0 : i32
        %dma_start3A_144 = tpu.memref_slice %arg4[%dma_start3A_142, %dma_start3A_143] : memref<200000x16xf32, #tpu.memory_space<hbm>> -> memref<200000x16xf32, #tpu.memory_space<hbm>>
        tpu.enqueue_indirect_dma source(%dma_start3A_144 : memref<200000x16xf32, #tpu.memory_space<hbm>>) target(%arg8 : memref<128x16xf32, #tpu.memory_space<vmem>>) offsets(%dma_start3A_141 : memref<128xi32, #tpu.memory_space<vmem>>) semaphore(%arg11 : memref<!tpu.dma_semaphore, #tpu.memory_space<semaphore_mem>>)
      } else {
      }
      %add3A_126 = arith.constant 1 : i32
      %add3A_127 = arith.addi %mul3A_109, %add3A_126 : i32
      %dma_wait3A_128 = arith.constant 0 : i32
      %dma_wait3A_129 = tpu.memref_slice %arg6[%add3A_127, %dma_wait3A_128] : memref<200x128xi32, #tpu.memory_space<vmem>> -> memref<1x128xi32, #tpu.memory_space<vmem>>
      %dma_wait3A_130 = tpu.memref_squeeze %dma_wait3A_129 : memref<1x128xi32, #tpu.memory_space<vmem>> -> memref<128xi32, #tpu.memory_space<vmem>>
      %dma_wait3A_131 = arith.constant 0 : i32
      %dma_wait3A_132 = arith.constant 0 : i32
      %dma_wait3A_133 = tpu.memref_slice %arg4[%dma_wait3A_131, %dma_wait3A_132] : memref<200000x16xf32, #tpu.memory_space<hbm>> -> memref<200000x16xf32, #tpu.memory_space<hbm>>
      tpu.wait_indirect_dma semaphore(%arg12 : memref<!tpu.dma_semaphore, #tpu.memory_space<semaphore_mem>>) src(%dma_wait3A_133 : memref<200000x16xf32, #tpu.memory_space<hbm>>) dst(%arg9 : memref<128x16xf32, #tpu.memory_space<vmem>>)
      %add3A_134 = arith.constant 1 : i32
      %add3A_135 = arith.addi %mul3A_109, %add3A_134 : i32
      "tpu.region"() ({
        %run_scoped3A = tpu.sem_alloc : memref<!tpu.dma_semaphore, #tpu.memory_space<semaphore_mem>>
        %dma_start3A_137 = arith.constant 0 : i32
        %dma_start3A_138 = tpu.memref_slice %arg7[%add3A_135, %dma_start3A_137] : memref<200x128xi32, #tpu.memory_space<vmem>> -> memref<1x128xi32, #tpu.memory_space<vmem>>
        %dma_start3A_139 = tpu.memref_squeeze %dma_start3A_138 : memref<1x128xi32, #tpu.memory_space<vmem>> -> memref<128xi32, #tpu.memory_space<vmem>>
        %dma_start3A_140 = arith.constant 0 : i32
        %dma_start3A_141 = arith.constant 0 : i32
        %dma_start3A_142 = tpu.memref_slice %arg10[%dma_start3A_140, %dma_start3A_141] : memref<51200x16xf32, #tpu.memory_space<vmem_shared>> -> memref<51200x16xf32, #tpu.memory_space<vmem_shared>>
        tpu.enqueue_indirect_dma source(%arg9 : memref<128x16xf32, #tpu.memory_space<vmem>>) target(%dma_start3A_142 : memref<51200x16xf32, #tpu.memory_space<vmem_shared>>) offsets(%dma_start3A_139 : memref<128xi32, #tpu.memory_space<vmem>>) semaphore(%run_scoped3A : memref<!tpu.dma_semaphore, #tpu.memory_space<semaphore_mem>>) {add = true}
        %dma_wait3A_143 = arith.constant 0 : i32
        %dma_wait3A_144 = tpu.memref_slice %arg7[%add3A_135, %dma_wait3A_143] : memref<200x128xi32, #tpu.memory_space<vmem>> -> memref<1x128xi32, #tpu.memory_space<vmem>>
        %dma_wait3A_145 = tpu.memref_squeeze %dma_wait3A_144 : memref<1x128xi32, #tpu.memory_space<vmem>> -> memref<128xi32, #tpu.memory_space<vmem>>
        %dma_wait3A_146 = arith.constant 0 : i32
        %dma_wait3A_147 = arith.constant 0 : i32
        %dma_wait3A_148 = tpu.memref_slice %arg10[%dma_wait3A_146, %dma_wait3A_147] : memref<51200x16xf32, #tpu.memory_space<vmem_shared>> -> memref<51200x16xf32, #tpu.memory_space<vmem_shared>>
        tpu.wait_indirect_dma semaphore(%run_scoped3A : memref<!tpu.dma_semaphore, #tpu.memory_space<semaphore_mem>>) src(%arg9 : memref<128x16xf32, #tpu.memory_space<vmem>>) dst(%dma_wait3A_148 : memref<51200x16xf32, #tpu.memory_space<vmem_shared>>)
        tpu.yield
      }) : () -> ()
      %scan3A_136 = arith.constant 0 : i32
      scf.yield %scan3A_136 : i32
    }
    %scan3A_57 = arith.constant 100 : i32
    %barrier3A_58 = arith.constant 0 : index
    tpu.barrier barrier_id(%barrier3A_58)
    %mul3A_59 = arith.constant 3200 : i32
    %mul3A_60 = arith.muli %arg1, %mul3A_59 : i32
    %add3A_61 = arith.constant 0 : i32
    %add3A_62 = arith.addi %mul3A_60, %add3A_61 : i32
    "tpu.region"() ({
      %run_scoped3A = tpu.sem_alloc : memref<!tpu.dma_semaphore, #tpu.memory_space<semaphore_mem>>
      %dma_start3A_106 = arith.constant 0 : i32
      %dma_start3A_107 = tpu.memref_slice %arg10[%add3A_62, %dma_start3A_106] : memref<51200x16xf32, #tpu.memory_space<vmem_shared>> -> memref<128x16xf32, #tpu.memory_space<vmem_shared>>
      %dma_start3A_108 = arith.constant 0 : i32
      %dma_start3A_109 = tpu.memref_slice %arg10[%add3A_62, %dma_start3A_108] : memref<51200x16xf32, #tpu.memory_space<vmem_shared>> -> memref<128x16xf32, #tpu.memory_space<vmem_shared>>
      tpu.enqueue_dma source(%dma_start3A_109 : memref<128x16xf32, #tpu.memory_space<vmem_shared>>) target(%arg8 : memref<128x16xf32, #tpu.memory_space<vmem>>) target_semaphore(%run_scoped3A : memref<!tpu.dma_semaphore, #tpu.memory_space<semaphore_mem>>)
      %dma_wait3A_110 = arith.constant 0 : i32
      %dma_wait3A_111 = tpu.memref_slice %arg10[%add3A_62, %dma_wait3A_110] : memref<51200x16xf32, #tpu.memory_space<vmem_shared>> -> memref<128x16xf32, #tpu.memory_space<vmem_shared>>
      %dma_wait3A_112 = arith.constant 0 : i32
      %dma_wait3A_113 = tpu.memref_slice %arg10[%add3A_62, %dma_wait3A_112] : memref<51200x16xf32, #tpu.memory_space<vmem_shared>> -> memref<128x16xf32, #tpu.memory_space<vmem_shared>>
      tpu.wait_dma2 semaphore(%run_scoped3A : memref<!tpu.dma_semaphore, #tpu.memory_space<semaphore_mem>>) src(%dma_wait3A_113 : memref<128x16xf32, #tpu.memory_space<vmem_shared>>) dst(%arg8 : memref<128x16xf32, #tpu.memory_space<vmem>>)
      tpu.yield
    }) : () -> ()
    %mul3A_63 = arith.constant 51200 : i32
    %mul3A_64 = arith.muli %arg0, %mul3A_63 : i32
    %mul3A_65 = arith.constant 3200 : i32
    %mul3A_66 = arith.muli %arg1, %mul3A_65 : i32
    %add3A_67 = arith.addi %mul3A_64, %mul3A_66 : i32
    %add3A_68 = arith.constant 0 : i32
    %add3A_69 = arith.addi %add3A_67, %add3A_68 : i32
    %dma_start3A_70 = arith.constant 0 : i32
    %dma_start3A_71 = tpu.memref_slice %arg5[%add3A_69, %dma_start3A_70] : memref<102400x16xf32, #tpu.memory_space<hbm>> -> memref<128x16xf32, #tpu.memory_space<hbm>>
    %dma_start3A_72 = arith.constant 0 : i32
    %dma_start3A_73 = tpu.memref_slice %arg5[%add3A_69, %dma_start3A_72] : memref<102400x16xf32, #tpu.memory_space<hbm>> -> memref<128x16xf32, #tpu.memory_space<hbm>>
    tpu.enqueue_dma source(%arg8 : memref<128x16xf32, #tpu.memory_space<vmem>>) target(%dma_start3A_73 : memref<128x16xf32, #tpu.memory_space<hbm>>) target_semaphore(%arg11 : memref<!tpu.dma_semaphore, #tpu.memory_space<semaphore_mem>>)
    %scan3A_74 = arith.constant 0 : i32
    %scan3A_75 = arith.constant 0 : i32
    %scan3A_76 = arith.constant 12 : i32
    %scan3A_77 = arith.addi %scan3A_75, %scan3A_76 : i32
    %scan3A_78 = arith.constant 1 : i32
    %scan3A_79 = scf.for %scan3A_106 = %scan3A_75 to %scan3A_77 step %scan3A_78 iter_args(%scan3A_107 = %scan3A_74) -> (i32)  : i32 {
      %mul3A_108 = arith.constant 2 : i32
      %mul3A_109 = arith.muli %mul3A_108, %scan3A_106 : i32
      %add3A_110 = arith.constant 1 : i32
      %add3A_111 = arith.addi %mul3A_109, %add3A_110 : i32
      %mul3A_112 = arith.constant 3200 : i32
      %mul3A_113 = arith.muli %arg1, %mul3A_112 : i32
      %mul3A_114 = arith.constant 128 : i32
      %mul3A_115 = arith.muli %add3A_111, %mul3A_114 : i32
      %add3A_116 = arith.addi %mul3A_113, %mul3A_115 : i32
      "tpu.region"() ({
        %run_scoped3A = tpu.sem_alloc : memref<!tpu.dma_semaphore, #tpu.memory_space<semaphore_mem>>
        %dma_start3A_158 = arith.constant 0 : i32
        %dma_start3A_159 = tpu.memref_slice %arg10[%add3A_116, %dma_start3A_158] : memref<51200x16xf32, #tpu.memory_space<vmem_shared>> -> memref<128x16xf32, #tpu.memory_space<vmem_shared>>
        %dma_start3A_160 = arith.constant 0 : i32
        %dma_start3A_161 = tpu.memref_slice %arg10[%add3A_116, %dma_start3A_160] : memref<51200x16xf32, #tpu.memory_space<vmem_shared>> -> memref<128x16xf32, #tpu.memory_space<vmem_shared>>
        tpu.enqueue_dma source(%dma_start3A_161 : memref<128x16xf32, #tpu.memory_space<vmem_shared>>) target(%arg9 : memref<128x16xf32, #tpu.memory_space<vmem>>) target_semaphore(%run_scoped3A : memref<!tpu.dma_semaphore, #tpu.memory_space<semaphore_mem>>)
        %dma_wait3A_162 = arith.constant 0 : i32
        %dma_wait3A_163 = tpu.memref_slice %arg10[%add3A_116, %dma_wait3A_162] : memref<51200x16xf32, #tpu.memory_space<vmem_shared>> -> memref<128x16xf32, #tpu.memory_space<vmem_shared>>
        %dma_wait3A_164 = arith.constant 0 : i32
        %dma_wait3A_165 = tpu.memref_slice %arg10[%add3A_116, %dma_wait3A_164] : memref<51200x16xf32, #tpu.memory_space<vmem_shared>> -> memref<128x16xf32, #tpu.memory_space<vmem_shared>>
        tpu.wait_dma2 semaphore(%run_scoped3A : memref<!tpu.dma_semaphore, #tpu.memory_space<semaphore_mem>>) src(%dma_wait3A_165 : memref<128x16xf32, #tpu.memory_space<vmem_shared>>) dst(%arg9 : memref<128x16xf32, #tpu.memory_space<vmem>>)
        tpu.yield
      }) : () -> ()
      %mul3A_117 = arith.constant 51200 : i32
      %mul3A_118 = arith.muli %arg0, %mul3A_117 : i32
      %mul3A_119 = arith.constant 3200 : i32
      %mul3A_120 = arith.muli %arg1, %mul3A_119 : i32
      %add3A_121 = arith.addi %mul3A_118, %mul3A_120 : i32
      %mul3A_122 = arith.constant 128 : i32
      %mul3A_123 = arith.muli %add3A_111, %mul3A_122 : i32
      %add3A_124 = arith.addi %add3A_121, %mul3A_123 : i32
      %dma_start3A_125 = arith.constant 0 : i32
      %dma_start3A_126 = tpu.memref_slice %arg5[%add3A_124, %dma_start3A_125] : memref<102400x16xf32, #tpu.memory_space<hbm>> -> memref<128x16xf32, #tpu.memory_space<hbm>>
      %dma_start3A_127 = arith.constant 0 : i32
      %dma_start3A_128 = tpu.memref_slice %arg5[%add3A_124, %dma_start3A_127] : memref<102400x16xf32, #tpu.memory_space<hbm>> -> memref<128x16xf32, #tpu.memory_space<hbm>>
      tpu.enqueue_dma source(%arg9 : memref<128x16xf32, #tpu.memory_space<vmem>>) target(%dma_start3A_128 : memref<128x16xf32, #tpu.memory_space<hbm>>) target_semaphore(%arg12 : memref<!tpu.dma_semaphore, #tpu.memory_space<semaphore_mem>>)
      %mul3A_129 = arith.constant 51200 : i32
      %mul3A_130 = arith.muli %arg0, %mul3A_129 : i32
      %mul3A_131 = arith.constant 3200 : i32
      %mul3A_132 = arith.muli %arg1, %mul3A_131 : i32
      %add3A_133 = arith.addi %mul3A_130, %mul3A_132 : i32
      %mul3A_134 = arith.constant 128 : i32
      %mul3A_135 = arith.muli %mul3A_109, %mul3A_134 : i32
      %add3A_136 = arith.addi %add3A_133, %mul3A_135 : i32
      %dma_wait3A_137 = arith.constant 0 : i32
      %dma_wait3A_138 = tpu.memref_slice %arg5[%add3A_136, %dma_wait3A_137] : memref<102400x16xf32, #tpu.memory_space<hbm>> -> memref<128x16xf32, #tpu.memory_space<hbm>>
      %dma_wait3A_139 = arith.constant 0 : i32
      %dma_wait3A_140 = tpu.memref_slice %arg5[%add3A_136, %dma_wait3A_139] : memref<102400x16xf32, #tpu.memory_space<hbm>> -> memref<128x16xf32, #tpu.memory_space<hbm>>
      tpu.wait_dma2 semaphore(%arg11 : memref<!tpu.dma_semaphore, #tpu.memory_space<semaphore_mem>>) src(%arg8 : memref<128x16xf32, #tpu.memory_space<vmem>>) dst(%dma_wait3A_140 : memref<128x16xf32, #tpu.memory_space<hbm>>)
      %lt3A = arith.constant 11 : i32
      %lt3A_141 = arith.cmpi slt, %scan3A_106, %lt3A : i32
      %convert_element_type3A = arith.extui %lt3A_141 : i1 to i32
      %cond3A = arith.constant 0 : i32
      %cond3A_142 = arith.cmpi ne, %convert_element_type3A, %cond3A : i32
      scf.if %cond3A_142 {
        %add3A_158 = arith.constant 2 : i32
        %add3A_159 = arith.addi %mul3A_109, %add3A_158 : i32
        %mul3A_160 = arith.constant 3200 : i32
        %mul3A_161 = arith.muli %arg1, %mul3A_160 : i32
        %mul3A_162 = arith.constant 128 : i32
        %mul3A_163 = arith.muli %add3A_159, %mul3A_162 : i32
        %add3A_164 = arith.addi %mul3A_161, %mul3A_163 : i32
        "tpu.region"() ({
          %run_scoped3A = tpu.sem_alloc : memref<!tpu.dma_semaphore, #tpu.memory_space<semaphore_mem>>
          %dma_start3A_177 = arith.constant 0 : i32
          %dma_start3A_178 = tpu.memref_slice %arg10[%add3A_164, %dma_start3A_177] : memref<51200x16xf32, #tpu.memory_space<vmem_shared>> -> memref<128x16xf32, #tpu.memory_space<vmem_shared>>
          %dma_start3A_179 = arith.constant 0 : i32
          %dma_start3A_180 = tpu.memref_slice %arg10[%add3A_164, %dma_start3A_179] : memref<51200x16xf32, #tpu.memory_space<vmem_shared>> -> memref<128x16xf32, #tpu.memory_space<vmem_shared>>
          tpu.enqueue_dma source(%dma_start3A_180 : memref<128x16xf32, #tpu.memory_space<vmem_shared>>) target(%arg8 : memref<128x16xf32, #tpu.memory_space<vmem>>) target_semaphore(%run_scoped3A : memref<!tpu.dma_semaphore, #tpu.memory_space<semaphore_mem>>)
          %dma_wait3A_181 = arith.constant 0 : i32
          %dma_wait3A_182 = tpu.memref_slice %arg10[%add3A_164, %dma_wait3A_181] : memref<51200x16xf32, #tpu.memory_space<vmem_shared>> -> memref<128x16xf32, #tpu.memory_space<vmem_shared>>
          %dma_wait3A_183 = arith.constant 0 : i32
          %dma_wait3A_184 = tpu.memref_slice %arg10[%add3A_164, %dma_wait3A_183] : memref<51200x16xf32, #tpu.memory_space<vmem_shared>> -> memref<128x16xf32, #tpu.memory_space<vmem_shared>>
          tpu.wait_dma2 semaphore(%run_scoped3A : memref<!tpu.dma_semaphore, #tpu.memory_space<semaphore_mem>>) src(%dma_wait3A_184 : memref<128x16xf32, #tpu.memory_space<vmem_shared>>) dst(%arg8 : memref<128x16xf32, #tpu.memory_space<vmem>>)
          tpu.yield
        }) : () -> ()
        %mul3A_165 = arith.constant 51200 : i32
        %mul3A_166 = arith.muli %arg0, %mul3A_165 : i32
        %mul3A_167 = arith.constant 3200 : i32
        %mul3A_168 = arith.muli %arg1, %mul3A_167 : i32
        %add3A_169 = arith.addi %mul3A_166, %mul3A_168 : i32
        %mul3A_170 = arith.constant 128 : i32
        %mul3A_171 = arith.muli %add3A_159, %mul3A_170 : i32
        %add3A_172 = arith.addi %add3A_169, %mul3A_171 : i32
        %dma_start3A_173 = arith.constant 0 : i32
        %dma_start3A_174 = tpu.memref_slice %arg5[%add3A_172, %dma_start3A_173] : memref<102400x16xf32, #tpu.memory_space<hbm>> -> memref<128x16xf32, #tpu.memory_space<hbm>>
        %dma_start3A_175 = arith.constant 0 : i32
        %dma_start3A_176 = tpu.memref_slice %arg5[%add3A_172, %dma_start3A_175] : memref<102400x16xf32, #tpu.memory_space<hbm>> -> memref<128x16xf32, #tpu.memory_space<hbm>>
        tpu.enqueue_dma source(%arg8 : memref<128x16xf32, #tpu.memory_space<vmem>>) target(%dma_start3A_176 : memref<128x16xf32, #tpu.memory_space<hbm>>) target_semaphore(%arg11 : memref<!tpu.dma_semaphore, #tpu.memory_space<semaphore_mem>>)
      } else {
      }
      %add3A_143 = arith.constant 1 : i32
      %add3A_144 = arith.addi %mul3A_109, %add3A_143 : i32
      %mul3A_145 = arith.constant 51200 : i32
      %mul3A_146 = arith.muli %arg0, %mul3A_145 : i32
      %mul3A_147 = arith.constant 3200 : i32
      %mul3A_148 = arith.muli %arg1, %mul3A_147 : i32
      %add3A_149 = arith.addi %mul3A_146, %mul3A_148 : i32
      %mul3A_150 = arith.constant 128 : i32
      %mul3A_151 = arith.muli %add3A_144, %mul3A_150 : i32
      %add3A_152 = arith.addi %add3A_149, %mul3A_151 : i32
      %dma_wait3A_153 = arith.constant 0 : i32
      %dma_wait3A_154 = tpu.memref_slice %arg5[%add3A_152, %dma_wait3A_153] : memref<102400x16xf32, #tpu.memory_space<hbm>> -> memref<128x16xf32, #tpu.memory_space<hbm>>
      %dma_wait3A_155 = arith.constant 0 : i32
      %dma_wait3A_156 = tpu.memref_slice %arg5[%add3A_152, %dma_wait3A_155] : memref<102400x16xf32, #tpu.memory_space<hbm>> -> memref<128x16xf32, #tpu.memory_space<hbm>>
      tpu.wait_dma2 semaphore(%arg12 : memref<!tpu.dma_semaphore, #tpu.memory_space<semaphore_mem>>) src(%arg9 : memref<128x16xf32, #tpu.memory_space<vmem>>) dst(%dma_wait3A_156 : memref<128x16xf32, #tpu.memory_space<hbm>>)
      %scan3A_157 = arith.constant 0 : i32
      scf.yield %scan3A_157 : i32
    }
    %scan3A_80 = arith.constant 12 : i32
    %mul3A_81 = arith.constant 3200 : i32
    %mul3A_82 = arith.muli %arg1, %mul3A_81 : i32
    %add3A_83 = arith.constant 3072 : i32
    %add3A_84 = arith.addi %mul3A_82, %add3A_83 : i32
    "tpu.region"() ({
      %run_scoped3A = tpu.sem_alloc : memref<!tpu.dma_semaphore, #tpu.memory_space<semaphore_mem>>
      %dma_start3A_106 = arith.constant 0 : i32
      %dma_start3A_107 = tpu.memref_slice %arg10[%add3A_84, %dma_start3A_106] : memref<51200x16xf32, #tpu.memory_space<vmem_shared>> -> memref<128x16xf32, #tpu.memory_space<vmem_shared>>
      %dma_start3A_108 = arith.constant 0 : i32
      %dma_start3A_109 = tpu.memref_slice %arg10[%add3A_84, %dma_start3A_108] : memref<51200x16xf32, #tpu.memory_space<vmem_shared>> -> memref<128x16xf32, #tpu.memory_space<vmem_shared>>
      tpu.enqueue_dma source(%dma_start3A_109 : memref<128x16xf32, #tpu.memory_space<vmem_shared>>) target(%arg8 : memref<128x16xf32, #tpu.memory_space<vmem>>) target_semaphore(%run_scoped3A : memref<!tpu.dma_semaphore, #tpu.memory_space<semaphore_mem>>)
      %dma_wait3A_110 = arith.constant 0 : i32
      %dma_wait3A_111 = tpu.memref_slice %arg10[%add3A_84, %dma_wait3A_110] : memref<51200x16xf32, #tpu.memory_space<vmem_shared>> -> memref<128x16xf32, #tpu.memory_space<vmem_shared>>
      %dma_wait3A_112 = arith.constant 0 : i32
      %dma_wait3A_113 = tpu.memref_slice %arg10[%add3A_84, %dma_wait3A_112] : memref<51200x16xf32, #tpu.memory_space<vmem_shared>> -> memref<128x16xf32, #tpu.memory_space<vmem_shared>>
      tpu.wait_dma2 semaphore(%run_scoped3A : memref<!tpu.dma_semaphore, #tpu.memory_space<semaphore_mem>>) src(%dma_wait3A_113 : memref<128x16xf32, #tpu.memory_space<vmem_shared>>) dst(%arg8 : memref<128x16xf32, #tpu.memory_space<vmem>>)
      tpu.yield
    }) : () -> ()
    %mul3A_85 = arith.constant 51200 : i32
    %mul3A_86 = arith.muli %arg0, %mul3A_85 : i32
    %mul3A_87 = arith.constant 3200 : i32
    %mul3A_88 = arith.muli %arg1, %mul3A_87 : i32
    %add3A_89 = arith.addi %mul3A_86, %mul3A_88 : i32
    %add3A_90 = arith.constant 3072 : i32
    %add3A_91 = arith.addi %add3A_89, %add3A_90 : i32
    %dma_start3A_92 = arith.constant 0 : i32
    %dma_start3A_93 = tpu.memref_slice %arg5[%add3A_91, %dma_start3A_92] : memref<102400x16xf32, #tpu.memory_space<hbm>> -> memref<128x16xf32, #tpu.memory_space<hbm>>
    %dma_start3A_94 = arith.constant 0 : i32
    %dma_start3A_95 = tpu.memref_slice %arg5[%add3A_91, %dma_start3A_94] : memref<102400x16xf32, #tpu.memory_space<hbm>> -> memref<128x16xf32, #tpu.memory_space<hbm>>
    tpu.enqueue_dma source(%arg8 : memref<128x16xf32, #tpu.memory_space<vmem>>) target(%dma_start3A_95 : memref<128x16xf32, #tpu.memory_space<hbm>>) target_semaphore(%arg11 : memref<!tpu.dma_semaphore, #tpu.memory_space<semaphore_mem>>)
    %mul3A_96 = arith.constant 51200 : i32
    %mul3A_97 = arith.muli %arg0, %mul3A_96 : i32
    %mul3A_98 = arith.constant 3200 : i32
    %mul3A_99 = arith.muli %arg1, %mul3A_98 : i32
    %add3A_100 = arith.addi %mul3A_97, %mul3A_99 : i32
    %add3A_101 = arith.constant 3072 : i32
    %add3A_102 = arith.addi %add3A_100, %add3A_101 : i32
    %dma_wait3A = arith.constant 0 : i32
    %dma_wait3A_103 = tpu.memref_slice %arg5[%add3A_102, %dma_wait3A] : memref<102400x16xf32, #tpu.memory_space<hbm>> -> memref<128x16xf32, #tpu.memory_space<hbm>>
    %dma_wait3A_104 = arith.constant 0 : i32
    %dma_wait3A_105 = tpu.memref_slice %arg5[%add3A_102, %dma_wait3A_104] : memref<102400x16xf32, #tpu.memory_space<hbm>> -> memref<128x16xf32, #tpu.memory_space<hbm>>
    tpu.wait_dma2 semaphore(%arg11 : memref<!tpu.dma_semaphore, #tpu.memory_space<semaphore_mem>>) src(%arg8 : memref<128x16xf32, #tpu.memory_space<vmem>>) dst(%dma_wait3A_105 : memref<128x16xf32, #tpu.memory_space<hbm>>)
    return
  }
}

#map = affine_map<(d0, d1) -> (0, 0)>
module attributes {stable_mosaic.version = 14 : i64} {
  func.func @_seg_kernel(%arg0: i32, %arg1: i32, %arg2: memref<12800x128xi32, #tpu.memory_space<hbm>>, %arg3: memref<12800x128xi32, #tpu.memory_space<hbm>>, %arg4: memref<200000x16xf32, #tpu.memory_space<hbm>>, %arg5: memref<102400x16xf32, #tpu.memory_space<hbm>>, %arg6: memref<200x128xi32, #tpu.memory_space<vmem>>, %arg7: memref<200x128xi32, #tpu.memory_space<vmem>>, %arg8: memref<128x16xf32, #tpu.memory_space<vmem>>, %arg9: memref<128x16xf32, #tpu.memory_space<vmem>>, %arg10: memref<51200x16xf32, #tpu.memory_space<vmem_shared>>, %arg11: memref<!tpu.dma_semaphore, #tpu.memory_space<semaphore_mem>>, %arg12: memref<!tpu.dma_semaphore, #tpu.memory_space<semaphore_mem>>) attributes {dimension_semantics = [#tpu.dimension_semantics<core_parallel>, #tpu.dimension_semantics<subcore_parallel>], iteration_bounds = array<i64: 2, 16>, scalar_prefetch = 0 : i64, scratch_operands = 7 : i64, tpu.core_type = #tpu.core_type<sc_vector_subcore>, window_params = [{transform_indices = #map}, {transform_indices = #map}, {transform_indices = #map}, {transform_indices = #map}]} {
    %mul3A = arith.constant 16 : i32
    %mul3A_0 = arith.muli %arg0, %mul3A : i32
    %add3A = arith.addi %mul3A_0, %arg1 : i32
    %broadcast_in_dim3A = arith.constant 0.000000e+00 : f32
    %broadcast_in_dim3A_1 = vector.broadcast %broadcast_in_dim3A : f32 to vector<16xf32>
    %scan3A = arith.constant 0 : i32
    %scan3A_2 = arith.constant 0 : i32
    %scan3A_3 = arith.constant 128 : i32
    %scan3A_4 = arith.addi %scan3A_2, %scan3A_3 : i32
    %scan3A_5 = arith.constant 1 : i32
    %scan3A_6 = scf.for %scan3A_106 = %scan3A_2 to %scan3A_4 step %scan3A_5 iter_args(%scan3A_107 = %scan3A) -> (i32)  : i32 {
      %swap3A = arith.index_cast %scan3A_106 : i32 to index
      %swap3A_108 = arith.constant 0 : index
      %swap3A_109 = tpu.vector_load %arg8[%swap3A, %swap3A_108] {strides = array<i32>} : memref<128x16xf32, #tpu.memory_space<vmem>>, vector<1x16xf32>,
      %swap3A_110 = vector.shape_cast %swap3A_109 : vector<1x16xf32> to vector<16xf32>
      %swap3A_111 = vector.shape_cast %broadcast_in_dim3A_1 : vector<16xf32> to vector<1x16xf32>
      tpu.vector_store %arg8[%swap3A, %swap3A_108], %swap3A_111 {strides = array<i32>} : memref<128x16xf32, #tpu.memory_space<vmem>>, vector<1x16xf32>,
      %scan3A_112 = arith.constant 0 : i32
      scf.yield %scan3A_112 : i32
    }
    %scan3A_7 = arith.constant 128 : i32
    %scan3A_8 = arith.constant 0 : i32
    %scan3A_9 = arith.constant 0 : i32
    %scan3A_10 = arith.constant 25 : i32
    %scan3A_11 = arith.addi %scan3A_9, %scan3A_10 : i32
    %scan3A_12 = arith.constant 1 : i32
    %scan3A_13 = scf.for %scan3A_106 = %scan3A_9 to %scan3A_11 step %scan3A_12 iter_args(%scan3A_107 = %scan3A_8) -> (i32)  : i32 {
      %mul3A_108 = arith.constant 3200 : i32
      %mul3A_109 = arith.muli %arg1, %mul3A_108 : i32
      %mul3A_110 = arith.constant 128 : i32
      %mul3A_111 = arith.muli %scan3A_106, %mul3A_110 : i32
      %add3A_112 = arith.addi %mul3A_109, %mul3A_111 : i32
      "tpu.region"() ({
        %run_scoped3A = tpu.sem_alloc : memref<!tpu.dma_semaphore, #tpu.memory_space<semaphore_mem>>
        %dma_start3A_114 = arith.constant 0 : i32
        %dma_start3A_115 = tpu.memref_slice %arg10[%add3A_112, %dma_start3A_114] : memref<51200x16xf32, #tpu.memory_space<vmem_shared>> -> memref<128x16xf32, #tpu.memory_space<vmem_shared>>
        %dma_start3A_116 = arith.constant 0 : i32
        %dma_start3A_117 = tpu.memref_slice %arg10[%add3A_112, %dma_start3A_116] : memref<51200x16xf32, #tpu.memory_space<vmem_shared>> -> memref<128x16xf32, #tpu.memory_space<vmem_shared>>
        tpu.enqueue_dma source(%arg8 : memref<128x16xf32, #tpu.memory_space<vmem>>) target(%dma_start3A_117 : memref<128x16xf32, #tpu.memory_space<vmem_shared>>) target_semaphore(%run_scoped3A : memref<!tpu.dma_semaphore, #tpu.memory_space<semaphore_mem>>)
        %dma_wait3A_118 = arith.constant 0 : i32
        %dma_wait3A_119 = tpu.memref_slice %arg10[%add3A_112, %dma_wait3A_118] : memref<51200x16xf32, #tpu.memory_space<vmem_shared>> -> memref<128x16xf32, #tpu.memory_space<vmem_shared>>
        %dma_wait3A_120 = arith.constant 0 : i32
        %dma_wait3A_121 = tpu.memref_slice %arg10[%add3A_112, %dma_wait3A_120] : memref<51200x16xf32, #tpu.memory_space<vmem_shared>> -> memref<128x16xf32, #tpu.memory_space<vmem_shared>>
        tpu.wait_dma2 semaphore(%run_scoped3A : memref<!tpu.dma_semaphore, #tpu.memory_space<semaphore_mem>>) src(%arg8 : memref<128x16xf32, #tpu.memory_space<vmem>>) dst(%dma_wait3A_121 : memref<128x16xf32, #tpu.memory_space<vmem_shared>>)
        tpu.yield
      }) : () -> ()
      %scan3A_113 = arith.constant 0 : i32
      scf.yield %scan3A_113 : i32
    }
    %scan3A_14 = arith.constant 25 : i32
    %barrier3A = arith.constant 0 : index
    tpu.barrier barrier_id(%barrier3A)
    %mul3A_15 = arith.constant 400 : i32
    %mul3A_16 = arith.muli %add3A, %mul3A_15 : i32
    %add3A_17 = arith.constant 0 : i32
    %add3A_18 = arith.addi %mul3A_16, %add3A_17 : i32
    "tpu.region"() ({
      %run_scoped3A = tpu.sem_alloc : memref<!tpu.dma_semaphore, #tpu.memory_space<semaphore_mem>>
      %dma_start3A_106 = arith.constant 0 : i32
      %dma_start3A_107 = tpu.memref_slice %arg2[%add3A_18, %dma_start3A_106] : memref<12800x128xi32, #tpu.memory_space<hbm>> -> memref<200x128xi32, #tpu.memory_space<hbm>>
      %dma_start3A_108 = arith.constant 0 : i32
      %dma_start3A_109 = tpu.memref_slice %arg2[%add3A_18, %dma_start3A_108] : memref<12800x128xi32, #tpu.memory_space<hbm>> -> memref<200x128xi32, #tpu.memory_space<hbm>>
      tpu.enqueue_dma source(%dma_start3A_109 : memref<200x128xi32, #tpu.memory_space<hbm>>) target(%arg6 : memref<200x128xi32, #tpu.memory_space<vmem>>) target_semaphore(%run_scoped3A : memref<!tpu.dma_semaphore, #tpu.memory_space<semaphore_mem>>)
      %dma_wait3A_110 = arith.constant 0 : i32
      %dma_wait3A_111 = tpu.memref_slice %arg2[%add3A_18, %dma_wait3A_110] : memref<12800x128xi32, #tpu.memory_space<hbm>> -> memref<200x128xi32, #tpu.memory_space<hbm>>
      %dma_wait3A_112 = arith.constant 0 : i32
      %dma_wait3A_113 = tpu.memref_slice %arg2[%add3A_18, %dma_wait3A_112] : memref<12800x128xi32, #tpu.memory_space<hbm>> -> memref<200x128xi32, #tpu.memory_space<hbm>>
      tpu.wait_dma2 semaphore(%run_scoped3A : memref<!tpu.dma_semaphore, #tpu.memory_space<semaphore_mem>>) src(%dma_wait3A_113 : memref<200x128xi32, #tpu.memory_space<hbm>>) dst(%arg6 : memref<200x128xi32, #tpu.memory_space<vmem>>)
      tpu.yield
    }) : () -> ()
    %mul3A_19 = arith.constant 400 : i32
    %mul3A_20 = arith.muli %add3A, %mul3A_19 : i32
    %add3A_21 = arith.constant 0 : i32
    %add3A_22 = arith.addi %mul3A_20, %add3A_21 : i32
    "tpu.region"() ({
      %run_scoped3A = tpu.sem_alloc : memref<!tpu.dma_semaphore, #tpu.memory_space<semaphore_mem>>
      %dma_start3A_106 = arith.constant 0 : i32
      %dma_start3A_107 = tpu.memref_slice %arg3[%add3A_22, %dma_start3A_106] : memref<12800x128xi32, #tpu.memory_space<hbm>> -> memref<200x128xi32, #tpu.memory_space<hbm>>
      %dma_start3A_108 = arith.constant 0 : i32
      %dma_start3A_109 = tpu.memref_slice %arg3[%add3A_22, %dma_start3A_108] : memref<12800x128xi32, #tpu.memory_space<hbm>> -> memref<200x128xi32, #tpu.memory_space<hbm>>
      tpu.enqueue_dma source(%dma_start3A_109 : memref<200x128xi32, #tpu.memory_space<hbm>>) target(%arg7 : memref<200x128xi32, #tpu.memory_space<vmem>>) target_semaphore(%run_scoped3A : memref<!tpu.dma_semaphore, #tpu.memory_space<semaphore_mem>>)
      %dma_wait3A_110 = arith.constant 0 : i32
      %dma_wait3A_111 = tpu.memref_slice %arg3[%add3A_22, %dma_wait3A_110] : memref<12800x128xi32, #tpu.memory_space<hbm>> -> memref<200x128xi32, #tpu.memory_space<hbm>>
      %dma_wait3A_112 = arith.constant 0 : i32
      %dma_wait3A_113 = tpu.memref_slice %arg3[%add3A_22, %dma_wait3A_112] : memref<12800x128xi32, #tpu.memory_space<hbm>> -> memref<200x128xi32, #tpu.memory_space<hbm>>
      tpu.wait_dma2 semaphore(%run_scoped3A : memref<!tpu.dma_semaphore, #tpu.memory_space<semaphore_mem>>) src(%dma_wait3A_113 : memref<200x128xi32, #tpu.memory_space<hbm>>) dst(%arg7 : memref<200x128xi32, #tpu.memory_space<vmem>>)
      tpu.yield
    }) : () -> ()
    %dma_start3A = arith.constant 0 : i32
    %dma_start3A_23 = arith.constant 0 : i32
    %dma_start3A_24 = tpu.memref_slice %arg6[%dma_start3A, %dma_start3A_23] : memref<200x128xi32, #tpu.memory_space<vmem>> -> memref<1x128xi32, #tpu.memory_space<vmem>>
    %dma_start3A_25 = tpu.memref_squeeze %dma_start3A_24 : memref<1x128xi32, #tpu.memory_space<vmem>> -> memref<128xi32, #tpu.memory_space<vmem>>
    %dma_start3A_26 = arith.constant 0 : i32
    %dma_start3A_27 = arith.constant 0 : i32
    %dma_start3A_28 = tpu.memref_slice %arg4[%dma_start3A_26, %dma_start3A_27] : memref<200000x16xf32, #tpu.memory_space<hbm>> -> memref<200000x16xf32, #tpu.memory_space<hbm>>
    tpu.enqueue_indirect_dma source(%dma_start3A_28 : memref<200000x16xf32, #tpu.memory_space<hbm>>) target(%arg8 : memref<128x16xf32, #tpu.memory_space<vmem>>) offsets(%dma_start3A_25 : memref<128xi32, #tpu.memory_space<vmem>>) semaphore(%arg11 : memref<!tpu.dma_semaphore, #tpu.memory_space<semaphore_mem>>)
    %scan3A_29 = arith.constant 0 : i32
    %scan3A_30 = arith.constant 0 : i32
    %scan3A_31 = arith.constant 100 : i32
    %scan3A_32 = arith.addi %scan3A_30, %scan3A_31 : i32
    %scan3A_33 = arith.constant 1 : i32
    %scan3A_34 = scf.for %scan3A_106 = %scan3A_30 to %scan3A_32 step %scan3A_33 iter_args(%scan3A_107 = %scan3A_29) -> (i32)  : i32 {
      %mul3A_108 = arith.constant 2 : i32
      %mul3A_109 = arith.muli %mul3A_108, %scan3A_106 : i32
      %add3A_110 = arith.constant 1 : i32
      %add3A_111 = arith.addi %mul3A_109, %add3A_110 : i32
      %dma_start3A_112 = arith.constant 0 : i32
      %dma_start3A_113 = tpu.memref_slice %arg6[%add3A_111, %dma_start3A_112] : memref<200x128xi32, #tpu.memory_space<vmem>> -> memref<1x128xi32, #tpu.memory_space<vmem>>
      %dma_start3A_114 = tpu.memref_squeeze %dma_start3A_113 : memref<1x128xi32, #tpu.memory_space<vmem>> -> memref<128xi32, #tpu.memory_space<vmem>>
      %dma_start3A_115 = arith.constant 0 : i32
      %dma_start3A_116 = arith.constant 0 : i32
      %dma_start3A_117 = tpu.memref_slice %arg4[%dma_start3A_115, %dma_start3A_116] : memref<200000x16xf32, #tpu.memory_space<hbm>> -> memref<200000x16xf32, #tpu.memory_space<hbm>>
      tpu.enqueue_indirect_dma source(%dma_start3A_117 : memref<200000x16xf32, #tpu.memory_space<hbm>>) target(%arg9 : memref<128x16xf32, #tpu.memory_space<vmem>>) offsets(%dma_start3A_114 : memref<128xi32, #tpu.memory_space<vmem>>) semaphore(%arg12 : memref<!tpu.dma_semaphore, #tpu.memory_space<semaphore_mem>>)
      %dma_wait3A_118 = arith.constant 0 : i32
      %dma_wait3A_119 = tpu.memref_slice %arg6[%mul3A_109, %dma_wait3A_118] : memref<200x128xi32, #tpu.memory_space<vmem>> -> memref<1x128xi32, #tpu.memory_space<vmem>>
      %dma_wait3A_120 = tpu.memref_squeeze %dma_wait3A_119 : memref<1x128xi32, #tpu.memory_space<vmem>> -> memref<128xi32, #tpu.memory_space<vmem>>
      %dma_wait3A_121 = arith.constant 0 : i32
      %dma_wait3A_122 = arith.constant 0 : i32
      %dma_wait3A_123 = tpu.memref_slice %arg4[%dma_wait3A_121, %dma_wait3A_122] : memref<200000x16xf32, #tpu.memory_space<hbm>> -> memref<200000x16xf32, #tpu.memory_space<hbm>>
      tpu.wait_indirect_dma semaphore(%arg11 : memref<!tpu.dma_semaphore, #tpu.memory_space<semaphore_mem>>) src(%dma_wait3A_123 : memref<200000x16xf32, #tpu.memory_space<hbm>>) dst(%arg8 : memref<128x16xf32, #tpu.memory_space<vmem>>)
      "tpu.region"() ({
        %run_scoped3A = tpu.sem_alloc : memref<!tpu.dma_semaphore, #tpu.memory_space<semaphore_mem>>
        %dma_start3A_137 = arith.constant 0 : i32
        %dma_start3A_138 = tpu.memref_slice %arg7[%mul3A_109, %dma_start3A_137] : memref<200x128xi32, #tpu.memory_space<vmem>> -> memref<1x128xi32, #tpu.memory_space<vmem>>
        %dma_start3A_139 = tpu.memref_squeeze %dma_start3A_138 : memref<1x128xi32, #tpu.memory_space<vmem>> -> memref<128xi32, #tpu.memory_space<vmem>>
        %dma_start3A_140 = arith.constant 0 : i32
        %dma_start3A_141 = arith.constant 0 : i32
        %dma_start3A_142 = tpu.memref_slice %arg10[%dma_start3A_140, %dma_start3A_141] : memref<51200x16xf32, #tpu.memory_space<vmem_shared>> -> memref<51200x16xf32, #tpu.memory_space<vmem_shared>>
        tpu.enqueue_indirect_dma source(%arg8 : memref<128x16xf32, #tpu.memory_space<vmem>>) target(%dma_start3A_142 : memref<51200x16xf32, #tpu.memory_space<vmem_shared>>) offsets(%dma_start3A_139 : memref<128xi32, #tpu.memory_space<vmem>>) semaphore(%run_scoped3A : memref<!tpu.dma_semaphore, #tpu.memory_space<semaphore_mem>>) {add = true}
        %dma_wait3A_143 = arith.constant 0 : i32
        %dma_wait3A_144 = tpu.memref_slice %arg7[%mul3A_109, %dma_wait3A_143] : memref<200x128xi32, #tpu.memory_space<vmem>> -> memref<1x128xi32, #tpu.memory_space<vmem>>
        %dma_wait3A_145 = tpu.memref_squeeze %dma_wait3A_144 : memref<1x128xi32, #tpu.memory_space<vmem>> -> memref<128xi32, #tpu.memory_space<vmem>>
        %dma_wait3A_146 = arith.constant 0 : i32
        %dma_wait3A_147 = arith.constant 0 : i32
        %dma_wait3A_148 = tpu.memref_slice %arg10[%dma_wait3A_146, %dma_wait3A_147] : memref<51200x16xf32, #tpu.memory_space<vmem_shared>> -> memref<51200x16xf32, #tpu.memory_space<vmem_shared>>
        tpu.wait_indirect_dma semaphore(%run_scoped3A : memref<!tpu.dma_semaphore, #tpu.memory_space<semaphore_mem>>) src(%arg8 : memref<128x16xf32, #tpu.memory_space<vmem>>) dst(%dma_wait3A_148 : memref<51200x16xf32, #tpu.memory_space<vmem_shared>>)
        tpu.yield
      }) : () -> ()
      %lt3A = arith.constant 99 : i32
      %lt3A_124 = arith.cmpi slt, %scan3A_106, %lt3A : i32
      %convert_element_type3A = arith.extui %lt3A_124 : i1 to i32
      %cond3A = arith.constant 0 : i32
      %cond3A_125 = arith.cmpi ne, %convert_element_type3A, %cond3A : i32
      scf.if %cond3A_125 {
        %add3A_137 = arith.constant 2 : i32
        %add3A_138 = arith.addi %mul3A_109, %add3A_137 : i32
        %dma_start3A_139 = arith.constant 0 : i32
        %dma_start3A_140 = tpu.memref_slice %arg6[%add3A_138, %dma_start3A_139] : memref<200x128xi32, #tpu.memory_space<vmem>> -> memref<1x128xi32, #tpu.memory_space<vmem>>
        %dma_start3A_141 = tpu.memref_squeeze %dma_start3A_140 : memref<1x128xi32, #tpu.memory_space<vmem>> -> memref<128xi32, #tpu.memory_space<vmem>>
        %dma_start3A_142 = arith.constant 0 : i32
        %dma_start3A_143 = arith.constant 0 : i32
        %dma_start3A_144 = tpu.memref_slice %arg4[%dma_start3A_142, %dma_start3A_143] : memref<200000x16xf32, #tpu.memory_space<hbm>> -> memref<200000x16xf32, #tpu.memory_space<hbm>>
        tpu.enqueue_indirect_dma source(%dma_start3A_144 : memref<200000x16xf32, #tpu.memory_space<hbm>>) target(%arg8 : memref<128x16xf32, #tpu.memory_space<vmem>>) offsets(%dma_start3A_141 : memref<128xi32, #tpu.memory_space<vmem>>) semaphore(%arg11 : memref<!tpu.dma_semaphore, #tpu.memory_space<semaphore_mem>>)
      } else {
      }
      %add3A_126 = arith.constant 1 : i32
      %add3A_127 = arith.addi %mul3A_109, %add3A_126 : i32
      %dma_wait3A_128 = arith.constant 0 : i32
      %dma_wait3A_129 = tpu.memref_slice %arg6[%add3A_127, %dma_wait3A_128] : memref<200x128xi32, #tpu.memory_space<vmem>> -> memref<1x128xi32, #tpu.memory_space<vmem>>
      %dma_wait3A_130 = tpu.memref_squeeze %dma_wait3A_129 : memref<1x128xi32, #tpu.memory_space<vmem>> -> memref<128xi32, #tpu.memory_space<vmem>>
      %dma_wait3A_131 = arith.constant 0 : i32
      %dma_wait3A_132 = arith.constant 0 : i32
      %dma_wait3A_133 = tpu.memref_slice %arg4[%dma_wait3A_131, %dma_wait3A_132] : memref<200000x16xf32, #tpu.memory_space<hbm>> -> memref<200000x16xf32, #tpu.memory_space<hbm>>
      tpu.wait_indirect_dma semaphore(%arg12 : memref<!tpu.dma_semaphore, #tpu.memory_space<semaphore_mem>>) src(%dma_wait3A_133 : memref<200000x16xf32, #tpu.memory_space<hbm>>) dst(%arg9 : memref<128x16xf32, #tpu.memory_space<vmem>>)
      %add3A_134 = arith.constant 1 : i32
      %add3A_135 = arith.addi %mul3A_109, %add3A_134 : i32
      "tpu.region"() ({
        %run_scoped3A = tpu.sem_alloc : memref<!tpu.dma_semaphore, #tpu.memory_space<semaphore_mem>>
        %dma_start3A_137 = arith.constant 0 : i32
        %dma_start3A_138 = tpu.memref_slice %arg7[%add3A_135, %dma_start3A_137] : memref<200x128xi32, #tpu.memory_space<vmem>> -> memref<1x128xi32, #tpu.memory_space<vmem>>
        %dma_start3A_139 = tpu.memref_squeeze %dma_start3A_138 : memref<1x128xi32, #tpu.memory_space<vmem>> -> memref<128xi32, #tpu.memory_space<vmem>>
        %dma_start3A_140 = arith.constant 0 : i32
        %dma_start3A_141 = arith.constant 0 : i32
        %dma_start3A_142 = tpu.memref_slice %arg10[%dma_start3A_140, %dma_start3A_141] : memref<51200x16xf32, #tpu.memory_space<vmem_shared>> -> memref<51200x16xf32, #tpu.memory_space<vmem_shared>>
        tpu.enqueue_indirect_dma source(%arg9 : memref<128x16xf32, #tpu.memory_space<vmem>>) target(%dma_start3A_142 : memref<51200x16xf32, #tpu.memory_space<vmem_shared>>) offsets(%dma_start3A_139 : memref<128xi32, #tpu.memory_space<vmem>>) semaphore(%run_scoped3A : memref<!tpu.dma_semaphore, #tpu.memory_space<semaphore_mem>>) {add = true}
        %dma_wait3A_143 = arith.constant 0 : i32
        %dma_wait3A_144 = tpu.memref_slice %arg7[%add3A_135, %dma_wait3A_143] : memref<200x128xi32, #tpu.memory_space<vmem>> -> memref<1x128xi32, #tpu.memory_space<vmem>>
        %dma_wait3A_145 = tpu.memref_squeeze %dma_wait3A_144 : memref<1x128xi32, #tpu.memory_space<vmem>> -> memref<128xi32, #tpu.memory_space<vmem>>
        %dma_wait3A_146 = arith.constant 0 : i32
        %dma_wait3A_147 = arith.constant 0 : i32
        %dma_wait3A_148 = tpu.memref_slice %arg10[%dma_wait3A_146, %dma_wait3A_147] : memref<51200x16xf32, #tpu.memory_space<vmem_shared>> -> memref<51200x16xf32, #tpu.memory_space<vmem_shared>>
        tpu.wait_indirect_dma semaphore(%run_scoped3A : memref<!tpu.dma_semaphore, #tpu.memory_space<semaphore_mem>>) src(%arg9 : memref<128x16xf32, #tpu.memory_space<vmem>>) dst(%dma_wait3A_148 : memref<51200x16xf32, #tpu.memory_space<vmem_shared>>)
        tpu.yield
      }) : () -> ()
      %scan3A_136 = arith.constant 0 : i32
      scf.yield %scan3A_136 : i32
    }
    %scan3A_35 = arith.constant 100 : i32
    %mul3A_36 = arith.constant 400 : i32
    %mul3A_37 = arith.muli %add3A, %mul3A_36 : i32
    %add3A_38 = arith.constant 200 : i32
    %add3A_39 = arith.addi %mul3A_37, %add3A_38 : i32
    "tpu.region"() ({
      %run_scoped3A = tpu.sem_alloc : memref<!tpu.dma_semaphore, #tpu.memory_space<semaphore_mem>>
      %dma_start3A_106 = arith.constant 0 : i32
      %dma_start3A_107 = tpu.memref_slice %arg2[%add3A_39, %dma_start3A_106] : memref<12800x128xi32, #tpu.memory_space<hbm>> -> memref<200x128xi32, #tpu.memory_space<hbm>>
      %dma_start3A_108 = arith.constant 0 : i32
      %dma_start3A_109 = tpu.memref_slice %arg2[%add3A_39, %dma_start3A_108] : memref<12800x128xi32, #tpu.memory_space<hbm>> -> memref<200x128xi32, #tpu.memory_space<hbm>>
      tpu.enqueue_dma source(%dma_start3A_109 : memref<200x128xi32, #tpu.memory_space<hbm>>) target(%arg6 : memref<200x128xi32, #tpu.memory_space<vmem>>) target_semaphore(%run_scoped3A : memref<!tpu.dma_semaphore, #tpu.memory_space<semaphore_mem>>)
      %dma_wait3A_110 = arith.constant 0 : i32
      %dma_wait3A_111 = tpu.memref_slice %arg2[%add3A_39, %dma_wait3A_110] : memref<12800x128xi32, #tpu.memory_space<hbm>> -> memref<200x128xi32, #tpu.memory_space<hbm>>
      %dma_wait3A_112 = arith.constant 0 : i32
      %dma_wait3A_113 = tpu.memref_slice %arg2[%add3A_39, %dma_wait3A_112] : memref<12800x128xi32, #tpu.memory_space<hbm>> -> memref<200x128xi32, #tpu.memory_space<hbm>>
      tpu.wait_dma2 semaphore(%run_scoped3A : memref<!tpu.dma_semaphore, #tpu.memory_space<semaphore_mem>>) src(%dma_wait3A_113 : memref<200x128xi32, #tpu.memory_space<hbm>>) dst(%arg6 : memref<200x128xi32, #tpu.memory_space<vmem>>)
      tpu.yield
    }) : () -> ()
    %mul3A_40 = arith.constant 400 : i32
    %mul3A_41 = arith.muli %add3A, %mul3A_40 : i32
    %add3A_42 = arith.constant 200 : i32
    %add3A_43 = arith.addi %mul3A_41, %add3A_42 : i32
    "tpu.region"() ({
      %run_scoped3A = tpu.sem_alloc : memref<!tpu.dma_semaphore, #tpu.memory_space<semaphore_mem>>
      %dma_start3A_106 = arith.constant 0 : i32
      %dma_start3A_107 = tpu.memref_slice %arg3[%add3A_43, %dma_start3A_106] : memref<12800x128xi32, #tpu.memory_space<hbm>> -> memref<200x128xi32, #tpu.memory_space<hbm>>
      %dma_start3A_108 = arith.constant 0 : i32
      %dma_start3A_109 = tpu.memref_slice %arg3[%add3A_43, %dma_start3A_108] : memref<12800x128xi32, #tpu.memory_space<hbm>> -> memref<200x128xi32, #tpu.memory_space<hbm>>
      tpu.enqueue_dma source(%dma_start3A_109 : memref<200x128xi32, #tpu.memory_space<hbm>>) target(%arg7 : memref<200x128xi32, #tpu.memory_space<vmem>>) target_semaphore(%run_scoped3A : memref<!tpu.dma_semaphore, #tpu.memory_space<semaphore_mem>>)
      %dma_wait3A_110 = arith.constant 0 : i32
      %dma_wait3A_111 = tpu.memref_slice %arg3[%add3A_43, %dma_wait3A_110] : memref<12800x128xi32, #tpu.memory_space<hbm>> -> memref<200x128xi32, #tpu.memory_space<hbm>>
      %dma_wait3A_112 = arith.constant 0 : i32
      %dma_wait3A_113 = tpu.memref_slice %arg3[%add3A_43, %dma_wait3A_112] : memref<12800x128xi32, #tpu.memory_space<hbm>> -> memref<200x128xi32, #tpu.memory_space<hbm>>
      tpu.wait_dma2 semaphore(%run_scoped3A : memref<!tpu.dma_semaphore, #tpu.memory_space<semaphore_mem>>) src(%dma_wait3A_113 : memref<200x128xi32, #tpu.memory_space<hbm>>) dst(%arg7 : memref<200x128xi32, #tpu.memory_space<vmem>>)
      tpu.yield
    }) : () -> ()
    %dma_start3A_44 = arith.constant 0 : i32
    %dma_start3A_45 = arith.constant 0 : i32
    %dma_start3A_46 = tpu.memref_slice %arg6[%dma_start3A_44, %dma_start3A_45] : memref<200x128xi32, #tpu.memory_space<vmem>> -> memref<1x128xi32, #tpu.memory_space<vmem>>
    %dma_start3A_47 = tpu.memref_squeeze %dma_start3A_46 : memref<1x128xi32, #tpu.memory_space<vmem>> -> memref<128xi32, #tpu.memory_space<vmem>>
    %dma_start3A_48 = arith.constant 0 : i32
    %dma_start3A_49 = arith.constant 0 : i32
    %dma_start3A_50 = tpu.memref_slice %arg4[%dma_start3A_48, %dma_start3A_49] : memref<200000x16xf32, #tpu.memory_space<hbm>> -> memref<200000x16xf32, #tpu.memory_space<hbm>>
    tpu.enqueue_indirect_dma source(%dma_start3A_50 : memref<200000x16xf32, #tpu.memory_space<hbm>>) target(%arg8 : memref<128x16xf32, #tpu.memory_space<vmem>>) offsets(%dma_start3A_47 : memref<128xi32, #tpu.memory_space<vmem>>) semaphore(%arg11 : memref<!tpu.dma_semaphore, #tpu.memory_space<semaphore_mem>>)
    %scan3A_51 = arith.constant 0 : i32
    %scan3A_52 = arith.constant 0 : i32
    %scan3A_53 = arith.constant 100 : i32
    %scan3A_54 = arith.addi %scan3A_52, %scan3A_53 : i32
    %scan3A_55 = arith.constant 1 : i32
    %scan3A_56 = scf.for %scan3A_106 = %scan3A_52 to %scan3A_54 step %scan3A_55 iter_args(%scan3A_107 = %scan3A_51) -> (i32)  : i32 {
      %mul3A_108 = arith.constant 2 : i32
      %mul3A_109 = arith.muli %mul3A_108, %scan3A_106 : i32
      %add3A_110 = arith.constant 1 : i32
      %add3A_111 = arith.addi %mul3A_109, %add3A_110 : i32
      %dma_start3A_112 = arith.constant 0 : i32
      %dma_start3A_113 = tpu.memref_slice %arg6[%add3A_111, %dma_start3A_112] : memref<200x128xi32, #tpu.memory_space<vmem>> -> memref<1x128xi32, #tpu.memory_space<vmem>>
      %dma_start3A_114 = tpu.memref_squeeze %dma_start3A_113 : memref<1x128xi32, #tpu.memory_space<vmem>> -> memref<128xi32, #tpu.memory_space<vmem>>
      %dma_start3A_115 = arith.constant 0 : i32
      %dma_start3A_116 = arith.constant 0 : i32
      %dma_start3A_117 = tpu.memref_slice %arg4[%dma_start3A_115, %dma_start3A_116] : memref<200000x16xf32, #tpu.memory_space<hbm>> -> memref<200000x16xf32, #tpu.memory_space<hbm>>
      tpu.enqueue_indirect_dma source(%dma_start3A_117 : memref<200000x16xf32, #tpu.memory_space<hbm>>) target(%arg9 : memref<128x16xf32, #tpu.memory_space<vmem>>) offsets(%dma_start3A_114 : memref<128xi32, #tpu.memory_space<vmem>>) semaphore(%arg12 : memref<!tpu.dma_semaphore, #tpu.memory_space<semaphore_mem>>)
      %dma_wait3A_118 = arith.constant 0 : i32
      %dma_wait3A_119 = tpu.memref_slice %arg6[%mul3A_109, %dma_wait3A_118] : memref<200x128xi32, #tpu.memory_space<vmem>> -> memref<1x128xi32, #tpu.memory_space<vmem>>
      %dma_wait3A_120 = tpu.memref_squeeze %dma_wait3A_119 : memref<1x128xi32, #tpu.memory_space<vmem>> -> memref<128xi32, #tpu.memory_space<vmem>>
      %dma_wait3A_121 = arith.constant 0 : i32
      %dma_wait3A_122 = arith.constant 0 : i32
      %dma_wait3A_123 = tpu.memref_slice %arg4[%dma_wait3A_121, %dma_wait3A_122] : memref<200000x16xf32, #tpu.memory_space<hbm>> -> memref<200000x16xf32, #tpu.memory_space<hbm>>
      tpu.wait_indirect_dma semaphore(%arg11 : memref<!tpu.dma_semaphore, #tpu.memory_space<semaphore_mem>>) src(%dma_wait3A_123 : memref<200000x16xf32, #tpu.memory_space<hbm>>) dst(%arg8 : memref<128x16xf32, #tpu.memory_space<vmem>>)
      "tpu.region"() ({
        %run_scoped3A = tpu.sem_alloc : memref<!tpu.dma_semaphore, #tpu.memory_space<semaphore_mem>>
        %dma_start3A_137 = arith.constant 0 : i32
        %dma_start3A_138 = tpu.memref_slice %arg7[%mul3A_109, %dma_start3A_137] : memref<200x128xi32, #tpu.memory_space<vmem>> -> memref<1x128xi32, #tpu.memory_space<vmem>>
        %dma_start3A_139 = tpu.memref_squeeze %dma_start3A_138 : memref<1x128xi32, #tpu.memory_space<vmem>> -> memref<128xi32, #tpu.memory_space<vmem>>
        %dma_start3A_140 = arith.constant 0 : i32
        %dma_start3A_141 = arith.constant 0 : i32
        %dma_start3A_142 = tpu.memref_slice %arg10[%dma_start3A_140, %dma_start3A_141] : memref<51200x16xf32, #tpu.memory_space<vmem_shared>> -> memref<51200x16xf32, #tpu.memory_space<vmem_shared>>
        tpu.enqueue_indirect_dma source(%arg8 : memref<128x16xf32, #tpu.memory_space<vmem>>) target(%dma_start3A_142 : memref<51200x16xf32, #tpu.memory_space<vmem_shared>>) offsets(%dma_start3A_139 : memref<128xi32, #tpu.memory_space<vmem>>) semaphore(%run_scoped3A : memref<!tpu.dma_semaphore, #tpu.memory_space<semaphore_mem>>) {add = true}
        %dma_wait3A_143 = arith.constant 0 : i32
        %dma_wait3A_144 = tpu.memref_slice %arg7[%mul3A_109, %dma_wait3A_143] : memref<200x128xi32, #tpu.memory_space<vmem>> -> memref<1x128xi32, #tpu.memory_space<vmem>>
        %dma_wait3A_145 = tpu.memref_squeeze %dma_wait3A_144 : memref<1x128xi32, #tpu.memory_space<vmem>> -> memref<128xi32, #tpu.memory_space<vmem>>
        %dma_wait3A_146 = arith.constant 0 : i32
        %dma_wait3A_147 = arith.constant 0 : i32
        %dma_wait3A_148 = tpu.memref_slice %arg10[%dma_wait3A_146, %dma_wait3A_147] : memref<51200x16xf32, #tpu.memory_space<vmem_shared>> -> memref<51200x16xf32, #tpu.memory_space<vmem_shared>>
        tpu.wait_indirect_dma semaphore(%run_scoped3A : memref<!tpu.dma_semaphore, #tpu.memory_space<semaphore_mem>>) src(%arg8 : memref<128x16xf32, #tpu.memory_space<vmem>>) dst(%dma_wait3A_148 : memref<51200x16xf32, #tpu.memory_space<vmem_shared>>)
        tpu.yield
      }) : () -> ()
      %lt3A = arith.constant 99 : i32
      %lt3A_124 = arith.cmpi slt, %scan3A_106, %lt3A : i32
      %convert_element_type3A = arith.extui %lt3A_124 : i1 to i32
      %cond3A = arith.constant 0 : i32
      %cond3A_125 = arith.cmpi ne, %convert_element_type3A, %cond3A : i32
      scf.if %cond3A_125 {
        %add3A_137 = arith.constant 2 : i32
        %add3A_138 = arith.addi %mul3A_109, %add3A_137 : i32
        %dma_start3A_139 = arith.constant 0 : i32
        %dma_start3A_140 = tpu.memref_slice %arg6[%add3A_138, %dma_start3A_139] : memref<200x128xi32, #tpu.memory_space<vmem>> -> memref<1x128xi32, #tpu.memory_space<vmem>>
        %dma_start3A_141 = tpu.memref_squeeze %dma_start3A_140 : memref<1x128xi32, #tpu.memory_space<vmem>> -> memref<128xi32, #tpu.memory_space<vmem>>
        %dma_start3A_142 = arith.constant 0 : i32
        %dma_start3A_143 = arith.constant 0 : i32
        %dma_start3A_144 = tpu.memref_slice %arg4[%dma_start3A_142, %dma_start3A_143] : memref<200000x16xf32, #tpu.memory_space<hbm>> -> memref<200000x16xf32, #tpu.memory_space<hbm>>
        tpu.enqueue_indirect_dma source(%dma_start3A_144 : memref<200000x16xf32, #tpu.memory_space<hbm>>) target(%arg8 : memref<128x16xf32, #tpu.memory_space<vmem>>) offsets(%dma_start3A_141 : memref<128xi32, #tpu.memory_space<vmem>>) semaphore(%arg11 : memref<!tpu.dma_semaphore, #tpu.memory_space<semaphore_mem>>)
      } else {
      }
      %add3A_126 = arith.constant 1 : i32
      %add3A_127 = arith.addi %mul3A_109, %add3A_126 : i32
      %dma_wait3A_128 = arith.constant 0 : i32
      %dma_wait3A_129 = tpu.memref_slice %arg6[%add3A_127, %dma_wait3A_128] : memref<200x128xi32, #tpu.memory_space<vmem>> -> memref<1x128xi32, #tpu.memory_space<vmem>>
      %dma_wait3A_130 = tpu.memref_squeeze %dma_wait3A_129 : memref<1x128xi32, #tpu.memory_space<vmem>> -> memref<128xi32, #tpu.memory_space<vmem>>
      %dma_wait3A_131 = arith.constant 0 : i32
      %dma_wait3A_132 = arith.constant 0 : i32
      %dma_wait3A_133 = tpu.memref_slice %arg4[%dma_wait3A_131, %dma_wait3A_132] : memref<200000x16xf32, #tpu.memory_space<hbm>> -> memref<200000x16xf32, #tpu.memory_space<hbm>>
      tpu.wait_indirect_dma semaphore(%arg12 : memref<!tpu.dma_semaphore, #tpu.memory_space<semaphore_mem>>) src(%dma_wait3A_133 : memref<200000x16xf32, #tpu.memory_space<hbm>>) dst(%arg9 : memref<128x16xf32, #tpu.memory_space<vmem>>)
      %add3A_134 = arith.constant 1 : i32
      %add3A_135 = arith.addi %mul3A_109, %add3A_134 : i32
      "tpu.region"() ({
        %run_scoped3A = tpu.sem_alloc : memref<!tpu.dma_semaphore, #tpu.memory_space<semaphore_mem>>
        %dma_start3A_137 = arith.constant 0 : i32
        %dma_start3A_138 = tpu.memref_slice %arg7[%add3A_135, %dma_start3A_137] : memref<200x128xi32, #tpu.memory_space<vmem>> -> memref<1x128xi32, #tpu.memory_space<vmem>>
        %dma_start3A_139 = tpu.memref_squeeze %dma_start3A_138 : memref<1x128xi32, #tpu.memory_space<vmem>> -> memref<128xi32, #tpu.memory_space<vmem>>
        %dma_start3A_140 = arith.constant 0 : i32
        %dma_start3A_141 = arith.constant 0 : i32
        %dma_start3A_142 = tpu.memref_slice %arg10[%dma_start3A_140, %dma_start3A_141] : memref<51200x16xf32, #tpu.memory_space<vmem_shared>> -> memref<51200x16xf32, #tpu.memory_space<vmem_shared>>
        tpu.enqueue_indirect_dma source(%arg9 : memref<128x16xf32, #tpu.memory_space<vmem>>) target(%dma_start3A_142 : memref<51200x16xf32, #tpu.memory_space<vmem_shared>>) offsets(%dma_start3A_139 : memref<128xi32, #tpu.memory_space<vmem>>) semaphore(%run_scoped3A : memref<!tpu.dma_semaphore, #tpu.memory_space<semaphore_mem>>) {add = true}
        %dma_wait3A_143 = arith.constant 0 : i32
        %dma_wait3A_144 = tpu.memref_slice %arg7[%add3A_135, %dma_wait3A_143] : memref<200x128xi32, #tpu.memory_space<vmem>> -> memref<1x128xi32, #tpu.memory_space<vmem>>
        %dma_wait3A_145 = tpu.memref_squeeze %dma_wait3A_144 : memref<1x128xi32, #tpu.memory_space<vmem>> -> memref<128xi32, #tpu.memory_space<vmem>>
        %dma_wait3A_146 = arith.constant 0 : i32
        %dma_wait3A_147 = arith.constant 0 : i32
        %dma_wait3A_148 = tpu.memref_slice %arg10[%dma_wait3A_146, %dma_wait3A_147] : memref<51200x16xf32, #tpu.memory_space<vmem_shared>> -> memref<51200x16xf32, #tpu.memory_space<vmem_shared>>
        tpu.wait_indirect_dma semaphore(%run_scoped3A : memref<!tpu.dma_semaphore, #tpu.memory_space<semaphore_mem>>) src(%arg9 : memref<128x16xf32, #tpu.memory_space<vmem>>) dst(%dma_wait3A_148 : memref<51200x16xf32, #tpu.memory_space<vmem_shared>>)
        tpu.yield
      }) : () -> ()
      %scan3A_136 = arith.constant 0 : i32
      scf.yield %scan3A_136 : i32
    }
    %scan3A_57 = arith.constant 100 : i32
    %barrier3A_58 = arith.constant 0 : index
    tpu.barrier barrier_id(%barrier3A_58)
    %mul3A_59 = arith.constant 3200 : i32
    %mul3A_60 = arith.muli %arg1, %mul3A_59 : i32
    %add3A_61 = arith.constant 0 : i32
    %add3A_62 = arith.addi %mul3A_60, %add3A_61 : i32
    "tpu.region"() ({
      %run_scoped3A = tpu.sem_alloc : memref<!tpu.dma_semaphore, #tpu.memory_space<semaphore_mem>>
      %dma_start3A_106 = arith.constant 0 : i32
      %dma_start3A_107 = tpu.memref_slice %arg10[%add3A_62, %dma_start3A_106] : memref<51200x16xf32, #tpu.memory_space<vmem_shared>> -> memref<128x16xf32, #tpu.memory_space<vmem_shared>>
      %dma_start3A_108 = arith.constant 0 : i32
      %dma_start3A_109 = tpu.memref_slice %arg10[%add3A_62, %dma_start3A_108] : memref<51200x16xf32, #tpu.memory_space<vmem_shared>> -> memref<128x16xf32, #tpu.memory_space<vmem_shared>>
      tpu.enqueue_dma source(%dma_start3A_109 : memref<128x16xf32, #tpu.memory_space<vmem_shared>>) target(%arg8 : memref<128x16xf32, #tpu.memory_space<vmem>>) target_semaphore(%run_scoped3A : memref<!tpu.dma_semaphore, #tpu.memory_space<semaphore_mem>>)
      %dma_wait3A_110 = arith.constant 0 : i32
      %dma_wait3A_111 = tpu.memref_slice %arg10[%add3A_62, %dma_wait3A_110] : memref<51200x16xf32, #tpu.memory_space<vmem_shared>> -> memref<128x16xf32, #tpu.memory_space<vmem_shared>>
      %dma_wait3A_112 = arith.constant 0 : i32
      %dma_wait3A_113 = tpu.memref_slice %arg10[%add3A_62, %dma_wait3A_112] : memref<51200x16xf32, #tpu.memory_space<vmem_shared>> -> memref<128x16xf32, #tpu.memory_space<vmem_shared>>
      tpu.wait_dma2 semaphore(%run_scoped3A : memref<!tpu.dma_semaphore, #tpu.memory_space<semaphore_mem>>) src(%dma_wait3A_113 : memref<128x16xf32, #tpu.memory_space<vmem_shared>>) dst(%arg8 : memref<128x16xf32, #tpu.memory_space<vmem>>)
      tpu.yield
    }) : () -> ()
    %mul3A_63 = arith.constant 51200 : i32
    %mul3A_64 = arith.muli %arg0, %mul3A_63 : i32
    %mul3A_65 = arith.constant 3200 : i32
    %mul3A_66 = arith.muli %arg1, %mul3A_65 : i32
    %add3A_67 = arith.addi %mul3A_64, %mul3A_66 : i32
    %add3A_68 = arith.constant 0 : i32
    %add3A_69 = arith.addi %add3A_67, %add3A_68 : i32
    %dma_start3A_70 = arith.constant 0 : i32
    %dma_start3A_71 = tpu.memref_slice %arg5[%add3A_69, %dma_start3A_70] : memref<102400x16xf32, #tpu.memory_space<hbm>> -> memref<128x16xf32, #tpu.memory_space<hbm>>
    %dma_start3A_72 = arith.constant 0 : i32
    %dma_start3A_73 = tpu.memref_slice %arg5[%add3A_69, %dma_start3A_72] : memref<102400x16xf32, #tpu.memory_space<hbm>> -> memref<128x16xf32, #tpu.memory_space<hbm>>
    tpu.enqueue_dma source(%arg8 : memref<128x16xf32, #tpu.memory_space<vmem>>) target(%dma_start3A_73 : memref<128x16xf32, #tpu.memory_space<hbm>>) target_semaphore(%arg11 : memref<!tpu.dma_semaphore, #tpu.memory_space<semaphore_mem>>)
    %scan3A_74 = arith.constant 0 : i32
    %scan3A_75 = arith.constant 0 : i32
    %scan3A_76 = arith.constant 12 : i32
    %scan3A_77 = arith.addi %scan3A_75, %scan3A_76 : i32
    %scan3A_78 = arith.constant 1 : i32
    %scan3A_79 = scf.for %scan3A_106 = %scan3A_75 to %scan3A_77 step %scan3A_78 iter_args(%scan3A_107 = %scan3A_74) -> (i32)  : i32 {
      %mul3A_108 = arith.constant 2 : i32
      %mul3A_109 = arith.muli %mul3A_108, %scan3A_106 : i32
      %add3A_110 = arith.constant 1 : i32
      %add3A_111 = arith.addi %mul3A_109, %add3A_110 : i32
      %mul3A_112 = arith.constant 3200 : i32
      %mul3A_113 = arith.muli %arg1, %mul3A_112 : i32
      %mul3A_114 = arith.constant 128 : i32
      %mul3A_115 = arith.muli %add3A_111, %mul3A_114 : i32
      %add3A_116 = arith.addi %mul3A_113, %mul3A_115 : i32
      "tpu.region"() ({
        %run_scoped3A = tpu.sem_alloc : memref<!tpu.dma_semaphore, #tpu.memory_space<semaphore_mem>>
        %dma_start3A_158 = arith.constant 0 : i32
        %dma_start3A_159 = tpu.memref_slice %arg10[%add3A_116, %dma_start3A_158] : memref<51200x16xf32, #tpu.memory_space<vmem_shared>> -> memref<128x16xf32, #tpu.memory_space<vmem_shared>>
        %dma_start3A_160 = arith.constant 0 : i32
        %dma_start3A_161 = tpu.memref_slice %arg10[%add3A_116, %dma_start3A_160] : memref<51200x16xf32, #tpu.memory_space<vmem_shared>> -> memref<128x16xf32, #tpu.memory_space<vmem_shared>>
        tpu.enqueue_dma source(%dma_start3A_161 : memref<128x16xf32, #tpu.memory_space<vmem_shared>>) target(%arg9 : memref<128x16xf32, #tpu.memory_space<vmem>>) target_semaphore(%run_scoped3A : memref<!tpu.dma_semaphore, #tpu.memory_space<semaphore_mem>>)
        %dma_wait3A_162 = arith.constant 0 : i32
        %dma_wait3A_163 = tpu.memref_slice %arg10[%add3A_116, %dma_wait3A_162] : memref<51200x16xf32, #tpu.memory_space<vmem_shared>> -> memref<128x16xf32, #tpu.memory_space<vmem_shared>>
        %dma_wait3A_164 = arith.constant 0 : i32
        %dma_wait3A_165 = tpu.memref_slice %arg10[%add3A_116, %dma_wait3A_164] : memref<51200x16xf32, #tpu.memory_space<vmem_shared>> -> memref<128x16xf32, #tpu.memory_space<vmem_shared>>
        tpu.wait_dma2 semaphore(%run_scoped3A : memref<!tpu.dma_semaphore, #tpu.memory_space<semaphore_mem>>) src(%dma_wait3A_165 : memref<128x16xf32, #tpu.memory_space<vmem_shared>>) dst(%arg9 : memref<128x16xf32, #tpu.memory_space<vmem>>)
        tpu.yield
      }) : () -> ()
      %mul3A_117 = arith.constant 51200 : i32
      %mul3A_118 = arith.muli %arg0, %mul3A_117 : i32
      %mul3A_119 = arith.constant 3200 : i32
      %mul3A_120 = arith.muli %arg1, %mul3A_119 : i32
      %add3A_121 = arith.addi %mul3A_118, %mul3A_120 : i32
      %mul3A_122 = arith.constant 128 : i32
      %mul3A_123 = arith.muli %add3A_111, %mul3A_122 : i32
      %add3A_124 = arith.addi %add3A_121, %mul3A_123 : i32
      %dma_start3A_125 = arith.constant 0 : i32
      %dma_start3A_126 = tpu.memref_slice %arg5[%add3A_124, %dma_start3A_125] : memref<102400x16xf32, #tpu.memory_space<hbm>> -> memref<128x16xf32, #tpu.memory_space<hbm>>
      %dma_start3A_127 = arith.constant 0 : i32
      %dma_start3A_128 = tpu.memref_slice %arg5[%add3A_124, %dma_start3A_127] : memref<102400x16xf32, #tpu.memory_space<hbm>> -> memref<128x16xf32, #tpu.memory_space<hbm>>
      tpu.enqueue_dma source(%arg9 : memref<128x16xf32, #tpu.memory_space<vmem>>) target(%dma_start3A_128 : memref<128x16xf32, #tpu.memory_space<hbm>>) target_semaphore(%arg12 : memref<!tpu.dma_semaphore, #tpu.memory_space<semaphore_mem>>)
      %mul3A_129 = arith.constant 51200 : i32
      %mul3A_130 = arith.muli %arg0, %mul3A_129 : i32
      %mul3A_131 = arith.constant 3200 : i32
      %mul3A_132 = arith.muli %arg1, %mul3A_131 : i32
      %add3A_133 = arith.addi %mul3A_130, %mul3A_132 : i32
      %mul3A_134 = arith.constant 128 : i32
      %mul3A_135 = arith.muli %mul3A_109, %mul3A_134 : i32
      %add3A_136 = arith.addi %add3A_133, %mul3A_135 : i32
      %dma_wait3A_137 = arith.constant 0 : i32
      %dma_wait3A_138 = tpu.memref_slice %arg5[%add3A_136, %dma_wait3A_137] : memref<102400x16xf32, #tpu.memory_space<hbm>> -> memref<128x16xf32, #tpu.memory_space<hbm>>
      %dma_wait3A_139 = arith.constant 0 : i32
      %dma_wait3A_140 = tpu.memref_slice %arg5[%add3A_136, %dma_wait3A_139] : memref<102400x16xf32, #tpu.memory_space<hbm>> -> memref<128x16xf32, #tpu.memory_space<hbm>>
      tpu.wait_dma2 semaphore(%arg11 : memref<!tpu.dma_semaphore, #tpu.memory_space<semaphore_mem>>) src(%arg8 : memref<128x16xf32, #tpu.memory_space<vmem>>) dst(%dma_wait3A_140 : memref<128x16xf32, #tpu.memory_space<hbm>>)
      %lt3A = arith.constant 11 : i32
      %lt3A_141 = arith.cmpi slt, %scan3A_106, %lt3A : i32
      %convert_element_type3A = arith.extui %lt3A_141 : i1 to i32
      %cond3A = arith.constant 0 : i32
      %cond3A_142 = arith.cmpi ne, %convert_element_type3A, %cond3A : i32
      scf.if %cond3A_142 {
        %add3A_158 = arith.constant 2 : i32
        %add3A_159 = arith.addi %mul3A_109, %add3A_158 : i32
        %mul3A_160 = arith.constant 3200 : i32
        %mul3A_161 = arith.muli %arg1, %mul3A_160 : i32
        %mul3A_162 = arith.constant 128 : i32
        %mul3A_163 = arith.muli %add3A_159, %mul3A_162 : i32
        %add3A_164 = arith.addi %mul3A_161, %mul3A_163 : i32
        "tpu.region"() ({
          %run_scoped3A = tpu.sem_alloc : memref<!tpu.dma_semaphore, #tpu.memory_space<semaphore_mem>>
          %dma_start3A_177 = arith.constant 0 : i32
          %dma_start3A_178 = tpu.memref_slice %arg10[%add3A_164, %dma_start3A_177] : memref<51200x16xf32, #tpu.memory_space<vmem_shared>> -> memref<128x16xf32, #tpu.memory_space<vmem_shared>>
          %dma_start3A_179 = arith.constant 0 : i32
          %dma_start3A_180 = tpu.memref_slice %arg10[%add3A_164, %dma_start3A_179] : memref<51200x16xf32, #tpu.memory_space<vmem_shared>> -> memref<128x16xf32, #tpu.memory_space<vmem_shared>>
          tpu.enqueue_dma source(%dma_start3A_180 : memref<128x16xf32, #tpu.memory_space<vmem_shared>>) target(%arg8 : memref<128x16xf32, #tpu.memory_space<vmem>>) target_semaphore(%run_scoped3A : memref<!tpu.dma_semaphore, #tpu.memory_space<semaphore_mem>>)
          %dma_wait3A_181 = arith.constant 0 : i32
          %dma_wait3A_182 = tpu.memref_slice %arg10[%add3A_164, %dma_wait3A_181] : memref<51200x16xf32, #tpu.memory_space<vmem_shared>> -> memref<128x16xf32, #tpu.memory_space<vmem_shared>>
          %dma_wait3A_183 = arith.constant 0 : i32
          %dma_wait3A_184 = tpu.memref_slice %arg10[%add3A_164, %dma_wait3A_183] : memref<51200x16xf32, #tpu.memory_space<vmem_shared>> -> memref<128x16xf32, #tpu.memory_space<vmem_shared>>
          tpu.wait_dma2 semaphore(%run_scoped3A : memref<!tpu.dma_semaphore, #tpu.memory_space<semaphore_mem>>) src(%dma_wait3A_184 : memref<128x16xf32, #tpu.memory_space<vmem_shared>>) dst(%arg8 : memref<128x16xf32, #tpu.memory_space<vmem>>)
          tpu.yield
        }) : () -> ()
        %mul3A_165 = arith.constant 51200 : i32
        %mul3A_166 = arith.muli %arg0, %mul3A_165 : i32
        %mul3A_167 = arith.constant 3200 : i32
        %mul3A_168 = arith.muli %arg1, %mul3A_167 : i32
        %add3A_169 = arith.addi %mul3A_166, %mul3A_168 : i32
        %mul3A_170 = arith.constant 128 : i32
        %mul3A_171 = arith.muli %add3A_159, %mul3A_170 : i32
        %add3A_172 = arith.addi %add3A_169, %mul3A_171 : i32
        %dma_start3A_173 = arith.constant 0 : i32
        %dma_start3A_174 = tpu.memref_slice %arg5[%add3A_172, %dma_start3A_173] : memref<102400x16xf32, #tpu.memory_space<hbm>> -> memref<128x16xf32, #tpu.memory_space<hbm>>
        %dma_start3A_175 = arith.constant 0 : i32
        %dma_start3A_176 = tpu.memref_slice %arg5[%add3A_172, %dma_start3A_175] : memref<102400x16xf32, #tpu.memory_space<hbm>> -> memref<128x16xf32, #tpu.memory_space<hbm>>
        tpu.enqueue_dma source(%arg8 : memref<128x16xf32, #tpu.memory_space<vmem>>) target(%dma_start3A_176 : memref<128x16xf32, #tpu.memory_space<hbm>>) target_semaphore(%arg11 : memref<!tpu.dma_semaphore, #tpu.memory_space<semaphore_mem>>)
      } else {
      }
      %add3A_143 = arith.constant 1 : i32
      %add3A_144 = arith.addi %mul3A_109, %add3A_143 : i32
      %mul3A_145 = arith.constant 51200 : i32
      %mul3A_146 = arith.muli %arg0, %mul3A_145 : i32
      %mul3A_147 = arith.constant 3200 : i32
      %mul3A_148 = arith.muli %arg1, %mul3A_147 : i32
      %add3A_149 = arith.addi %mul3A_146, %mul3A_148 : i32
      %mul3A_150 = arith.constant 128 : i32
      %mul3A_151 = arith.muli %add3A_144, %mul3A_150 : i32
      %add3A_152 = arith.addi %add3A_149, %mul3A_151 : i32
      %dma_wait3A_153 = arith.constant 0 : i32
      %dma_wait3A_154 = tpu.memref_slice %arg5[%add3A_152, %dma_wait3A_153] : memref<102400x16xf32, #tpu.memory_space<hbm>> -> memref<128x16xf32, #tpu.memory_space<hbm>>
      %dma_wait3A_155 = arith.constant 0 : i32
      %dma_wait3A_156 = tpu.memref_slice %arg5[%add3A_152, %dma_wait3A_155] : memref<102400x16xf32, #tpu.memory_space<hbm>> -> memref<128x16xf32, #tpu.memory_space<hbm>>
      tpu.wait_dma2 semaphore(%arg12 : memref<!tpu.dma_semaphore, #tpu.memory_space<semaphore_mem>>) src(%arg9 : memref<128x16xf32, #tpu.memory_space<vmem>>) dst(%dma_wait3A_156 : memref<128x16xf32, #tpu.memory_space<hbm>>)
      %scan3A_157 = arith.constant 0 : i32
      scf.yield %scan3A_157 : i32
    }
    %scan3A_80 = arith.constant 12 : i32
    %mul3A_81 = arith.constant 3200 : i32
    %mul3A_82 = arith.muli %arg1, %mul3A_81 : i32
    %add3A_83 = arith.constant 3072 : i32
    %add3A_84 = arith.addi %mul3A_82, %add3A_83 : i32
    "tpu.region"() ({
      %run_scoped3A = tpu.sem_alloc : memref<!tpu.dma_semaphore, #tpu.memory_space<semaphore_mem>>
      %dma_start3A_106 = arith.constant 0 : i32
      %dma_start3A_107 = tpu.memref_slice %arg10[%add3A_84, %dma_start3A_106] : memref<51200x16xf32, #tpu.memory_space<vmem_shared>> -> memref<128x16xf32, #tpu.memory_space<vmem_shared>>
      %dma_start3A_108 = arith.constant 0 : i32
      %dma_start3A_109 = tpu.memref_slice %arg10[%add3A_84, %dma_start3A_108] : memref<51200x16xf32, #tpu.memory_space<vmem_shared>> -> memref<128x16xf32, #tpu.memory_space<vmem_shared>>
      tpu.enqueue_dma source(%dma_start3A_109 : memref<128x16xf32, #tpu.memory_space<vmem_shared>>) target(%arg8 : memref<128x16xf32, #tpu.memory_space<vmem>>) target_semaphore(%run_scoped3A : memref<!tpu.dma_semaphore, #tpu.memory_space<semaphore_mem>>)
      %dma_wait3A_110 = arith.constant 0 : i32
      %dma_wait3A_111 = tpu.memref_slice %arg10[%add3A_84, %dma_wait3A_110] : memref<51200x16xf32, #tpu.memory_space<vmem_shared>> -> memref<128x16xf32, #tpu.memory_space<vmem_shared>>
      %dma_wait3A_112 = arith.constant 0 : i32
      %dma_wait3A_113 = tpu.memref_slice %arg10[%add3A_84, %dma_wait3A_112] : memref<51200x16xf32, #tpu.memory_space<vmem_shared>> -> memref<128x16xf32, #tpu.memory_space<vmem_shared>>
      tpu.wait_dma2 semaphore(%run_scoped3A : memref<!tpu.dma_semaphore, #tpu.memory_space<semaphore_mem>>) src(%dma_wait3A_113 : memref<128x16xf32, #tpu.memory_space<vmem_shared>>) dst(%arg8 : memref<128x16xf32, #tpu.memory_space<vmem>>)
      tpu.yield
    }) : () -> ()
    %mul3A_85 = arith.constant 51200 : i32
    %mul3A_86 = arith.muli %arg0, %mul3A_85 : i32
    %mul3A_87 = arith.constant 3200 : i32
    %mul3A_88 = arith.muli %arg1, %mul3A_87 : i32
    %add3A_89 = arith.addi %mul3A_86, %mul3A_88 : i32
    %add3A_90 = arith.constant 3072 : i32
    %add3A_91 = arith.addi %add3A_89, %add3A_90 : i32
    %dma_start3A_92 = arith.constant 0 : i32
    %dma_start3A_93 = tpu.memref_slice %arg5[%add3A_91, %dma_start3A_92] : memref<102400x16xf32, #tpu.memory_space<hbm>> -> memref<128x16xf32, #tpu.memory_space<hbm>>
    %dma_start3A_94 = arith.constant 0 : i32
    %dma_start3A_95 = tpu.memref_slice %arg5[%add3A_91, %dma_start3A_94] : memref<102400x16xf32, #tpu.memory_space<hbm>> -> memref<128x16xf32, #tpu.memory_space<hbm>>
    tpu.enqueue_dma source(%arg8 : memref<128x16xf32, #tpu.memory_space<vmem>>) target(%dma_start3A_95 : memref<128x16xf32, #tpu.memory_space<hbm>>) target_semaphore(%arg11 : memref<!tpu.dma_semaphore, #tpu.memory_space<semaphore_mem>>)
    %mul3A_96 = arith.constant 51200 : i32
    %mul3A_97 = arith.muli %arg0, %mul3A_96 : i32
    %mul3A_98 = arith.constant 3200 : i32
    %mul3A_99 = arith.muli %arg1, %mul3A_98 : i32
    %add3A_100 = arith.addi %mul3A_97, %mul3A_99 : i32
    %add3A_101 = arith.constant 3072 : i32
    %add3A_102 = arith.addi %add3A_100, %add3A_101 : i32
    %dma_wait3A = arith.constant 0 : i32
    %dma_wait3A_103 = tpu.memref_slice %arg5[%add3A_102, %dma_wait3A] : memref<102400x16xf32, #tpu.memory_space<hbm>> -> memref<128x16xf32, #tpu.memory_space<hbm>>
    %dma_wait3A_104 = arith.constant 0 : i32
    %dma_wait3A_105 = tpu.memref_slice %arg5[%add3A_102, %dma_wait3A_104] : memref<102400x16xf32, #tpu.memory_space<hbm>> -> memref<128x16xf32, #tpu.memory_space<hbm>>
    tpu.wait_dma2 semaphore(%arg11 : memref<!tpu.dma_semaphore, #tpu.memory_space<semaphore_mem>>) src(%arg8 : memref<128x16xf32, #tpu.memory_space<vmem>>) dst(%dma_wait3A_105 : memref<128x16xf32, #tpu.memory_space<hbm>>)
    return
  }
}

#map = affine_map<(d0, d1) -> (0, 0)>
module attributes {stable_mosaic.version = 14 : i64} {
  func.func @_seg_kernel(%arg0: i32, %arg1: i32, %arg2: memref<12800x128xi32, #tpu.memory_space<hbm>>, %arg3: memref<12800x128xi32, #tpu.memory_space<hbm>>, %arg4: memref<200000x16xf32, #tpu.memory_space<hbm>>, %arg5: memref<102400x16xf32, #tpu.memory_space<hbm>>, %arg6: memref<200x128xi32, #tpu.memory_space<vmem>>, %arg7: memref<200x128xi32, #tpu.memory_space<vmem>>, %arg8: memref<128x16xf32, #tpu.memory_space<vmem>>, %arg9: memref<128x16xf32, #tpu.memory_space<vmem>>, %arg10: memref<51200x16xf32, #tpu.memory_space<vmem_shared>>, %arg11: memref<!tpu.dma_semaphore, #tpu.memory_space<semaphore_mem>>, %arg12: memref<!tpu.dma_semaphore, #tpu.memory_space<semaphore_mem>>) attributes {dimension_semantics = [#tpu.dimension_semantics<core_parallel>, #tpu.dimension_semantics<subcore_parallel>], iteration_bounds = array<i64: 2, 16>, scalar_prefetch = 0 : i64, scratch_operands = 7 : i64, tpu.core_type = #tpu.core_type<sc_vector_subcore>, window_params = [{transform_indices = #map}, {transform_indices = #map}, {transform_indices = #map}, {transform_indices = #map}]} {
    %mul3A = arith.constant 16 : i32
    %mul3A_0 = arith.muli %arg0, %mul3A : i32
    %add3A = arith.addi %mul3A_0, %arg1 : i32
    %broadcast_in_dim3A = arith.constant 0.000000e+00 : f32
    %broadcast_in_dim3A_1 = vector.broadcast %broadcast_in_dim3A : f32 to vector<16xf32>
    %scan3A = arith.constant 0 : i32
    %scan3A_2 = arith.constant 0 : i32
    %scan3A_3 = arith.constant 128 : i32
    %scan3A_4 = arith.addi %scan3A_2, %scan3A_3 : i32
    %scan3A_5 = arith.constant 1 : i32
    %scan3A_6 = scf.for %scan3A_106 = %scan3A_2 to %scan3A_4 step %scan3A_5 iter_args(%scan3A_107 = %scan3A) -> (i32)  : i32 {
      %swap3A = arith.index_cast %scan3A_106 : i32 to index
      %swap3A_108 = arith.constant 0 : index
      %swap3A_109 = tpu.vector_load %arg8[%swap3A, %swap3A_108] {strides = array<i32>} : memref<128x16xf32, #tpu.memory_space<vmem>>, vector<1x16xf32>,
      %swap3A_110 = vector.shape_cast %swap3A_109 : vector<1x16xf32> to vector<16xf32>
      %swap3A_111 = vector.shape_cast %broadcast_in_dim3A_1 : vector<16xf32> to vector<1x16xf32>
      tpu.vector_store %arg8[%swap3A, %swap3A_108], %swap3A_111 {strides = array<i32>} : memref<128x16xf32, #tpu.memory_space<vmem>>, vector<1x16xf32>,
      %scan3A_112 = arith.constant 0 : i32
      scf.yield %scan3A_112 : i32
    }
    %scan3A_7 = arith.constant 128 : i32
    %scan3A_8 = arith.constant 0 : i32
    %scan3A_9 = arith.constant 0 : i32
    %scan3A_10 = arith.constant 25 : i32
    %scan3A_11 = arith.addi %scan3A_9, %scan3A_10 : i32
    %scan3A_12 = arith.constant 1 : i32
    %scan3A_13 = scf.for %scan3A_106 = %scan3A_9 to %scan3A_11 step %scan3A_12 iter_args(%scan3A_107 = %scan3A_8) -> (i32)  : i32 {
      %mul3A_108 = arith.constant 3200 : i32
      %mul3A_109 = arith.muli %arg1, %mul3A_108 : i32
      %mul3A_110 = arith.constant 128 : i32
      %mul3A_111 = arith.muli %scan3A_106, %mul3A_110 : i32
      %add3A_112 = arith.addi %mul3A_109, %mul3A_111 : i32
      "tpu.region"() ({
        %run_scoped3A = tpu.sem_alloc : memref<!tpu.dma_semaphore, #tpu.memory_space<semaphore_mem>>
        %dma_start3A_114 = arith.constant 0 : i32
        %dma_start3A_115 = tpu.memref_slice %arg10[%add3A_112, %dma_start3A_114] : memref<51200x16xf32, #tpu.memory_space<vmem_shared>> -> memref<128x16xf32, #tpu.memory_space<vmem_shared>>
        %dma_start3A_116 = arith.constant 0 : i32
        %dma_start3A_117 = tpu.memref_slice %arg10[%add3A_112, %dma_start3A_116] : memref<51200x16xf32, #tpu.memory_space<vmem_shared>> -> memref<128x16xf32, #tpu.memory_space<vmem_shared>>
        tpu.enqueue_dma source(%arg8 : memref<128x16xf32, #tpu.memory_space<vmem>>) target(%dma_start3A_117 : memref<128x16xf32, #tpu.memory_space<vmem_shared>>) target_semaphore(%run_scoped3A : memref<!tpu.dma_semaphore, #tpu.memory_space<semaphore_mem>>)
        %dma_wait3A_118 = arith.constant 0 : i32
        %dma_wait3A_119 = tpu.memref_slice %arg10[%add3A_112, %dma_wait3A_118] : memref<51200x16xf32, #tpu.memory_space<vmem_shared>> -> memref<128x16xf32, #tpu.memory_space<vmem_shared>>
        %dma_wait3A_120 = arith.constant 0 : i32
        %dma_wait3A_121 = tpu.memref_slice %arg10[%add3A_112, %dma_wait3A_120] : memref<51200x16xf32, #tpu.memory_space<vmem_shared>> -> memref<128x16xf32, #tpu.memory_space<vmem_shared>>
        tpu.wait_dma2 semaphore(%run_scoped3A : memref<!tpu.dma_semaphore, #tpu.memory_space<semaphore_mem>>) src(%arg8 : memref<128x16xf32, #tpu.memory_space<vmem>>) dst(%dma_wait3A_121 : memref<128x16xf32, #tpu.memory_space<vmem_shared>>)
        tpu.yield
      }) : () -> ()
      %scan3A_113 = arith.constant 0 : i32
      scf.yield %scan3A_113 : i32
    }
    %scan3A_14 = arith.constant 25 : i32
    %barrier3A = arith.constant 0 : index
    tpu.barrier barrier_id(%barrier3A)
    %mul3A_15 = arith.constant 400 : i32
    %mul3A_16 = arith.muli %add3A, %mul3A_15 : i32
    %add3A_17 = arith.constant 0 : i32
    %add3A_18 = arith.addi %mul3A_16, %add3A_17 : i32
    "tpu.region"() ({
      %run_scoped3A = tpu.sem_alloc : memref<!tpu.dma_semaphore, #tpu.memory_space<semaphore_mem>>
      %dma_start3A_106 = arith.constant 0 : i32
      %dma_start3A_107 = tpu.memref_slice %arg2[%add3A_18, %dma_start3A_106] : memref<12800x128xi32, #tpu.memory_space<hbm>> -> memref<200x128xi32, #tpu.memory_space<hbm>>
      %dma_start3A_108 = arith.constant 0 : i32
      %dma_start3A_109 = tpu.memref_slice %arg2[%add3A_18, %dma_start3A_108] : memref<12800x128xi32, #tpu.memory_space<hbm>> -> memref<200x128xi32, #tpu.memory_space<hbm>>
      tpu.enqueue_dma source(%dma_start3A_109 : memref<200x128xi32, #tpu.memory_space<hbm>>) target(%arg6 : memref<200x128xi32, #tpu.memory_space<vmem>>) target_semaphore(%run_scoped3A : memref<!tpu.dma_semaphore, #tpu.memory_space<semaphore_mem>>)
      %dma_wait3A_110 = arith.constant 0 : i32
      %dma_wait3A_111 = tpu.memref_slice %arg2[%add3A_18, %dma_wait3A_110] : memref<12800x128xi32, #tpu.memory_space<hbm>> -> memref<200x128xi32, #tpu.memory_space<hbm>>
      %dma_wait3A_112 = arith.constant 0 : i32
      %dma_wait3A_113 = tpu.memref_slice %arg2[%add3A_18, %dma_wait3A_112] : memref<12800x128xi32, #tpu.memory_space<hbm>> -> memref<200x128xi32, #tpu.memory_space<hbm>>
      tpu.wait_dma2 semaphore(%run_scoped3A : memref<!tpu.dma_semaphore, #tpu.memory_space<semaphore_mem>>) src(%dma_wait3A_113 : memref<200x128xi32, #tpu.memory_space<hbm>>) dst(%arg6 : memref<200x128xi32, #tpu.memory_space<vmem>>)
      tpu.yield
    }) : () -> ()
    %mul3A_19 = arith.constant 400 : i32
    %mul3A_20 = arith.muli %add3A, %mul3A_19 : i32
    %add3A_21 = arith.constant 0 : i32
    %add3A_22 = arith.addi %mul3A_20, %add3A_21 : i32
    "tpu.region"() ({
      %run_scoped3A = tpu.sem_alloc : memref<!tpu.dma_semaphore, #tpu.memory_space<semaphore_mem>>
      %dma_start3A_106 = arith.constant 0 : i32
      %dma_start3A_107 = tpu.memref_slice %arg3[%add3A_22, %dma_start3A_106] : memref<12800x128xi32, #tpu.memory_space<hbm>> -> memref<200x128xi32, #tpu.memory_space<hbm>>
      %dma_start3A_108 = arith.constant 0 : i32
      %dma_start3A_109 = tpu.memref_slice %arg3[%add3A_22, %dma_start3A_108] : memref<12800x128xi32, #tpu.memory_space<hbm>> -> memref<200x128xi32, #tpu.memory_space<hbm>>
      tpu.enqueue_dma source(%dma_start3A_109 : memref<200x128xi32, #tpu.memory_space<hbm>>) target(%arg7 : memref<200x128xi32, #tpu.memory_space<vmem>>) target_semaphore(%run_scoped3A : memref<!tpu.dma_semaphore, #tpu.memory_space<semaphore_mem>>)
      %dma_wait3A_110 = arith.constant 0 : i32
      %dma_wait3A_111 = tpu.memref_slice %arg3[%add3A_22, %dma_wait3A_110] : memref<12800x128xi32, #tpu.memory_space<hbm>> -> memref<200x128xi32, #tpu.memory_space<hbm>>
      %dma_wait3A_112 = arith.constant 0 : i32
      %dma_wait3A_113 = tpu.memref_slice %arg3[%add3A_22, %dma_wait3A_112] : memref<12800x128xi32, #tpu.memory_space<hbm>> -> memref<200x128xi32, #tpu.memory_space<hbm>>
      tpu.wait_dma2 semaphore(%run_scoped3A : memref<!tpu.dma_semaphore, #tpu.memory_space<semaphore_mem>>) src(%dma_wait3A_113 : memref<200x128xi32, #tpu.memory_space<hbm>>) dst(%arg7 : memref<200x128xi32, #tpu.memory_space<vmem>>)
      tpu.yield
    }) : () -> ()
    %dma_start3A = arith.constant 0 : i32
    %dma_start3A_23 = arith.constant 0 : i32
    %dma_start3A_24 = tpu.memref_slice %arg6[%dma_start3A, %dma_start3A_23] : memref<200x128xi32, #tpu.memory_space<vmem>> -> memref<1x128xi32, #tpu.memory_space<vmem>>
    %dma_start3A_25 = tpu.memref_squeeze %dma_start3A_24 : memref<1x128xi32, #tpu.memory_space<vmem>> -> memref<128xi32, #tpu.memory_space<vmem>>
    %dma_start3A_26 = arith.constant 0 : i32
    %dma_start3A_27 = arith.constant 0 : i32
    %dma_start3A_28 = tpu.memref_slice %arg4[%dma_start3A_26, %dma_start3A_27] : memref<200000x16xf32, #tpu.memory_space<hbm>> -> memref<200000x16xf32, #tpu.memory_space<hbm>>
    tpu.enqueue_indirect_dma source(%dma_start3A_28 : memref<200000x16xf32, #tpu.memory_space<hbm>>) target(%arg8 : memref<128x16xf32, #tpu.memory_space<vmem>>) offsets(%dma_start3A_25 : memref<128xi32, #tpu.memory_space<vmem>>) semaphore(%arg11 : memref<!tpu.dma_semaphore, #tpu.memory_space<semaphore_mem>>)
    %scan3A_29 = arith.constant 0 : i32
    %scan3A_30 = arith.constant 0 : i32
    %scan3A_31 = arith.constant 100 : i32
    %scan3A_32 = arith.addi %scan3A_30, %scan3A_31 : i32
    %scan3A_33 = arith.constant 1 : i32
    %scan3A_34 = scf.for %scan3A_106 = %scan3A_30 to %scan3A_32 step %scan3A_33 iter_args(%scan3A_107 = %scan3A_29) -> (i32)  : i32 {
      %mul3A_108 = arith.constant 2 : i32
      %mul3A_109 = arith.muli %mul3A_108, %scan3A_106 : i32
      %add3A_110 = arith.constant 1 : i32
      %add3A_111 = arith.addi %mul3A_109, %add3A_110 : i32
      %dma_start3A_112 = arith.constant 0 : i32
      %dma_start3A_113 = tpu.memref_slice %arg6[%add3A_111, %dma_start3A_112] : memref<200x128xi32, #tpu.memory_space<vmem>> -> memref<1x128xi32, #tpu.memory_space<vmem>>
      %dma_start3A_114 = tpu.memref_squeeze %dma_start3A_113 : memref<1x128xi32, #tpu.memory_space<vmem>> -> memref<128xi32, #tpu.memory_space<vmem>>
      %dma_start3A_115 = arith.constant 0 : i32
      %dma_start3A_116 = arith.constant 0 : i32
      %dma_start3A_117 = tpu.memref_slice %arg4[%dma_start3A_115, %dma_start3A_116] : memref<200000x16xf32, #tpu.memory_space<hbm>> -> memref<200000x16xf32, #tpu.memory_space<hbm>>
      tpu.enqueue_indirect_dma source(%dma_start3A_117 : memref<200000x16xf32, #tpu.memory_space<hbm>>) target(%arg9 : memref<128x16xf32, #tpu.memory_space<vmem>>) offsets(%dma_start3A_114 : memref<128xi32, #tpu.memory_space<vmem>>) semaphore(%arg12 : memref<!tpu.dma_semaphore, #tpu.memory_space<semaphore_mem>>)
      %dma_wait3A_118 = arith.constant 0 : i32
      %dma_wait3A_119 = tpu.memref_slice %arg6[%mul3A_109, %dma_wait3A_118] : memref<200x128xi32, #tpu.memory_space<vmem>> -> memref<1x128xi32, #tpu.memory_space<vmem>>
      %dma_wait3A_120 = tpu.memref_squeeze %dma_wait3A_119 : memref<1x128xi32, #tpu.memory_space<vmem>> -> memref<128xi32, #tpu.memory_space<vmem>>
      %dma_wait3A_121 = arith.constant 0 : i32
      %dma_wait3A_122 = arith.constant 0 : i32
      %dma_wait3A_123 = tpu.memref_slice %arg4[%dma_wait3A_121, %dma_wait3A_122] : memref<200000x16xf32, #tpu.memory_space<hbm>> -> memref<200000x16xf32, #tpu.memory_space<hbm>>
      tpu.wait_indirect_dma semaphore(%arg11 : memref<!tpu.dma_semaphore, #tpu.memory_space<semaphore_mem>>) src(%dma_wait3A_123 : memref<200000x16xf32, #tpu.memory_space<hbm>>) dst(%arg8 : memref<128x16xf32, #tpu.memory_space<vmem>>)
      "tpu.region"() ({
        %run_scoped3A = tpu.sem_alloc : memref<!tpu.dma_semaphore, #tpu.memory_space<semaphore_mem>>
        %dma_start3A_137 = arith.constant 0 : i32
        %dma_start3A_138 = tpu.memref_slice %arg7[%mul3A_109, %dma_start3A_137] : memref<200x128xi32, #tpu.memory_space<vmem>> -> memref<1x128xi32, #tpu.memory_space<vmem>>
        %dma_start3A_139 = tpu.memref_squeeze %dma_start3A_138 : memref<1x128xi32, #tpu.memory_space<vmem>> -> memref<128xi32, #tpu.memory_space<vmem>>
        %dma_start3A_140 = arith.constant 0 : i32
        %dma_start3A_141 = arith.constant 0 : i32
        %dma_start3A_142 = tpu.memref_slice %arg10[%dma_start3A_140, %dma_start3A_141] : memref<51200x16xf32, #tpu.memory_space<vmem_shared>> -> memref<51200x16xf32, #tpu.memory_space<vmem_shared>>
        tpu.enqueue_indirect_dma source(%arg8 : memref<128x16xf32, #tpu.memory_space<vmem>>) target(%dma_start3A_142 : memref<51200x16xf32, #tpu.memory_space<vmem_shared>>) offsets(%dma_start3A_139 : memref<128xi32, #tpu.memory_space<vmem>>) semaphore(%run_scoped3A : memref<!tpu.dma_semaphore, #tpu.memory_space<semaphore_mem>>) {add = true}
        %dma_wait3A_143 = arith.constant 0 : i32
        %dma_wait3A_144 = tpu.memref_slice %arg7[%mul3A_109, %dma_wait3A_143] : memref<200x128xi32, #tpu.memory_space<vmem>> -> memref<1x128xi32, #tpu.memory_space<vmem>>
        %dma_wait3A_145 = tpu.memref_squeeze %dma_wait3A_144 : memref<1x128xi32, #tpu.memory_space<vmem>> -> memref<128xi32, #tpu.memory_space<vmem>>
        %dma_wait3A_146 = arith.constant 0 : i32
        %dma_wait3A_147 = arith.constant 0 : i32
        %dma_wait3A_148 = tpu.memref_slice %arg10[%dma_wait3A_146, %dma_wait3A_147] : memref<51200x16xf32, #tpu.memory_space<vmem_shared>> -> memref<51200x16xf32, #tpu.memory_space<vmem_shared>>
        tpu.wait_indirect_dma semaphore(%run_scoped3A : memref<!tpu.dma_semaphore, #tpu.memory_space<semaphore_mem>>) src(%arg8 : memref<128x16xf32, #tpu.memory_space<vmem>>) dst(%dma_wait3A_148 : memref<51200x16xf32, #tpu.memory_space<vmem_shared>>)
        tpu.yield
      }) : () -> ()
      %lt3A = arith.constant 99 : i32
      %lt3A_124 = arith.cmpi slt, %scan3A_106, %lt3A : i32
      %convert_element_type3A = arith.extui %lt3A_124 : i1 to i32
      %cond3A = arith.constant 0 : i32
      %cond3A_125 = arith.cmpi ne, %convert_element_type3A, %cond3A : i32
      scf.if %cond3A_125 {
        %add3A_137 = arith.constant 2 : i32
        %add3A_138 = arith.addi %mul3A_109, %add3A_137 : i32
        %dma_start3A_139 = arith.constant 0 : i32
        %dma_start3A_140 = tpu.memref_slice %arg6[%add3A_138, %dma_start3A_139] : memref<200x128xi32, #tpu.memory_space<vmem>> -> memref<1x128xi32, #tpu.memory_space<vmem>>
        %dma_start3A_141 = tpu.memref_squeeze %dma_start3A_140 : memref<1x128xi32, #tpu.memory_space<vmem>> -> memref<128xi32, #tpu.memory_space<vmem>>
        %dma_start3A_142 = arith.constant 0 : i32
        %dma_start3A_143 = arith.constant 0 : i32
        %dma_start3A_144 = tpu.memref_slice %arg4[%dma_start3A_142, %dma_start3A_143] : memref<200000x16xf32, #tpu.memory_space<hbm>> -> memref<200000x16xf32, #tpu.memory_space<hbm>>
        tpu.enqueue_indirect_dma source(%dma_start3A_144 : memref<200000x16xf32, #tpu.memory_space<hbm>>) target(%arg8 : memref<128x16xf32, #tpu.memory_space<vmem>>) offsets(%dma_start3A_141 : memref<128xi32, #tpu.memory_space<vmem>>) semaphore(%arg11 : memref<!tpu.dma_semaphore, #tpu.memory_space<semaphore_mem>>)
      } else {
      }
      %add3A_126 = arith.constant 1 : i32
      %add3A_127 = arith.addi %mul3A_109, %add3A_126 : i32
      %dma_wait3A_128 = arith.constant 0 : i32
      %dma_wait3A_129 = tpu.memref_slice %arg6[%add3A_127, %dma_wait3A_128] : memref<200x128xi32, #tpu.memory_space<vmem>> -> memref<1x128xi32, #tpu.memory_space<vmem>>
      %dma_wait3A_130 = tpu.memref_squeeze %dma_wait3A_129 : memref<1x128xi32, #tpu.memory_space<vmem>> -> memref<128xi32, #tpu.memory_space<vmem>>
      %dma_wait3A_131 = arith.constant 0 : i32
      %dma_wait3A_132 = arith.constant 0 : i32
      %dma_wait3A_133 = tpu.memref_slice %arg4[%dma_wait3A_131, %dma_wait3A_132] : memref<200000x16xf32, #tpu.memory_space<hbm>> -> memref<200000x16xf32, #tpu.memory_space<hbm>>
      tpu.wait_indirect_dma semaphore(%arg12 : memref<!tpu.dma_semaphore, #tpu.memory_space<semaphore_mem>>) src(%dma_wait3A_133 : memref<200000x16xf32, #tpu.memory_space<hbm>>) dst(%arg9 : memref<128x16xf32, #tpu.memory_space<vmem>>)
      %add3A_134 = arith.constant 1 : i32
      %add3A_135 = arith.addi %mul3A_109, %add3A_134 : i32
      "tpu.region"() ({
        %run_scoped3A = tpu.sem_alloc : memref<!tpu.dma_semaphore, #tpu.memory_space<semaphore_mem>>
        %dma_start3A_137 = arith.constant 0 : i32
        %dma_start3A_138 = tpu.memref_slice %arg7[%add3A_135, %dma_start3A_137] : memref<200x128xi32, #tpu.memory_space<vmem>> -> memref<1x128xi32, #tpu.memory_space<vmem>>
        %dma_start3A_139 = tpu.memref_squeeze %dma_start3A_138 : memref<1x128xi32, #tpu.memory_space<vmem>> -> memref<128xi32, #tpu.memory_space<vmem>>
        %dma_start3A_140 = arith.constant 0 : i32
        %dma_start3A_141 = arith.constant 0 : i32
        %dma_start3A_142 = tpu.memref_slice %arg10[%dma_start3A_140, %dma_start3A_141] : memref<51200x16xf32, #tpu.memory_space<vmem_shared>> -> memref<51200x16xf32, #tpu.memory_space<vmem_shared>>
        tpu.enqueue_indirect_dma source(%arg9 : memref<128x16xf32, #tpu.memory_space<vmem>>) target(%dma_start3A_142 : memref<51200x16xf32, #tpu.memory_space<vmem_shared>>) offsets(%dma_start3A_139 : memref<128xi32, #tpu.memory_space<vmem>>) semaphore(%run_scoped3A : memref<!tpu.dma_semaphore, #tpu.memory_space<semaphore_mem>>) {add = true}
        %dma_wait3A_143 = arith.constant 0 : i32
        %dma_wait3A_144 = tpu.memref_slice %arg7[%add3A_135, %dma_wait3A_143] : memref<200x128xi32, #tpu.memory_space<vmem>> -> memref<1x128xi32, #tpu.memory_space<vmem>>
        %dma_wait3A_145 = tpu.memref_squeeze %dma_wait3A_144 : memref<1x128xi32, #tpu.memory_space<vmem>> -> memref<128xi32, #tpu.memory_space<vmem>>
        %dma_wait3A_146 = arith.constant 0 : i32
        %dma_wait3A_147 = arith.constant 0 : i32
        %dma_wait3A_148 = tpu.memref_slice %arg10[%dma_wait3A_146, %dma_wait3A_147] : memref<51200x16xf32, #tpu.memory_space<vmem_shared>> -> memref<51200x16xf32, #tpu.memory_space<vmem_shared>>
        tpu.wait_indirect_dma semaphore(%run_scoped3A : memref<!tpu.dma_semaphore, #tpu.memory_space<semaphore_mem>>) src(%arg9 : memref<128x16xf32, #tpu.memory_space<vmem>>) dst(%dma_wait3A_148 : memref<51200x16xf32, #tpu.memory_space<vmem_shared>>)
        tpu.yield
      }) : () -> ()
      %scan3A_136 = arith.constant 0 : i32
      scf.yield %scan3A_136 : i32
    }
    %scan3A_35 = arith.constant 100 : i32
    %mul3A_36 = arith.constant 400 : i32
    %mul3A_37 = arith.muli %add3A, %mul3A_36 : i32
    %add3A_38 = arith.constant 200 : i32
    %add3A_39 = arith.addi %mul3A_37, %add3A_38 : i32
    "tpu.region"() ({
      %run_scoped3A = tpu.sem_alloc : memref<!tpu.dma_semaphore, #tpu.memory_space<semaphore_mem>>
      %dma_start3A_106 = arith.constant 0 : i32
      %dma_start3A_107 = tpu.memref_slice %arg2[%add3A_39, %dma_start3A_106] : memref<12800x128xi32, #tpu.memory_space<hbm>> -> memref<200x128xi32, #tpu.memory_space<hbm>>
      %dma_start3A_108 = arith.constant 0 : i32
      %dma_start3A_109 = tpu.memref_slice %arg2[%add3A_39, %dma_start3A_108] : memref<12800x128xi32, #tpu.memory_space<hbm>> -> memref<200x128xi32, #tpu.memory_space<hbm>>
      tpu.enqueue_dma source(%dma_start3A_109 : memref<200x128xi32, #tpu.memory_space<hbm>>) target(%arg6 : memref<200x128xi32, #tpu.memory_space<vmem>>) target_semaphore(%run_scoped3A : memref<!tpu.dma_semaphore, #tpu.memory_space<semaphore_mem>>)
      %dma_wait3A_110 = arith.constant 0 : i32
      %dma_wait3A_111 = tpu.memref_slice %arg2[%add3A_39, %dma_wait3A_110] : memref<12800x128xi32, #tpu.memory_space<hbm>> -> memref<200x128xi32, #tpu.memory_space<hbm>>
      %dma_wait3A_112 = arith.constant 0 : i32
      %dma_wait3A_113 = tpu.memref_slice %arg2[%add3A_39, %dma_wait3A_112] : memref<12800x128xi32, #tpu.memory_space<hbm>> -> memref<200x128xi32, #tpu.memory_space<hbm>>
      tpu.wait_dma2 semaphore(%run_scoped3A : memref<!tpu.dma_semaphore, #tpu.memory_space<semaphore_mem>>) src(%dma_wait3A_113 : memref<200x128xi32, #tpu.memory_space<hbm>>) dst(%arg6 : memref<200x128xi32, #tpu.memory_space<vmem>>)
      tpu.yield
    }) : () -> ()
    %mul3A_40 = arith.constant 400 : i32
    %mul3A_41 = arith.muli %add3A, %mul3A_40 : i32
    %add3A_42 = arith.constant 200 : i32
    %add3A_43 = arith.addi %mul3A_41, %add3A_42 : i32
    "tpu.region"() ({
      %run_scoped3A = tpu.sem_alloc : memref<!tpu.dma_semaphore, #tpu.memory_space<semaphore_mem>>
      %dma_start3A_106 = arith.constant 0 : i32
      %dma_start3A_107 = tpu.memref_slice %arg3[%add3A_43, %dma_start3A_106] : memref<12800x128xi32, #tpu.memory_space<hbm>> -> memref<200x128xi32, #tpu.memory_space<hbm>>
      %dma_start3A_108 = arith.constant 0 : i32
      %dma_start3A_109 = tpu.memref_slice %arg3[%add3A_43, %dma_start3A_108] : memref<12800x128xi32, #tpu.memory_space<hbm>> -> memref<200x128xi32, #tpu.memory_space<hbm>>
      tpu.enqueue_dma source(%dma_start3A_109 : memref<200x128xi32, #tpu.memory_space<hbm>>) target(%arg7 : memref<200x128xi32, #tpu.memory_space<vmem>>) target_semaphore(%run_scoped3A : memref<!tpu.dma_semaphore, #tpu.memory_space<semaphore_mem>>)
      %dma_wait3A_110 = arith.constant 0 : i32
      %dma_wait3A_111 = tpu.memref_slice %arg3[%add3A_43, %dma_wait3A_110] : memref<12800x128xi32, #tpu.memory_space<hbm>> -> memref<200x128xi32, #tpu.memory_space<hbm>>
      %dma_wait3A_112 = arith.constant 0 : i32
      %dma_wait3A_113 = tpu.memref_slice %arg3[%add3A_43, %dma_wait3A_112] : memref<12800x128xi32, #tpu.memory_space<hbm>> -> memref<200x128xi32, #tpu.memory_space<hbm>>
      tpu.wait_dma2 semaphore(%run_scoped3A : memref<!tpu.dma_semaphore, #tpu.memory_space<semaphore_mem>>) src(%dma_wait3A_113 : memref<200x128xi32, #tpu.memory_space<hbm>>) dst(%arg7 : memref<200x128xi32, #tpu.memory_space<vmem>>)
      tpu.yield
    }) : () -> ()
    %dma_start3A_44 = arith.constant 0 : i32
    %dma_start3A_45 = arith.constant 0 : i32
    %dma_start3A_46 = tpu.memref_slice %arg6[%dma_start3A_44, %dma_start3A_45] : memref<200x128xi32, #tpu.memory_space<vmem>> -> memref<1x128xi32, #tpu.memory_space<vmem>>
    %dma_start3A_47 = tpu.memref_squeeze %dma_start3A_46 : memref<1x128xi32, #tpu.memory_space<vmem>> -> memref<128xi32, #tpu.memory_space<vmem>>
    %dma_start3A_48 = arith.constant 0 : i32
    %dma_start3A_49 = arith.constant 0 : i32
    %dma_start3A_50 = tpu.memref_slice %arg4[%dma_start3A_48, %dma_start3A_49] : memref<200000x16xf32, #tpu.memory_space<hbm>> -> memref<200000x16xf32, #tpu.memory_space<hbm>>
    tpu.enqueue_indirect_dma source(%dma_start3A_50 : memref<200000x16xf32, #tpu.memory_space<hbm>>) target(%arg8 : memref<128x16xf32, #tpu.memory_space<vmem>>) offsets(%dma_start3A_47 : memref<128xi32, #tpu.memory_space<vmem>>) semaphore(%arg11 : memref<!tpu.dma_semaphore, #tpu.memory_space<semaphore_mem>>)
    %scan3A_51 = arith.constant 0 : i32
    %scan3A_52 = arith.constant 0 : i32
    %scan3A_53 = arith.constant 100 : i32
    %scan3A_54 = arith.addi %scan3A_52, %scan3A_53 : i32
    %scan3A_55 = arith.constant 1 : i32
    %scan3A_56 = scf.for %scan3A_106 = %scan3A_52 to %scan3A_54 step %scan3A_55 iter_args(%scan3A_107 = %scan3A_51) -> (i32)  : i32 {
      %mul3A_108 = arith.constant 2 : i32
      %mul3A_109 = arith.muli %mul3A_108, %scan3A_106 : i32
      %add3A_110 = arith.constant 1 : i32
      %add3A_111 = arith.addi %mul3A_109, %add3A_110 : i32
      %dma_start3A_112 = arith.constant 0 : i32
      %dma_start3A_113 = tpu.memref_slice %arg6[%add3A_111, %dma_start3A_112] : memref<200x128xi32, #tpu.memory_space<vmem>> -> memref<1x128xi32, #tpu.memory_space<vmem>>
      %dma_start3A_114 = tpu.memref_squeeze %dma_start3A_113 : memref<1x128xi32, #tpu.memory_space<vmem>> -> memref<128xi32, #tpu.memory_space<vmem>>
      %dma_start3A_115 = arith.constant 0 : i32
      %dma_start3A_116 = arith.constant 0 : i32
      %dma_start3A_117 = tpu.memref_slice %arg4[%dma_start3A_115, %dma_start3A_116] : memref<200000x16xf32, #tpu.memory_space<hbm>> -> memref<200000x16xf32, #tpu.memory_space<hbm>>
      tpu.enqueue_indirect_dma source(%dma_start3A_117 : memref<200000x16xf32, #tpu.memory_space<hbm>>) target(%arg9 : memref<128x16xf32, #tpu.memory_space<vmem>>) offsets(%dma_start3A_114 : memref<128xi32, #tpu.memory_space<vmem>>) semaphore(%arg12 : memref<!tpu.dma_semaphore, #tpu.memory_space<semaphore_mem>>)
      %dma_wait3A_118 = arith.constant 0 : i32
      %dma_wait3A_119 = tpu.memref_slice %arg6[%mul3A_109, %dma_wait3A_118] : memref<200x128xi32, #tpu.memory_space<vmem>> -> memref<1x128xi32, #tpu.memory_space<vmem>>
      %dma_wait3A_120 = tpu.memref_squeeze %dma_wait3A_119 : memref<1x128xi32, #tpu.memory_space<vmem>> -> memref<128xi32, #tpu.memory_space<vmem>>
      %dma_wait3A_121 = arith.constant 0 : i32
      %dma_wait3A_122 = arith.constant 0 : i32
      %dma_wait3A_123 = tpu.memref_slice %arg4[%dma_wait3A_121, %dma_wait3A_122] : memref<200000x16xf32, #tpu.memory_space<hbm>> -> memref<200000x16xf32, #tpu.memory_space<hbm>>
      tpu.wait_indirect_dma semaphore(%arg11 : memref<!tpu.dma_semaphore, #tpu.memory_space<semaphore_mem>>) src(%dma_wait3A_123 : memref<200000x16xf32, #tpu.memory_space<hbm>>) dst(%arg8 : memref<128x16xf32, #tpu.memory_space<vmem>>)
      "tpu.region"() ({
        %run_scoped3A = tpu.sem_alloc : memref<!tpu.dma_semaphore, #tpu.memory_space<semaphore_mem>>
        %dma_start3A_137 = arith.constant 0 : i32
        %dma_start3A_138 = tpu.memref_slice %arg7[%mul3A_109, %dma_start3A_137] : memref<200x128xi32, #tpu.memory_space<vmem>> -> memref<1x128xi32, #tpu.memory_space<vmem>>
        %dma_start3A_139 = tpu.memref_squeeze %dma_start3A_138 : memref<1x128xi32, #tpu.memory_space<vmem>> -> memref<128xi32, #tpu.memory_space<vmem>>
        %dma_start3A_140 = arith.constant 0 : i32
        %dma_start3A_141 = arith.constant 0 : i32
        %dma_start3A_142 = tpu.memref_slice %arg10[%dma_start3A_140, %dma_start3A_141] : memref<51200x16xf32, #tpu.memory_space<vmem_shared>> -> memref<51200x16xf32, #tpu.memory_space<vmem_shared>>
        tpu.enqueue_indirect_dma source(%arg8 : memref<128x16xf32, #tpu.memory_space<vmem>>) target(%dma_start3A_142 : memref<51200x16xf32, #tpu.memory_space<vmem_shared>>) offsets(%dma_start3A_139 : memref<128xi32, #tpu.memory_space<vmem>>) semaphore(%run_scoped3A : memref<!tpu.dma_semaphore, #tpu.memory_space<semaphore_mem>>) {add = true}
        %dma_wait3A_143 = arith.constant 0 : i32
        %dma_wait3A_144 = tpu.memref_slice %arg7[%mul3A_109, %dma_wait3A_143] : memref<200x128xi32, #tpu.memory_space<vmem>> -> memref<1x128xi32, #tpu.memory_space<vmem>>
        %dma_wait3A_145 = tpu.memref_squeeze %dma_wait3A_144 : memref<1x128xi32, #tpu.memory_space<vmem>> -> memref<128xi32, #tpu.memory_space<vmem>>
        %dma_wait3A_146 = arith.constant 0 : i32
        %dma_wait3A_147 = arith.constant 0 : i32
        %dma_wait3A_148 = tpu.memref_slice %arg10[%dma_wait3A_146, %dma_wait3A_147] : memref<51200x16xf32, #tpu.memory_space<vmem_shared>> -> memref<51200x16xf32, #tpu.memory_space<vmem_shared>>
        tpu.wait_indirect_dma semaphore(%run_scoped3A : memref<!tpu.dma_semaphore, #tpu.memory_space<semaphore_mem>>) src(%arg8 : memref<128x16xf32, #tpu.memory_space<vmem>>) dst(%dma_wait3A_148 : memref<51200x16xf32, #tpu.memory_space<vmem_shared>>)
        tpu.yield
      }) : () -> ()
      %lt3A = arith.constant 99 : i32
      %lt3A_124 = arith.cmpi slt, %scan3A_106, %lt3A : i32
      %convert_element_type3A = arith.extui %lt3A_124 : i1 to i32
      %cond3A = arith.constant 0 : i32
      %cond3A_125 = arith.cmpi ne, %convert_element_type3A, %cond3A : i32
      scf.if %cond3A_125 {
        %add3A_137 = arith.constant 2 : i32
        %add3A_138 = arith.addi %mul3A_109, %add3A_137 : i32
        %dma_start3A_139 = arith.constant 0 : i32
        %dma_start3A_140 = tpu.memref_slice %arg6[%add3A_138, %dma_start3A_139] : memref<200x128xi32, #tpu.memory_space<vmem>> -> memref<1x128xi32, #tpu.memory_space<vmem>>
        %dma_start3A_141 = tpu.memref_squeeze %dma_start3A_140 : memref<1x128xi32, #tpu.memory_space<vmem>> -> memref<128xi32, #tpu.memory_space<vmem>>
        %dma_start3A_142 = arith.constant 0 : i32
        %dma_start3A_143 = arith.constant 0 : i32
        %dma_start3A_144 = tpu.memref_slice %arg4[%dma_start3A_142, %dma_start3A_143] : memref<200000x16xf32, #tpu.memory_space<hbm>> -> memref<200000x16xf32, #tpu.memory_space<hbm>>
        tpu.enqueue_indirect_dma source(%dma_start3A_144 : memref<200000x16xf32, #tpu.memory_space<hbm>>) target(%arg8 : memref<128x16xf32, #tpu.memory_space<vmem>>) offsets(%dma_start3A_141 : memref<128xi32, #tpu.memory_space<vmem>>) semaphore(%arg11 : memref<!tpu.dma_semaphore, #tpu.memory_space<semaphore_mem>>)
      } else {
      }
      %add3A_126 = arith.constant 1 : i32
      %add3A_127 = arith.addi %mul3A_109, %add3A_126 : i32
      %dma_wait3A_128 = arith.constant 0 : i32
      %dma_wait3A_129 = tpu.memref_slice %arg6[%add3A_127, %dma_wait3A_128] : memref<200x128xi32, #tpu.memory_space<vmem>> -> memref<1x128xi32, #tpu.memory_space<vmem>>
      %dma_wait3A_130 = tpu.memref_squeeze %dma_wait3A_129 : memref<1x128xi32, #tpu.memory_space<vmem>> -> memref<128xi32, #tpu.memory_space<vmem>>
      %dma_wait3A_131 = arith.constant 0 : i32
      %dma_wait3A_132 = arith.constant 0 : i32
      %dma_wait3A_133 = tpu.memref_slice %arg4[%dma_wait3A_131, %dma_wait3A_132] : memref<200000x16xf32, #tpu.memory_space<hbm>> -> memref<200000x16xf32, #tpu.memory_space<hbm>>
      tpu.wait_indirect_dma semaphore(%arg12 : memref<!tpu.dma_semaphore, #tpu.memory_space<semaphore_mem>>) src(%dma_wait3A_133 : memref<200000x16xf32, #tpu.memory_space<hbm>>) dst(%arg9 : memref<128x16xf32, #tpu.memory_space<vmem>>)
      %add3A_134 = arith.constant 1 : i32
      %add3A_135 = arith.addi %mul3A_109, %add3A_134 : i32
      "tpu.region"() ({
        %run_scoped3A = tpu.sem_alloc : memref<!tpu.dma_semaphore, #tpu.memory_space<semaphore_mem>>
        %dma_start3A_137 = arith.constant 0 : i32
        %dma_start3A_138 = tpu.memref_slice %arg7[%add3A_135, %dma_start3A_137] : memref<200x128xi32, #tpu.memory_space<vmem>> -> memref<1x128xi32, #tpu.memory_space<vmem>>
        %dma_start3A_139 = tpu.memref_squeeze %dma_start3A_138 : memref<1x128xi32, #tpu.memory_space<vmem>> -> memref<128xi32, #tpu.memory_space<vmem>>
        %dma_start3A_140 = arith.constant 0 : i32
        %dma_start3A_141 = arith.constant 0 : i32
        %dma_start3A_142 = tpu.memref_slice %arg10[%dma_start3A_140, %dma_start3A_141] : memref<51200x16xf32, #tpu.memory_space<vmem_shared>> -> memref<51200x16xf32, #tpu.memory_space<vmem_shared>>
        tpu.enqueue_indirect_dma source(%arg9 : memref<128x16xf32, #tpu.memory_space<vmem>>) target(%dma_start3A_142 : memref<51200x16xf32, #tpu.memory_space<vmem_shared>>) offsets(%dma_start3A_139 : memref<128xi32, #tpu.memory_space<vmem>>) semaphore(%run_scoped3A : memref<!tpu.dma_semaphore, #tpu.memory_space<semaphore_mem>>) {add = true}
        %dma_wait3A_143 = arith.constant 0 : i32
        %dma_wait3A_144 = tpu.memref_slice %arg7[%add3A_135, %dma_wait3A_143] : memref<200x128xi32, #tpu.memory_space<vmem>> -> memref<1x128xi32, #tpu.memory_space<vmem>>
        %dma_wait3A_145 = tpu.memref_squeeze %dma_wait3A_144 : memref<1x128xi32, #tpu.memory_space<vmem>> -> memref<128xi32, #tpu.memory_space<vmem>>
        %dma_wait3A_146 = arith.constant 0 : i32
        %dma_wait3A_147 = arith.constant 0 : i32
        %dma_wait3A_148 = tpu.memref_slice %arg10[%dma_wait3A_146, %dma_wait3A_147] : memref<51200x16xf32, #tpu.memory_space<vmem_shared>> -> memref<51200x16xf32, #tpu.memory_space<vmem_shared>>
        tpu.wait_indirect_dma semaphore(%run_scoped3A : memref<!tpu.dma_semaphore, #tpu.memory_space<semaphore_mem>>) src(%arg9 : memref<128x16xf32, #tpu.memory_space<vmem>>) dst(%dma_wait3A_148 : memref<51200x16xf32, #tpu.memory_space<vmem_shared>>)
        tpu.yield
      }) : () -> ()
      %scan3A_136 = arith.constant 0 : i32
      scf.yield %scan3A_136 : i32
    }
    %scan3A_57 = arith.constant 100 : i32
    %barrier3A_58 = arith.constant 0 : index
    tpu.barrier barrier_id(%barrier3A_58)
    %mul3A_59 = arith.constant 3200 : i32
    %mul3A_60 = arith.muli %arg1, %mul3A_59 : i32
    %add3A_61 = arith.constant 0 : i32
    %add3A_62 = arith.addi %mul3A_60, %add3A_61 : i32
    "tpu.region"() ({
      %run_scoped3A = tpu.sem_alloc : memref<!tpu.dma_semaphore, #tpu.memory_space<semaphore_mem>>
      %dma_start3A_106 = arith.constant 0 : i32
      %dma_start3A_107 = tpu.memref_slice %arg10[%add3A_62, %dma_start3A_106] : memref<51200x16xf32, #tpu.memory_space<vmem_shared>> -> memref<128x16xf32, #tpu.memory_space<vmem_shared>>
      %dma_start3A_108 = arith.constant 0 : i32
      %dma_start3A_109 = tpu.memref_slice %arg10[%add3A_62, %dma_start3A_108] : memref<51200x16xf32, #tpu.memory_space<vmem_shared>> -> memref<128x16xf32, #tpu.memory_space<vmem_shared>>
      tpu.enqueue_dma source(%dma_start3A_109 : memref<128x16xf32, #tpu.memory_space<vmem_shared>>) target(%arg8 : memref<128x16xf32, #tpu.memory_space<vmem>>) target_semaphore(%run_scoped3A : memref<!tpu.dma_semaphore, #tpu.memory_space<semaphore_mem>>)
      %dma_wait3A_110 = arith.constant 0 : i32
      %dma_wait3A_111 = tpu.memref_slice %arg10[%add3A_62, %dma_wait3A_110] : memref<51200x16xf32, #tpu.memory_space<vmem_shared>> -> memref<128x16xf32, #tpu.memory_space<vmem_shared>>
      %dma_wait3A_112 = arith.constant 0 : i32
      %dma_wait3A_113 = tpu.memref_slice %arg10[%add3A_62, %dma_wait3A_112] : memref<51200x16xf32, #tpu.memory_space<vmem_shared>> -> memref<128x16xf32, #tpu.memory_space<vmem_shared>>
      tpu.wait_dma2 semaphore(%run_scoped3A : memref<!tpu.dma_semaphore, #tpu.memory_space<semaphore_mem>>) src(%dma_wait3A_113 : memref<128x16xf32, #tpu.memory_space<vmem_shared>>) dst(%arg8 : memref<128x16xf32, #tpu.memory_space<vmem>>)
      tpu.yield
    }) : () -> ()
    %mul3A_63 = arith.constant 51200 : i32
    %mul3A_64 = arith.muli %arg0, %mul3A_63 : i32
    %mul3A_65 = arith.constant 3200 : i32
    %mul3A_66 = arith.muli %arg1, %mul3A_65 : i32
    %add3A_67 = arith.addi %mul3A_64, %mul3A_66 : i32
    %add3A_68 = arith.constant 0 : i32
    %add3A_69 = arith.addi %add3A_67, %add3A_68 : i32
    %dma_start3A_70 = arith.constant 0 : i32
    %dma_start3A_71 = tpu.memref_slice %arg5[%add3A_69, %dma_start3A_70] : memref<102400x16xf32, #tpu.memory_space<hbm>> -> memref<128x16xf32, #tpu.memory_space<hbm>>
    %dma_start3A_72 = arith.constant 0 : i32
    %dma_start3A_73 = tpu.memref_slice %arg5[%add3A_69, %dma_start3A_72] : memref<102400x16xf32, #tpu.memory_space<hbm>> -> memref<128x16xf32, #tpu.memory_space<hbm>>
    tpu.enqueue_dma source(%arg8 : memref<128x16xf32, #tpu.memory_space<vmem>>) target(%dma_start3A_73 : memref<128x16xf32, #tpu.memory_space<hbm>>) target_semaphore(%arg11 : memref<!tpu.dma_semaphore, #tpu.memory_space<semaphore_mem>>)
    %scan3A_74 = arith.constant 0 : i32
    %scan3A_75 = arith.constant 0 : i32
    %scan3A_76 = arith.constant 12 : i32
    %scan3A_77 = arith.addi %scan3A_75, %scan3A_76 : i32
    %scan3A_78 = arith.constant 1 : i32
    %scan3A_79 = scf.for %scan3A_106 = %scan3A_75 to %scan3A_77 step %scan3A_78 iter_args(%scan3A_107 = %scan3A_74) -> (i32)  : i32 {
      %mul3A_108 = arith.constant 2 : i32
      %mul3A_109 = arith.muli %mul3A_108, %scan3A_106 : i32
      %add3A_110 = arith.constant 1 : i32
      %add3A_111 = arith.addi %mul3A_109, %add3A_110 : i32
      %mul3A_112 = arith.constant 3200 : i32
      %mul3A_113 = arith.muli %arg1, %mul3A_112 : i32
      %mul3A_114 = arith.constant 128 : i32
      %mul3A_115 = arith.muli %add3A_111, %mul3A_114 : i32
      %add3A_116 = arith.addi %mul3A_113, %mul3A_115 : i32
      "tpu.region"() ({
        %run_scoped3A = tpu.sem_alloc : memref<!tpu.dma_semaphore, #tpu.memory_space<semaphore_mem>>
        %dma_start3A_158 = arith.constant 0 : i32
        %dma_start3A_159 = tpu.memref_slice %arg10[%add3A_116, %dma_start3A_158] : memref<51200x16xf32, #tpu.memory_space<vmem_shared>> -> memref<128x16xf32, #tpu.memory_space<vmem_shared>>
        %dma_start3A_160 = arith.constant 0 : i32
        %dma_start3A_161 = tpu.memref_slice %arg10[%add3A_116, %dma_start3A_160] : memref<51200x16xf32, #tpu.memory_space<vmem_shared>> -> memref<128x16xf32, #tpu.memory_space<vmem_shared>>
        tpu.enqueue_dma source(%dma_start3A_161 : memref<128x16xf32, #tpu.memory_space<vmem_shared>>) target(%arg9 : memref<128x16xf32, #tpu.memory_space<vmem>>) target_semaphore(%run_scoped3A : memref<!tpu.dma_semaphore, #tpu.memory_space<semaphore_mem>>)
        %dma_wait3A_162 = arith.constant 0 : i32
        %dma_wait3A_163 = tpu.memref_slice %arg10[%add3A_116, %dma_wait3A_162] : memref<51200x16xf32, #tpu.memory_space<vmem_shared>> -> memref<128x16xf32, #tpu.memory_space<vmem_shared>>
        %dma_wait3A_164 = arith.constant 0 : i32
        %dma_wait3A_165 = tpu.memref_slice %arg10[%add3A_116, %dma_wait3A_164] : memref<51200x16xf32, #tpu.memory_space<vmem_shared>> -> memref<128x16xf32, #tpu.memory_space<vmem_shared>>
        tpu.wait_dma2 semaphore(%run_scoped3A : memref<!tpu.dma_semaphore, #tpu.memory_space<semaphore_mem>>) src(%dma_wait3A_165 : memref<128x16xf32, #tpu.memory_space<vmem_shared>>) dst(%arg9 : memref<128x16xf32, #tpu.memory_space<vmem>>)
        tpu.yield
      }) : () -> ()
      %mul3A_117 = arith.constant 51200 : i32
      %mul3A_118 = arith.muli %arg0, %mul3A_117 : i32
      %mul3A_119 = arith.constant 3200 : i32
      %mul3A_120 = arith.muli %arg1, %mul3A_119 : i32
      %add3A_121 = arith.addi %mul3A_118, %mul3A_120 : i32
      %mul3A_122 = arith.constant 128 : i32
      %mul3A_123 = arith.muli %add3A_111, %mul3A_122 : i32
      %add3A_124 = arith.addi %add3A_121, %mul3A_123 : i32
      %dma_start3A_125 = arith.constant 0 : i32
      %dma_start3A_126 = tpu.memref_slice %arg5[%add3A_124, %dma_start3A_125] : memref<102400x16xf32, #tpu.memory_space<hbm>> -> memref<128x16xf32, #tpu.memory_space<hbm>>
      %dma_start3A_127 = arith.constant 0 : i32
      %dma_start3A_128 = tpu.memref_slice %arg5[%add3A_124, %dma_start3A_127] : memref<102400x16xf32, #tpu.memory_space<hbm>> -> memref<128x16xf32, #tpu.memory_space<hbm>>
      tpu.enqueue_dma source(%arg9 : memref<128x16xf32, #tpu.memory_space<vmem>>) target(%dma_start3A_128 : memref<128x16xf32, #tpu.memory_space<hbm>>) target_semaphore(%arg12 : memref<!tpu.dma_semaphore, #tpu.memory_space<semaphore_mem>>)
      %mul3A_129 = arith.constant 51200 : i32
      %mul3A_130 = arith.muli %arg0, %mul3A_129 : i32
      %mul3A_131 = arith.constant 3200 : i32
      %mul3A_132 = arith.muli %arg1, %mul3A_131 : i32
      %add3A_133 = arith.addi %mul3A_130, %mul3A_132 : i32
      %mul3A_134 = arith.constant 128 : i32
      %mul3A_135 = arith.muli %mul3A_109, %mul3A_134 : i32
      %add3A_136 = arith.addi %add3A_133, %mul3A_135 : i32
      %dma_wait3A_137 = arith.constant 0 : i32
      %dma_wait3A_138 = tpu.memref_slice %arg5[%add3A_136, %dma_wait3A_137] : memref<102400x16xf32, #tpu.memory_space<hbm>> -> memref<128x16xf32, #tpu.memory_space<hbm>>
      %dma_wait3A_139 = arith.constant 0 : i32
      %dma_wait3A_140 = tpu.memref_slice %arg5[%add3A_136, %dma_wait3A_139] : memref<102400x16xf32, #tpu.memory_space<hbm>> -> memref<128x16xf32, #tpu.memory_space<hbm>>
      tpu.wait_dma2 semaphore(%arg11 : memref<!tpu.dma_semaphore, #tpu.memory_space<semaphore_mem>>) src(%arg8 : memref<128x16xf32, #tpu.memory_space<vmem>>) dst(%dma_wait3A_140 : memref<128x16xf32, #tpu.memory_space<hbm>>)
      %lt3A = arith.constant 11 : i32
      %lt3A_141 = arith.cmpi slt, %scan3A_106, %lt3A : i32
      %convert_element_type3A = arith.extui %lt3A_141 : i1 to i32
      %cond3A = arith.constant 0 : i32
      %cond3A_142 = arith.cmpi ne, %convert_element_type3A, %cond3A : i32
      scf.if %cond3A_142 {
        %add3A_158 = arith.constant 2 : i32
        %add3A_159 = arith.addi %mul3A_109, %add3A_158 : i32
        %mul3A_160 = arith.constant 3200 : i32
        %mul3A_161 = arith.muli %arg1, %mul3A_160 : i32
        %mul3A_162 = arith.constant 128 : i32
        %mul3A_163 = arith.muli %add3A_159, %mul3A_162 : i32
        %add3A_164 = arith.addi %mul3A_161, %mul3A_163 : i32
        "tpu.region"() ({
          %run_scoped3A = tpu.sem_alloc : memref<!tpu.dma_semaphore, #tpu.memory_space<semaphore_mem>>
          %dma_start3A_177 = arith.constant 0 : i32
          %dma_start3A_178 = tpu.memref_slice %arg10[%add3A_164, %dma_start3A_177] : memref<51200x16xf32, #tpu.memory_space<vmem_shared>> -> memref<128x16xf32, #tpu.memory_space<vmem_shared>>
          %dma_start3A_179 = arith.constant 0 : i32
          %dma_start3A_180 = tpu.memref_slice %arg10[%add3A_164, %dma_start3A_179] : memref<51200x16xf32, #tpu.memory_space<vmem_shared>> -> memref<128x16xf32, #tpu.memory_space<vmem_shared>>
          tpu.enqueue_dma source(%dma_start3A_180 : memref<128x16xf32, #tpu.memory_space<vmem_shared>>) target(%arg8 : memref<128x16xf32, #tpu.memory_space<vmem>>) target_semaphore(%run_scoped3A : memref<!tpu.dma_semaphore, #tpu.memory_space<semaphore_mem>>)
          %dma_wait3A_181 = arith.constant 0 : i32
          %dma_wait3A_182 = tpu.memref_slice %arg10[%add3A_164, %dma_wait3A_181] : memref<51200x16xf32, #tpu.memory_space<vmem_shared>> -> memref<128x16xf32, #tpu.memory_space<vmem_shared>>
          %dma_wait3A_183 = arith.constant 0 : i32
          %dma_wait3A_184 = tpu.memref_slice %arg10[%add3A_164, %dma_wait3A_183] : memref<51200x16xf32, #tpu.memory_space<vmem_shared>> -> memref<128x16xf32, #tpu.memory_space<vmem_shared>>
          tpu.wait_dma2 semaphore(%run_scoped3A : memref<!tpu.dma_semaphore, #tpu.memory_space<semaphore_mem>>) src(%dma_wait3A_184 : memref<128x16xf32, #tpu.memory_space<vmem_shared>>) dst(%arg8 : memref<128x16xf32, #tpu.memory_space<vmem>>)
          tpu.yield
        }) : () -> ()
        %mul3A_165 = arith.constant 51200 : i32
        %mul3A_166 = arith.muli %arg0, %mul3A_165 : i32
        %mul3A_167 = arith.constant 3200 : i32
        %mul3A_168 = arith.muli %arg1, %mul3A_167 : i32
        %add3A_169 = arith.addi %mul3A_166, %mul3A_168 : i32
        %mul3A_170 = arith.constant 128 : i32
        %mul3A_171 = arith.muli %add3A_159, %mul3A_170 : i32
        %add3A_172 = arith.addi %add3A_169, %mul3A_171 : i32
        %dma_start3A_173 = arith.constant 0 : i32
        %dma_start3A_174 = tpu.memref_slice %arg5[%add3A_172, %dma_start3A_173] : memref<102400x16xf32, #tpu.memory_space<hbm>> -> memref<128x16xf32, #tpu.memory_space<hbm>>
        %dma_start3A_175 = arith.constant 0 : i32
        %dma_start3A_176 = tpu.memref_slice %arg5[%add3A_172, %dma_start3A_175] : memref<102400x16xf32, #tpu.memory_space<hbm>> -> memref<128x16xf32, #tpu.memory_space<hbm>>
        tpu.enqueue_dma source(%arg8 : memref<128x16xf32, #tpu.memory_space<vmem>>) target(%dma_start3A_176 : memref<128x16xf32, #tpu.memory_space<hbm>>) target_semaphore(%arg11 : memref<!tpu.dma_semaphore, #tpu.memory_space<semaphore_mem>>)
      } else {
      }
      %add3A_143 = arith.constant 1 : i32
      %add3A_144 = arith.addi %mul3A_109, %add3A_143 : i32
      %mul3A_145 = arith.constant 51200 : i32
      %mul3A_146 = arith.muli %arg0, %mul3A_145 : i32
      %mul3A_147 = arith.constant 3200 : i32
      %mul3A_148 = arith.muli %arg1, %mul3A_147 : i32
      %add3A_149 = arith.addi %mul3A_146, %mul3A_148 : i32
      %mul3A_150 = arith.constant 128 : i32
      %mul3A_151 = arith.muli %add3A_144, %mul3A_150 : i32
      %add3A_152 = arith.addi %add3A_149, %mul3A_151 : i32
      %dma_wait3A_153 = arith.constant 0 : i32
      %dma_wait3A_154 = tpu.memref_slice %arg5[%add3A_152, %dma_wait3A_153] : memref<102400x16xf32, #tpu.memory_space<hbm>> -> memref<128x16xf32, #tpu.memory_space<hbm>>
      %dma_wait3A_155 = arith.constant 0 : i32
      %dma_wait3A_156 = tpu.memref_slice %arg5[%add3A_152, %dma_wait3A_155] : memref<102400x16xf32, #tpu.memory_space<hbm>> -> memref<128x16xf32, #tpu.memory_space<hbm>>
      tpu.wait_dma2 semaphore(%arg12 : memref<!tpu.dma_semaphore, #tpu.memory_space<semaphore_mem>>) src(%arg9 : memref<128x16xf32, #tpu.memory_space<vmem>>) dst(%dma_wait3A_156 : memref<128x16xf32, #tpu.memory_space<hbm>>)
      %scan3A_157 = arith.constant 0 : i32
      scf.yield %scan3A_157 : i32
    }
    %scan3A_80 = arith.constant 12 : i32
    %mul3A_81 = arith.constant 3200 : i32
    %mul3A_82 = arith.muli %arg1, %mul3A_81 : i32
    %add3A_83 = arith.constant 3072 : i32
    %add3A_84 = arith.addi %mul3A_82, %add3A_83 : i32
    "tpu.region"() ({
      %run_scoped3A = tpu.sem_alloc : memref<!tpu.dma_semaphore, #tpu.memory_space<semaphore_mem>>
      %dma_start3A_106 = arith.constant 0 : i32
      %dma_start3A_107 = tpu.memref_slice %arg10[%add3A_84, %dma_start3A_106] : memref<51200x16xf32, #tpu.memory_space<vmem_shared>> -> memref<128x16xf32, #tpu.memory_space<vmem_shared>>
      %dma_start3A_108 = arith.constant 0 : i32
      %dma_start3A_109 = tpu.memref_slice %arg10[%add3A_84, %dma_start3A_108] : memref<51200x16xf32, #tpu.memory_space<vmem_shared>> -> memref<128x16xf32, #tpu.memory_space<vmem_shared>>
      tpu.enqueue_dma source(%dma_start3A_109 : memref<128x16xf32, #tpu.memory_space<vmem_shared>>) target(%arg8 : memref<128x16xf32, #tpu.memory_space<vmem>>) target_semaphore(%run_scoped3A : memref<!tpu.dma_semaphore, #tpu.memory_space<semaphore_mem>>)
      %dma_wait3A_110 = arith.constant 0 : i32
      %dma_wait3A_111 = tpu.memref_slice %arg10[%add3A_84, %dma_wait3A_110] : memref<51200x16xf32, #tpu.memory_space<vmem_shared>> -> memref<128x16xf32, #tpu.memory_space<vmem_shared>>
      %dma_wait3A_112 = arith.constant 0 : i32
      %dma_wait3A_113 = tpu.memref_slice %arg10[%add3A_84, %dma_wait3A_112] : memref<51200x16xf32, #tpu.memory_space<vmem_shared>> -> memref<128x16xf32, #tpu.memory_space<vmem_shared>>
      tpu.wait_dma2 semaphore(%run_scoped3A : memref<!tpu.dma_semaphore, #tpu.memory_space<semaphore_mem>>) src(%dma_wait3A_113 : memref<128x16xf32, #tpu.memory_space<vmem_shared>>) dst(%arg8 : memref<128x16xf32, #tpu.memory_space<vmem>>)
      tpu.yield
    }) : () -> ()
    %mul3A_85 = arith.constant 51200 : i32
    %mul3A_86 = arith.muli %arg0, %mul3A_85 : i32
    %mul3A_87 = arith.constant 3200 : i32
    %mul3A_88 = arith.muli %arg1, %mul3A_87 : i32
    %add3A_89 = arith.addi %mul3A_86, %mul3A_88 : i32
    %add3A_90 = arith.constant 3072 : i32
    %add3A_91 = arith.addi %add3A_89, %add3A_90 : i32
    %dma_start3A_92 = arith.constant 0 : i32
    %dma_start3A_93 = tpu.memref_slice %arg5[%add3A_91, %dma_start3A_92] : memref<102400x16xf32, #tpu.memory_space<hbm>> -> memref<128x16xf32, #tpu.memory_space<hbm>>
    %dma_start3A_94 = arith.constant 0 : i32
    %dma_start3A_95 = tpu.memref_slice %arg5[%add3A_91, %dma_start3A_94] : memref<102400x16xf32, #tpu.memory_space<hbm>> -> memref<128x16xf32, #tpu.memory_space<hbm>>
    tpu.enqueue_dma source(%arg8 : memref<128x16xf32, #tpu.memory_space<vmem>>) target(%dma_start3A_95 : memref<128x16xf32, #tpu.memory_space<hbm>>) target_semaphore(%arg11 : memref<!tpu.dma_semaphore, #tpu.memory_space<semaphore_mem>>)
    %mul3A_96 = arith.constant 51200 : i32
    %mul3A_97 = arith.muli %arg0, %mul3A_96 : i32
    %mul3A_98 = arith.constant 3200 : i32
    %mul3A_99 = arith.muli %arg1, %mul3A_98 : i32
    %add3A_100 = arith.addi %mul3A_97, %mul3A_99 : i32
    %add3A_101 = arith.constant 3072 : i32
    %add3A_102 = arith.addi %add3A_100, %add3A_101 : i32
    %dma_wait3A = arith.constant 0 : i32
    %dma_wait3A_103 = tpu.memref_slice %arg5[%add3A_102, %dma_wait3A] : memref<102400x16xf32, #tpu.memory_space<hbm>> -> memref<128x16xf32, #tpu.memory_space<hbm>>
    %dma_wait3A_104 = arith.constant 0 : i32
    %dma_wait3A_105 = tpu.memref_slice %arg5[%add3A_102, %dma_wait3A_104] : memref<102400x16xf32, #tpu.memory_space<hbm>> -> memref<128x16xf32, #tpu.memory_space<hbm>>
    tpu.wait_dma2 semaphore(%arg11 : memref<!tpu.dma_semaphore, #tpu.memory_space<semaphore_mem>>) src(%arg8 : memref<128x16xf32, #tpu.memory_space<vmem>>) dst(%dma_wait3A_105 : memref<128x16xf32, #tpu.memory_space<hbm>>)
    return
  }
}

#map = affine_map<(d0, d1) -> (0, 0)>
module attributes {stable_mosaic.version = 14 : i64} {
  func.func @_pool_kernel(%arg0: i32, %arg1: i32, %arg2: memref<100000x32xf32, #tpu.memory_space<hbm>>, %arg3: memref<800x128xi32, #tpu.memory_space<hbm>>, %arg4: memref<1024x32xf32, #tpu.memory_space<hbm>>, %arg5: memref<512x16xf32, #tpu.memory_space<hbm>>, %arg6: memref<25x128xi32, #tpu.memory_space<vmem>>, %arg7: memref<128x32xf32, #tpu.memory_space<vmem>>, %arg8: memref<128x16xf32, #tpu.memory_space<vmem>>, %arg9: memref<40x32xf32, #tpu.memory_space<vmem>>, %arg10: memref<40x16xf32, #tpu.memory_space<vmem>>, %arg11: memref<32x32xf32, #tpu.memory_space<vmem>>, %arg12: memref<32x16xf32, #tpu.memory_space<vmem>>, %arg13: memref<640x32xf32, #tpu.memory_space<vmem_shared>>, %arg14: memref<640x16xf32, #tpu.memory_space<vmem_shared>>) attributes {dimension_semantics = [#tpu.dimension_semantics<core_parallel>, #tpu.dimension_semantics<subcore_parallel>], iteration_bounds = array<i64: 2, 16>, scalar_prefetch = 0 : i64, scratch_operands = 9 : i64, tpu.core_type = #tpu.core_type<sc_vector_subcore>, window_params = [{transform_indices = #map}, {transform_indices = #map}, {transform_indices = #map}, {transform_indices = #map}]} {
    %mul3A = arith.constant 16 : i32
    %mul3A_0 = arith.muli %arg0, %mul3A : i32
    %add3A = arith.addi %mul3A_0, %arg1 : i32
    %mul3A_1 = arith.constant 50000 : i32
    %mul3A_2 = arith.muli %arg0, %mul3A_1 : i32
    %mul3A_3 = arith.constant 3125 : i32
    %mul3A_4 = arith.muli %arg1, %mul3A_3 : i32
    %add3A_5 = arith.addi %mul3A_2, %mul3A_4 : i32
    %broadcast_in_dim3A = arith.constant 0.000000e+00 : f32
    %broadcast_in_dim3A_6 = vector.broadcast %broadcast_in_dim3A : f32 to vector<16xf32>
    %broadcast_in_dim3A_7 = arith.constant 1.000000e+00 : f32
    %broadcast_in_dim3A_8 = vector.broadcast %broadcast_in_dim3A_7 : f32 to vector<16xf32>
    %scan3A = arith.constant 0 : i32
    %scan3A_9 = arith.constant 0 : i32
    %scan3A_10 = arith.constant 128 : i32
    %scan3A_11 = arith.addi %scan3A_9, %scan3A_10 : i32
    %scan3A_12 = arith.constant 1 : i32
    %scan3A_13 = scf.for %scan3A_303 = %scan3A_9 to %scan3A_11 step %scan3A_12 iter_args(%scan3A_304 = %scan3A) -> (i32)  : i32 {
      %swap3A_305 = arith.index_cast %scan3A_303 : i32 to index
      %swap3A_306 = arith.constant 0 : index
      %swap3A_307 = tpu.vector_load %arg8[%swap3A_305, %swap3A_306] {strides = array<i32>} : memref<128x16xf32, #tpu.memory_space<vmem>>, vector<1x16xf32>,
      %swap3A_308 = vector.shape_cast %swap3A_307 : vector<1x16xf32> to vector<16xf32>
      %swap3A_309 = vector.shape_cast %broadcast_in_dim3A_8 : vector<16xf32> to vector<1x16xf32>
      tpu.vector_store %arg8[%swap3A_305, %swap3A_306], %swap3A_309 {strides = array<i32>} : memref<128x16xf32, #tpu.memory_space<vmem>>, vector<1x16xf32>,
      %scan3A_310 = arith.constant 0 : i32
      scf.yield %scan3A_310 : i32
    }
    %scan3A_14 = arith.constant 128 : i32
    %broadcast_in_dim3A_15 = arith.constant 0.000000e+00 : f32
    %broadcast_in_dim3A_16 = vector.broadcast %broadcast_in_dim3A_15 : f32 to vector<16xf32>
    %scan3A_17 = arith.constant 0 : i32
    %scan3A_18 = arith.constant 0 : i32
    %scan3A_19 = arith.constant 40 : i32
    %scan3A_20 = arith.addi %scan3A_18, %scan3A_19 : i32
    %scan3A_21 = arith.constant 1 : i32
    %scan3A_22 = scf.for %scan3A_303 = %scan3A_18 to %scan3A_20 step %scan3A_21 iter_args(%scan3A_304 = %scan3A_17) -> (i32)  : i32 {
      %swap3A_305 = arith.index_cast %scan3A_303 : i32 to index
      %swap3A_306 = arith.constant 0 : index
      %swap3A_307 = tpu.vector_load %arg9[%swap3A_305, %swap3A_306] {strides = array<i32>} : memref<40x32xf32, #tpu.memory_space<vmem>>, vector<1x16xf32>,
      %swap3A_308 = vector.shape_cast %swap3A_307 : vector<1x16xf32> to vector<16xf32>
      %swap3A_309 = vector.shape_cast %broadcast_in_dim3A_16 : vector<16xf32> to vector<1x16xf32>
      tpu.vector_store %arg9[%swap3A_305, %swap3A_306], %swap3A_309 {strides = array<i32>} : memref<40x32xf32, #tpu.memory_space<vmem>>, vector<1x16xf32>,
      %scan3A_310 = arith.constant 0 : i32
      scf.yield %scan3A_310 : i32
    }
    %scan3A_23 = arith.constant 40 : i32
    %swap3A = arith.constant 0 : i32
    %swap3A_24 = arith.index_cast %swap3A : i32 to index
    %swap3A_25 = arith.constant 16 : index
    %swap3A_26 = tpu.vector_load %arg9[%swap3A_24, %swap3A_25] {strides = array<i32>} : memref<40x32xf32, #tpu.memory_space<vmem>>, vector<1x16xf32>,
    %swap3A_27 = vector.shape_cast %swap3A_26 : vector<1x16xf32> to vector<16xf32>
    %swap3A_28 = vector.shape_cast %broadcast_in_dim3A_6 : vector<16xf32> to vector<1x16xf32>
    tpu.vector_store %arg9[%swap3A_24, %swap3A_25], %swap3A_28 {strides = array<i32>} : memref<40x32xf32, #tpu.memory_space<vmem>>, vector<1x16xf32>,
    %swap3A_29 = arith.constant 1 : i32
    %swap3A_30 = arith.index_cast %swap3A_29 : i32 to index
    %swap3A_31 = arith.constant 16 : index
    %swap3A_32 = tpu.vector_load %arg9[%swap3A_30, %swap3A_31] {strides = array<i32>} : memref<40x32xf32, #tpu.memory_space<vmem>>, vector<1x16xf32>,
    %swap3A_33 = vector.shape_cast %swap3A_32 : vector<1x16xf32> to vector<16xf32>
    %swap3A_34 = vector.shape_cast %broadcast_in_dim3A_6 : vector<16xf32> to vector<1x16xf32>
    tpu.vector_store %arg9[%swap3A_30, %swap3A_31], %swap3A_34 {strides = array<i32>} : memref<40x32xf32, #tpu.memory_space<vmem>>, vector<1x16xf32>,
    %swap3A_35 = arith.constant 2 : i32
    %swap3A_36 = arith.index_cast %swap3A_35 : i32 to index
    %swap3A_37 = arith.constant 16 : index
    %swap3A_38 = tpu.vector_load %arg9[%swap3A_36, %swap3A_37] {strides = array<i32>} : memref<40x32xf32, #tpu.memory_space<vmem>>, vector<1x16xf32>,
    %swap3A_39 = vector.shape_cast %swap3A_38 : vector<1x16xf32> to vector<16xf32>
    %swap3A_40 = vector.shape_cast %broadcast_in_dim3A_6 : vector<16xf32> to vector<1x16xf32>
    tpu.vector_store %arg9[%swap3A_36, %swap3A_37], %swap3A_40 {strides = array<i32>} : memref<40x32xf32, #tpu.memory_space<vmem>>, vector<1x16xf32>,
    %swap3A_41 = arith.constant 3 : i32
    %swap3A_42 = arith.index_cast %swap3A_41 : i32 to index
    %swap3A_43 = arith.constant 16 : index
    %swap3A_44 = tpu.vector_load %arg9[%swap3A_42, %swap3A_43] {strides = array<i32>} : memref<40x32xf32, #tpu.memory_space<vmem>>, vector<1x16xf32>,
    %swap3A_45 = vector.shape_cast %swap3A_44 : vector<1x16xf32> to vector<16xf32>
    %swap3A_46 = vector.shape_cast %broadcast_in_dim3A_6 : vector<16xf32> to vector<1x16xf32>
    tpu.vector_store %arg9[%swap3A_42, %swap3A_43], %swap3A_46 {strides = array<i32>} : memref<40x32xf32, #tpu.memory_space<vmem>>, vector<1x16xf32>,
    %swap3A_47 = arith.constant 4 : i32
    %swap3A_48 = arith.index_cast %swap3A_47 : i32 to index
    %swap3A_49 = arith.constant 16 : index
    %swap3A_50 = tpu.vector_load %arg9[%swap3A_48, %swap3A_49] {strides = array<i32>} : memref<40x32xf32, #tpu.memory_space<vmem>>, vector<1x16xf32>,
    %swap3A_51 = vector.shape_cast %swap3A_50 : vector<1x16xf32> to vector<16xf32>
    %swap3A_52 = vector.shape_cast %broadcast_in_dim3A_6 : vector<16xf32> to vector<1x16xf32>
    tpu.vector_store %arg9[%swap3A_48, %swap3A_49], %swap3A_52 {strides = array<i32>} : memref<40x32xf32, #tpu.memory_space<vmem>>, vector<1x16xf32>,
    %swap3A_53 = arith.constant 5 : i32
    %swap3A_54 = arith.index_cast %swap3A_53 : i32 to index
    %swap3A_55 = arith.constant 16 : index
    %swap3A_56 = tpu.vector_load %arg9[%swap3A_54, %swap3A_55] {strides = array<i32>} : memref<40x32xf32, #tpu.memory_space<vmem>>, vector<1x16xf32>,
    %swap3A_57 = vector.shape_cast %swap3A_56 : vector<1x16xf32> to vector<16xf32>
    %swap3A_58 = vector.shape_cast %broadcast_in_dim3A_6 : vector<16xf32> to vector<1x16xf32>
    tpu.vector_store %arg9[%swap3A_54, %swap3A_55], %swap3A_58 {strides = array<i32>} : memref<40x32xf32, #tpu.memory_space<vmem>>, vector<1x16xf32>,
    %swap3A_59 = arith.constant 6 : i32
    %swap3A_60 = arith.index_cast %swap3A_59 : i32 to index
    %swap3A_61 = arith.constant 16 : index
    %swap3A_62 = tpu.vector_load %arg9[%swap3A_60, %swap3A_61] {strides = array<i32>} : memref<40x32xf32, #tpu.memory_space<vmem>>, vector<1x16xf32>,
    %swap3A_63 = vector.shape_cast %swap3A_62 : vector<1x16xf32> to vector<16xf32>
    %swap3A_64 = vector.shape_cast %broadcast_in_dim3A_6 : vector<16xf32> to vector<1x16xf32>
    tpu.vector_store %arg9[%swap3A_60, %swap3A_61], %swap3A_64 {strides = array<i32>} : memref<40x32xf32, #tpu.memory_space<vmem>>, vector<1x16xf32>,
    %swap3A_65 = arith.constant 7 : i32
    %swap3A_66 = arith.index_cast %swap3A_65 : i32 to index
    %swap3A_67 = arith.constant 16 : index
    %swap3A_68 = tpu.vector_load %arg9[%swap3A_66, %swap3A_67] {strides = array<i32>} : memref<40x32xf32, #tpu.memory_space<vmem>>, vector<1x16xf32>,
    %swap3A_69 = vector.shape_cast %swap3A_68 : vector<1x16xf32> to vector<16xf32>
    %swap3A_70 = vector.shape_cast %broadcast_in_dim3A_6 : vector<16xf32> to vector<1x16xf32>
    tpu.vector_store %arg9[%swap3A_66, %swap3A_67], %swap3A_70 {strides = array<i32>} : memref<40x32xf32, #tpu.memory_space<vmem>>, vector<1x16xf32>,
    %swap3A_71 = arith.constant 8 : i32
    %swap3A_72 = arith.index_cast %swap3A_71 : i32 to index
    %swap3A_73 = arith.constant 16 : index
    %swap3A_74 = tpu.vector_load %arg9[%swap3A_72, %swap3A_73] {strides = array<i32>} : memref<40x32xf32, #tpu.memory_space<vmem>>, vector<1x16xf32>,
    %swap3A_75 = vector.shape_cast %swap3A_74 : vector<1x16xf32> to vector<16xf32>
    %swap3A_76 = vector.shape_cast %broadcast_in_dim3A_6 : vector<16xf32> to vector<1x16xf32>
    tpu.vector_store %arg9[%swap3A_72, %swap3A_73], %swap3A_76 {strides = array<i32>} : memref<40x32xf32, #tpu.memory_space<vmem>>, vector<1x16xf32>,
    %swap3A_77 = arith.constant 9 : i32
    %swap3A_78 = arith.index_cast %swap3A_77 : i32 to index
    %swap3A_79 = arith.constant 16 : index
    %swap3A_80 = tpu.vector_load %arg9[%swap3A_78, %swap3A_79] {strides = array<i32>} : memref<40x32xf32, #tpu.memory_space<vmem>>, vector<1x16xf32>,
    %swap3A_81 = vector.shape_cast %swap3A_80 : vector<1x16xf32> to vector<16xf32>
    %swap3A_82 = vector.shape_cast %broadcast_in_dim3A_6 : vector<16xf32> to vector<1x16xf32>
    tpu.vector_store %arg9[%swap3A_78, %swap3A_79], %swap3A_82 {strides = array<i32>} : memref<40x32xf32, #tpu.memory_space<vmem>>, vector<1x16xf32>,
    %swap3A_83 = arith.constant 10 : i32
    %swap3A_84 = arith.index_cast %swap3A_83 : i32 to index
    %swap3A_85 = arith.constant 16 : index
    %swap3A_86 = tpu.vector_load %arg9[%swap3A_84, %swap3A_85] {strides = array<i32>} : memref<40x32xf32, #tpu.memory_space<vmem>>, vector<1x16xf32>,
    %swap3A_87 = vector.shape_cast %swap3A_86 : vector<1x16xf32> to vector<16xf32>
    %swap3A_88 = vector.shape_cast %broadcast_in_dim3A_6 : vector<16xf32> to vector<1x16xf32>
    tpu.vector_store %arg9[%swap3A_84, %swap3A_85], %swap3A_88 {strides = array<i32>} : memref<40x32xf32, #tpu.memory_space<vmem>>, vector<1x16xf32>,
    %swap3A_89 = arith.constant 11 : i32
    %swap3A_90 = arith.index_cast %swap3A_89 : i32 to index
    %swap3A_91 = arith.constant 16 : index
    %swap3A_92 = tpu.vector_load %arg9[%swap3A_90, %swap3A_91] {strides = array<i32>} : memref<40x32xf32, #tpu.memory_space<vmem>>, vector<1x16xf32>,
    %swap3A_93 = vector.shape_cast %swap3A_92 : vector<1x16xf32> to vector<16xf32>
    %swap3A_94 = vector.shape_cast %broadcast_in_dim3A_6 : vector<16xf32> to vector<1x16xf32>
    tpu.vector_store %arg9[%swap3A_90, %swap3A_91], %swap3A_94 {strides = array<i32>} : memref<40x32xf32, #tpu.memory_space<vmem>>, vector<1x16xf32>,
    %swap3A_95 = arith.constant 12 : i32
    %swap3A_96 = arith.index_cast %swap3A_95 : i32 to index
    %swap3A_97 = arith.constant 16 : index
    %swap3A_98 = tpu.vector_load %arg9[%swap3A_96, %swap3A_97] {strides = array<i32>} : memref<40x32xf32, #tpu.memory_space<vmem>>, vector<1x16xf32>,
    %swap3A_99 = vector.shape_cast %swap3A_98 : vector<1x16xf32> to vector<16xf32>
    %swap3A_100 = vector.shape_cast %broadcast_in_dim3A_6 : vector<16xf32> to vector<1x16xf32>
    tpu.vector_store %arg9[%swap3A_96, %swap3A_97], %swap3A_100 {strides = array<i32>} : memref<40x32xf32, #tpu.memory_space<vmem>>, vector<1x16xf32>,
    %swap3A_101 = arith.constant 13 : i32
    %swap3A_102 = arith.index_cast %swap3A_101 : i32 to index
    %swap3A_103 = arith.constant 16 : index
    %swap3A_104 = tpu.vector_load %arg9[%swap3A_102, %swap3A_103] {strides = array<i32>} : memref<40x32xf32, #tpu.memory_space<vmem>>, vector<1x16xf32>,
    %swap3A_105 = vector.shape_cast %swap3A_104 : vector<1x16xf32> to vector<16xf32>
    %swap3A_106 = vector.shape_cast %broadcast_in_dim3A_6 : vector<16xf32> to vector<1x16xf32>
    tpu.vector_store %arg9[%swap3A_102, %swap3A_103], %swap3A_106 {strides = array<i32>} : memref<40x32xf32, #tpu.memory_space<vmem>>, vector<1x16xf32>,
    %swap3A_107 = arith.constant 14 : i32
    %swap3A_108 = arith.index_cast %swap3A_107 : i32 to index
    %swap3A_109 = arith.constant 16 : index
    %swap3A_110 = tpu.vector_load %arg9[%swap3A_108, %swap3A_109] {strides = array<i32>} : memref<40x32xf32, #tpu.memory_space<vmem>>, vector<1x16xf32>,
    %swap3A_111 = vector.shape_cast %swap3A_110 : vector<1x16xf32> to vector<16xf32>
    %swap3A_112 = vector.shape_cast %broadcast_in_dim3A_6 : vector<16xf32> to vector<1x16xf32>
    tpu.vector_store %arg9[%swap3A_108, %swap3A_109], %swap3A_112 {strides = array<i32>} : memref<40x32xf32, #tpu.memory_space<vmem>>, vector<1x16xf32>,
    %swap3A_113 = arith.constant 15 : i32
    %swap3A_114 = arith.index_cast %swap3A_113 : i32 to index
    %swap3A_115 = arith.constant 16 : index
    %swap3A_116 = tpu.vector_load %arg9[%swap3A_114, %swap3A_115] {strides = array<i32>} : memref<40x32xf32, #tpu.memory_space<vmem>>, vector<1x16xf32>,
    %swap3A_117 = vector.shape_cast %swap3A_116 : vector<1x16xf32> to vector<16xf32>
    %swap3A_118 = vector.shape_cast %broadcast_in_dim3A_6 : vector<16xf32> to vector<1x16xf32>
    tpu.vector_store %arg9[%swap3A_114, %swap3A_115], %swap3A_118 {strides = array<i32>} : memref<40x32xf32, #tpu.memory_space<vmem>>, vector<1x16xf32>,
    %swap3A_119 = arith.constant 16 : i32
    %swap3A_120 = arith.index_cast %swap3A_119 : i32 to index
    %swap3A_121 = arith.constant 16 : index
    %swap3A_122 = tpu.vector_load %arg9[%swap3A_120, %swap3A_121] {strides = array<i32>} : memref<40x32xf32, #tpu.memory_space<vmem>>, vector<1x16xf32>,
    %swap3A_123 = vector.shape_cast %swap3A_122 : vector<1x16xf32> to vector<16xf32>
    %swap3A_124 = vector.shape_cast %broadcast_in_dim3A_6 : vector<16xf32> to vector<1x16xf32>
    tpu.vector_store %arg9[%swap3A_120, %swap3A_121], %swap3A_124 {strides = array<i32>} : memref<40x32xf32, #tpu.memory_space<vmem>>, vector<1x16xf32>,
    %swap3A_125 = arith.constant 17 : i32
    %swap3A_126 = arith.index_cast %swap3A_125 : i32 to index
    %swap3A_127 = arith.constant 16 : index
    %swap3A_128 = tpu.vector_load %arg9[%swap3A_126, %swap3A_127] {strides = array<i32>} : memref<40x32xf32, #tpu.memory_space<vmem>>, vector<1x16xf32>,
    %swap3A_129 = vector.shape_cast %swap3A_128 : vector<1x16xf32> to vector<16xf32>
    %swap3A_130 = vector.shape_cast %broadcast_in_dim3A_6 : vector<16xf32> to vector<1x16xf32>
    tpu.vector_store %arg9[%swap3A_126, %swap3A_127], %swap3A_130 {strides = array<i32>} : memref<40x32xf32, #tpu.memory_space<vmem>>, vector<1x16xf32>,
    %swap3A_131 = arith.constant 18 : i32
    %swap3A_132 = arith.index_cast %swap3A_131 : i32 to index
    %swap3A_133 = arith.constant 16 : index
    %swap3A_134 = tpu.vector_load %arg9[%swap3A_132, %swap3A_133] {strides = array<i32>} : memref<40x32xf32, #tpu.memory_space<vmem>>, vector<1x16xf32>,
    %swap3A_135 = vector.shape_cast %swap3A_134 : vector<1x16xf32> to vector<16xf32>
    %swap3A_136 = vector.shape_cast %broadcast_in_dim3A_6 : vector<16xf32> to vector<1x16xf32>
    tpu.vector_store %arg9[%swap3A_132, %swap3A_133], %swap3A_136 {strides = array<i32>} : memref<40x32xf32, #tpu.memory_space<vmem>>, vector<1x16xf32>,
    %swap3A_137 = arith.constant 19 : i32
    %swap3A_138 = arith.index_cast %swap3A_137 : i32 to index
    %swap3A_139 = arith.constant 16 : index
    %swap3A_140 = tpu.vector_load %arg9[%swap3A_138, %swap3A_139] {strides = array<i32>} : memref<40x32xf32, #tpu.memory_space<vmem>>, vector<1x16xf32>,
    %swap3A_141 = vector.shape_cast %swap3A_140 : vector<1x16xf32> to vector<16xf32>
    %swap3A_142 = vector.shape_cast %broadcast_in_dim3A_6 : vector<16xf32> to vector<1x16xf32>
    tpu.vector_store %arg9[%swap3A_138, %swap3A_139], %swap3A_142 {strides = array<i32>} : memref<40x32xf32, #tpu.memory_space<vmem>>, vector<1x16xf32>,
    %swap3A_143 = arith.constant 20 : i32
    %swap3A_144 = arith.index_cast %swap3A_143 : i32 to index
    %swap3A_145 = arith.constant 16 : index
    %swap3A_146 = tpu.vector_load %arg9[%swap3A_144, %swap3A_145] {strides = array<i32>} : memref<40x32xf32, #tpu.memory_space<vmem>>, vector<1x16xf32>,
    %swap3A_147 = vector.shape_cast %swap3A_146 : vector<1x16xf32> to vector<16xf32>
    %swap3A_148 = vector.shape_cast %broadcast_in_dim3A_6 : vector<16xf32> to vector<1x16xf32>
    tpu.vector_store %arg9[%swap3A_144, %swap3A_145], %swap3A_148 {strides = array<i32>} : memref<40x32xf32, #tpu.memory_space<vmem>>, vector<1x16xf32>,
    %swap3A_149 = arith.constant 21 : i32
    %swap3A_150 = arith.index_cast %swap3A_149 : i32 to index
    %swap3A_151 = arith.constant 16 : index
    %swap3A_152 = tpu.vector_load %arg9[%swap3A_150, %swap3A_151] {strides = array<i32>} : memref<40x32xf32, #tpu.memory_space<vmem>>, vector<1x16xf32>,
    %swap3A_153 = vector.shape_cast %swap3A_152 : vector<1x16xf32> to vector<16xf32>
    %swap3A_154 = vector.shape_cast %broadcast_in_dim3A_6 : vector<16xf32> to vector<1x16xf32>
    tpu.vector_store %arg9[%swap3A_150, %swap3A_151], %swap3A_154 {strides = array<i32>} : memref<40x32xf32, #tpu.memory_space<vmem>>, vector<1x16xf32>,
    %swap3A_155 = arith.constant 22 : i32
    %swap3A_156 = arith.index_cast %swap3A_155 : i32 to index
    %swap3A_157 = arith.constant 16 : index
    %swap3A_158 = tpu.vector_load %arg9[%swap3A_156, %swap3A_157] {strides = array<i32>} : memref<40x32xf32, #tpu.memory_space<vmem>>, vector<1x16xf32>,
    %swap3A_159 = vector.shape_cast %swap3A_158 : vector<1x16xf32> to vector<16xf32>
    %swap3A_160 = vector.shape_cast %broadcast_in_dim3A_6 : vector<16xf32> to vector<1x16xf32>
    tpu.vector_store %arg9[%swap3A_156, %swap3A_157], %swap3A_160 {strides = array<i32>} : memref<40x32xf32, #tpu.memory_space<vmem>>, vector<1x16xf32>,
    %swap3A_161 = arith.constant 23 : i32
    %swap3A_162 = arith.index_cast %swap3A_161 : i32 to index
    %swap3A_163 = arith.constant 16 : index
    %swap3A_164 = tpu.vector_load %arg9[%swap3A_162, %swap3A_163] {strides = array<i32>} : memref<40x32xf32, #tpu.memory_space<vmem>>, vector<1x16xf32>,
    %swap3A_165 = vector.shape_cast %swap3A_164 : vector<1x16xf32> to vector<16xf32>
    %swap3A_166 = vector.shape_cast %broadcast_in_dim3A_6 : vector<16xf32> to vector<1x16xf32>
    tpu.vector_store %arg9[%swap3A_162, %swap3A_163], %swap3A_166 {strides = array<i32>} : memref<40x32xf32, #tpu.memory_space<vmem>>, vector<1x16xf32>,
    %swap3A_167 = arith.constant 24 : i32
    %swap3A_168 = arith.index_cast %swap3A_167 : i32 to index
    %swap3A_169 = arith.constant 16 : index
    %swap3A_170 = tpu.vector_load %arg9[%swap3A_168, %swap3A_169] {strides = array<i32>} : memref<40x32xf32, #tpu.memory_space<vmem>>, vector<1x16xf32>,
    %swap3A_171 = vector.shape_cast %swap3A_170 : vector<1x16xf32> to vector<16xf32>
    %swap3A_172 = vector.shape_cast %broadcast_in_dim3A_6 : vector<16xf32> to vector<1x16xf32>
    tpu.vector_store %arg9[%swap3A_168, %swap3A_169], %swap3A_172 {strides = array<i32>} : memref<40x32xf32, #tpu.memory_space<vmem>>, vector<1x16xf32>,
    %swap3A_173 = arith.constant 25 : i32
    %swap3A_174 = arith.index_cast %swap3A_173 : i32 to index
    %swap3A_175 = arith.constant 16 : index
    %swap3A_176 = tpu.vector_load %arg9[%swap3A_174, %swap3A_175] {strides = array<i32>} : memref<40x32xf32, #tpu.memory_space<vmem>>, vector<1x16xf32>,
    %swap3A_177 = vector.shape_cast %swap3A_176 : vector<1x16xf32> to vector<16xf32>
    %swap3A_178 = vector.shape_cast %broadcast_in_dim3A_6 : vector<16xf32> to vector<1x16xf32>
    tpu.vector_store %arg9[%swap3A_174, %swap3A_175], %swap3A_178 {strides = array<i32>} : memref<40x32xf32, #tpu.memory_space<vmem>>, vector<1x16xf32>,
    %swap3A_179 = arith.constant 26 : i32
    %swap3A_180 = arith.index_cast %swap3A_179 : i32 to index
    %swap3A_181 = arith.constant 16 : index
    %swap3A_182 = tpu.vector_load %arg9[%swap3A_180, %swap3A_181] {strides = array<i32>} : memref<40x32xf32, #tpu.memory_space<vmem>>, vector<1x16xf32>,
    %swap3A_183 = vector.shape_cast %swap3A_182 : vector<1x16xf32> to vector<16xf32>
    %swap3A_184 = vector.shape_cast %broadcast_in_dim3A_6 : vector<16xf32> to vector<1x16xf32>
    tpu.vector_store %arg9[%swap3A_180, %swap3A_181], %swap3A_184 {strides = array<i32>} : memref<40x32xf32, #tpu.memory_space<vmem>>, vector<1x16xf32>,
    %swap3A_185 = arith.constant 27 : i32
    %swap3A_186 = arith.index_cast %swap3A_185 : i32 to index
    %swap3A_187 = arith.constant 16 : index
    %swap3A_188 = tpu.vector_load %arg9[%swap3A_186, %swap3A_187] {strides = array<i32>} : memref<40x32xf32, #tpu.memory_space<vmem>>, vector<1x16xf32>,
    %swap3A_189 = vector.shape_cast %swap3A_188 : vector<1x16xf32> to vector<16xf32>
    %swap3A_190 = vector.shape_cast %broadcast_in_dim3A_6 : vector<16xf32> to vector<1x16xf32>
    tpu.vector_store %arg9[%swap3A_186, %swap3A_187], %swap3A_190 {strides = array<i32>} : memref<40x32xf32, #tpu.memory_space<vmem>>, vector<1x16xf32>,
    %swap3A_191 = arith.constant 28 : i32
    %swap3A_192 = arith.index_cast %swap3A_191 : i32 to index
    %swap3A_193 = arith.constant 16 : index
    %swap3A_194 = tpu.vector_load %arg9[%swap3A_192, %swap3A_193] {strides = array<i32>} : memref<40x32xf32, #tpu.memory_space<vmem>>, vector<1x16xf32>,
    %swap3A_195 = vector.shape_cast %swap3A_194 : vector<1x16xf32> to vector<16xf32>
    %swap3A_196 = vector.shape_cast %broadcast_in_dim3A_6 : vector<16xf32> to vector<1x16xf32>
    tpu.vector_store %arg9[%swap3A_192, %swap3A_193], %swap3A_196 {strides = array<i32>} : memref<40x32xf32, #tpu.memory_space<vmem>>, vector<1x16xf32>,
    %swap3A_197 = arith.constant 29 : i32
    %swap3A_198 = arith.index_cast %swap3A_197 : i32 to index
    %swap3A_199 = arith.constant 16 : index
    %swap3A_200 = tpu.vector_load %arg9[%swap3A_198, %swap3A_199] {strides = array<i32>} : memref<40x32xf32, #tpu.memory_space<vmem>>, vector<1x16xf32>,
    %swap3A_201 = vector.shape_cast %swap3A_200 : vector<1x16xf32> to vector<16xf32>
    %swap3A_202 = vector.shape_cast %broadcast_in_dim3A_6 : vector<16xf32> to vector<1x16xf32>
    tpu.vector_store %arg9[%swap3A_198, %swap3A_199], %swap3A_202 {strides = array<i32>} : memref<40x32xf32, #tpu.memory_space<vmem>>, vector<1x16xf32>,
    %swap3A_203 = arith.constant 30 : i32
    %swap3A_204 = arith.index_cast %swap3A_203 : i32 to index
    %swap3A_205 = arith.constant 16 : index
    %swap3A_206 = tpu.vector_load %arg9[%swap3A_204, %swap3A_205] {strides = array<i32>} : memref<40x32xf32, #tpu.memory_space<vmem>>, vector<1x16xf32>,
    %swap3A_207 = vector.shape_cast %swap3A_206 : vector<1x16xf32> to vector<16xf32>
    %swap3A_208 = vector.shape_cast %broadcast_in_dim3A_6 : vector<16xf32> to vector<1x16xf32>
    tpu.vector_store %arg9[%swap3A_204, %swap3A_205], %swap3A_208 {strides = array<i32>} : memref<40x32xf32, #tpu.memory_space<vmem>>, vector<1x16xf32>,
    %swap3A_209 = arith.constant 31 : i32
    %swap3A_210 = arith.index_cast %swap3A_209 : i32 to index
    %swap3A_211 = arith.constant 16 : index
    %swap3A_212 = tpu.vector_load %arg9[%swap3A_210, %swap3A_211] {strides = array<i32>} : memref<40x32xf32, #tpu.memory_space<vmem>>, vector<1x16xf32>,
    %swap3A_213 = vector.shape_cast %swap3A_212 : vector<1x16xf32> to vector<16xf32>
    %swap3A_214 = vector.shape_cast %broadcast_in_dim3A_6 : vector<16xf32> to vector<1x16xf32>
    tpu.vector_store %arg9[%swap3A_210, %swap3A_211], %swap3A_214 {strides = array<i32>} : memref<40x32xf32, #tpu.memory_space<vmem>>, vector<1x16xf32>,
    %swap3A_215 = arith.constant 32 : i32
    %swap3A_216 = arith.index_cast %swap3A_215 : i32 to index
    %swap3A_217 = arith.constant 16 : index
    %swap3A_218 = tpu.vector_load %arg9[%swap3A_216, %swap3A_217] {strides = array<i32>} : memref<40x32xf32, #tpu.memory_space<vmem>>, vector<1x16xf32>,
    %swap3A_219 = vector.shape_cast %swap3A_218 : vector<1x16xf32> to vector<16xf32>
    %swap3A_220 = vector.shape_cast %broadcast_in_dim3A_6 : vector<16xf32> to vector<1x16xf32>
    tpu.vector_store %arg9[%swap3A_216, %swap3A_217], %swap3A_220 {strides = array<i32>} : memref<40x32xf32, #tpu.memory_space<vmem>>, vector<1x16xf32>,
    %swap3A_221 = arith.constant 33 : i32
    %swap3A_222 = arith.index_cast %swap3A_221 : i32 to index
    %swap3A_223 = arith.constant 16 : index
    %swap3A_224 = tpu.vector_load %arg9[%swap3A_222, %swap3A_223] {strides = array<i32>} : memref<40x32xf32, #tpu.memory_space<vmem>>, vector<1x16xf32>,
    %swap3A_225 = vector.shape_cast %swap3A_224 : vector<1x16xf32> to vector<16xf32>
    %swap3A_226 = vector.shape_cast %broadcast_in_dim3A_6 : vector<16xf32> to vector<1x16xf32>
    tpu.vector_store %arg9[%swap3A_222, %swap3A_223], %swap3A_226 {strides = array<i32>} : memref<40x32xf32, #tpu.memory_space<vmem>>, vector<1x16xf32>,
    %swap3A_227 = arith.constant 34 : i32
    %swap3A_228 = arith.index_cast %swap3A_227 : i32 to index
    %swap3A_229 = arith.constant 16 : index
    %swap3A_230 = tpu.vector_load %arg9[%swap3A_228, %swap3A_229] {strides = array<i32>} : memref<40x32xf32, #tpu.memory_space<vmem>>, vector<1x16xf32>,
    %swap3A_231 = vector.shape_cast %swap3A_230 : vector<1x16xf32> to vector<16xf32>
    %swap3A_232 = vector.shape_cast %broadcast_in_dim3A_6 : vector<16xf32> to vector<1x16xf32>
    tpu.vector_store %arg9[%swap3A_228, %swap3A_229], %swap3A_232 {strides = array<i32>} : memref<40x32xf32, #tpu.memory_space<vmem>>, vector<1x16xf32>,
    %swap3A_233 = arith.constant 35 : i32
    %swap3A_234 = arith.index_cast %swap3A_233 : i32 to index
    %swap3A_235 = arith.constant 16 : index
    %swap3A_236 = tpu.vector_load %arg9[%swap3A_234, %swap3A_235] {strides = array<i32>} : memref<40x32xf32, #tpu.memory_space<vmem>>, vector<1x16xf32>,
    %swap3A_237 = vector.shape_cast %swap3A_236 : vector<1x16xf32> to vector<16xf32>
    %swap3A_238 = vector.shape_cast %broadcast_in_dim3A_6 : vector<16xf32> to vector<1x16xf32>
    tpu.vector_store %arg9[%swap3A_234, %swap3A_235], %swap3A_238 {strides = array<i32>} : memref<40x32xf32, #tpu.memory_space<vmem>>, vector<1x16xf32>,
    %swap3A_239 = arith.constant 36 : i32
    %swap3A_240 = arith.index_cast %swap3A_239 : i32 to index
    %swap3A_241 = arith.constant 16 : index
    %swap3A_242 = tpu.vector_load %arg9[%swap3A_240, %swap3A_241] {strides = array<i32>} : memref<40x32xf32, #tpu.memory_space<vmem>>, vector<1x16xf32>,
    %swap3A_243 = vector.shape_cast %swap3A_242 : vector<1x16xf32> to vector<16xf32>
    %swap3A_244 = vector.shape_cast %broadcast_in_dim3A_6 : vector<16xf32> to vector<1x16xf32>
    tpu.vector_store %arg9[%swap3A_240, %swap3A_241], %swap3A_244 {strides = array<i32>} : memref<40x32xf32, #tpu.memory_space<vmem>>, vector<1x16xf32>,
    %swap3A_245 = arith.constant 37 : i32
    %swap3A_246 = arith.index_cast %swap3A_245 : i32 to index
    %swap3A_247 = arith.constant 16 : index
    %swap3A_248 = tpu.vector_load %arg9[%swap3A_246, %swap3A_247] {strides = array<i32>} : memref<40x32xf32, #tpu.memory_space<vmem>>, vector<1x16xf32>,
    %swap3A_249 = vector.shape_cast %swap3A_248 : vector<1x16xf32> to vector<16xf32>
    %swap3A_250 = vector.shape_cast %broadcast_in_dim3A_6 : vector<16xf32> to vector<1x16xf32>
    tpu.vector_store %arg9[%swap3A_246, %swap3A_247], %swap3A_250 {strides = array<i32>} : memref<40x32xf32, #tpu.memory_space<vmem>>, vector<1x16xf32>,
    %swap3A_251 = arith.constant 38 : i32
    %swap3A_252 = arith.index_cast %swap3A_251 : i32 to index
    %swap3A_253 = arith.constant 16 : index
    %swap3A_254 = tpu.vector_load %arg9[%swap3A_252, %swap3A_253] {strides = array<i32>} : memref<40x32xf32, #tpu.memory_space<vmem>>, vector<1x16xf32>,
    %swap3A_255 = vector.shape_cast %swap3A_254 : vector<1x16xf32> to vector<16xf32>
    %swap3A_256 = vector.shape_cast %broadcast_in_dim3A_6 : vector<16xf32> to vector<1x16xf32>
    tpu.vector_store %arg9[%swap3A_252, %swap3A_253], %swap3A_256 {strides = array<i32>} : memref<40x32xf32, #tpu.memory_space<vmem>>, vector<1x16xf32>,
    %swap3A_257 = arith.constant 39 : i32
    %swap3A_258 = arith.index_cast %swap3A_257 : i32 to index
    %swap3A_259 = arith.constant 16 : index
    %swap3A_260 = tpu.vector_load %arg9[%swap3A_258, %swap3A_259] {strides = array<i32>} : memref<40x32xf32, #tpu.memory_space<vmem>>, vector<1x16xf32>,
    %swap3A_261 = vector.shape_cast %swap3A_260 : vector<1x16xf32> to vector<16xf32>
    %swap3A_262 = vector.shape_cast %broadcast_in_dim3A_6 : vector<16xf32> to vector<1x16xf32>
    tpu.vector_store %arg9[%swap3A_258, %swap3A_259], %swap3A_262 {strides = array<i32>} : memref<40x32xf32, #tpu.memory_space<vmem>>, vector<1x16xf32>,
    %broadcast_in_dim3A_263 = arith.constant 0.000000e+00 : f32
    %broadcast_in_dim3A_264 = vector.broadcast %broadcast_in_dim3A_263 : f32 to vector<16xf32>
    %scan3A_265 = arith.constant 0 : i32
    %scan3A_266 = arith.constant 0 : i32
    %scan3A_267 = arith.constant 40 : i32
    %scan3A_268 = arith.addi %scan3A_266, %scan3A_267 : i32
    %scan3A_269 = arith.constant 1 : i32
    %scan3A_270 = scf.for %scan3A_303 = %scan3A_266 to %scan3A_268 step %scan3A_269 iter_args(%scan3A_304 = %scan3A_265) -> (i32)  : i32 {
      %swap3A_305 = arith.index_cast %scan3A_303 : i32 to index
      %swap3A_306 = arith.constant 0 : index
      %swap3A_307 = tpu.vector_load %arg10[%swap3A_305, %swap3A_306] {strides = array<i32>} : memref<40x16xf32, #tpu.memory_space<vmem>>, vector<1x16xf32>,
      %swap3A_308 = vector.shape_cast %swap3A_307 : vector<1x16xf32> to vector<16xf32>
      %swap3A_309 = vector.shape_cast %broadcast_in_dim3A_264 : vector<16xf32> to vector<1x16xf32>
      tpu.vector_store %arg10[%swap3A_305, %swap3A_306], %swap3A_309 {strides = array<i32>} : memref<40x16xf32, #tpu.memory_space<vmem>>, vector<1x16xf32>,
      %scan3A_310 = arith.constant 0 : i32
      scf.yield %scan3A_310 : i32
    }
    %scan3A_271 = arith.constant 40 : i32
    %mul3A_272 = arith.constant 25 : i32
    %mul3A_273 = arith.muli %add3A, %mul3A_272 : i32
    "tpu.region"() ({
      %run_scoped3A_303 = tpu.sem_alloc : memref<!tpu.dma_semaphore, #tpu.memory_space<semaphore_mem>>
      %dma_start3A = arith.constant 0 : i32
      %dma_start3A_304 = tpu.memref_slice %arg3[%mul3A_273, %dma_start3A] : memref<800x128xi32, #tpu.memory_space<hbm>> -> memref<25x128xi32, #tpu.memory_space<hbm>>
      %dma_start3A_305 = arith.constant 0 : i32
      %dma_start3A_306 = tpu.memref_slice %arg3[%mul3A_273, %dma_start3A_305] : memref<800x128xi32, #tpu.memory_space<hbm>> -> memref<25x128xi32, #tpu.memory_space<hbm>>
      tpu.enqueue_dma source(%dma_start3A_306 : memref<25x128xi32, #tpu.memory_space<hbm>>) target(%arg6 : memref<25x128xi32, #tpu.memory_space<vmem>>) target_semaphore(%run_scoped3A_303 : memref<!tpu.dma_semaphore, #tpu.memory_space<semaphore_mem>>)
      %dma_wait3A = arith.constant 0 : i32
      %dma_wait3A_307 = tpu.memref_slice %arg3[%mul3A_273, %dma_wait3A] : memref<800x128xi32, #tpu.memory_space<hbm>> -> memref<25x128xi32, #tpu.memory_space<hbm>>
      %dma_wait3A_308 = arith.constant 0 : i32
      %dma_wait3A_309 = tpu.memref_slice %arg3[%mul3A_273, %dma_wait3A_308] : memref<800x128xi32, #tpu.memory_space<hbm>> -> memref<25x128xi32, #tpu.memory_space<hbm>>
      tpu.wait_dma2 semaphore(%run_scoped3A_303 : memref<!tpu.dma_semaphore, #tpu.memory_space<semaphore_mem>>) src(%dma_wait3A_309 : memref<25x128xi32, #tpu.memory_space<hbm>>) dst(%arg6 : memref<25x128xi32, #tpu.memory_space<vmem>>)
      tpu.yield
    }) : () -> ()
    %mul3A_274 = arith.constant 40 : i32
    %mul3A_275 = arith.muli %arg1, %mul3A_274 : i32
    "tpu.region"() ({
      %run_scoped3A_303 = tpu.sem_alloc : memref<!tpu.dma_semaphore, #tpu.memory_space<semaphore_mem>>
      %dma_start3A = arith.constant 0 : i32
      %dma_start3A_304 = tpu.memref_slice %arg13[%mul3A_275, %dma_start3A] : memref<640x32xf32, #tpu.memory_space<vmem_shared>> -> memref<40x32xf32, #tpu.memory_space<vmem_shared>>
      %dma_start3A_305 = arith.constant 0 : i32
      %dma_start3A_306 = tpu.memref_slice %arg13[%mul3A_275, %dma_start3A_305] : memref<640x32xf32, #tpu.memory_space<vmem_shared>> -> memref<40x32xf32, #tpu.memory_space<vmem_shared>>
      tpu.enqueue_dma source(%arg9 : memref<40x32xf32, #tpu.memory_space<vmem>>) target(%dma_start3A_306 : memref<40x32xf32, #tpu.memory_space<vmem_shared>>) target_semaphore(%run_scoped3A_303 : memref<!tpu.dma_semaphore, #tpu.memory_space<semaphore_mem>>)
      %dma_wait3A = arith.constant 0 : i32
      %dma_wait3A_307 = tpu.memref_slice %arg13[%mul3A_275, %dma_wait3A] : memref<640x32xf32, #tpu.memory_space<vmem_shared>> -> memref<40x32xf32, #tpu.memory_space<vmem_shared>>
      %dma_wait3A_308 = arith.constant 0 : i32
      %dma_wait3A_309 = tpu.memref_slice %arg13[%mul3A_275, %dma_wait3A_308] : memref<640x32xf32, #tpu.memory_space<vmem_shared>> -> memref<40x32xf32, #tpu.memory_space<vmem_shared>>
      tpu.wait_dma2 semaphore(%run_scoped3A_303 : memref<!tpu.dma_semaphore, #tpu.memory_space<semaphore_mem>>) src(%arg9 : memref<40x32xf32, #tpu.memory_space<vmem>>) dst(%dma_wait3A_309 : memref<40x32xf32, #tpu.memory_space<vmem_shared>>)
      tpu.yield
    }) : () -> ()
    %mul3A_276 = arith.constant 40 : i32
    %mul3A_277 = arith.muli %arg1, %mul3A_276 : i32
    "tpu.region"() ({
      %run_scoped3A_303 = tpu.sem_alloc : memref<!tpu.dma_semaphore, #tpu.memory_space<semaphore_mem>>
      %dma_start3A = arith.constant 0 : i32
      %dma_start3A_304 = tpu.memref_slice %arg14[%mul3A_277, %dma_start3A] : memref<640x16xf32, #tpu.memory_space<vmem_shared>> -> memref<40x16xf32, #tpu.memory_space<vmem_shared>>
      %dma_start3A_305 = arith.constant 0 : i32
      %dma_start3A_306 = tpu.memref_slice %arg14[%mul3A_277, %dma_start3A_305] : memref<640x16xf32, #tpu.memory_space<vmem_shared>> -> memref<40x16xf32, #tpu.memory_space<vmem_shared>>
      tpu.enqueue_dma source(%arg10 : memref<40x16xf32, #tpu.memory_space<vmem>>) target(%dma_start3A_306 : memref<40x16xf32, #tpu.memory_space<vmem_shared>>) target_semaphore(%run_scoped3A_303 : memref<!tpu.dma_semaphore, #tpu.memory_space<semaphore_mem>>)
      %dma_wait3A = arith.constant 0 : i32
      %dma_wait3A_307 = tpu.memref_slice %arg14[%mul3A_277, %dma_wait3A] : memref<640x16xf32, #tpu.memory_space<vmem_shared>> -> memref<40x16xf32, #tpu.memory_space<vmem_shared>>
      %dma_wait3A_308 = arith.constant 0 : i32
      %dma_wait3A_309 = tpu.memref_slice %arg14[%mul3A_277, %dma_wait3A_308] : memref<640x16xf32, #tpu.memory_space<vmem_shared>> -> memref<40x16xf32, #tpu.memory_space<vmem_shared>>
      tpu.wait_dma2 semaphore(%run_scoped3A_303 : memref<!tpu.dma_semaphore, #tpu.memory_space<semaphore_mem>>) src(%arg10 : memref<40x16xf32, #tpu.memory_space<vmem>>) dst(%dma_wait3A_309 : memref<40x16xf32, #tpu.memory_space<vmem_shared>>)
      tpu.yield
    }) : () -> ()
    %barrier3A = arith.constant 0 : index
    tpu.barrier barrier_id(%barrier3A)
    %scan3A_278 = arith.constant 0 : i32
    %scan3A_279 = arith.constant 0 : i32
    %scan3A_280 = arith.constant 24 : i32
    %scan3A_281 = arith.addi %scan3A_279, %scan3A_280 : i32
    %scan3A_282 = arith.constant 1 : i32
    %scan3A_283 = scf.for %scan3A_303 = %scan3A_279 to %scan3A_281 step %scan3A_282 iter_args(%scan3A_304 = %scan3A_278) -> (i32)  : i32 {
      %mul3A_305 = arith.constant 128 : i32
      %mul3A_306 = arith.muli %scan3A_303, %mul3A_305 : i32
      %add3A_307 = arith.addi %add3A_5, %mul3A_306 : i32
      "tpu.region"() ({
        %run_scoped3A_314 = tpu.sem_alloc : memref<!tpu.dma_semaphore, #tpu.memory_space<semaphore_mem>>
        %dma_start3A = arith.constant 0 : i32
        %dma_start3A_315 = tpu.memref_slice %arg2[%add3A_307, %dma_start3A] : memref<100000x32xf32, #tpu.memory_space<hbm>> -> memref<128x32xf32, #tpu.memory_space<hbm>>
        %dma_start3A_316 = arith.constant 0 : i32
        %dma_start3A_317 = tpu.memref_slice %arg2[%add3A_307, %dma_start3A_316] : memref<100000x32xf32, #tpu.memory_space<hbm>> -> memref<128x32xf32, #tpu.memory_space<hbm>>
        tpu.enqueue_dma source(%dma_start3A_317 : memref<128x32xf32, #tpu.memory_space<hbm>>) target(%arg7 : memref<128x32xf32, #tpu.memory_space<vmem>>) target_semaphore(%run_scoped3A_314 : memref<!tpu.dma_semaphore, #tpu.memory_space<semaphore_mem>>)
        %dma_wait3A = arith.constant 0 : i32
        %dma_wait3A_318 = tpu.memref_slice %arg2[%add3A_307, %dma_wait3A] : memref<100000x32xf32, #tpu.memory_space<hbm>> -> memref<128x32xf32, #tpu.memory_space<hbm>>
        %dma_wait3A_319 = arith.constant 0 : i32
        %dma_wait3A_320 = tpu.memref_slice %arg2[%add3A_307, %dma_wait3A_319] : memref<100000x32xf32, #tpu.memory_space<hbm>> -> memref<128x32xf32, #tpu.memory_space<hbm>>
        tpu.wait_dma2 semaphore(%run_scoped3A_314 : memref<!tpu.dma_semaphore, #tpu.memory_space<semaphore_mem>>) src(%dma_wait3A_320 : memref<128x32xf32, #tpu.memory_space<hbm>>) dst(%arg7 : memref<128x32xf32, #tpu.memory_space<vmem>>)
        tpu.yield
      }) : () -> ()
      "tpu.region"() ({
        %run_scoped3A_314 = tpu.sem_alloc : memref<!tpu.dma_semaphore, #tpu.memory_space<semaphore_mem>>
        %dma_start3A = arith.constant 0 : i32
        %dma_start3A_315 = tpu.memref_slice %arg6[%scan3A_303, %dma_start3A] : memref<25x128xi32, #tpu.memory_space<vmem>> -> memref<1x128xi32, #tpu.memory_space<vmem>>
        %dma_start3A_316 = tpu.memref_squeeze %dma_start3A_315 : memref<1x128xi32, #tpu.memory_space<vmem>> -> memref<128xi32, #tpu.memory_space<vmem>>
        %dma_start3A_317 = arith.constant 0 : i32
        %dma_start3A_318 = arith.constant 0 : i32
        %dma_start3A_319 = tpu.memref_slice %arg13[%dma_start3A_317, %dma_start3A_318] : memref<640x32xf32, #tpu.memory_space<vmem_shared>> -> memref<640x32xf32, #tpu.memory_space<vmem_shared>>
        tpu.enqueue_indirect_dma source(%arg7 : memref<128x32xf32, #tpu.memory_space<vmem>>) target(%dma_start3A_319 : memref<640x32xf32, #tpu.memory_space<vmem_shared>>) offsets(%dma_start3A_316 : memref<128xi32, #tpu.memory_space<vmem>>) semaphore(%run_scoped3A_314 : memref<!tpu.dma_semaphore, #tpu.memory_space<semaphore_mem>>) {add = true}
        %dma_wait3A = arith.constant 0 : i32
        %dma_wait3A_320 = tpu.memref_slice %arg6[%scan3A_303, %dma_wait3A] : memref<25x128xi32, #tpu.memory_space<vmem>> -> memref<1x128xi32, #tpu.memory_space<vmem>>
        %dma_wait3A_321 = tpu.memref_squeeze %dma_wait3A_320 : memref<1x128xi32, #tpu.memory_space<vmem>> -> memref<128xi32, #tpu.memory_space<vmem>>
        %dma_wait3A_322 = arith.constant 0 : i32
        %dma_wait3A_323 = arith.constant 0 : i32
        %dma_wait3A_324 = tpu.memref_slice %arg13[%dma_wait3A_322, %dma_wait3A_323] : memref<640x32xf32, #tpu.memory_space<vmem_shared>> -> memref<640x32xf32, #tpu.memory_space<vmem_shared>>
        tpu.wait_indirect_dma semaphore(%run_scoped3A_314 : memref<!tpu.dma_semaphore, #tpu.memory_space<semaphore_mem>>) src(%arg7 : memref<128x32xf32, #tpu.memory_space<vmem>>) dst(%dma_wait3A_324 : memref<640x32xf32, #tpu.memory_space<vmem_shared>>)
        tpu.yield
      }) : () -> ()
      %eq3A_308 = arith.constant 0 : i32
      %eq3A_309 = arith.cmpi eq, %arg0, %eq3A_308 : i32
      %convert_element_type3A_310 = arith.extui %eq3A_309 : i1 to i32
      %cond3A_311 = arith.constant 0 : i32
      %cond3A_312 = arith.cmpi ne, %convert_element_type3A_310, %cond3A_311 : i32
      scf.if %cond3A_312 {
        "tpu.region"() ({
          %run_scoped3A_314 = tpu.sem_alloc : memref<!tpu.dma_semaphore, #tpu.memory_space<semaphore_mem>>
          %dma_start3A = arith.constant 0 : i32
          %dma_start3A_315 = tpu.memref_slice %arg6[%scan3A_303, %dma_start3A] : memref<25x128xi32, #tpu.memory_space<vmem>> -> memref<1x128xi32, #tpu.memory_space<vmem>>
          %dma_start3A_316 = tpu.memref_squeeze %dma_start3A_315 : memref<1x128xi32, #tpu.memory_space<vmem>> -> memref<128xi32, #tpu.memory_space<vmem>>
          %dma_start3A_317 = arith.constant 0 : i32
          %dma_start3A_318 = arith.constant 0 : i32
          %dma_start3A_319 = tpu.memref_slice %arg14[%dma_start3A_317, %dma_start3A_318] : memref<640x16xf32, #tpu.memory_space<vmem_shared>> -> memref<640x16xf32, #tpu.memory_space<vmem_shared>>
          tpu.enqueue_indirect_dma source(%arg8 : memref<128x16xf32, #tpu.memory_space<vmem>>) target(%dma_start3A_319 : memref<640x16xf32, #tpu.memory_space<vmem_shared>>) offsets(%dma_start3A_316 : memref<128xi32, #tpu.memory_space<vmem>>) semaphore(%run_scoped3A_314 : memref<!tpu.dma_semaphore, #tpu.memory_space<semaphore_mem>>) {add = true}
          %dma_wait3A = arith.constant 0 : i32
          %dma_wait3A_320 = tpu.memref_slice %arg6[%scan3A_303, %dma_wait3A] : memref<25x128xi32, #tpu.memory_space<vmem>> -> memref<1x128xi32, #tpu.memory_space<vmem>>
          %dma_wait3A_321 = tpu.memref_squeeze %dma_wait3A_320 : memref<1x128xi32, #tpu.memory_space<vmem>> -> memref<128xi32, #tpu.memory_space<vmem>>
          %dma_wait3A_322 = arith.constant 0 : i32
          %dma_wait3A_323 = arith.constant 0 : i32
          %dma_wait3A_324 = tpu.memref_slice %arg14[%dma_wait3A_322, %dma_wait3A_323] : memref<640x16xf32, #tpu.memory_space<vmem_shared>> -> memref<640x16xf32, #tpu.memory_space<vmem_shared>>
          tpu.wait_indirect_dma semaphore(%run_scoped3A_314 : memref<!tpu.dma_semaphore, #tpu.memory_space<semaphore_mem>>) src(%arg8 : memref<128x16xf32, #tpu.memory_space<vmem>>) dst(%dma_wait3A_324 : memref<640x16xf32, #tpu.memory_space<vmem_shared>>)
          tpu.yield
        }) : () -> ()
      } else {
      }
      %scan3A_313 = arith.constant 0 : i32
      scf.yield %scan3A_313 : i32
    }
    %scan3A_284 = arith.constant 24 : i32
    %add3A_285 = arith.constant 3125 : i32
    %add3A_286 = arith.addi %add3A_5, %add3A_285 : i32
    %sub3A = arith.constant 128 : i32
    %sub3A_287 = arith.subi %add3A_286, %sub3A : i32
    "tpu.region"() ({
      %run_scoped3A_303 = tpu.sem_alloc : memref<!tpu.dma_semaphore, #tpu.memory_space<semaphore_mem>>
      %dma_start3A = arith.constant 0 : i32
      %dma_start3A_304 = tpu.memref_slice %arg2[%sub3A_287, %dma_start3A] : memref<100000x32xf32, #tpu.memory_space<hbm>> -> memref<128x32xf32, #tpu.memory_space<hbm>>
      %dma_start3A_305 = arith.constant 0 : i32
      %dma_start3A_306 = tpu.memref_slice %arg2[%sub3A_287, %dma_start3A_305] : memref<100000x32xf32, #tpu.memory_space<hbm>> -> memref<128x32xf32, #tpu.memory_space<hbm>>
      tpu.enqueue_dma source(%dma_start3A_306 : memref<128x32xf32, #tpu.memory_space<hbm>>) target(%arg7 : memref<128x32xf32, #tpu.memory_space<vmem>>) target_semaphore(%run_scoped3A_303 : memref<!tpu.dma_semaphore, #tpu.memory_space<semaphore_mem>>)
      %dma_wait3A = arith.constant 0 : i32
      %dma_wait3A_307 = tpu.memref_slice %arg2[%sub3A_287, %dma_wait3A] : memref<100000x32xf32, #tpu.memory_space<hbm>> -> memref<128x32xf32, #tpu.memory_space<hbm>>
      %dma_wait3A_308 = arith.constant 0 : i32
      %dma_wait3A_309 = tpu.memref_slice %arg2[%sub3A_287, %dma_wait3A_308] : memref<100000x32xf32, #tpu.memory_space<hbm>> -> memref<128x32xf32, #tpu.memory_space<hbm>>
      tpu.wait_dma2 semaphore(%run_scoped3A_303 : memref<!tpu.dma_semaphore, #tpu.memory_space<semaphore_mem>>) src(%dma_wait3A_309 : memref<128x32xf32, #tpu.memory_space<hbm>>) dst(%arg7 : memref<128x32xf32, #tpu.memory_space<vmem>>)
      tpu.yield
    }) : () -> ()
    %run_scoped3A = arith.constant 24 : i32
    "tpu.region"() ({
      %run_scoped3A_303 = tpu.sem_alloc : memref<!tpu.dma_semaphore, #tpu.memory_space<semaphore_mem>>
      %dma_start3A = arith.constant 0 : i32
      %dma_start3A_304 = tpu.memref_slice %arg6[%run_scoped3A, %dma_start3A] : memref<25x128xi32, #tpu.memory_space<vmem>> -> memref<1x128xi32, #tpu.memory_space<vmem>>
      %dma_start3A_305 = tpu.memref_squeeze %dma_start3A_304 : memref<1x128xi32, #tpu.memory_space<vmem>> -> memref<128xi32, #tpu.memory_space<vmem>>
      %dma_start3A_306 = arith.constant 0 : i32
      %dma_start3A_307 = arith.constant 0 : i32
      %dma_start3A_308 = tpu.memref_slice %arg13[%dma_start3A_306, %dma_start3A_307] : memref<640x32xf32, #tpu.memory_space<vmem_shared>> -> memref<640x32xf32, #tpu.memory_space<vmem_shared>>
      tpu.enqueue_indirect_dma source(%arg7 : memref<128x32xf32, #tpu.memory_space<vmem>>) target(%dma_start3A_308 : memref<640x32xf32, #tpu.memory_space<vmem_shared>>) offsets(%dma_start3A_305 : memref<128xi32, #tpu.memory_space<vmem>>) semaphore(%run_scoped3A_303 : memref<!tpu.dma_semaphore, #tpu.memory_space<semaphore_mem>>) {add = true}
      %dma_wait3A = arith.constant 0 : i32
      %dma_wait3A_309 = tpu.memref_slice %arg6[%run_scoped3A, %dma_wait3A] : memref<25x128xi32, #tpu.memory_space<vmem>> -> memref<1x128xi32, #tpu.memory_space<vmem>>
      %dma_wait3A_310 = tpu.memref_squeeze %dma_wait3A_309 : memref<1x128xi32, #tpu.memory_space<vmem>> -> memref<128xi32, #tpu.memory_space<vmem>>
      %dma_wait3A_311 = arith.constant 0 : i32
      %dma_wait3A_312 = arith.constant 0 : i32
      %dma_wait3A_313 = tpu.memref_slice %arg13[%dma_wait3A_311, %dma_wait3A_312] : memref<640x32xf32, #tpu.memory_space<vmem_shared>> -> memref<640x32xf32, #tpu.memory_space<vmem_shared>>
      tpu.wait_indirect_dma semaphore(%run_scoped3A_303 : memref<!tpu.dma_semaphore, #tpu.memory_space<semaphore_mem>>) src(%arg7 : memref<128x32xf32, #tpu.memory_space<vmem>>) dst(%dma_wait3A_313 : memref<640x32xf32, #tpu.memory_space<vmem_shared>>)
      tpu.yield
    }) : () -> ()
    %eq3A = arith.constant 0 : i32
    %eq3A_288 = arith.cmpi eq, %arg0, %eq3A : i32
    %convert_element_type3A = arith.extui %eq3A_288 : i1 to i32
    %cond3A = arith.constant 0 : i32
    %cond3A_289 = arith.cmpi ne, %convert_element_type3A, %cond3A : i32
    scf.if %cond3A_289 {
      %run_scoped3A_303 = arith.constant 24 : i32
      "tpu.region"() ({
        %run_scoped3A_304 = tpu.sem_alloc : memref<!tpu.dma_semaphore, #tpu.memory_space<semaphore_mem>>
        %dma_start3A = arith.constant 0 : i32
        %dma_start3A_305 = tpu.memref_slice %arg6[%run_scoped3A_303, %dma_start3A] : memref<25x128xi32, #tpu.memory_space<vmem>> -> memref<1x128xi32, #tpu.memory_space<vmem>>
        %dma_start3A_306 = tpu.memref_squeeze %dma_start3A_305 : memref<1x128xi32, #tpu.memory_space<vmem>> -> memref<128xi32, #tpu.memory_space<vmem>>
        %dma_start3A_307 = arith.constant 0 : i32
        %dma_start3A_308 = arith.constant 0 : i32
        %dma_start3A_309 = tpu.memref_slice %arg14[%dma_start3A_307, %dma_start3A_308] : memref<640x16xf32, #tpu.memory_space<vmem_shared>> -> memref<640x16xf32, #tpu.memory_space<vmem_shared>>
        tpu.enqueue_indirect_dma source(%arg8 : memref<128x16xf32, #tpu.memory_space<vmem>>) target(%dma_start3A_309 : memref<640x16xf32, #tpu.memory_space<vmem_shared>>) offsets(%dma_start3A_306 : memref<128xi32, #tpu.memory_space<vmem>>) semaphore(%run_scoped3A_304 : memref<!tpu.dma_semaphore, #tpu.memory_space<semaphore_mem>>) {add = true}
        %dma_wait3A = arith.constant 0 : i32
        %dma_wait3A_310 = tpu.memref_slice %arg6[%run_scoped3A_303, %dma_wait3A] : memref<25x128xi32, #tpu.memory_space<vmem>> -> memref<1x128xi32, #tpu.memory_space<vmem>>
        %dma_wait3A_311 = tpu.memref_squeeze %dma_wait3A_310 : memref<1x128xi32, #tpu.memory_space<vmem>> -> memref<128xi32, #tpu.memory_space<vmem>>
        %dma_wait3A_312 = arith.constant 0 : i32
        %dma_wait3A_313 = arith.constant 0 : i32
        %dma_wait3A_314 = tpu.memref_slice %arg14[%dma_wait3A_312, %dma_wait3A_313] : memref<640x16xf32, #tpu.memory_space<vmem_shared>> -> memref<640x16xf32, #tpu.memory_space<vmem_shared>>
        tpu.wait_indirect_dma semaphore(%run_scoped3A_304 : memref<!tpu.dma_semaphore, #tpu.memory_space<semaphore_mem>>) src(%arg8 : memref<128x16xf32, #tpu.memory_space<vmem>>) dst(%dma_wait3A_314 : memref<640x16xf32, #tpu.memory_space<vmem_shared>>)
        tpu.yield
      }) : () -> ()
    } else {
    }
    %barrier3A_290 = arith.constant 0 : index
    tpu.barrier barrier_id(%barrier3A_290)
    %mul3A_291 = arith.constant 32 : i32
    %mul3A_292 = arith.muli %arg1, %mul3A_291 : i32
    "tpu.region"() ({
      %run_scoped3A_303 = tpu.sem_alloc : memref<!tpu.dma_semaphore, #tpu.memory_space<semaphore_mem>>
      %dma_start3A = arith.constant 0 : i32
      %dma_start3A_304 = tpu.memref_slice %arg13[%mul3A_292, %dma_start3A] : memref<640x32xf32, #tpu.memory_space<vmem_shared>> -> memref<32x32xf32, #tpu.memory_space<vmem_shared>>
      %dma_start3A_305 = arith.constant 0 : i32
      %dma_start3A_306 = tpu.memref_slice %arg13[%mul3A_292, %dma_start3A_305] : memref<640x32xf32, #tpu.memory_space<vmem_shared>> -> memref<32x32xf32, #tpu.memory_space<vmem_shared>>
      tpu.enqueue_dma source(%dma_start3A_306 : memref<32x32xf32, #tpu.memory_space<vmem_shared>>) target(%arg11 : memref<32x32xf32, #tpu.memory_space<vmem>>) target_semaphore(%run_scoped3A_303 : memref<!tpu.dma_semaphore, #tpu.memory_space<semaphore_mem>>)
      %dma_wait3A = arith.constant 0 : i32
      %dma_wait3A_307 = tpu.memref_slice %arg13[%mul3A_292, %dma_wait3A] : memref<640x32xf32, #tpu.memory_space<vmem_shared>> -> memref<32x32xf32, #tpu.memory_space<vmem_shared>>
      %dma_wait3A_308 = arith.constant 0 : i32
      %dma_wait3A_309 = tpu.memref_slice %arg13[%mul3A_292, %dma_wait3A_308] : memref<640x32xf32, #tpu.memory_space<vmem_shared>> -> memref<32x32xf32, #tpu.memory_space<vmem_shared>>
      tpu.wait_dma2 semaphore(%run_scoped3A_303 : memref<!tpu.dma_semaphore, #tpu.memory_space<semaphore_mem>>) src(%dma_wait3A_309 : memref<32x32xf32, #tpu.memory_space<vmem_shared>>) dst(%arg11 : memref<32x32xf32, #tpu.memory_space<vmem>>)
      tpu.yield
    }) : () -> ()
    %mul3A_293 = arith.constant 512 : i32
    %mul3A_294 = arith.muli %arg0, %mul3A_293 : i32
    %mul3A_295 = arith.constant 32 : i32
    %mul3A_296 = arith.muli %arg1, %mul3A_295 : i32
    %add3A_297 = arith.addi %mul3A_294, %mul3A_296 : i32
    "tpu.region"() ({
      %run_scoped3A_303 = tpu.sem_alloc : memref<!tpu.dma_semaphore, #tpu.memory_space<semaphore_mem>>
      %dma_start3A = arith.constant 0 : i32
      %dma_start3A_304 = tpu.memref_slice %arg4[%add3A_297, %dma_start3A] : memref<1024x32xf32, #tpu.memory_space<hbm>> -> memref<32x32xf32, #tpu.memory_space<hbm>>
      %dma_start3A_305 = arith.constant 0 : i32
      %dma_start3A_306 = tpu.memref_slice %arg4[%add3A_297, %dma_start3A_305] : memref<1024x32xf32, #tpu.memory_space<hbm>> -> memref<32x32xf32, #tpu.memory_space<hbm>>
      tpu.enqueue_dma source(%arg11 : memref<32x32xf32, #tpu.memory_space<vmem>>) target(%dma_start3A_306 : memref<32x32xf32, #tpu.memory_space<hbm>>) target_semaphore(%run_scoped3A_303 : memref<!tpu.dma_semaphore, #tpu.memory_space<semaphore_mem>>)
      %dma_wait3A = arith.constant 0 : i32
      %dma_wait3A_307 = tpu.memref_slice %arg4[%add3A_297, %dma_wait3A] : memref<1024x32xf32, #tpu.memory_space<hbm>> -> memref<32x32xf32, #tpu.memory_space<hbm>>
      %dma_wait3A_308 = arith.constant 0 : i32
      %dma_wait3A_309 = tpu.memref_slice %arg4[%add3A_297, %dma_wait3A_308] : memref<1024x32xf32, #tpu.memory_space<hbm>> -> memref<32x32xf32, #tpu.memory_space<hbm>>
      tpu.wait_dma2 semaphore(%run_scoped3A_303 : memref<!tpu.dma_semaphore, #tpu.memory_space<semaphore_mem>>) src(%arg11 : memref<32x32xf32, #tpu.memory_space<vmem>>) dst(%dma_wait3A_309 : memref<32x32xf32, #tpu.memory_space<hbm>>)
      tpu.yield
    }) : () -> ()
    %eq3A_298 = arith.constant 0 : i32
    %eq3A_299 = arith.cmpi eq, %arg0, %eq3A_298 : i32
    %convert_element_type3A_300 = arith.extui %eq3A_299 : i1 to i32
    %cond3A_301 = arith.constant 0 : i32
    %cond3A_302 = arith.cmpi ne, %convert_element_type3A_300, %cond3A_301 : i32
    scf.if %cond3A_302 {
      %mul3A_303 = arith.constant 32 : i32
      %mul3A_304 = arith.muli %arg1, %mul3A_303 : i32
      "tpu.region"() ({
        %run_scoped3A_307 = tpu.sem_alloc : memref<!tpu.dma_semaphore, #tpu.memory_space<semaphore_mem>>
        %dma_start3A = arith.constant 0 : i32
        %dma_start3A_308 = tpu.memref_slice %arg14[%mul3A_304, %dma_start3A] : memref<640x16xf32, #tpu.memory_space<vmem_shared>> -> memref<32x16xf32, #tpu.memory_space<vmem_shared>>
        %dma_start3A_309 = arith.constant 0 : i32
        %dma_start3A_310 = tpu.memref_slice %arg14[%mul3A_304, %dma_start3A_309] : memref<640x16xf32, #tpu.memory_space<vmem_shared>> -> memref<32x16xf32, #tpu.memory_space<vmem_shared>>
        tpu.enqueue_dma source(%dma_start3A_310 : memref<32x16xf32, #tpu.memory_space<vmem_shared>>) target(%arg12 : memref<32x16xf32, #tpu.memory_space<vmem>>) target_semaphore(%run_scoped3A_307 : memref<!tpu.dma_semaphore, #tpu.memory_space<semaphore_mem>>)
        %dma_wait3A = arith.constant 0 : i32
        %dma_wait3A_311 = tpu.memref_slice %arg14[%mul3A_304, %dma_wait3A] : memref<640x16xf32, #tpu.memory_space<vmem_shared>> -> memref<32x16xf32, #tpu.memory_space<vmem_shared>>
        %dma_wait3A_312 = arith.constant 0 : i32
        %dma_wait3A_313 = tpu.memref_slice %arg14[%mul3A_304, %dma_wait3A_312] : memref<640x16xf32, #tpu.memory_space<vmem_shared>> -> memref<32x16xf32, #tpu.memory_space<vmem_shared>>
        tpu.wait_dma2 semaphore(%run_scoped3A_307 : memref<!tpu.dma_semaphore, #tpu.memory_space<semaphore_mem>>) src(%dma_wait3A_313 : memref<32x16xf32, #tpu.memory_space<vmem_shared>>) dst(%arg12 : memref<32x16xf32, #tpu.memory_space<vmem>>)
        tpu.yield
      }) : () -> ()
      %mul3A_305 = arith.constant 32 : i32
      %mul3A_306 = arith.muli %arg1, %mul3A_305 : i32
      "tpu.region"() ({
        %run_scoped3A_307 = tpu.sem_alloc : memref<!tpu.dma_semaphore, #tpu.memory_space<semaphore_mem>>
        %dma_start3A = arith.constant 0 : i32
        %dma_start3A_308 = tpu.memref_slice %arg5[%mul3A_306, %dma_start3A] : memref<512x16xf32, #tpu.memory_space<hbm>> -> memref<32x16xf32, #tpu.memory_space<hbm>>
        %dma_start3A_309 = arith.constant 0 : i32
        %dma_start3A_310 = tpu.memref_slice %arg5[%mul3A_306, %dma_start3A_309] : memref<512x16xf32, #tpu.memory_space<hbm>> -> memref<32x16xf32, #tpu.memory_space<hbm>>
        tpu.enqueue_dma source(%arg12 : memref<32x16xf32, #tpu.memory_space<vmem>>) target(%dma_start3A_310 : memref<32x16xf32, #tpu.memory_space<hbm>>) target_semaphore(%run_scoped3A_307 : memref<!tpu.dma_semaphore, #tpu.memory_space<semaphore_mem>>)
        %dma_wait3A = arith.constant 0 : i32
        %dma_wait3A_311 = tpu.memref_slice %arg5[%mul3A_306, %dma_wait3A] : memref<512x16xf32, #tpu.memory_space<hbm>> -> memref<32x16xf32, #tpu.memory_space<hbm>>
        %dma_wait3A_312 = arith.constant 0 : i32
        %dma_wait3A_313 = tpu.memref_slice %arg5[%mul3A_306, %dma_wait3A_312] : memref<512x16xf32, #tpu.memory_space<hbm>> -> memref<32x16xf32, #tpu.memory_space<hbm>>
        tpu.wait_dma2 semaphore(%run_scoped3A_307 : memref<!tpu.dma_semaphore, #tpu.memory_space<semaphore_mem>>) src(%arg12 : memref<32x16xf32, #tpu.memory_space<vmem>>) dst(%dma_wait3A_313 : memref<32x16xf32, #tpu.memory_space<hbm>>)
        tpu.yield
      }) : () -> ()
    } else {
    }
    return
  }
}

module attributes {stable_mosaic.version = 14 : i64} {
  func.func @_mm1_body(%arg0: i32, %arg1: memref<400x64xf32, #tpu.memory_space<vmem>>, %arg2: memref<64x64xf32, #tpu.memory_space<vmem>>, %arg3: memref<400x1xf32, #tpu.memory_space<vmem>>, %arg4: memref<400x1xf32, #tpu.memory_space<vmem>>, %arg5: memref<400x64xf32, #tpu.memory_space<vmem>>, %arg6: memref<400x1xf32, #tpu.memory_space<vmem>>) attributes {dimension_semantics = [#tpu.dimension_semantics<arbitrary>], iteration_bounds = array<i64: 125>, scalar_prefetch = 0 : i64, scratch_operands = 0 : i64, tpu.core_type = #tpu.core_type<tc>, window_params = [{transform_indices = @transform_0, window_bounds = array<i64: 400, 64>}, {pipeline_mode = #tpu.pipeline_mode<synchronous>, transform_indices = @transform_1, window_bounds = array<i64: 64, 64>}, {transform_indices = @transform_2, window_bounds = array<i64: 400, 1>}, {transform_indices = @transform_3, window_bounds = array<i64: 400, 1>}, {transform_indices = @transform_4, window_bounds = array<i64: 400, 64>}, {transform_indices = @transform_5, window_bounds = array<i64: 400, 1>}]} {
    %get3A = arith.constant 0 : index
    %get3A_0 = arith.constant 0 : index
    %get3A_1 = vector.load %arg3[%get3A, %get3A_0] : memref<400x1xf32, #tpu.memory_space<vmem>>, vector<400x1xf32>
    %get3A_2 = arith.constant 0 : index
    %get3A_3 = arith.constant 0 : index
    %get3A_4 = vector.load %arg4[%get3A_2, %get3A_3] : memref<400x1xf32, #tpu.memory_space<vmem>>, vector<400x1xf32>
    %add3A = arith.addf %get3A_1, %get3A_4 : vector<400x1xf32>
    %add3A_5 = arith.constant 1.000000e+00 : f32
    %add3A_6 = vector.broadcast %add3A_5 : f32 to vector<400x1xf32>
    %add3A_7 = arith.addf %add3A, %add3A_6 : vector<400x1xf32>
    %sqrt3A = math.sqrt %add3A_7 : vector<400x1xf32>
    %div3A = arith.constant 1.000000e+00 : f32
    %div3A_8 = vector.broadcast %div3A : f32 to vector<400x1xf32>
    %div3A_9 = arith.divf %div3A_8, %sqrt3A : vector<400x1xf32>
    %get3A_10 = arith.constant 0 : index
    %get3A_11 = arith.constant 0 : index
    %get3A_12 = vector.load %arg1[%get3A_10, %get3A_11] : memref<400x64xf32, #tpu.memory_space<vmem>>, vector<400x64xf32>
    %get3A_13 = arith.constant 0 : index
    %get3A_14 = arith.constant 0 : index
    %get3A_15 = vector.load %arg2[%get3A_13, %get3A_14] : memref<64x64xf32, #tpu.memory_space<vmem>>, vector<64x64xf32>
    %dot_general3A = arith.constant dense<0.000000e+00> : vector<400x64xf32>
    %dot_general3A_16 = tpu.matmul %get3A_12, %get3A_15, %dot_general3A {dimension_numbers = #tpu.dot_dimension_numbers<[1], [1], [0], [0], [0, 0, 1, 0], [], []>, transpose_lhs_hint = false} : vector<400x64xf32>, vector<64x64xf32>, vector<400x64xf32> -> vector<400x64xf32>
    %mul3A = vector.broadcast %div3A_9 : vector<400x1xf32> to vector<400x64xf32>
    %mul3A_17 = arith.mulf %dot_general3A_16, %mul3A : vector<400x64xf32>
    %swap3A = arith.constant 0 : index
    %swap3A_18 = arith.constant 0 : index
    %swap3A_19 = vector.load %arg5[%swap3A, %swap3A_18] : memref<400x64xf32, #tpu.memory_space<vmem>>, vector<400x64xf32>
    tpu.vector_store %arg5[%swap3A, %swap3A_18], %mul3A_17 {strides = array<i32>} : memref<400x64xf32, #tpu.memory_space<vmem>>, vector<400x64xf32>,
    %swap3A_20 = arith.constant 0 : index
    %swap3A_21 = arith.constant 0 : index
    %swap3A_22 = vector.load %arg6[%swap3A_20, %swap3A_21] : memref<400x1xf32, #tpu.memory_space<vmem>>, vector<400x1xf32>
    tpu.vector_store %arg6[%swap3A_20, %swap3A_21], %div3A_9 {strides = array<i32>} : memref<400x1xf32, #tpu.memory_space<vmem>>, vector<400x1xf32>,
    return
  }
  func.func @transform_0(%arg0: i32) -> (i32, i32) {
    %c0_i32 = arith.constant 0 : i32
    %c0_i32_0 = arith.constant 0 : i32
    return %arg0, %c0_i32 : i32, i32
  }
  func.func @transform_1(%arg0: i32) -> (i32, i32) {
    %c0_i32 = arith.constant 0 : i32
    %c0_i32_0 = arith.constant 0 : i32
    %c0_i32_1 = arith.constant 0 : i32
    return %c0_i32, %c0_i32_0 : i32, i32
  }
  func.func @transform_2(%arg0: i32) -> (i32, i32) {
    %c0_i32 = arith.constant 0 : i32
    %c0_i32_0 = arith.constant 0 : i32
    return %arg0, %c0_i32 : i32, i32
  }
  func.func @transform_3(%arg0: i32) -> (i32, i32) {
    %c0_i32 = arith.constant 0 : i32
    %c0_i32_0 = arith.constant 0 : i32
    return %arg0, %c0_i32 : i32, i32
  }
  func.func @transform_4(%arg0: i32) -> (i32, i32) {
    %c0_i32 = arith.constant 0 : i32
    %c0_i32_0 = arith.constant 0 : i32
    return %arg0, %c0_i32 : i32, i32
  }
  func.func @transform_5(%arg0: i32) -> (i32, i32) {
    %c0_i32 = arith.constant 0 : i32
    %c0_i32_0 = arith.constant 0 : i32
    return %arg0, %c0_i32 : i32, i32
  }
}

module attributes {stable_mosaic.version = 14 : i64} {
  func.func @_mm2_body(%arg0: i32, %arg1: memref<400x64xf32, #tpu.memory_space<vmem>>, %arg2: memref<400x64xf32, #tpu.memory_space<vmem>>, %arg3: memref<400x1xf32, #tpu.memory_space<vmem>>, %arg4: memref<1x64xf32, #tpu.memory_space<vmem>>, %arg5: memref<64x64xf32, #tpu.memory_space<vmem>>, %arg6: memref<400x64xf32, #tpu.memory_space<vmem>>) attributes {dimension_semantics = [#tpu.dimension_semantics<arbitrary>], iteration_bounds = array<i64: 125>, scalar_prefetch = 0 : i64, scratch_operands = 0 : i64, tpu.core_type = #tpu.core_type<tc>, window_params = [{transform_indices = @transform_0, window_bounds = array<i64: 400, 64>}, {transform_indices = @transform_1, window_bounds = array<i64: 400, 64>}, {transform_indices = @transform_2, window_bounds = array<i64: 400, 1>}, {pipeline_mode = #tpu.pipeline_mode<synchronous>, transform_indices = @transform_3, window_bounds = array<i64: 1, 64>}, {pipeline_mode = #tpu.pipeline_mode<synchronous>, transform_indices = @transform_4, window_bounds = array<i64: 64, 64>}, {transform_indices = @transform_5, window_bounds = array<i64: 400, 64>}]} {
    %get3A = arith.constant 0 : index
    %get3A_0 = arith.constant 0 : index
    %get3A_1 = vector.load %arg3[%get3A, %get3A_0] : memref<400x1xf32, #tpu.memory_space<vmem>>, vector<400x1xf32>
    %get3A_2 = arith.constant 0 : index
    %get3A_3 = arith.constant 0 : index
    %get3A_4 = vector.load %arg1[%get3A_2, %get3A_3] : memref<400x64xf32, #tpu.memory_space<vmem>>, vector<400x64xf32>
    %get3A_5 = arith.constant 0 : index
    %get3A_6 = arith.constant 0 : index
    %get3A_7 = vector.load %arg2[%get3A_5, %get3A_6] : memref<400x64xf32, #tpu.memory_space<vmem>>, vector<400x64xf32>
    %add3A = arith.addf %get3A_4, %get3A_7 : vector<400x64xf32>
    %mul3A = vector.broadcast %get3A_1 : vector<400x1xf32> to vector<400x64xf32>
    %mul3A_8 = arith.mulf %mul3A, %add3A : vector<400x64xf32>
    %get3A_9 = arith.constant 0 : index
    %get3A_10 = arith.constant 0 : index
    %get3A_11 = vector.load %arg4[%get3A_9, %get3A_10] : memref<1x64xf32, #tpu.memory_space<vmem>>, vector<1x64xf32>
    %add3A_12 = vector.broadcast %get3A_11 : vector<1x64xf32> to vector<400x64xf32>
    %add3A_13 = arith.addf %mul3A_8, %add3A_12 : vector<400x64xf32>
    %max3A = arith.constant 0.000000e+00 : f32
    %max3A_14 = vector.broadcast %max3A : f32 to vector<400x64xf32>
    %max3A_15 = arith.maximumf %add3A_13, %max3A_14 : vector<400x64xf32>
    %get3A_16 = arith.constant 0 : index
    %get3A_17 = arith.constant 0 : index
    %get3A_18 = vector.load %arg5[%get3A_16, %get3A_17] : memref<64x64xf32, #tpu.memory_space<vmem>>, vector<64x64xf32>
    %dot_general3A = arith.constant dense<0.000000e+00> : vector<400x64xf32>
    %dot_general3A_19 = tpu.matmul %max3A_15, %get3A_18, %dot_general3A {dimension_numbers = #tpu.dot_dimension_numbers<[1], [1], [0], [0], [0, 0, 1, 0], [], []>, transpose_lhs_hint = false} : vector<400x64xf32>, vector<64x64xf32>, vector<400x64xf32> -> vector<400x64xf32>
    %mul3A_20 = vector.broadcast %get3A_1 : vector<400x1xf32> to vector<400x64xf32>
    %mul3A_21 = arith.mulf %dot_general3A_19, %mul3A_20 : vector<400x64xf32>
    %swap3A = arith.constant 0 : index
    %swap3A_22 = arith.constant 0 : index
    %swap3A_23 = vector.load %arg6[%swap3A, %swap3A_22] : memref<400x64xf32, #tpu.memory_space<vmem>>, vector<400x64xf32>
    tpu.vector_store %arg6[%swap3A, %swap3A_22], %mul3A_21 {strides = array<i32>} : memref<400x64xf32, #tpu.memory_space<vmem>>, vector<400x64xf32>,
    return
  }
  func.func @transform_0(%arg0: i32) -> (i32, i32) {
    %c0_i32 = arith.constant 0 : i32
    %c0_i32_0 = arith.constant 0 : i32
    return %arg0, %c0_i32 : i32, i32
  }
  func.func @transform_1(%arg0: i32) -> (i32, i32) {
    %c0_i32 = arith.constant 0 : i32
    %c0_i32_0 = arith.constant 0 : i32
    return %arg0, %c0_i32 : i32, i32
  }
  func.func @transform_2(%arg0: i32) -> (i32, i32) {
    %c0_i32 = arith.constant 0 : i32
    %c0_i32_0 = arith.constant 0 : i32
    return %arg0, %c0_i32 : i32, i32
  }
  func.func @transform_3(%arg0: i32) -> (i32, i32) {
    %c0_i32 = arith.constant 0 : i32
    %c0_i32_0 = arith.constant 0 : i32
    %c0_i32_1 = arith.constant 0 : i32
    return %c0_i32, %c0_i32_0 : i32, i32
  }
  func.func @transform_4(%arg0: i32) -> (i32, i32) {
    %c0_i32 = arith.constant 0 : i32
    %c0_i32_0 = arith.constant 0 : i32
    %c0_i32_1 = arith.constant 0 : i32
    return %c0_i32, %c0_i32_0 : i32, i32
  }
  func.func @transform_5(%arg0: i32) -> (i32, i32) {
    %c0_i32 = arith.constant 0 : i32
    %c0_i32_0 = arith.constant 0 : i32
    return %arg0, %c0_i32 : i32, i32
  }
}

module attributes {stable_mosaic.version = 14 : i64} {
  func.func @_post_body(%arg0: i32, %arg1: memref<400x64xf32, #tpu.memory_space<vmem>>, %arg2: memref<400x64xf32, #tpu.memory_space<vmem>>, %arg3: memref<400x1xf32, #tpu.memory_space<vmem>>, %arg4: memref<1x64xf32, #tpu.memory_space<vmem>>, %arg5: memref<400x64xf32, #tpu.memory_space<vmem>>) attributes {dimension_semantics = [#tpu.dimension_semantics<arbitrary>], iteration_bounds = array<i64: 125>, scalar_prefetch = 0 : i64, scratch_operands = 0 : i64, tpu.core_type = #tpu.core_type<tc>, window_params = [{transform_indices = @transform_0, window_bounds = array<i64: 400, 64>}, {transform_indices = @transform_1, window_bounds = array<i64: 400, 64>}, {transform_indices = @transform_2, window_bounds = array<i64: 400, 1>}, {pipeline_mode = #tpu.pipeline_mode<synchronous>, transform_indices = @transform_3, window_bounds = array<i64: 1, 64>}, {transform_indices = @transform_4, window_bounds = array<i64: 400, 64>}]} {
    %get3A = arith.constant 0 : index
    %get3A_0 = arith.constant 0 : index
    %get3A_1 = vector.load %arg3[%get3A, %get3A_0] : memref<400x1xf32, #tpu.memory_space<vmem>>, vector<400x1xf32>
    %get3A_2 = arith.constant 0 : index
    %get3A_3 = arith.constant 0 : index
    %get3A_4 = vector.load %arg1[%get3A_2, %get3A_3] : memref<400x64xf32, #tpu.memory_space<vmem>>, vector<400x64xf32>
    %get3A_5 = arith.constant 0 : index
    %get3A_6 = arith.constant 0 : index
    %get3A_7 = vector.load %arg2[%get3A_5, %get3A_6] : memref<400x64xf32, #tpu.memory_space<vmem>>, vector<400x64xf32>
    %add3A = arith.addf %get3A_4, %get3A_7 : vector<400x64xf32>
    %mul3A = vector.broadcast %get3A_1 : vector<400x1xf32> to vector<400x64xf32>
    %mul3A_8 = arith.mulf %mul3A, %add3A : vector<400x64xf32>
    %get3A_9 = arith.constant 0 : index
    %get3A_10 = arith.constant 0 : index
    %get3A_11 = vector.load %arg4[%get3A_9, %get3A_10] : memref<1x64xf32, #tpu.memory_space<vmem>>, vector<1x64xf32>
    %add3A_12 = vector.broadcast %get3A_11 : vector<1x64xf32> to vector<400x64xf32>
    %add3A_13 = arith.addf %mul3A_8, %add3A_12 : vector<400x64xf32>
    %max3A = arith.constant 0.000000e+00 : f32
    %max3A_14 = vector.broadcast %max3A : f32 to vector<400x64xf32>
    %max3A_15 = arith.maximumf %add3A_13, %max3A_14 : vector<400x64xf32>
    %swap3A = arith.constant 0 : index
    %swap3A_16 = arith.constant 0 : index
    %swap3A_17 = vector.load %arg5[%swap3A, %swap3A_16] : memref<400x64xf32, #tpu.memory_space<vmem>>, vector<400x64xf32>
    tpu.vector_store %arg5[%swap3A, %swap3A_16], %max3A_15 {strides = array<i32>} : memref<400x64xf32, #tpu.memory_space<vmem>>, vector<400x64xf32>,
    return
  }
  func.func @transform_0(%arg0: i32) -> (i32, i32) {
    %c0_i32 = arith.constant 0 : i32
    %c0_i32_0 = arith.constant 0 : i32
    return %arg0, %c0_i32 : i32, i32
  }
  func.func @transform_1(%arg0: i32) -> (i32, i32) {
    %c0_i32 = arith.constant 0 : i32
    %c0_i32_0 = arith.constant 0 : i32
    return %arg0, %c0_i32 : i32, i32
  }
  func.func @transform_2(%arg0: i32) -> (i32, i32) {
    %c0_i32 = arith.constant 0 : i32
    %c0_i32_0 = arith.constant 0 : i32
    return %arg0, %c0_i32 : i32, i32
  }
  func.func @transform_3(%arg0: i32) -> (i32, i32) {
    %c0_i32 = arith.constant 0 : i32
    %c0_i32_0 = arith.constant 0 : i32
    %c0_i32_1 = arith.constant 0 : i32
    return %c0_i32, %c0_i32_0 : i32, i32
  }
  func.func @transform_4(%arg0: i32) -> (i32, i32) {
    %c0_i32 = arith.constant 0 : i32
    %c0_i32_0 = arith.constant 0 : i32
    return %arg0, %c0_i32 : i32, i32
  }
}

module attributes {stable_mosaic.version = 14 : i64} {
  func.func @_head_body(%arg0: memref<512x64xf32, #tpu.memory_space<vmem>>, %arg1: memref<512x1xf32, #tpu.memory_space<vmem>>, %arg2: memref<64x64xf32, #tpu.memory_space<vmem>>, %arg3: memref<1x64xf32, #tpu.memory_space<vmem>>, %arg4: memref<64x64xf32, #tpu.memory_space<vmem>>, %arg5: memref<1x64xf32, #tpu.memory_space<vmem>>, %arg6: memref<512x64xf32, #tpu.memory_space<vmem>>) attributes {dimension_semantics = [], scalar_prefetch = 0 : i64, scratch_operands = 0 : i64, tpu.core_type = #tpu.core_type<tc>} {
    %get3A = arith.constant 0 : index
    %get3A_0 = arith.constant 0 : index
    %get3A_1 = vector.load %arg0[%get3A, %get3A_0] : memref<512x64xf32, #tpu.memory_space<vmem>>, vector<512x64xf32>
    %get3A_2 = arith.constant 0 : index
    %get3A_3 = arith.constant 0 : index
    %get3A_4 = vector.load %arg1[%get3A_2, %get3A_3] : memref<512x1xf32, #tpu.memory_space<vmem>>, vector<512x1xf32>
    %max3A = arith.constant 1.000000e+00 : f32
    %max3A_5 = vector.broadcast %max3A : f32 to vector<512x1xf32>
    %max3A_6 = arith.maximumf %get3A_4, %max3A_5 : vector<512x1xf32>
    %div3A = vector.broadcast %max3A_6 : vector<512x1xf32> to vector<512x64xf32>
    %div3A_7 = arith.divf %get3A_1, %div3A : vector<512x64xf32>
    %get3A_8 = arith.constant 0 : index
    %get3A_9 = arith.constant 0 : index
    %get3A_10 = vector.load %arg2[%get3A_8, %get3A_9] : memref<64x64xf32, #tpu.memory_space<vmem>>, vector<64x64xf32>
    %dot_general3A = arith.constant dense<0.000000e+00> : vector<512x64xf32>
    %dot_general3A_11 = tpu.matmul %div3A_7, %get3A_10, %dot_general3A {dimension_numbers = #tpu.dot_dimension_numbers<[1], [1], [0], [0], [0, 0, 1, 0], [], []>, transpose_lhs_hint = false} : vector<512x64xf32>, vector<64x64xf32>, vector<512x64xf32> -> vector<512x64xf32>
    %get3A_12 = arith.constant 0 : index
    %get3A_13 = arith.constant 0 : index
    %get3A_14 = vector.load %arg3[%get3A_12, %get3A_13] : memref<1x64xf32, #tpu.memory_space<vmem>>, vector<1x64xf32>
    %add3A = vector.broadcast %get3A_14 : vector<1x64xf32> to vector<512x64xf32>
    %add3A_15 = arith.addf %dot_general3A_11, %add3A : vector<512x64xf32>
    %max3A_16 = arith.constant 0.000000e+00 : f32
    %max3A_17 = vector.broadcast %max3A_16 : f32 to vector<512x64xf32>
    %max3A_18 = arith.maximumf %add3A_15, %max3A_17 : vector<512x64xf32>
    %get3A_19 = arith.constant 0 : index
    %get3A_20 = arith.constant 0 : index
    %get3A_21 = vector.load %arg4[%get3A_19, %get3A_20] : memref<64x64xf32, #tpu.memory_space<vmem>>, vector<64x64xf32>
    %dot_general3A_22 = arith.constant dense<0.000000e+00> : vector<512x64xf32>
    %dot_general3A_23 = tpu.matmul %max3A_18, %get3A_21, %dot_general3A_22 {dimension_numbers = #tpu.dot_dimension_numbers<[1], [1], [0], [0], [0, 0, 1, 0], [], []>, transpose_lhs_hint = false} : vector<512x64xf32>, vector<64x64xf32>, vector<512x64xf32> -> vector<512x64xf32>
    %get3A_24 = arith.constant 0 : index
    %get3A_25 = arith.constant 0 : index
    %get3A_26 = vector.load %arg5[%get3A_24, %get3A_25] : memref<1x64xf32, #tpu.memory_space<vmem>>, vector<1x64xf32>
    %add3A_27 = vector.broadcast %get3A_26 : vector<1x64xf32> to vector<512x64xf32>
    %add3A_28 = arith.addf %dot_general3A_23, %add3A_27 : vector<512x64xf32>
    %mul3A = arith.mulf %add3A_28, %add3A_28 : vector<512x64xf32>
    %reduce_sum3A = arith.constant dense<0.000000e+00> : vector<512xf32>
    %reduce_sum3A_29 = vector.multi_reduction <add>, %mul3A, %reduce_sum3A [1] : vector<512x64xf32> to vector<512xf32>
    %broadcast_in_dim3A = vector.shape_cast %reduce_sum3A_29 : vector<512xf32> to vector<512x1xf32>
    %sqrt3A = math.sqrt %broadcast_in_dim3A : vector<512x1xf32>
    %max3A_30 = arith.constant 9.99999996E-13 : f32
    %max3A_31 = vector.broadcast %max3A_30 : f32 to vector<512x1xf32>
    %max3A_32 = arith.maximumf %sqrt3A, %max3A_31 : vector<512x1xf32>
    %div3A_33 = vector.broadcast %max3A_32 : vector<512x1xf32> to vector<512x64xf32>
    %div3A_34 = arith.divf %add3A_28, %div3A_33 : vector<512x64xf32>
    %swap3A = arith.constant 0 : index
    %swap3A_35 = arith.constant 0 : index
    %swap3A_36 = vector.load %arg6[%swap3A, %swap3A_35] : memref<512x64xf32, #tpu.memory_space<vmem>>, vector<512x64xf32>
    tpu.vector_store %arg6[%swap3A, %swap3A_35], %div3A_34 {strides = array<i32>} : memref<512x64xf32, #tpu.memory_space<vmem>>, vector<512x64xf32>,
    return
  }
}

</mosaic_0001>

<sc_bundles>
// kernel: kernel.12.cloned.1.call-start
scs
__scs_entry_jumppad:
0x0: {  	(pc) =	sbr.rel $0x88, $3  }
0x1: {  	(tag) =	ssettag $0x0;
	lr =	simm.s32 $0x1  }
0x2: {  	[smem:$0x3F96] =	sst lr;
	_ =	strace $0xD0000000  }
0x3: {  	_ = 	snop  }
0x4: {  	_ = 	snop  }
0x5: {  	_ = 	snop  }
0x6: {  	_ = 	snop  }
0x7: {  	_ = 	snop  }
__scs_overlays_trampoline_lowered:
0x8: {  	[smem:$0x3FA5] =	sst s0  }
0x9: {  	[smem:$0x3FA6] =	sst s1  }
0xa: {  	[smem:$0x3FA7] =	sst s2  }
0xb: {  	[smem:$0x3FA8] =	sst s3  }
0xc: {  	[smem:$0x3FA9] =	sst s4  }
0xd: {  	[smem:$0x3FAA] =	sst s5  }
0xe: {  	[smem:$0x3FAB] =	sst s6  }
0xf: {  	[smem:$0x3FAC] =	sst s7  }
0x10: {  	[smem:$0x3FAD] =	sst s8  }
0x11: {  	[smem:$0x3FAE] =	sst s9;
	s0 =	simm.s32 @!p0 $0x0  }
0x12: {  	s1 =	sld [smem:$0x3F94];
	s0 =	simm.s32 @p0 $0x1  }
0x13: {  	[smem:$0x3FAF] =	sst s0;
	s0 =	simm.s32 @!p1 $0x0  }
0x14: {  	s2 =	sld [smem:$0x3F93];
	s0 =	simm.s32 @p1 $0x1  }
0x15: {  	[smem:$0x3FB0] =	sst s0;
	s0 =	simm.s32 @!p2 $0x0  }
0x16: {  	s3 =	sld [smem:$0x3FDB];
	s0 =	simm.s32 @p2 $0x1  }
0x17: {  	s4 =	simm.s32 $0x1BF5;
	[smem:$0x3FB2] =	sst s0  }
0x18: {  	s0 =	sld [smem:$0x3F95];
	_ =	swait.ge [sflag:s4], $0x0  }
0x19: {  	s7 =	sld [smem:$0x3F96]  }
0x1a: {  	s8 =	sadd.s32 $0xFFFFE003, lr  }
0x1b: {  	s9 =	sadd.s32 $0xFFFFFEF7, lr;
	s5 =	simm.s32 $0xFFFFFFFF;
	p2 =	slt.u32 s8, $0xFFFFF086  }
0x1c: {  	p1 =	slt.u32 s9, $0xF7A;
	s5 =	simm.s32 @!p2 $0x0  }
0x1d: {  	s5 =	simm.s32 @p1 $0x1;
	p0 =	seq.s32 s7, s2  }
0x1e: {  	s7 =	smul.u32 @!p0 $0xF7A, s2;
	p2 =	seq.s32 @!p0 s5, $0x0  }
0x1f: {  	s9 =	smul.u32 $0xF7A, s1;
	s8 =	simm.s32 @!p0 $0x1BF5;
	p2 =	por !p2, p0  }
0x20: {  	[sflag:s8] =	ssyncset.s32 @!p0 $0xFFFFF086;
	s6 =	sadd.s32 @!p0 s3, s7;
	s7 =	simm.s32 @!p0 $0x108  }
0x21: {  	s3 =	sadd.s32 s3, s9;
	s6 =	sadd.s32 @!p0 $0x88, s6;
	s7 =	simm.s32 @p2 $0x1082  }
0x22: {  	[simem:s7], [sflag:s8] =	dma.local @!p0 [hbm:s6], $0xF7A  }
0x23: {  	s9 =	sor.u32 $0xD0000000, s2;
	s6 =	simm.s32 $0x108;
	_ =	swait.ge @!p0 [sflag:s8], $0x0  }
0x24: {  	s3 =	sadd.s32 $0x88, s3;
	s6 =	simm.s32 @!p1 $0x1082;
	[sflag:s4] =	ssyncset.s32 $0xFFFFF086  }
0x25: {  	[simem:s6], [sflag:s4] =	dma.local [hbm:s3], $0xF7A  }
0x26: {  	[smem:$0x3F96] =	sst s1;
	(tag) =	ssettag s2;
	_ =	strace s9  }
0x27: {  	s1 =	sld [smem:$0x3FA6]  }
0x28: {  	s2 =	sld [smem:$0x3FA7]  }
0x29: {  	s4 =	sld [smem:$0x3FA9]  }
0x2a: {  	p0 =	seq.s32 s5, $0x0;
	s5 =	sld [smem:$0x3FAA]  }
0x2b: {  	s6 =	sld [smem:$0x3FAB]  }
0x2c: {  	s7 =	sld [smem:$0x3FAC]  }
0x2d: {  	s3 =	simm.s32 $0x108;
	s8 =	sld [smem:$0x3FAD]  }
0x2e: {  	s3 =	simm.s32 @!p0 $0x1082;
	s9 =	sld [smem:$0x3FAE]  }
0x2f: {  	lr =	sadd.s32 s0, s3;
	s0 =	sld [smem:$0x3FA5]  }
0x30: {  	s3 =	sld [smem:$0x3FA8]  }
0x31: {  	[smem:$0x3FB1] =	sst s10  }
0x32: {  	s10 =	sld [smem:$0x3FAF];
	_ =	sdelay $0x3  }
0x33: {  	p0 =	seq.s32 s10, $0x1;
	s10 =	sld [smem:$0x3FB1];
	_ =	sdelay $0x3  }
0x34: {  	[smem:$0x3FB1] =	sst s10  }
0x35: {  	s10 =	sld [smem:$0x3FB0];
	_ =	sdelay $0x3  }
0x36: {  	p1 =	seq.s32 s10, $0x1;
	s10 =	sld [smem:$0x3FB1];
	_ =	sdelay $0x3  }
0x37: {  	[smem:$0x3FB1] =	sst s10  }
0x38: {  	s10 =	sld [smem:$0x3FB2]  }
0x39: {  	_ = 	snop;
	(pc) =	sbr.ind lr, $3  }
0x3a: {  	_ = 	snop  }
0x3b: {  	_ = 	snop  }
0x3c: {  	p2 =	seq.s32 s10, $0x1;
	s10 =	sld [smem:$0x3FB1]  }
0x3d: {  	_ =	shalt  }
0x3e: {  	_ =	shalt  }
0x3f: {  	_ =	shalt  }
0x40: {  	_ =	shalt  }
0x41: {  	_ =	shalt  }
0x42: {  	_ =	shalt  }
0x43: {  	_ =	shalt  }
0x44: {  	_ =	shalt  }
0x45: {  	_ =	shalt  }
0x46: {  	_ =	shalt  }
0x47: {  	_ =	shalt  }
0x48: {  	_ =	shalt  }
0x49: {  	_ =	shalt  }
0x4a: {  	_ =	shalt  }
0x4b: {  	_ =	shalt  }
0x4c: {  	_ =	shalt  }
0x4d: {  	_ =	shalt  }
0x4e: {  	_ =	shalt  }
0x4f: {  	_ =	shalt  }
0x50: {  	_ =	shalt  }
0x51: {  	_ =	shalt  }
0x52: {  	_ =	shalt  }
0x53: {  	_ =	shalt  }
0x54: {  	_ =	shalt  }
0x55: {  	_ =	shalt  }
0x56: {  	_ =	shalt  }
0x57: {  	_ =	shalt  }
0x58: {  	_ =	shalt  }
0x59: {  	_ =	shalt  }
0x5a: {  	_ =	shalt  }
0x5b: {  	_ =	shalt  }
0x5c: {  	_ =	shalt  }
0x5d: {  	_ =	shalt  }
0x5e: {  	_ =	shalt  }
0x5f: {  	_ =	shalt  }
0x60: {  	_ =	shalt  }
0x61: {  	_ =	shalt  }
0x62: {  	_ =	shalt  }
0x63: {  	_ =	shalt  }
0x64: {  	_ =	shalt  }
0x65: {  	_ =	shalt  }
0x66: {  	_ =	shalt  }
0x67: {  	_ =	shalt  }
0x68: {  	_ =	shalt  }
0x69: {  	_ =	shalt  }
0x6a: {  	_ =	shalt  }
0x6b: {  	_ =	shalt  }
0x6c: {  	_ =	shalt  }
0x6d: {  	_ =	shalt  }
0x6e: {  	_ =	shalt  }
0x6f: {  	_ =	shalt  }
0x70: {  	_ =	shalt  }
0x71: {  	_ =	shalt  }
0x72: {  	_ =	shalt  }
0x73: {  	_ =	shalt  }
0x74: {  	_ =	shalt  }
0x75: {  	_ =	shalt  }
0x76: {  	_ =	shalt  }
0x77: {  	_ =	shalt  }
0x78: {  	_ =	shalt  }
0x79: {  	_ =	shalt  }
0x7a: {  	_ =	shalt  }
0x7b: {  	_ =	shalt  }
0x7c: {  	_ =	shalt  }
0x7d: {  	_ =	shalt  }
0x7e: {  	_ =	shalt  }
0x7f: {  	_ =	shalt  }
0x80: {  	_ =	shalt  }
0x81: {  	_ =	shalt  }
0x82: {  	_ =	shalt  }
0x83: {  	_ =	shalt  }
0x84: {  	_ =	shalt  }
0x85: {  	_ =	shalt  }
0x86: {  	_ =	shalt  }
0x87: {  	_ =	shalt  }
.Lfunc_end0:
.L_simem_size_0:
called_computation_lowered:
.L_overlay_start_0:
0x88: {  	s2 =	sld [smem:$0x3FD9]  }
0x89: {  	s3 =	sld [smem:$0x3FFE];
	_ =	sdelay $0x1  }
0x8a: {  	s1 =	srdreg.scid  }
0x8b: {  	s0 =	sand.u32 $0x1, s1  }
0x8c: {  	s16 =	sshll.u32 s0, $0xA;
	s2 =	sadd.s32 s3, s2  }
0x8d: {  	s2 =	sadd.s32 s2, s16  }
0x8e: {  	[smem:$0x3FBD] =	sst s2  }
0x8f: {  	_ = 	snop  }
0x90: {  	(tm) =	ssettm $0x1  }
0x91: {  	s17 =	sld [smem:$0x3FFB];
	_ =	sdelay $0x3  }
0x92: {  	_ =	strace s17  }
0x93: {  	s2 =	sld [smem:$0x3FFC];
	_ =	sdelay $0x3  }
0x94: {  	_ =	strace s2  }
0x95: {  	s2 =	sld [smem:$0x3FFD];
	_ =	sdelay $0x3  }
0x96: {  	_ =	strace s2  }
0x97: {  	_ =	strace $0x8FFFFFFF  }
0x98: {  	s18 =	sld [smem:$0x3FDB];
	_ =	sdelay $0x1  }
0x99: {  	s19 =	simm.s32 $_scs_section_size  }
0x9a: {  	s4 =	simm.s32 $_size__tile_overlayer_lowered;
	s5 =	simm.s32 $_tile_overlayer_lowered  }
0x9b: {  	s22 =	simm.s32 $0x1BFF;
	s21 =	sshll.u32 s5, $0x1;
	s2 =	sadd.s32 s19, s18  }
0x9c: {  	s6 =	simm.s32 $0x0;
	s20 =	sshll.u32 s4, $0x1;
	s4 =	sadd.s32 s21, s2  }
0x9d: {  	[timem:s6], [sflag:s22] =	dma.local [hbm:s4], s20  }
0x9e: {  	_ =	swait.ge [sflag:s22], s20  }
0x9f: {  	s3 =	ssub.s32 $0x0, s20;
	[sflag:s22] =	ssyncset.done $0x0  }
0xa0: {  	[sflag:s22] =	ssyncadd.s32 s3;
	_ =	sdelay $0x1  }
0xa1: {  	s23 =	simm.s32 $0x1B8B  }
0xa2: {  	_ =	swait.ge [sflag:s23], $0x1  }
0xa3: {  	[sflag:s23] =	ssyncset.done $0x0  }
0xa4: {  	s25 =	simm.s32 $0x1B8E;
	s24 =	sld [smem:$0x3FFE];
	[sflag:s23] =	ssyncadd.s32 $0xFFFFFFFF  }
0xa5: {  	s26 =	simm.s32 $execute0_lowered;
	[smem:$0x3FD2] =	sst s25  }
0xa6: {  	s4 =	sshll.u32 s26, $0x1;
	_ =	strace $0x80000046;
	[dreg:$0x1] =	wrdreg $0xFFFFFFFF  }
0xa7: {  	s28 =	simm.s32 $_size_execute0_lowered;
	s2 =	sadd.s32 s2, s4;
	[dreg:$0x0] =	wrdreg $0x0  }
0xa8: {  	s4 =	sshll.u32 s28, $0x1;
	[dreg:$0x2] =	wrdreg s2  }
0xa9: {  	[dreg:$0x3] =	wrdreg s4  }
0xaa: {  	[dreg:$0x4] =	wrdreg $0xC0  }
0xab: {  	_ =	task [dreg:s6], $0x5FFFF  }
0xac: {  	[dreg:$0x1] =	wrdreg $0xFFFFFFFF  }
0xad: {  	[dreg:$0x0] =	wrdreg $0x60  }
0xae: {  	[dreg:$0x2] =	wrdreg s24  }
0xaf: {  	[dreg:$0x3] =	wrdreg $0x76800  }
0xb0: {  	[dreg:$0x4] =	wrdreg $0x9  }
0xb1: {  	_ =	task.clear_ibuf [dreg:s6], $0x5FFFF;
	_ =	strace $0x90000046  }
0xb2: {  	s29 =	simm.s32 $0x9;
	_ =	strace $0x80000048  }
0xb3: {  	_ =	swait.ge [sflag:s29], $0x1  }
0xb4: {  	[sflag:s29] =	ssyncadd.s32 $0xFFFFFFFF  }
0xb5: {  	_ =	strace $0x90000048  }
0xb6: {  	_ =	sfence  }
0xb7: {  	s30 =	sld [smem:$0x0];
	_ =	sdelay $0x2  }
0xb8: {  	s31 =	sshll.u32 s1, $0xD;
	s1 =	sshrl.u32 s1, $0x2  }
0xb9: {  	s3 =	sand.u32 $0x4000, s31;
	s1 =	sadd.s32 s1, s30  }
0xba: {  	s0 =	sor.u32 s3, s0;
	s1 =	sshll.u32 s1, $0x11  }
0xbb: {  	s0 =	sor.u32 s1, s0  }
0xbc: {  	s0 =	sadd.s32 $0x8F2B, s0  }
0xbd: {  	[sflag:s0] =	ssyncadd.remote.s32 $0x1  }
0xbe: {  	_ =	sfence.sel $0xFFFF  }
0xbf: {  	[dreg:$0x0] =	wrdreg $0xFFFFFFFF;
	(pc) =	sbr.abs _section_cstart, $3  }
0xc0: {  	[dreg:$0x1] =	wrdreg $0xFFFFFFFF  }
0xc1: {  	_ =	task.clear_ibuf [dreg:s6], $0x2FFFF;
	_ =	strace $0x9FFFFFFF  }
0xc2: {  	(tm) =	ssettm $0x7FFFFFFF  }
0xc3: {  	_ =	shalt  }
tec
execute0_lowered:
.L_overlay_start_1:
0x0: {  	(tag) =	ssettag $0x1  }
0x1: {  	s5 =	rddreg [dreg:$0x0]  }
0x2: {  	s0 =	srdreg.scid;
	s2 =	rddreg [dreg:$0x1];
	s3 =	simm.s32 $0x0  }
0x3: {  	s24 =	simm.s32 $0x6A00;
	s25 =	simm.s32 $0x80;
	s4 =	sand.u32 $0x1, s0  }
0x4: {  	s26 =	simm.s32 $0x6200;
	s0 =	stileid.u32;
	s7 =	smul.u32 $0x19000, s4  }
0x5: {  	s28 =	simm.s32 $0x0;
	s1 =	sshll.u32 s4, $0x4;
	s8 =	smul.u32 $0x32000, s0  }
0x6: {  	s4 =	ssub.s32 $0x2, s4;
	s23 =	smul.u32 $0x1900, s0;
	s1 =	sor.u32 s0, s1  }
0x7: {  	[smem:$0x7FF] =	sst s3;
	s29 =	sshrl.u32 s4, $0x1;
	s6 =	smul.u32 $0xC40, s1  }
0x8: {  	s1 =	rddreg [dreg:$0x2];
	_ =	strace $0x80000047;
	s22 =	sadd.s32 s7, s5  }
0x9: {  	s30 =	sshrl.u32 s8, $0x2;
	s31 =	ssub.s32 s4, s29;
	s22 =	sadd.s32 s23, s22  }
0xa: {  	s23 =	simm.s32 $0x1;
	s6 =	sadd.s32 s6, s5;
	s5 =	sadd.s32 s30, s2  }
0xb: {  	s22 =	sadd.s32 $0x1D000, s22;
	s4 =	sadd.s32 $0x4800, s6;
	s6 =	smax.u32 s31, $0x1  }
0xc: {  	s7 =	sadd.s32 $0xC80, s5;
	s8 =	sadd.s32 $0x1900, s5;
	s9 =	sadd.s32 $0x2580, s5  }
0xd: {  	s10 =	sadd.s32 $0x3200, s5;
	s11 =	sadd.s32 $0x3E80, s5;
	s12 =	sadd.s32 $0x4B00, s5  }
0xe: {  	s13 =	sadd.s32 $0x5780, s5;
	s14 =	sadd.s32 $0x6400, s5;
	s15 =	sadd.s32 $0x7080, s5  }
0xf: {  	s16 =	sadd.s32 $0x7D00, s5;
	s17 =	sadd.s32 $0x8980, s5;
	s18 =	sadd.s32 $0x9600, s5  }
0x10: {  	v0 =	vimm.f32 $1.000000000e+00;
	v1 =	vimm.f32 $0.0e+00;
	s19 =	sadd.s32 $0xA280, s5;
	s20 =	sadd.s32 $0xAF00, s5;
	s21 =	sadd.s32 $0xBB80, s5  }
.LBB2_1:
0x11: {  	s29 =	simm.s32 $0x0  }
.LBB2_2:
0x12: {  	p0 =	sne.s32 s29, $0x1FC0  }
.Ltmp0:
0x13: {  	_ = 	snop;
	(pc) =	sbr.rel @p0 .LBB2_2-.Ltmp0, $3  }
0x14: {  	_ =	sdelay $0x1  }
0x15: {  	s30 =	sshra.s32 s29, $0x2  }
0x16: {  	s29 =	sadd.s32 $0x40, s29;
	[tilespmem:s30+$0x6200] =	vst v0  }
0x17: {  	s29 =	simm.s32 $0x40;
	s30 =	simm.s32 $0x0  }
.LBB2_4:
0x18: {  	p0 =	sne.s32 s29, $0x31C0;
	[tilespmem:s30+$0x6A00] =	vst v1;
	s30 =	smov.u32 s29;
	s29 =	sadd.s32 $0x40, s29  }
.Ltmp1:
0x19: {  	(pc) =	sbr.rel @p0 .LBB2_4-.Ltmp1, $2  }
0x1a: {  	_ =	sdelay $0x2  }
0x1b: {  	s30 =	sshra.s32 s30, $0x2  }
0x1c: {  	[tilespmem:s30+$0x6A00] =	vst v1;
	s29 =	simm.s32 $0x0  }
0x1d: {  	[tilespmem:s29], [sflag:$0x1] =	stream.linear.gather [hbm4b:s4+s29], $0x6200, $0x38;
	[tilespmem:$0x13E80] =	vst v63  }
0x1e: {  	_ =	swait.ge [sflag:s23], $0x6200  }
0x1f: {  	[sflag:s23] =	ssyncset.done $0x0  }
0x20: {  	[sflag:s23] =	ssyncadd.s32 $0xFFFF9E00  }
0x21: {  	[spmem:s5] =	stream.linear.scatter [tilespmem:s24], [sflag:$0x1], $0xC80, $0x38;
	[tilespmem:$0x13E80] =	vst v63  }
0x22: {  	_ =	swait.ge [sflag:s23], $0xC80  }
0x23: {  	[sflag:s23] =	ssyncset.done $0x0  }
0x24: {  	[sflag:s23] =	ssyncadd.s32 $0xFFFFF380  }
0x25: {  	[spmem:s7] =	stream.linear.scatter [tilespmem:s24], [sflag:$0x1], $0xC80, $0x38;
	[tilespmem:$0x13E80] =	vst v63  }
0x26: {  	_ =	swait.ge [sflag:s23], $0xC80  }
0x27: {  	[sflag:s23] =	ssyncset.done $0x0  }
0x28: {  	[sflag:s23] =	ssyncadd.s32 $0xFFFFF380  }
0x29: {  	[spmem:s8] =	stream.linear.scatter [tilespmem:s24], [sflag:$0x1], $0xC80, $0x38;
	[tilespmem:$0x13E80] =	vst v63  }
0x2a: {  	_ =	swait.ge [sflag:s23], $0xC80  }
0x2b: {  	[sflag:s23] =	ssyncset.done $0x0  }
0x2c: {  	[sflag:s23] =	ssyncadd.s32 $0xFFFFF380  }
0x2d: {  	[spmem:s9] =	stream.linear.scatter [tilespmem:s24], [sflag:$0x1], $0xC80, $0x38;
	[tilespmem:$0x13E80] =	vst v63  }
0x2e: {  	_ =	swait.ge [sflag:s23], $0xC80  }
0x2f: {  	[sflag:s23] =	ssyncset.done $0x0  }
0x30: {  	[sflag:s23] =	ssyncadd.s32 $0xFFFFF380  }
0x31: {  	[spmem:s10] =	stream.linear.scatter [tilespmem:s24], [sflag:$0x1], $0xC80, $0x38;
	[tilespmem:$0x13E80] =	vst v63  }
0x32: {  	_ =	swait.ge [sflag:s23], $0xC80  }
0x33: {  	[sflag:s23] =	ssyncset.done $0x0  }
0x34: {  	[sflag:s23] =	ssyncadd.s32 $0xFFFFF380  }
0x35: {  	[spmem:s11] =	stream.linear.scatter [tilespmem:s24], [sflag:$0x1], $0xC80, $0x38;
	[tilespmem:$0x13E80] =	vst v63  }
0x36: {  	_ =	swait.ge [sflag:s23], $0xC80  }
0x37: {  	[sflag:s23] =	ssyncset.done $0x0  }
0x38: {  	[sflag:s23] =	ssyncadd.s32 $0xFFFFF380  }
0x39: {  	[spmem:s12] =	stream.linear.scatter [tilespmem:s24], [sflag:$0x1], $0xC80, $0x38;
	[tilespmem:$0x13E80] =	vst v63  }
0x3a: {  	_ =	swait.ge [sflag:s23], $0xC80  }
0x3b: {  	[sflag:s23] =	ssyncset.done $0x0  }
0x3c: {  	[sflag:s23] =	ssyncadd.s32 $0xFFFFF380  }
0x3d: {  	[spmem:s13] =	stream.linear.scatter [tilespmem:s24], [sflag:$0x1], $0xC80, $0x38;
	[tilespmem:$0x13E80] =	vst v63  }
0x3e: {  	_ =	swait.ge [sflag:s23], $0xC80  }
0x3f: {  	[sflag:s23] =	ssyncset.done $0x0  }
0x40: {  	[sflag:s23] =	ssyncadd.s32 $0xFFFFF380  }
0x41: {  	[spmem:s14] =	stream.linear.scatter [tilespmem:s24], [sflag:$0x1], $0xC80, $0x38;
	[tilespmem:$0x13E80] =	vst v63  }
0x42: {  	_ =	swait.ge [sflag:s23], $0xC80  }
0x43: {  	[sflag:s23] =	ssyncset.done $0x0  }
0x44: {  	[sflag:s23] =	ssyncadd.s32 $0xFFFFF380  }
0x45: {  	[spmem:s15] =	stream.linear.scatter [tilespmem:s24], [sflag:$0x1], $0xC80, $0x38;
	[tilespmem:$0x13E80] =	vst v63  }
0x46: {  	_ =	swait.ge [sflag:s23], $0xC80  }
0x47: {  	[sflag:s23] =	ssyncset.done $0x0  }
0x48: {  	[sflag:s23] =	ssyncadd.s32 $0xFFFFF380  }
0x49: {  	[spmem:s16] =	stream.linear.scatter [tilespmem:s24], [sflag:$0x1], $0xC80, $0x38;
	[tilespmem:$0x13E80] =	vst v63  }
0x4a: {  	_ =	swait.ge [sflag:s23], $0xC80  }
0x4b: {  	[sflag:s23] =	ssyncset.done $0x0  }
0x4c: {  	[sflag:s23] =	ssyncadd.s32 $0xFFFFF380  }
0x4d: {  	[spmem:s17] =	stream.linear.scatter [tilespmem:s24], [sflag:$0x1], $0xC80, $0x38;
	[tilespmem:$0x13E80] =	vst v63  }
0x4e: {  	_ =	swait.ge [sflag:s23], $0xC80  }
0x4f: {  	[sflag:s23] =	ssyncset.done $0x0  }
0x50: {  	[sflag:s23] =	ssyncadd.s32 $0xFFFFF380  }
0x51: {  	[spmem:s18] =	stream.linear.scatter [tilespmem:s24], [sflag:$0x1], $0xC80, $0x38;
	[tilespmem:$0x13E80] =	vst v63  }
0x52: {  	_ =	swait.ge [sflag:s23], $0xC80  }
0x53: {  	[sflag:s23] =	ssyncset.done $0x0  }
0x54: {  	[sflag:s23] =	ssyncadd.s32 $0xFFFFF380  }
0x55: {  	[spmem:s19] =	stream.linear.scatter [tilespmem:s24], [sflag:$0x1], $0xC80, $0x38;
	[tilespmem:$0x13E80] =	vst v63  }
0x56: {  	_ =	swait.ge [sflag:s23], $0xC80  }
0x57: {  	[sflag:s23] =	ssyncset.done $0x0  }
0x58: {  	[sflag:s23] =	ssyncadd.s32 $0xFFFFF380  }
0x59: {  	[spmem:s20] =	stream.linear.scatter [tilespmem:s24], [sflag:$0x1], $0xC80, $0x38;
	[tilespmem:$0x13E80] =	vst v63  }
0x5a: {  	_ =	swait.ge [sflag:s23], $0xC80  }
0x5b: {  	[sflag:s23] =	ssyncset.done $0x0  }
0x5c: {  	[sflag:s23] =	ssyncadd.s32 $0xFFFFF380  }
0x5d: {  	[spmem:s21] =	stream.linear.scatter [tilespmem:s24], [sflag:$0x1], $0xC80, $0x38;
	[tilespmem:$0x13E80] =	vst v63  }
0x5e: {  	_ =	swait.ge [sflag:s23], $0xC80  }
0x5f: {  	[sflag:s23] =	ssyncset.done $0x0  }
0x60: {  	[sflag:s23] =	ssyncadd.s32 $0xFFFFF380  }
0x61: {  	s29 =	simm.s32 $0x0;
	[bflag:$0x0] =	sbarrier.arrive $0xFFFF  }
0x62: {  	[spmem:s2] =	stream.indirect.scatter.add.f32 [tilespmem:s26], [sflag:$0x1], $0x10, s29, s25, $0xb8;
	[tilespmem:$0x13E80] =	vst v63  }
0x63: {  	_ =	swait.ge [sflag:s23], $0x800  }
0x64: {  	s29 =	simm.s32 $0x200;
	[sflag:s23] =	ssyncset.done $0x0  }
.LBB2_6:
0x65: {  	s30 =	sshra.s32 s29, $0x2;
	[sflag:s23] =	ssyncadd.s32 $0xFFFFF800;
	p0 =	sne.s32 s29, $0x18600  }
0x66: {  	[spmem:s2] =	stream.indirect.scatter.add.f32 [tilespmem:s26], [sflag:$0x1], $0x10, s30, s25, $0xb8;
	[tilespmem:$0x13E80] =	vst v63  }
.Ltmp2:
0x67: {  	_ = 	snop;
	(pc) =	sbr.rel @p0 .LBB2_6-.Ltmp2, $4  }
0x68: {  	_ = 	snop  }
0x69: {  	s29 =	sadd.s32 $0x200, s29  }
0x6a: {  	_ =	swait.ge [sflag:s23], $0x800  }
0x6b: {  	[sflag:s23] =	ssyncset.done $0x0  }
0x6c: {  	[sflag:s23] =	ssyncadd.s32 $0xFFFFF800  }
0x6d: {  	[bflag:$0x0] =	sbarrier.arrive $0xFFFF  }
0x6e: {  	[tilespmem:s24], [sflag:$0x1] =	stream.linear.gather [spmem:s5], $0xC80, $0x38;
	[tilespmem:$0x13E80] =	vst v63  }
0x6f: {  	_ =	swait.ge [sflag:s23], $0xC80  }
0x70: {  	[sflag:s23] =	ssyncset.done $0x0  }
0x71: {  	s29 =	sadd.s32 $0x0, s22;
	[sflag:s23] =	ssyncadd.s32 $0xFFFFF380  }
0x72: {  	[hbm4b:s29+s3] =	stream.linear.scatter [tilespmem:s24], [sflag:$0x1], $0xC80, $0x38;
	[tilespmem:$0x13E80] =	vst v63  }
0x73: {  	_ =	swait.ge [sflag:s23], $0xC80  }
0x74: {  	s30 =	smov.u32 s5;
	s29 =	simm.s32 $0x190;
	[sflag:s23] =	ssyncset.done $0x0  }
.LBB2_8:
0x75: {  	p0 =	sne.s32 s29, $0x1770;
	[sflag:s23] =	ssyncadd.s32 $0xFFFFF380;
	s30 =	sadd.s32 $0xC80, s30  }
0x76: {  	[tilespmem:s24], [sflag:$0x1] =	stream.linear.gather [spmem:s30], $0xC80, $0x38;
	[tilespmem:$0x13E80] =	vst v63  }
0x77: {  	s31 =	smov.u32 s29;
	s29 =	sadd.s32 $0x190, s29;
	_ =	swait.ge [sflag:s23], $0xC80  }
.Ltmp3:
0x78: {  	[sflag:s23] =	ssyncset.done $0x0;
	(pc) =	sbr.rel @p0 .LBB2_8-.Ltmp3, $4  }
0x79: {  	s31 =	sadd.s32 s31, s22;
	[sflag:s23] =	ssyncadd.s32 $0xFFFFF380  }
0x7a: {  	[hbm4b:s31+s3] =	stream.linear.scatter [tilespmem:s24], [sflag:$0x1], $0xC80, $0x38;
	[tilespmem:$0x13E80] =	vst v63  }
0x7b: {  	_ =	swait.ge [sflag:s23], $0xC80  }
0x7c: {  	[sflag:s23] =	ssyncset.done $0x0  }
0x7d: {  	s28 =	sadd.s32 $0x1, s28  }
0x7e: {  	p0 =	sne.s32 s28, s6  }
.Ltmp4:
0x7f: {  	_ = 	snop;
	(pc) =	sbr.rel @p0 .LBB2_1-.Ltmp4, $2  }
0x80: {  	_ =	sdelay $0x2  }
0x81: {  	[sflag:s23] =	ssyncadd.s32 $0xFFFFF380  }
0x82: {  	_ =	sfence.sel $0x180000  }
0x83: {  	[bflag:$0x0] =	sbarrier.arrive $0xFFFF  }
0x84: {  	p0 =	sne.s32 s0, $0x0;
	_ =	strace $0x90000047  }
0x85: {  	s0 =	sadd.s32 @!p0 $0x100000, s1;
	[bflag:$0x2] =	sbarrier.arrive $0xFFFF  }
0x86: {  	[sflag:s0] =	ssyncadd.tile.s32 @!p0 $0x1;
	_ =	shalt  }
.Lfunc_end2:
_tile_overlayer_lowered:
.L_overlay_start_2:
0x87: {  	(tag) =	ssettag $0x2  }
0x88: {  	s0 =	rddreg [dreg:$0x0];
	s2 =	stileid.u32  }
0x89: {  	s1 =	rddreg [dreg:$0x1];
	p0 =	sne.s32 s2, $0x0  }
0x8a: {  	s3 =	rddreg [dreg:$0x2];
	[bflag:$0x3] =	sbarrier.arrive $0xFFFF;
	s2 =	simm.s32 @!p0 $0x1C01  }
0x8b: {  	[timem:s3], [sflag:s2] =	dma.local @!p0 [hbm:s0], s1  }
0x8c: {  	s0 =	simm.s32 @!p0 $0x1  }
0x8d: {  	_ =	swait.ge @!p0 [sflag:s0], s1  }
0x8e: {  	s1 =	ssub.s32 @!p0 $0x0, s1;
	[sflag:s0] =	ssyncset.done @!p0 $0x0  }
0x8f: {  	[sflag:s0] =	ssyncadd.s32 @!p0 s1  }
0x90: {  	[bflag:$0x3] =	sbarrier.arrive $0xFFFF  }
0x91: {  	_ =	shalt  }

// kernel: kernel.15.cloned.1.call-start
scs
__scs_entry_jumppad:
0x0: {  	(pc) =	sbr.rel $0x88, $3  }
0x1: {  	(tag) =	ssettag $0x0;
	lr =	simm.s32 $0x1  }
0x2: {  	[smem:$0x3F96] =	sst lr;
	_ =	strace $0xD0000000  }
0x3: {  	_ = 	snop  }
0x4: {  	_ = 	snop  }
0x5: {  	_ = 	snop  }
0x6: {  	_ = 	snop  }
0x7: {  	_ = 	snop  }
__scs_overlays_trampoline_lowered:
0x8: {  	[smem:$0x3FA5] =	sst s0  }
0x9: {  	[smem:$0x3FA6] =	sst s1  }
0xa: {  	[smem:$0x3FA7] =	sst s2  }
0xb: {  	[smem:$0x3FA8] =	sst s3  }
0xc: {  	[smem:$0x3FA9] =	sst s4  }
0xd: {  	[smem:$0x3FAA] =	sst s5  }
0xe: {  	[smem:$0x3FAB] =	sst s6  }
0xf: {  	[smem:$0x3FAC] =	sst s7  }
0x10: {  	[smem:$0x3FAD] =	sst s8  }
0x11: {  	[smem:$0x3FAE] =	sst s9;
	s0 =	simm.s32 @!p0 $0x0  }
0x12: {  	s1 =	sld [smem:$0x3F94];
	s0 =	simm.s32 @p0 $0x1  }
0x13: {  	[smem:$0x3FAF] =	sst s0;
	s0 =	simm.s32 @!p1 $0x0  }
0x14: {  	s2 =	sld [smem:$0x3F93];
	s0 =	simm.s32 @p1 $0x1  }
0x15: {  	[smem:$0x3FB0] =	sst s0;
	s0 =	simm.s32 @!p2 $0x0  }
0x16: {  	s3 =	sld [smem:$0x3FDB];
	s0 =	simm.s32 @p2 $0x1  }
0x17: {  	s4 =	simm.s32 $0x1BF5;
	[smem:$0x3FB2] =	sst s0  }
0x18: {  	s0 =	sld [smem:$0x3F95];
	_ =	swait.ge [sflag:s4], $0x0  }
0x19: {  	s7 =	sld [smem:$0x3F96]  }
0x1a: {  	s8 =	sadd.s32 $0xFFFFE003, lr  }
0x1b: {  	s9 =	sadd.s32 $0xFFFFFEF7, lr;
	s5 =	simm.s32 $0xFFFFFFFF;
	p2 =	slt.u32 s8, $0xFFFFF086  }
0x1c: {  	p1 =	slt.u32 s9, $0xF7A;
	s5 =	simm.s32 @!p2 $0x0  }
0x1d: {  	s5 =	simm.s32 @p1 $0x1;
	p0 =	seq.s32 s7, s2  }
0x1e: {  	s7 =	smul.u32 @!p0 $0xF7A, s2;
	p2 =	seq.s32 @!p0 s5, $0x0  }
0x1f: {  	s9 =	smul.u32 $0xF7A, s1;
	s8 =	simm.s32 @!p0 $0x1BF5;
	p2 =	por !p2, p0  }
0x20: {  	[sflag:s8] =	ssyncset.s32 @!p0 $0xFFFFF086;
	s6 =	sadd.s32 @!p0 s3, s7;
	s7 =	simm.s32 @!p0 $0x108  }
0x21: {  	s3 =	sadd.s32 s3, s9;
	s6 =	sadd.s32 @!p0 $0x88, s6;
	s7 =	simm.s32 @p2 $0x1082  }
0x22: {  	[simem:s7], [sflag:s8] =	dma.local @!p0 [hbm:s6], $0xF7A  }
0x23: {  	s9 =	sor.u32 $0xD0000000, s2;
	s6 =	simm.s32 $0x108;
	_ =	swait.ge @!p0 [sflag:s8], $0x0  }
0x24: {  	s3 =	sadd.s32 $0x88, s3;
	s6 =	simm.s32 @!p1 $0x1082;
	[sflag:s4] =	ssyncset.s32 $0xFFFFF086  }
0x25: {  	[simem:s6], [sflag:s4] =	dma.local [hbm:s3], $0xF7A  }
0x26: {  	[smem:$0x3F96] =	sst s1;
	(tag) =	ssettag s2;
	_ =	strace s9  }
0x27: {  	s1 =	sld [smem:$0x3FA6]  }
0x28: {  	s2 =	sld [smem:$0x3FA7]  }
0x29: {  	s4 =	sld [smem:$0x3FA9]  }
0x2a: {  	p0 =	seq.s32 s5, $0x0;
	s5 =	sld [smem:$0x3FAA]  }
0x2b: {  	s6 =	sld [smem:$0x3FAB]  }
0x2c: {  	s7 =	sld [smem:$0x3FAC]  }
0x2d: {  	s3 =	simm.s32 $0x108;
	s8 =	sld [smem:$0x3FAD]  }
0x2e: {  	s3 =	simm.s32 @!p0 $0x1082;
	s9 =	sld [smem:$0x3FAE]  }
0x2f: {  	lr =	sadd.s32 s0, s3;
	s0 =	sld [smem:$0x3FA5]  }
0x30: {  	s3 =	sld [smem:$0x3FA8]  }
0x31: {  	[smem:$0x3FB1] =	sst s10  }
0x32: {  	s10 =	sld [smem:$0x3FAF];
	_ =	sdelay $0x3  }
0x33: {  	p0 =	seq.s32 s10, $0x1;
	s10 =	sld [smem:$0x3FB1];
	_ =	sdelay $0x3  }
0x34: {  	[smem:$0x3FB1] =	sst s10  }
0x35: {  	s10 =	sld [smem:$0x3FB0];
	_ =	sdelay $0x3  }
0x36: {  	p1 =	seq.s32 s10, $0x1;
	s10 =	sld [smem:$0x3FB1];
	_ =	sdelay $0x3  }
0x37: {  	[smem:$0x3FB1] =	sst s10  }
0x38: {  	s10 =	sld [smem:$0x3FB2]  }
0x39: {  	_ = 	snop;
	(pc) =	sbr.ind lr, $3  }
0x3a: {  	_ = 	snop  }
0x3b: {  	_ = 	snop  }
0x3c: {  	p2 =	seq.s32 s10, $0x1;
	s10 =	sld [smem:$0x3FB1]  }
0x3d: {  	_ =	shalt  }
0x3e: {  	_ =	shalt  }
0x3f: {  	_ =	shalt  }
0x40: {  	_ =	shalt  }
0x41: {  	_ =	shalt  }
0x42: {  	_ =	shalt  }
0x43: {  	_ =	shalt  }
0x44: {  	_ =	shalt  }
0x45: {  	_ =	shalt  }
0x46: {  	_ =	shalt  }
0x47: {  	_ =	shalt  }
0x48: {  	_ =	shalt  }
0x49: {  	_ =	shalt  }
0x4a: {  	_ =	shalt  }
0x4b: {  	_ =	shalt  }
0x4c: {  	_ =	shalt  }
0x4d: {  	_ =	shalt  }
0x4e: {  	_ =	shalt  }
0x4f: {  	_ =	shalt  }
0x50: {  	_ =	shalt  }
0x51: {  	_ =	shalt  }
0x52: {  	_ =	shalt  }
0x53: {  	_ =	shalt  }
0x54: {  	_ =	shalt  }
0x55: {  	_ =	shalt  }
0x56: {  	_ =	shalt  }
0x57: {  	_ =	shalt  }
0x58: {  	_ =	shalt  }
0x59: {  	_ =	shalt  }
0x5a: {  	_ =	shalt  }
0x5b: {  	_ =	shalt  }
0x5c: {  	_ =	shalt  }
0x5d: {  	_ =	shalt  }
0x5e: {  	_ =	shalt  }
0x5f: {  	_ =	shalt  }
0x60: {  	_ =	shalt  }
0x61: {  	_ =	shalt  }
0x62: {  	_ =	shalt  }
0x63: {  	_ =	shalt  }
0x64: {  	_ =	shalt  }
0x65: {  	_ =	shalt  }
0x66: {  	_ =	shalt  }
0x67: {  	_ =	shalt  }
0x68: {  	_ =	shalt  }
0x69: {  	_ =	shalt  }
0x6a: {  	_ =	shalt  }
0x6b: {  	_ =	shalt  }
0x6c: {  	_ =	shalt  }
0x6d: {  	_ =	shalt  }
0x6e: {  	_ =	shalt  }
0x6f: {  	_ =	shalt  }
0x70: {  	_ =	shalt  }
0x71: {  	_ =	shalt  }
0x72: {  	_ =	shalt  }
0x73: {  	_ =	shalt  }
0x74: {  	_ =	shalt  }
0x75: {  	_ =	shalt  }
0x76: {  	_ =	shalt  }
0x77: {  	_ =	shalt  }
0x78: {  	_ =	shalt  }
0x79: {  	_ =	shalt  }
0x7a: {  	_ =	shalt  }
0x7b: {  	_ =	shalt  }
0x7c: {  	_ =	shalt  }
0x7d: {  	_ =	shalt  }
0x7e: {  	_ =	shalt  }
0x7f: {  	_ =	shalt  }
0x80: {  	_ =	shalt  }
0x81: {  	_ =	shalt  }
0x82: {  	_ =	shalt  }
0x83: {  	_ =	shalt  }
0x84: {  	_ =	shalt  }
0x85: {  	_ =	shalt  }
0x86: {  	_ =	shalt  }
0x87: {  	_ =	shalt  }
.Lfunc_end0:
.L_simem_size_0:
called_computation.1_lowered:
.L_overlay_start_0:
0x88: {  	s2 =	sld [smem:$0x3FD9]  }
0x89: {  	s3 =	sld [smem:$0x3FFE];
	_ =	sdelay $0x1  }
0x8a: {  	s1 =	srdreg.scid  }
0x8b: {  	s0 =	sand.u32 $0x1, s1  }
0x8c: {  	s16 =	sshll.u32 s0, $0xA;
	s2 =	sadd.s32 s3, s2  }
0x8d: {  	s2 =	sadd.s32 s2, s16  }
0x8e: {  	[smem:$0x3FBD] =	sst s2  }
0x8f: {  	_ = 	snop  }
0x90: {  	(tm) =	ssettm $0x1  }
0x91: {  	s17 =	sld [smem:$0x3FFB];
	_ =	sdelay $0x3  }
0x92: {  	_ =	strace s17  }
0x93: {  	s2 =	sld [smem:$0x3FFC];
	_ =	sdelay $0x3  }
0x94: {  	_ =	strace s2  }
0x95: {  	s2 =	sld [smem:$0x3FFD];
	_ =	sdelay $0x3  }
0x96: {  	_ =	strace s2  }
0x97: {  	_ =	strace $0x8FFFFFFF  }
0x98: {  	s18 =	sld [smem:$0x3FDB];
	_ =	sdelay $0x1  }
0x99: {  	s19 =	simm.s32 $_scs_section_size  }
0x9a: {  	s4 =	simm.s32 $_size__tile_overlayer_lowered;
	s5 =	simm.s32 $_tile_overlayer_lowered  }
0x9b: {  	s22 =	simm.s32 $0x1BFF;
	s21 =	sshll.u32 s5, $0x1;
	s2 =	sadd.s32 s19, s18  }
0x9c: {  	s6 =	simm.s32 $0x0;
	s20 =	sshll.u32 s4, $0x1;
	s4 =	sadd.s32 s21, s2  }
0x9d: {  	[timem:s6], [sflag:s22] =	dma.local [hbm:s4], s20  }
0x9e: {  	_ =	swait.ge [sflag:s22], s20  }
0x9f: {  	s3 =	ssub.s32 $0x0, s20;
	[sflag:s22] =	ssyncset.done $0x0  }
0xa0: {  	[sflag:s22] =	ssyncadd.s32 s3;
	_ =	sdelay $0x1  }
0xa1: {  	s23 =	simm.s32 $0x1B8B  }
0xa2: {  	_ =	swait.ge [sflag:s23], $0x1  }
0xa3: {  	[sflag:s23] =	ssyncset.done $0x0  }
0xa4: {  	s25 =	simm.s32 $0x1B8E;
	s24 =	sld [smem:$0x3FFE];
	[sflag:s23] =	ssyncadd.s32 $0xFFFFFFFF  }
0xa5: {  	s26 =	simm.s32 $execute0_lowered;
	[smem:$0x3FD2] =	sst s25  }
0xa6: {  	s4 =	sshll.u32 s26, $0x1;
	_ =	strace $0x80000049;
	[dreg:$0x1] =	wrdreg $0xFFFFFFFF  }
0xa7: {  	s28 =	simm.s32 $_size_execute0_lowered;
	s2 =	sadd.s32 s2, s4;
	[dreg:$0x0] =	wrdreg $0x0  }
0xa8: {  	s4 =	sshll.u32 s28, $0x1;
	[dreg:$0x2] =	wrdreg s2  }
0xa9: {  	[dreg:$0x3] =	wrdreg s4  }
0xaa: {  	[dreg:$0x4] =	wrdreg $0xC0  }
0xab: {  	_ =	task [dreg:s6], $0x5FFFF  }
0xac: {  	[dreg:$0x1] =	wrdreg $0xFFFFFFFF  }
0xad: {  	[dreg:$0x0] =	wrdreg $0x60  }
0xae: {  	[dreg:$0x2] =	wrdreg s24  }
0xaf: {  	[dreg:$0x3] =	wrdreg $0xD8000  }
0xb0: {  	[dreg:$0x4] =	wrdreg $0x9  }
0xb1: {  	_ =	task.clear_ibuf [dreg:s6], $0x5FFFF;
	_ =	strace $0x90000049  }
0xb2: {  	s29 =	simm.s32 $0x9;
	_ =	strace $0x8000004B  }
0xb3: {  	_ =	swait.ge [sflag:s29], $0x1  }
0xb4: {  	[sflag:s29] =	ssyncadd.s32 $0xFFFFFFFF  }
0xb5: {  	_ =	strace $0x9000004B  }
0xb6: {  	_ =	sfence  }
0xb7: {  	s30 =	sld [smem:$0x0];
	_ =	sdelay $0x2  }
0xb8: {  	s31 =	sshll.u32 s1, $0xD;
	s1 =	sshrl.u32 s1, $0x2  }
0xb9: {  	s3 =	sand.u32 $0x4000, s31;
	s1 =	sadd.s32 s1, s30  }
0xba: {  	s0 =	sor.u32 s3, s0;
	s1 =	sshll.u32 s1, $0x11  }
0xbb: {  	s0 =	sor.u32 s1, s0  }
0xbc: {  	s0 =	sadd.s32 $0x8F2B, s0  }
0xbd: {  	[sflag:s0] =	ssyncadd.remote.s32 $0x1  }
0xbe: {  	_ =	sfence.sel $0xFFFF  }
0xbf: {  	[dreg:$0x0] =	wrdreg $0xFFFFFFFF;
	(pc) =	sbr.abs _section_cstart, $3  }
0xc0: {  	[dreg:$0x1] =	wrdreg $0xFFFFFFFF  }
0xc1: {  	_ =	task.clear_ibuf [dreg:s6], $0x2FFFF;
	_ =	strace $0x9FFFFFFF  }
0xc2: {  	(tm) =	ssettm $0x7FFFFFFF  }
0xc3: {  	_ =	shalt  }
tec
execute0_lowered:
.L_overlay_start_1:
0x0: {  	(tag) =	ssettag $0x1  }
0x1: {  	s5 =	rddreg [dreg:$0x0]  }
0x2: {  	s1 =	rddreg [dreg:$0x1];
	s2 =	simm.s32 $0x0;
	s3 =	srdreg.scid  }
0x3: {  	s0 =	stileid.u32;
	s18 =	simm.s32 $0xC800;
	s19 =	simm.s32 $0x3  }
0x4: {  	s20 =	simm.s32 $0x6400;
	s21 =	simm.s32 $0x80;
	s22 =	simm.s32 $0xD000  }
0x5: {  	s28 =	simm.s32 $0xC780;
	s29 =	simm.s32 $0x0;
	s7 =	smul.u32 $0x32000, s0  }
0x6: {  	[smem:$0x7FF] =	sst s2;
	s10 =	sand.u32 $0x1, s3;
	s23 =	smul.u32 $0xC80, s0  }
0x7: {  	s8 =	sadd.s32 $0x81000, s5;
	s9 =	sadd.s32 $0x176600, s5;
	s31 =	smul.u32 $0x1900, s0  }
0x8: {  	s14 =	sadd.s32 $0x4800, s5;
	s4 =	sshll.u32 s10, $0x4;
	s15 =	smul.u32 $0xC800, s10  }
0x9: {  	_ =	strace $0x8000004A;
	s30 =	smul.u32 $0x19000, s10;
	s6 =	sor.u32 s0, s4  }
0xa: {  	s11 =	ssub.s32 $0x2, s10;
	s4 =	sadd.s32 $0xB3000, s5;
	s12 =	smul.u32 $0x1900, s6  }
0xb: {  	s13 =	sshrl.u32 s11, $0x1;
	s24 =	sshrl.u32 s7, $0x2;
	s6 =	smul.u32 $0xC800, s6  }
0xc: {  	s13 =	ssub.s32 s11, s13;
	s5 =	sadd.s32 s24, s1;
	s11 =	sadd.s32 s23, s15  }
0xd: {  	s17 =	sadd.s32 s30, s14;
	s23 =	simm.s32 $0x1;
	s24 =	simm.s32 $0x2  }
0xe: {  	s11 =	sshll.u32 s11, $0x1;
	s13 =	smax.u32 s13, $0x1;
	s25 =	sshrl.u32 s6, $0x3  }
0xf: {  	s26 =	sadd.s32 s8, s12;
	s7 =	sadd.s32 s9, s12;
	s10 =	sadd.s32 s14, s11  }
0x10: {  	s11 =	sadd.s32 $0xC000, s5;
	s14 =	sadd.s32 $0xB800, s5;
	[dreg:$0x3] =	wrdreg s26  }
0x11: {  	s16 =	sadd.s32 $0xC80, s25;
	s12 =	sadd.s32 $0x1800, s10;
	s15 =	sadd.s32 $0x1700, s10  }
0x12: {  	s25 =	simm.s32 $0x6380;
	s26 =	simm.s32 $0xC700;
	s8 =	sadd.s32 s8, s16  }
0x13: {  	v0 =	vimm.f32 $0.0e+00;
	s9 =	sadd.s32 s9, s16;
	s16 =	sadd.s32 s31, s17;
	s17 =	sadd.s32 $0x800, s5  }
.LBB2_1:
0x14: {  	s30 =	simm.s32 $0x0  }
.LBB2_2:
0x15: {  	p0 =	sne.s32 s30, $0x1FC0  }
.Ltmp0:
0x16: {  	_ = 	snop;
	(pc) =	sbr.rel @p0 .LBB2_2-.Ltmp0, $3  }
0x17: {  	_ =	sdelay $0x1  }
0x18: {  	s31 =	sshra.s32 s30, $0x2  }
0x19: {  	s30 =	sadd.s32 $0x40, s30;
	[tilespmem:s31+$0xC800] =	vst v0  }
0x1a: {  	s30 =	sadd.s32 $0x0, s5  }
0x1b: {  	[spmem:s30] =	stream.linear.scatter [tilespmem:s18], [sflag:$0x3], $0x800, $0x38;
	[tilespmem:$0x1A000] =	vst v63  }
0x1c: {  	s30 =	simm.s32 $0x2000;
	_ =	swait.ge [sflag:s19], $0x800  }
.LBB2_4:
0x1d: {  	s31 =	sshra.s32 s30, $0x2;
	[sflag:s19] =	ssyncset.done $0x0;
	p0 =	sne.s32 s30, $0x30000  }
.Ltmp1:
0x1e: {  	s31 =	sadd.s32 s31, s5;
	[sflag:s19] =	ssyncadd.s32 $0xFFFFF800;
	(pc) =	sbr.rel @p0 .LBB2_4-.Ltmp1, $3  }
0x1f: {  	[spmem:s31] =	stream.linear.scatter [tilespmem:s18], [sflag:$0x3], $0x800, $0x38;
	[tilespmem:$0x1A000] =	vst v63  }
0x20: {  	s30 =	sadd.s32 $0x2000, s30;
	_ =	sdelay $0x1  }
0x21: {  	_ =	swait.ge [sflag:s19], $0x800  }
0x22: {  	[sflag:s19] =	ssyncset.done $0x0  }
0x23: {  	[sflag:s19] =	ssyncadd.s32 $0xFFFFF800  }
0x24: {  	[bflag:$0x0] =	sbarrier.arrive $0xFFFF  }
0x25: {  	s30 =	simm.s32 $0x0;
	s0 =	rddreg [dreg:$0x3]  }
0x26: {  	[tilespmem:s30], [sflag:$0x3] =	stream.linear.gather [hbm4b:s0+s30], $0x6400, $0x38;
	[tilespmem:$0x1A000] =	vst v63  }
0x27: {  	_ =	swait.ge [sflag:s19], $0x6400  }
0x28: {  	[sflag:s19] =	ssyncset.done $0x0  }
0x29: {  	[sflag:s19] =	ssyncadd.s32 $0xFFFF9C00  }
0x2a: {  	[tilespmem:s20], [sflag:$0x3] =	stream.linear.gather [hbm4b:s7+s30], $0x6400, $0x38;
	[tilespmem:$0x1A000] =	vst v63  }
0x2b: {  	_ =	swait.ge [sflag:s19], $0x6400  }
0x2c: {  	[sflag:s19] =	ssyncset.done $0x0  }
0x2d: {  	[sflag:s19] =	ssyncadd.s32 $0xFFFF9C00  }
0x2e: {  	[tilespmem:s18], [sflag:$0x1] =	stream.indirect.gather [hbm4b:s4+s21], $0x10, s30, s21, $0xb8;
	[tilespmem:$0x1A000] =	vst v63  }
0x2f: {  	s30 =	simm.s32 $0x80  }
0x30: {  	[tilespmem:s22], [sflag:$0x2] =	stream.indirect.gather [hbm4b:s4+s21], $0x10, s30, s21, $0xb8;
	[tilespmem:$0x1A000] =	vst v63  }
0x31: {  	_ =	swait.ge [sflag:s23], $0x800  }
0x32: {  	[sflag:s23] =	ssyncset.done $0x0  }
0x33: {  	s30 =	simm.s32 $0x6400;
	[sflag:s23] =	ssyncadd.s32 $0xFFFFF800  }
0x34: {  	[spmem:s1] =	stream.indirect.scatter.add.f32 [tilespmem:s18], [sflag:$0x3], $0x10, s30, s21, $0xb8;
	[tilespmem:$0x1A000] =	vst v63  }
0x35: {  	_ =	swait.ge [sflag:s19], $0x800  }
0x36: {  	[sflag:s19] =	ssyncset.done $0x0  }
0x37: {  	s30 =	simm.s32 $0x100;
	[sflag:s19] =	ssyncadd.s32 $0xFFFFF800  }
0x38: {  	[tilespmem:s18], [sflag:$0x1] =	stream.indirect.gather [hbm4b:s4+s21], $0x10, s30, s21, $0xb8;
	[tilespmem:$0x1A000] =	vst v63  }
0x39: {  	_ =	swait.ge [sflag:s24], $0x800  }
0x3a: {  	[sflag:s24] =	ssyncset.done $0x0  }
0x3b: {  	s30 =	simm.s32 $0x6480;
	[sflag:s24] =	ssyncadd.s32 $0xFFFFF800  }
0x3c: {  	[spmem:s1] =	stream.indirect.scatter.add.f32 [tilespmem:s22], [sflag:$0x3], $0x10, s30, s21, $0xb8;
	[tilespmem:$0x1A000] =	vst v63  }
0x3d: {  	_ =	swait.ge [sflag:s19], $0x800  }
0x3e: {  	s31 =	simm.s32 $0x800;
	s30 =	simm.s32 $0x100;
	[sflag:s19] =	ssyncset.done $0x0  }
.LBB2_6:
0x3f: {  	s0 =	sadd.s32 $0x80, s30  }
0x40: {  	[sflag:s19] =	ssyncadd.s32 $0xFFFFF800;
	s3 =	smov.u32 s31;
	s6 =	sadd.s32 $0x400, s31  }
0x41: {  	[tilespmem:s22], [sflag:$0x2] =	stream.indirect.gather [hbm4b:s4+s21], $0x10, s0, s21, $0xb8;
	[tilespmem:$0x1A000] =	vst v63  }
0x42: {  	p0 =	sne.s32 s31, $0x18800;
	_ =	swait.ge [sflag:s23], $0x800  }
0x43: {  	[sflag:s23] =	ssyncset.done $0x0  }
0x44: {  	s0 =	sadd.s32 $0x6400, s30;
	[sflag:s23] =	ssyncadd.s32 $0xFFFFF800  }
0x45: {  	[spmem:s1] =	stream.indirect.scatter.add.f32 [tilespmem:s18], [sflag:$0x3], $0x10, s0, s21, $0xb8;
	[tilespmem:$0x1A000] =	vst v63  }
0x46: {  	_ =	swait.ge [sflag:s19], $0x800  }
0x47: {  	[sflag:s19] =	ssyncset.done $0x0  }
0x48: {  	s0 =	sadd.s32 $0x100, s30;
	[sflag:s19] =	ssyncadd.s32 $0xFFFFF800  }
0x49: {  	[tilespmem:s18], [sflag:$0x1] =	stream.indirect.gather [hbm4b:s4+s21], $0x10, s0, s21, $0xb8;
	[tilespmem:$0x1A000] =	vst v63  }
0x4a: {  	_ =	swait.ge [sflag:s24], $0x800  }
.Ltmp2:
0x4b: {  	[sflag:s24] =	ssyncset.done $0x0;
	(pc) =	sbr.rel @p0 .LBB2_6-.Ltmp2, $4  }
0x4c: {  	s0 =	sadd.s32 $0x6480, s30;
	[sflag:s24] =	ssyncadd.s32 $0xFFFFF800  }
0x4d: {  	[spmem:s1] =	stream.indirect.scatter.add.f32 [tilespmem:s22], [sflag:$0x3], $0x10, s0, s21, $0xb8;
	[tilespmem:$0x1A000] =	vst v63  }
0x4e: {  	_ =	swait.ge [sflag:s19], $0x800  }
0x4f: {  	s31 =	smov.u32 s6;
	s30 =	sshra.s32 s3, $0x2;
	[sflag:s19] =	ssyncset.done $0x0  }
0x50: {  	s0 =	sadd.s32 $0x80, s30;
	[sflag:s19] =	ssyncadd.s32 $0xFFFFF800  }
0x51: {  	[tilespmem:s22], [sflag:$0x2] =	stream.indirect.gather [hbm4b:s4+s21], $0x10, s0, s21, $0xb8;
	[tilespmem:$0x1A000] =	vst v63  }
0x52: {  	_ =	swait.ge [sflag:s23], $0x800  }
0x53: {  	[sflag:s23] =	ssyncset.done $0x0  }
0x54: {  	s3 =	sadd.s32 $0x6400, s30;
	[sflag:s23] =	ssyncadd.s32 $0xFFFFF800  }
0x55: {  	[spmem:s1] =	stream.indirect.scatter.add.f32 [tilespmem:s18], [sflag:$0x3], $0x10, s3, s21, $0xb8;
	[tilespmem:$0x1A000] =	vst v63  }
0x56: {  	_ =	swait.ge [sflag:s19], $0x800  }
0x57: {  	[sflag:s19] =	ssyncset.done $0x0  }
0x58: {  	s6 =	sadd.s32 $0x100, s30;
	[sflag:s19] =	ssyncadd.s32 $0xFFFFF800  }
0x59: {  	[tilespmem:s18], [sflag:$0x1] =	stream.indirect.gather [hbm4b:s4+s21], $0x10, s6, s21, $0xb8;
	[tilespmem:$0x1A000] =	vst v63  }
0x5a: {  	_ =	swait.ge [sflag:s24], $0x800  }
0x5b: {  	[sflag:s24] =	ssyncset.done $0x0  }
0x5c: {  	s3 =	sadd.s32 $0x6480, s30;
	[sflag:s24] =	ssyncadd.s32 $0xFFFFF800  }
0x5d: {  	[spmem:s1] =	stream.indirect.scatter.add.f32 [tilespmem:s22], [sflag:$0x3], $0x10, s3, s21, $0xb8;
	[tilespmem:$0x1A000] =	vst v63  }
0x5e: {  	_ =	swait.ge [sflag:s19], $0x800  }
0x5f: {  	[sflag:s19] =	ssyncset.done $0x0  }
0x60: {  	[sflag:s19] =	ssyncadd.s32 $0xFFFFF800  }
0x61: {  	[tilespmem:s22], [sflag:$0x2] =	stream.indirect.gather [hbm4b:s4+s21], $0x10, s25, s21, $0xb8;
	[tilespmem:$0x1A000] =	vst v63  }
0x62: {  	_ =	swait.ge [sflag:s23], $0x800  }
0x63: {  	[sflag:s23] =	ssyncset.done $0x0  }
0x64: {  	[sflag:s23] =	ssyncadd.s32 $0xFFFFF800  }
0x65: {  	[spmem:s1] =	stream.indirect.scatter.add.f32 [tilespmem:s18], [sflag:$0x3], $0x10, s26, s21, $0xb8;
	[tilespmem:$0x1A000] =	vst v63  }
0x66: {  	_ =	swait.ge [sflag:s19], $0x800  }
0x67: {  	[sflag:s19] =	ssyncset.done $0x0  }
0x68: {  	[sflag:s19] =	ssyncadd.s32 $0xFFFFF800  }
0x69: {  	_ =	swait.ge [sflag:s24], $0x800  }
0x6a: {  	[sflag:s24] =	ssyncset.done $0x0  }
0x6b: {  	[sflag:s24] =	ssyncadd.s32 $0xFFFFF800  }
0x6c: {  	[spmem:s1] =	stream.indirect.scatter.add.f32 [tilespmem:s22], [sflag:$0x3], $0x10, s28, s21, $0xb8;
	[tilespmem:$0x1A000] =	vst v63  }
0x6d: {  	_ =	swait.ge [sflag:s19], $0x800  }
0x6e: {  	[sflag:s19] =	ssyncset.done $0x0  }
0x6f: {  	s6 =	simm.s32 $0x0;
	[sflag:s19] =	ssyncadd.s32 $0xFFFFF800  }
0x70: {  	[tilespmem:s6], [sflag:$0x3] =	stream.linear.gather [hbm4b:s8+s6], $0x6400, $0x38;
	[tilespmem:$0x1A000] =	vst v63  }
0x71: {  	_ =	swait.ge [sflag:s19], $0x6400  }
0x72: {  	[sflag:s19] =	ssyncset.done $0x0  }
0x73: {  	[sflag:s19] =	ssyncadd.s32 $0xFFFF9C00  }
0x74: {  	[tilespmem:s20], [sflag:$0x3] =	stream.linear.gather [hbm4b:s9+s6], $0x6400, $0x38;
	[tilespmem:$0x1A000] =	vst v63  }
0x75: {  	_ =	swait.ge [sflag:s19], $0x6400  }
0x76: {  	[sflag:s19] =	ssyncset.done $0x0  }
0x77: {  	[sflag:s19] =	ssyncadd.s32 $0xFFFF9C00  }
0x78: {  	[tilespmem:s18], [sflag:$0x1] =	stream.indirect.gather [hbm4b:s4+s21], $0x10, s6, s21, $0xb8;
	[tilespmem:$0x1A000] =	vst v63  }
0x79: {  	s3 =	simm.s32 $0x80  }
0x7a: {  	[tilespmem:s22], [sflag:$0x2] =	stream.indirect.gather [hbm4b:s4+s21], $0x10, s3, s21, $0xb8;
	[tilespmem:$0x1A000] =	vst v63  }
0x7b: {  	_ =	swait.ge [sflag:s23], $0x800  }
0x7c: {  	[sflag:s23] =	ssyncset.done $0x0  }
0x7d: {  	s6 =	simm.s32 $0x6400;
	[sflag:s23] =	ssyncadd.s32 $0xFFFFF800  }
0x7e: {  	[spmem:s1] =	stream.indirect.scatter.add.f32 [tilespmem:s18], [sflag:$0x3], $0x10, s6, s21, $0xb8;
	[tilespmem:$0x1A000] =	vst v63  }
0x7f: {  	_ =	swait.ge [sflag:s19], $0x800  }
0x80: {  	[sflag:s19] =	ssyncset.done $0x0  }
0x81: {  	s3 =	simm.s32 $0x100;
	[sflag:s19] =	ssyncadd.s32 $0xFFFFF800  }
0x82: {  	[tilespmem:s18], [sflag:$0x1] =	stream.indirect.gather [hbm4b:s4+s21], $0x10, s3, s21, $0xb8;
	[tilespmem:$0x1A000] =	vst v63  }
0x83: {  	_ =	swait.ge [sflag:s24], $0x800  }
0x84: {  	[sflag:s24] =	ssyncset.done $0x0  }
0x85: {  	s6 =	simm.s32 $0x6480;
	[sflag:s24] =	ssyncadd.s32 $0xFFFFF800  }
0x86: {  	[spmem:s1] =	stream.indirect.scatter.add.f32 [tilespmem:s22], [sflag:$0x3], $0x10, s6, s21, $0xb8;
	[tilespmem:$0x1A000] =	vst v63  }
0x87: {  	_ =	swait.ge [sflag:s19], $0x800  }
0x88: {  	s31 =	simm.s32 $0x800;
	s30 =	simm.s32 $0x100;
	[sflag:s19] =	ssyncset.done $0x0  }
.LBB2_8:
0x89: {  	s0 =	sadd.s32 $0x80, s30  }
0x8a: {  	[sflag:s19] =	ssyncadd.s32 $0xFFFFF800;
	s3 =	smov.u32 s31;
	s6 =	sadd.s32 $0x400, s31  }
0x8b: {  	[tilespmem:s22], [sflag:$0x2] =	stream.indirect.gather [hbm4b:s4+s21], $0x10, s0, s21, $0xb8;
	[tilespmem:$0x1A000] =	vst v63  }
0x8c: {  	p0 =	sne.s32 s31, $0x18800;
	_ =	swait.ge [sflag:s23], $0x800  }
0x8d: {  	[sflag:s23] =	ssyncset.done $0x0  }
0x8e: {  	s0 =	sadd.s32 $0x6400, s30;
	[sflag:s23] =	ssyncadd.s32 $0xFFFFF800  }
0x8f: {  	[spmem:s1] =	stream.indirect.scatter.add.f32 [tilespmem:s18], [sflag:$0x3], $0x10, s0, s21, $0xb8;
	[tilespmem:$0x1A000] =	vst v63  }
0x90: {  	_ =	swait.ge [sflag:s19], $0x800  }
0x91: {  	[sflag:s19] =	ssyncset.done $0x0  }
0x92: {  	s0 =	sadd.s32 $0x100, s30;
	[sflag:s19] =	ssyncadd.s32 $0xFFFFF800  }
0x93: {  	[tilespmem:s18], [sflag:$0x1] =	stream.indirect.gather [hbm4b:s4+s21], $0x10, s0, s21, $0xb8;
	[tilespmem:$0x1A000] =	vst v63  }
0x94: {  	_ =	swait.ge [sflag:s24], $0x800  }
.Ltmp3:
0x95: {  	[sflag:s24] =	ssyncset.done $0x0;
	(pc) =	sbr.rel @p0 .LBB2_8-.Ltmp3, $4  }
0x96: {  	s0 =	sadd.s32 $0x6480, s30;
	[sflag:s24] =	ssyncadd.s32 $0xFFFFF800  }
0x97: {  	[spmem:s1] =	stream.indirect.scatter.add.f32 [tilespmem:s22], [sflag:$0x3], $0x10, s0, s21, $0xb8;
	[tilespmem:$0x1A000] =	vst v63  }
0x98: {  	_ =	swait.ge [sflag:s19], $0x800  }
0x99: {  	s31 =	smov.u32 s6;
	s30 =	sshra.s32 s3, $0x2;
	[sflag:s19] =	ssyncset.done $0x0  }
0x9a: {  	s0 =	sadd.s32 $0x80, s30;
	[sflag:s19] =	ssyncadd.s32 $0xFFFFF800  }
0x9b: {  	[tilespmem:s22], [sflag:$0x2] =	stream.indirect.gather [hbm4b:s4+s21], $0x10, s0, s21, $0xb8;
	[tilespmem:$0x1A000] =	vst v63  }
0x9c: {  	_ =	swait.ge [sflag:s23], $0x800  }
0x9d: {  	[sflag:s23] =	ssyncset.done $0x0  }
0x9e: {  	s6 =	sadd.s32 $0x6400, s30;
	[sflag:s23] =	ssyncadd.s32 $0xFFFFF800  }
0x9f: {  	[spmem:s1] =	stream.indirect.scatter.add.f32 [tilespmem:s18], [sflag:$0x3], $0x10, s6, s21, $0xb8;
	[tilespmem:$0x1A000] =	vst v63  }
0xa0: {  	_ =	swait.ge [sflag:s19], $0x800  }
0xa1: {  	[sflag:s19] =	ssyncset.done $0x0  }
0xa2: {  	s3 =	sadd.s32 $0x100, s30;
	[sflag:s19] =	ssyncadd.s32 $0xFFFFF800  }
0xa3: {  	[tilespmem:s18], [sflag:$0x1] =	stream.indirect.gather [hbm4b:s4+s21], $0x10, s3, s21, $0xb8;
	[tilespmem:$0x1A000] =	vst v63  }
0xa4: {  	_ =	swait.ge [sflag:s24], $0x800  }
0xa5: {  	[sflag:s24] =	ssyncset.done $0x0  }
0xa6: {  	s6 =	sadd.s32 $0x6480, s30;
	[sflag:s24] =	ssyncadd.s32 $0xFFFFF800  }
0xa7: {  	[spmem:s1] =	stream.indirect.scatter.add.f32 [tilespmem:s22], [sflag:$0x3], $0x10, s6, s21, $0xb8;
	[tilespmem:$0x1A000] =	vst v63  }
0xa8: {  	_ =	swait.ge [sflag:s19], $0x800  }
0xa9: {  	[sflag:s19] =	ssyncset.done $0x0  }
0xaa: {  	[sflag:s19] =	ssyncadd.s32 $0xFFFFF800  }
0xab: {  	[tilespmem:s22], [sflag:$0x2] =	stream.indirect.gather [hbm4b:s4+s21], $0x10, s25, s21, $0xb8;
	[tilespmem:$0x1A000] =	vst v63  }
0xac: {  	_ =	swait.ge [sflag:s23], $0x800  }
0xad: {  	[sflag:s23] =	ssyncset.done $0x0  }
0xae: {  	[sflag:s23] =	ssyncadd.s32 $0xFFFFF800  }
0xaf: {  	[spmem:s1] =	stream.indirect.scatter.add.f32 [tilespmem:s18], [sflag:$0x3], $0x10, s26, s21, $0xb8;
	[tilespmem:$0x1A000] =	vst v63  }
0xb0: {  	_ =	swait.ge [sflag:s19], $0x800  }
0xb1: {  	[sflag:s19] =	ssyncset.done $0x0  }
0xb2: {  	[sflag:s19] =	ssyncadd.s32 $0xFFFFF800  }
0xb3: {  	_ =	swait.ge [sflag:s24], $0x800  }
0xb4: {  	[sflag:s24] =	ssyncset.done $0x0  }
0xb5: {  	[sflag:s24] =	ssyncadd.s32 $0xFFFFF800  }
0xb6: {  	[spmem:s1] =	stream.indirect.scatter.add.f32 [tilespmem:s22], [sflag:$0x3], $0x10, s28, s21, $0xb8;
	[tilespmem:$0x1A000] =	vst v63  }
0xb7: {  	_ =	swait.ge [sflag:s19], $0x800  }
0xb8: {  	[sflag:s19] =	ssyncset.done $0x0  }
0xb9: {  	[sflag:s19] =	ssyncadd.s32 $0xFFFFF800  }
0xba: {  	[bflag:$0x0] =	sbarrier.arrive $0xFFFF  }
0xbb: {  	[tilespmem:s18], [sflag:$0x3] =	stream.linear.gather [spmem:s5], $0x800, $0x38;
	[tilespmem:$0x1A000] =	vst v63  }
0xbc: {  	_ =	swait.ge [sflag:s19], $0x800  }
0xbd: {  	[sflag:s19] =	ssyncset.done $0x0  }
0xbe: {  	s3 =	simm.s32 $0x0;
	[sflag:s19] =	ssyncadd.s32 $0xFFFFF800  }
0xbf: {  	[hbm4b:s10+s3] =	stream.linear.scatter [tilespmem:s18], [sflag:$0x1], $0x800, $0x38;
	[tilespmem:$0x1A000] =	vst v63  }
0xc0: {  	_ = 	snop  }
0xc1: {  	[tilespmem:s22], [sflag:$0x3] =	stream.linear.gather [spmem:s17], $0x800, $0x38;
	[tilespmem:$0x1A000] =	vst v63  }
0xc2: {  	_ =	swait.ge [sflag:s19], $0x800  }
0xc3: {  	s0 =	sadd.s32 $0x0, s16;
	[sflag:s19] =	ssyncset.done $0x0  }
0xc4: {  	s3 =	sadd.s32 $0x100, s0;
	[sflag:s19] =	ssyncadd.s32 $0xFFFFF800  }
0xc5: {  	[hbm4b:s3+s2] =	stream.linear.scatter [tilespmem:s22], [sflag:$0x2], $0x800, $0x38;
	[tilespmem:$0x1A000] =	vst v63  }
0xc6: {  	_ =	swait.ge [sflag:s23], $0x800  }
0xc7: {  	[sflag:s23] =	ssyncset.done $0x0  }
0xc8: {  	s6 =	sadd.s32 $0x800, s17;
	[sflag:s23] =	ssyncadd.s32 $0xFFFFF800  }
0xc9: {  	[tilespmem:s18], [sflag:$0x3] =	stream.linear.gather [spmem:s6], $0x800, $0x38;
	[tilespmem:$0x1A000] =	vst v63  }
0xca: {  	_ =	swait.ge [sflag:s19], $0x800  }
0xcb: {  	[sflag:s19] =	ssyncset.done $0x0  }
0xcc: {  	s0 =	sadd.s32 $0x200, s0;
	[sflag:s19] =	ssyncadd.s32 $0xFFFFF800  }
0xcd: {  	[hbm4b:s0+s2] =	stream.linear.scatter [tilespmem:s18], [sflag:$0x1], $0x800, $0x38;
	[tilespmem:$0x1A000] =	vst v63  }
0xce: {  	_ =	swait.ge [sflag:s24], $0x800  }
0xcf: {  	s31 =	smov.u32 s17;
	s30 =	simm.s32 $0x200;
	[sflag:s24] =	ssyncset.done $0x0  }
.LBB2_10:
0xd0: {  	p0 =	sne.s32 s30, $0x1400;
	[sflag:s24] =	ssyncadd.s32 $0xFFFFF800;
	s31 =	sadd.s32 $0x1000, s31  }
0xd1: {  	[tilespmem:s22], [sflag:$0x3] =	stream.linear.gather [spmem:s31], $0x800, $0x38;
	[tilespmem:$0x1A000] =	vst v63  }
0xd2: {  	s0 =	smov.u32 s30;
	s30 =	sadd.s32 $0x200, s30;
	_ =	swait.ge [sflag:s19], $0x800  }
0xd3: {  	s0 =	sadd.s32 s0, s16;
	[sflag:s19] =	ssyncset.done $0x0  }
0xd4: {  	s3 =	sadd.s32 $0x100, s0;
	[sflag:s19] =	ssyncadd.s32 $0xFFFFF800  }
0xd5: {  	[hbm4b:s3+s2] =	stream.linear.scatter [tilespmem:s22], [sflag:$0x2], $0x800, $0x38;
	[tilespmem:$0x1A000] =	vst v63  }
0xd6: {  	_ =	swait.ge [sflag:s23], $0x800  }
0xd7: {  	[sflag:s23] =	ssyncset.done $0x0  }
0xd8: {  	s3 =	sadd.s32 $0x800, s31;
	[sflag:s23] =	ssyncadd.s32 $0xFFFFF800  }
0xd9: {  	[tilespmem:s18], [sflag:$0x3] =	stream.linear.gather [spmem:s3], $0x800, $0x38;
	[tilespmem:$0x1A000] =	vst v63  }
0xda: {  	_ =	swait.ge [sflag:s19], $0x800  }
.Ltmp4:
0xdb: {  	[sflag:s19] =	ssyncset.done $0x0;
	(pc) =	sbr.rel @p0 .LBB2_10-.Ltmp4, $4  }
0xdc: {  	s0 =	sadd.s32 $0x200, s0;
	[sflag:s19] =	ssyncadd.s32 $0xFFFFF800  }
0xdd: {  	[hbm4b:s0+s2] =	stream.linear.scatter [tilespmem:s18], [sflag:$0x1], $0x800, $0x38;
	[tilespmem:$0x1A000] =	vst v63  }
0xde: {  	_ =	swait.ge [sflag:s24], $0x800  }
0xdf: {  	[sflag:s24] =	ssyncset.done $0x0  }
0xe0: {  	[sflag:s24] =	ssyncadd.s32 $0xFFFFF800  }
0xe1: {  	[tilespmem:s22], [sflag:$0x3] =	stream.linear.gather [spmem:s14], $0x800, $0x38;
	[tilespmem:$0x1A000] =	vst v63  }
0xe2: {  	_ =	swait.ge [sflag:s19], $0x800  }
0xe3: {  	[sflag:s19] =	ssyncset.done $0x0  }
0xe4: {  	[sflag:s19] =	ssyncadd.s32 $0xFFFFF800  }
0xe5: {  	[hbm4b:s15+s2] =	stream.linear.scatter [tilespmem:s22], [sflag:$0x2], $0x800, $0x38;
	[tilespmem:$0x1A000] =	vst v63  }
0xe6: {  	_ =	swait.ge [sflag:s23], $0x800  }
0xe7: {  	[sflag:s23] =	ssyncset.done $0x0  }
0xe8: {  	[sflag:s23] =	ssyncadd.s32 $0xFFFFF800  }
0xe9: {  	_ =	swait.ge [sflag:s24], $0x800  }
0xea: {  	[sflag:s24] =	ssyncset.done $0x0  }
0xeb: {  	[sflag:s24] =	ssyncadd.s32 $0xFFFFF800  }
0xec: {  	[tilespmem:s18], [sflag:$0x3] =	stream.linear.gather [spmem:s11], $0x800, $0x38;
	[tilespmem:$0x1A000] =	vst v63  }
0xed: {  	s29 =	sadd.s32 $0x1, s29;
	_ =	swait.ge [sflag:s19], $0x800  }
0xee: {  	p0 =	sne.s32 s29, s13;
	[sflag:s19] =	ssyncset.done $0x0  }
.Ltmp5:
0xef: {  	[sflag:s19] =	ssyncadd.s32 $0xFFFFF800;
	(pc) =	sbr.rel @p0 .LBB2_1-.Ltmp5, $4  }
0xf0: {  	[hbm4b:s12+s2] =	stream.linear.scatter [tilespmem:s18], [sflag:$0x1], $0x800, $0x38;
	[tilespmem:$0x1A000] =	vst v63  }
0xf1: {  	_ =	swait.ge [sflag:s23], $0x800  }
0xf2: {  	[sflag:s23] =	ssyncset.done $0x0  }
0xf3: {  	[sflag:s23] =	ssyncadd.s32 $0xFFFFF800  }
0xf4: {  	_ =	sfence.sel $0x180000  }
0xf5: {  	[bflag:$0x0] =	sbarrier.arrive $0xFFFF  }
0xf6: {  	_ =	strace $0x9000004A  }
0xf7: {  	s0 =	stileid.u32;
	[bflag:$0x2] =	sbarrier.arrive $0xFFFF  }
0xf8: {  	p0 =	sne.s32 s0, $0x0;
	s0 =	rddreg [dreg:$0x2]  }
0xf9: {  	s0 =	sadd.s32 @!p0 $0x100000, s0  }
0xfa: {  	[sflag:s0] =	ssyncadd.tile.s32 @!p0 $0x1;
	_ =	shalt  }
.Lfunc_end2:
_tile_overlayer_lowered:
.L_overlay_start_2:
0xfb: {  	(tag) =	ssettag $0x2  }
0xfc: {  	s0 =	rddreg [dreg:$0x0];
	s2 =	stileid.u32  }
0xfd: {  	s1 =	rddreg [dreg:$0x1];
	p0 =	sne.s32 s2, $0x0  }
0xfe: {  	s3 =	rddreg [dreg:$0x2];
	[bflag:$0x3] =	sbarrier.arrive $0xFFFF;
	s2 =	simm.s32 @!p0 $0x1C03  }
0xff: {  	[timem:s3], [sflag:s2] =	dma.local @!p0 [hbm:s0], s1  }
0x100: {  	s0 =	simm.s32 @!p0 $0x3  }
0x101: {  	_ =	swait.ge @!p0 [sflag:s0], s1  }
0x102: {  	s1 =	ssub.s32 @!p0 $0x0, s1;
	[sflag:s0] =	ssyncset.done @!p0 $0x0  }
0x103: {  	[sflag:s0] =	ssyncadd.s32 @!p0 s1  }
0x104: {  	[bflag:$0x3] =	sbarrier.arrive $0xFFFF  }
0x105: {  	_ =	shalt  }

// kernel: kernel.18.cloned.1.call-start
scs
__scs_entry_jumppad:
0x0: {  	(pc) =	sbr.rel $0x88, $3  }
0x1: {  	(tag) =	ssettag $0x0;
	lr =	simm.s32 $0x1  }
0x2: {  	[smem:$0x3F96] =	sst lr;
	_ =	strace $0xD0000000  }
0x3: {  	_ = 	snop  }
0x4: {  	_ = 	snop  }
0x5: {  	_ = 	snop  }
0x6: {  	_ = 	snop  }
0x7: {  	_ = 	snop  }
__scs_overlays_trampoline_lowered:
0x8: {  	[smem:$0x3FA5] =	sst s0  }
0x9: {  	[smem:$0x3FA6] =	sst s1  }
0xa: {  	[smem:$0x3FA7] =	sst s2  }
0xb: {  	[smem:$0x3FA8] =	sst s3  }
0xc: {  	[smem:$0x3FA9] =	sst s4  }
0xd: {  	[smem:$0x3FAA] =	sst s5  }
0xe: {  	[smem:$0x3FAB] =	sst s6  }
0xf: {  	[smem:$0x3FAC] =	sst s7  }
0x10: {  	[smem:$0x3FAD] =	sst s8  }
0x11: {  	[smem:$0x3FAE] =	sst s9;
	s0 =	simm.s32 @!p0 $0x0  }
0x12: {  	s1 =	sld [smem:$0x3F94];
	s0 =	simm.s32 @p0 $0x1  }
0x13: {  	[smem:$0x3FAF] =	sst s0;
	s0 =	simm.s32 @!p1 $0x0  }
0x14: {  	s2 =	sld [smem:$0x3F93];
	s0 =	simm.s32 @p1 $0x1  }
0x15: {  	[smem:$0x3FB0] =	sst s0;
	s0 =	simm.s32 @!p2 $0x0  }
0x16: {  	s3 =	sld [smem:$0x3FDB];
	s0 =	simm.s32 @p2 $0x1  }
0x17: {  	s4 =	simm.s32 $0x1BF5;
	[smem:$0x3FB2] =	sst s0  }
0x18: {  	s0 =	sld [smem:$0x3F95];
	_ =	swait.ge [sflag:s4], $0x0  }
0x19: {  	s7 =	sld [smem:$0x3F96]  }
0x1a: {  	s8 =	sadd.s32 $0xFFFFE003, lr  }
0x1b: {  	s9 =	sadd.s32 $0xFFFFFEF7, lr;
	s5 =	simm.s32 $0xFFFFFFFF;
	p2 =	slt.u32 s8, $0xFFFFF086  }
0x1c: {  	p1 =	slt.u32 s9, $0xF7A;
	s5 =	simm.s32 @!p2 $0x0  }
0x1d: {  	s5 =	simm.s32 @p1 $0x1;
	p0 =	seq.s32 s7, s2  }
0x1e: {  	s7 =	smul.u32 @!p0 $0xF7A, s2;
	p2 =	seq.s32 @!p0 s5, $0x0  }
0x1f: {  	s9 =	smul.u32 $0xF7A, s1;
	s8 =	simm.s32 @!p0 $0x1BF5;
	p2 =	por !p2, p0  }
0x20: {  	[sflag:s8] =	ssyncset.s32 @!p0 $0xFFFFF086;
	s6 =	sadd.s32 @!p0 s3, s7;
	s7 =	simm.s32 @!p0 $0x108  }
0x21: {  	s3 =	sadd.s32 s3, s9;
	s6 =	sadd.s32 @!p0 $0x88, s6;
	s7 =	simm.s32 @p2 $0x1082  }
0x22: {  	[simem:s7], [sflag:s8] =	dma.local @!p0 [hbm:s6], $0xF7A  }
0x23: {  	s9 =	sor.u32 $0xD0000000, s2;
	s6 =	simm.s32 $0x108;
	_ =	swait.ge @!p0 [sflag:s8], $0x0  }
0x24: {  	s3 =	sadd.s32 $0x88, s3;
	s6 =	simm.s32 @!p1 $0x1082;
	[sflag:s4] =	ssyncset.s32 $0xFFFFF086  }
0x25: {  	[simem:s6], [sflag:s4] =	dma.local [hbm:s3], $0xF7A  }
0x26: {  	[smem:$0x3F96] =	sst s1;
	(tag) =	ssettag s2;
	_ =	strace s9  }
0x27: {  	s1 =	sld [smem:$0x3FA6]  }
0x28: {  	s2 =	sld [smem:$0x3FA7]  }
0x29: {  	s4 =	sld [smem:$0x3FA9]  }
0x2a: {  	p0 =	seq.s32 s5, $0x0;
	s5 =	sld [smem:$0x3FAA]  }
0x2b: {  	s6 =	sld [smem:$0x3FAB]  }
0x2c: {  	s7 =	sld [smem:$0x3FAC]  }
0x2d: {  	s3 =	simm.s32 $0x108;
	s8 =	sld [smem:$0x3FAD]  }
0x2e: {  	s3 =	simm.s32 @!p0 $0x1082;
	s9 =	sld [smem:$0x3FAE]  }
0x2f: {  	lr =	sadd.s32 s0, s3;
	s0 =	sld [smem:$0x3FA5]  }
0x30: {  	s3 =	sld [smem:$0x3FA8]  }
0x31: {  	[smem:$0x3FB1] =	sst s10  }
0x32: {  	s10 =	sld [smem:$0x3FAF];
	_ =	sdelay $0x3  }
0x33: {  	p0 =	seq.s32 s10, $0x1;
	s10 =	sld [smem:$0x3FB1];
	_ =	sdelay $0x3  }
0x34: {  	[smem:$0x3FB1] =	sst s10  }
0x35: {  	s10 =	sld [smem:$0x3FB0];
	_ =	sdelay $0x3  }
0x36: {  	p1 =	seq.s32 s10, $0x1;
	s10 =	sld [smem:$0x3FB1];
	_ =	sdelay $0x3  }
0x37: {  	[smem:$0x3FB1] =	sst s10  }
0x38: {  	s10 =	sld [smem:$0x3FB2]  }
0x39: {  	_ = 	snop;
	(pc) =	sbr.ind lr, $3  }
0x3a: {  	_ = 	snop  }
0x3b: {  	_ = 	snop  }
0x3c: {  	p2 =	seq.s32 s10, $0x1;
	s10 =	sld [smem:$0x3FB1]  }
0x3d: {  	_ =	shalt  }
0x3e: {  	_ =	shalt  }
0x3f: {  	_ =	shalt  }
0x40: {  	_ =	shalt  }
0x41: {  	_ =	shalt  }
0x42: {  	_ =	shalt  }
0x43: {  	_ =	shalt  }
0x44: {  	_ =	shalt  }
0x45: {  	_ =	shalt  }
0x46: {  	_ =	shalt  }
0x47: {  	_ =	shalt  }
0x48: {  	_ =	shalt  }
0x49: {  	_ =	shalt  }
0x4a: {  	_ =	shalt  }
0x4b: {  	_ =	shalt  }
0x4c: {  	_ =	shalt  }
0x4d: {  	_ =	shalt  }
0x4e: {  	_ =	shalt  }
0x4f: {  	_ =	shalt  }
0x50: {  	_ =	shalt  }
0x51: {  	_ =	shalt  }
0x52: {  	_ =	shalt  }
0x53: {  	_ =	shalt  }
0x54: {  	_ =	shalt  }
0x55: {  	_ =	shalt  }
0x56: {  	_ =	shalt  }
0x57: {  	_ =	shalt  }
0x58: {  	_ =	shalt  }
0x59: {  	_ =	shalt  }
0x5a: {  	_ =	shalt  }
0x5b: {  	_ =	shalt  }
0x5c: {  	_ =	shalt  }
0x5d: {  	_ =	shalt  }
0x5e: {  	_ =	shalt  }
0x5f: {  	_ =	shalt  }
0x60: {  	_ =	shalt  }
0x61: {  	_ =	shalt  }
0x62: {  	_ =	shalt  }
0x63: {  	_ =	shalt  }
0x64: {  	_ =	shalt  }
0x65: {  	_ =	shalt  }
0x66: {  	_ =	shalt  }
0x67: {  	_ =	shalt  }
0x68: {  	_ =	shalt  }
0x69: {  	_ =	shalt  }
0x6a: {  	_ =	shalt  }
0x6b: {  	_ =	shalt  }
0x6c: {  	_ =	shalt  }
0x6d: {  	_ =	shalt  }
0x6e: {  	_ =	shalt  }
0x6f: {  	_ =	shalt  }
0x70: {  	_ =	shalt  }
0x71: {  	_ =	shalt  }
0x72: {  	_ =	shalt  }
0x73: {  	_ =	shalt  }
0x74: {  	_ =	shalt  }
0x75: {  	_ =	shalt  }
0x76: {  	_ =	shalt  }
0x77: {  	_ =	shalt  }
0x78: {  	_ =	shalt  }
0x79: {  	_ =	shalt  }
0x7a: {  	_ =	shalt  }
0x7b: {  	_ =	shalt  }
0x7c: {  	_ =	shalt  }
0x7d: {  	_ =	shalt  }
0x7e: {  	_ =	shalt  }
0x7f: {  	_ =	shalt  }
0x80: {  	_ =	shalt  }
0x81: {  	_ =	shalt  }
0x82: {  	_ =	shalt  }
0x83: {  	_ =	shalt  }
0x84: {  	_ =	shalt  }
0x85: {  	_ =	shalt  }
0x86: {  	_ =	shalt  }
0x87: {  	_ =	shalt  }
.Lfunc_end0:
.L_simem_size_0:
called_computation.2_lowered:
.L_overlay_start_0:
0x88: {  	s2 =	sld [smem:$0x3FD9]  }
0x89: {  	s3 =	sld [smem:$0x3FFE];
	_ =	sdelay $0x1  }
0x8a: {  	s1 =	srdreg.scid  }
0x8b: {  	s0 =	sand.u32 $0x1, s1  }
0x8c: {  	s17 =	sshll.u32 s0, $0xA;
	s2 =	sadd.s32 s3, s2  }
0x8d: {  	s2 =	sadd.s32 s2, s17  }
0x8e: {  	[smem:$0x3FBD] =	sst s2  }
0x8f: {  	_ = 	snop  }
0x90: {  	(tm) =	ssettm $0x1  }
0x91: {  	s18 =	sld [smem:$0x3FFB];
	_ =	sdelay $0x3  }
0x92: {  	_ =	strace s18  }
0x93: {  	s2 =	sld [smem:$0x3FFC];
	_ =	sdelay $0x3  }
0x94: {  	_ =	strace s2  }
0x95: {  	s2 =	sld [smem:$0x3FFD];
	_ =	sdelay $0x3  }
0x96: {  	_ =	strace s2  }
0x97: {  	_ =	strace $0x8FFFFFFF  }
0x98: {  	s19 =	sld [smem:$0x3FDB];
	_ =	sdelay $0x1  }
0x99: {  	s20 =	simm.s32 $_scs_section_size  }
0x9a: {  	s4 =	simm.s32 $_size__tile_overlayer_lowered;
	s5 =	simm.s32 $_tile_overlayer_lowered  }
0x9b: {  	s6 =	simm.s32 $0x1BFF;
	s21 =	sshll.u32 s5, $0x1;
	s3 =	sadd.s32 s20, s19  }
0x9c: {  	s22 =	simm.s32 $0x0;
	s4 =	sshll.u32 s4, $0x1;
	s5 =	sadd.s32 s21, s3  }
0x9d: {  	[timem:s22], [sflag:s6] =	dma.local [hbm:s5], s4  }
0x9e: {  	_ =	swait.ge [sflag:s6], s4  }
0x9f: {  	s4 =	ssub.s32 $0x0, s4;
	[sflag:s6] =	ssyncset.done $0x0  }
0xa0: {  	[sflag:s6] =	ssyncadd.s32 s4;
	_ =	sdelay $0x1  }
0xa1: {  	s23 =	simm.s32 $0x1B8B  }
0xa2: {  	_ =	swait.ge [sflag:s23], $0x1  }
0xa3: {  	[sflag:s23] =	ssyncset.done $0x0  }
0xa4: {  	[sflag:s23] =	ssyncadd.s32 $0xFFFFFFFF  }
0xa5: {  	s4 =	sld [smem:$0x0]  }
0xa6: {  	s5 =	sand.u32 $0xFFFFFFFE, s1  }
0xa7: {  	p0 =	sne.s32 s1, s5  }
0xa8: {  	s5 =	sshll.u32 @p0 s5, $0xE  }
0xa9: {  	s5 =	sadd.s32 @p0 $0x11B8D, s5;
	s6 =	sshll.u32 @p0 s4, $0x11  }
0xaa: {  	s5 =	sor.u32 @p0 s6, s5  }
0xab: {  	[sflag:s5] =	ssyncadd.remote.s32 @p0 $0x1;
	_ =	sdelay $0x1  }
0xac: {  	s5 =	simm.s32 @p0 $0x1B8D  }
0xad: {  	_ =	swait.eq @p0 [sflag:s5], $0x1  }
0xae: {  	[sflag:s5] =	ssyncadd.s32 @p0 $0xFFFFFFFF  }
0xaf: {  	s6 =	sshll.u32 @!p0 s1, $0xE  }
0xb0: {  	s6 =	sor.u32 @!p0 $0x4000, s6;
	s5 =	simm.s32 @!p0 $0x1B8D  }
0xb1: {  	s4 =	sshll.u32 @!p0 s4, $0x11;
	s6 =	sadd.s32 @!p0 $0x11B8D, s6;
	_ =	swait.eq @!p0 [sflag:s5], $0x1  }
0xb2: {  	s4 =	sor.u32 @!p0 s4, s6;
	[sflag:s5] =	ssyncadd.s32 @!p0 $0xFFFFFFFF  }
0xb3: {  	s25 =	simm.s32 $0x1B8E;
	s24 =	sld [smem:$0x3FFE];
	[sflag:s4] =	ssyncadd.remote.s32 @!p0 $0x1  }
0xb4: {  	s26 =	simm.s32 $execute0_lowered;
	[smem:$0x3FD2] =	sst s25  }
0xb5: {  	s5 =	sshll.u32 s26, $0x1;
	_ =	strace $0x8000004C;
	[dreg:$0x1] =	wrdreg $0xFFFFFFFF  }
0xb6: {  	s28 =	simm.s32 $_size_execute0_lowered;
	s3 =	sadd.s32 s3, s5;
	[dreg:$0x0] =	wrdreg $0x0  }
0xb7: {  	s5 =	sshll.u32 s28, $0x1;
	[dreg:$0x2] =	wrdreg s3  }
0xb8: {  	[dreg:$0x3] =	wrdreg s5  }
0xb9: {  	[dreg:$0x4] =	wrdreg $0xC0  }
0xba: {  	_ =	task [dreg:s22], $0x5FFFF  }
0xbb: {  	[dreg:$0x1] =	wrdreg $0xFFFFFFFF  }
0xbc: {  	[dreg:$0x0] =	wrdreg $0x60  }
0xbd: {  	[dreg:$0x2] =	wrdreg s24  }
0xbe: {  	[dreg:$0x3] =	wrdreg $0xD8000  }
0xbf: {  	[dreg:$0x4] =	wrdreg $0xA  }
0xc0: {  	_ =	task.clear_ibuf [dreg:s22], $0x5FFFF;
	_ =	strace $0x9000004C  }
0xc1: {  	s29 =	simm.s32 $0xA;
	_ =	strace $0x8000004E  }
0xc2: {  	_ =	swait.ge [sflag:s29], $0x1  }
0xc3: {  	[sflag:s29] =	ssyncadd.s32 $0xFFFFFFFF  }
0xc4: {  	_ =	strace $0x9000004E  }
0xc5: {  	_ =	sfence  }
0xc6: {  	s30 =	sld [smem:$0x0];
	_ =	sdelay $0x2  }
0xc7: {  	s31 =	sshll.u32 s1, $0xD;
	s1 =	sshrl.u32 s1, $0x2  }
0xc8: {  	s4 =	sand.u32 $0x4000, s31;
	s1 =	sadd.s32 s1, s30  }
0xc9: {  	s0 =	sor.u32 s4, s0;
	s1 =	sshll.u32 s1, $0x11  }
0xca: {  	s0 =	sor.u32 s1, s0  }
0xcb: {  	s0 =	sadd.s32 $0x8F2B, s0  }
0xcc: {  	[sflag:s0] =	ssyncadd.remote.s32 $0x1  }
0xcd: {  	_ =	sfence.sel $0xFFFF  }
0xce: {  	[dreg:$0x0] =	wrdreg $0xFFFFFFFF;
	(pc) =	sbr.abs _section_cstart, $3  }
0xcf: {  	[dreg:$0x1] =	wrdreg $0xFFFFFFFF  }
0xd0: {  	_ =	task.clear_ibuf [dreg:s22], $0x2FFFF;
	_ =	strace $0x9FFFFFFF  }
0xd1: {  	(tm) =	ssettm $0x7FFFFFFF  }
tec
execute0_lowered:
.L_overlay_start_1:
0x0: {  	(tag) =	ssettag $0x1  }
0x1: {  	s5 =	rddreg [dreg:$0x0]  }
0x2: {  	s1 =	rddreg [dreg:$0x1];
	s2 =	simm.s32 $0x0;
	s3 =	srdreg.scid  }
0x3: {  	s0 =	stileid.u32;
	s18 =	simm.s32 $0xC800;
	s19 =	simm.s32 $0x3  }
0x4: {  	s20 =	simm.s32 $0x6400;
	s21 =	simm.s32 $0x80;
	s22 =	simm.s32 $0xD000  }
0x5: {  	s28 =	simm.s32 $0xC780;
	s29 =	simm.s32 $0x0;
	s7 =	smul.u32 $0x32000, s0  }
0x6: {  	[smem:$0x7FF] =	sst s2;
	s10 =	sand.u32 $0x1, s3;
	s23 =	smul.u32 $0xC80, s0  }
0x7: {  	s8 =	sadd.s32 $0x36800, s5;
	s9 =	sadd.s32 $0x176600, s5;
	s31 =	smul.u32 $0x1900, s0  }
0x8: {  	s14 =	sadd.s32 $0x114C00, s5;
	s4 =	sshll.u32 s10, $0x4;
	s15 =	smul.u32 $0xC800, s10  }
0x9: {  	_ =	strace $0x8000004D;
	s30 =	smul.u32 $0x19000, s10;
	s6 =	sor.u32 s0, s4  }
0xa: {  	s11 =	ssub.s32 $0x2, s10;
	s4 =	sadd.s32 $0xB3000, s5;
	s12 =	smul.u32 $0x1900, s6  }
0xb: {  	s13 =	sshrl.u32 s11, $0x1;
	s24 =	sshrl.u32 s7, $0x2;
	s6 =	smul.u32 $0xC800, s6  }
0xc: {  	s13 =	ssub.s32 s11, s13;
	s5 =	sadd.s32 s24, s1;
	s11 =	sadd.s32 s23, s15  }
0xd: {  	s17 =	sadd.s32 s30, s14;
	s23 =	simm.s32 $0x1;
	s24 =	simm.s32 $0x2  }
0xe: {  	s11 =	sshll.u32 s11, $0x1;
	s13 =	smax.u32 s13, $0x1;
	s25 =	sshrl.u32 s6, $0x3  }
0xf: {  	s26 =	sadd.s32 s8, s12;
	s7 =	sadd.s32 s9, s12;
	s10 =	sadd.s32 s14, s11  }
0x10: {  	s11 =	sadd.s32 $0xC000, s5;
	s14 =	sadd.s32 $0xB800, s5;
	[dreg:$0x3] =	wrdreg s26  }
0x11: {  	s16 =	sadd.s32 $0xC80, s25;
	s12 =	sadd.s32 $0x1800, s10;
	s15 =	sadd.s32 $0x1700, s10  }
0x12: {  	s25 =	simm.s32 $0x6380;
	s26 =	simm.s32 $0xC700;
	s8 =	sadd.s32 s8, s16  }
0x13: {  	v0 =	vimm.f32 $0.0e+00;
	s9 =	sadd.s32 s9, s16;
	s16 =	sadd.s32 s31, s17;
	s17 =	sadd.s32 $0x800, s5  }
.LBB2_1:
0x14: {  	s30 =	simm.s32 $0x0  }
.LBB2_2:
0x15: {  	p0 =	sne.s32 s30, $0x1FC0  }
.Ltmp0:
0x16: {  	_ = 	snop;
	(pc) =	sbr.rel @p0 .LBB2_2-.Ltmp0, $3  }
0x17: {  	_ =	sdelay $0x1  }
0x18: {  	s31 =	sshra.s32 s30, $0x2  }
0x19: {  	s30 =	sadd.s32 $0x40, s30;
	[tilespmem:s31+$0xC800] =	vst v0  }
0x1a: {  	s30 =	sadd.s32 $0x0, s5  }
0x1b: {  	[spmem:s30] =	stream.linear.scatter [tilespmem:s18], [sflag:$0x3], $0x800, $0x38;
	[tilespmem:$0x1A000] =	vst v63  }
0x1c: {  	s30 =	simm.s32 $0x2000;
	_ =	swait.ge [sflag:s19], $0x800  }
.LBB2_4:
0x1d: {  	s31 =	sshra.s32 s30, $0x2;
	[sflag:s19] =	ssyncset.done $0x0;
	p0 =	sne.s32 s30, $0x30000  }
.Ltmp1:
0x1e: {  	s31 =	sadd.s32 s31, s5;
	[sflag:s19] =	ssyncadd.s32 $0xFFFFF800;
	(pc) =	sbr.rel @p0 .LBB2_4-.Ltmp1, $3  }
0x1f: {  	[spmem:s31] =	stream.linear.scatter [tilespmem:s18], [sflag:$0x3], $0x800, $0x38;
	[tilespmem:$0x1A000] =	vst v63  }
0x20: {  	s30 =	sadd.s32 $0x2000, s30;
	_ =	sdelay $0x1  }
0x21: {  	_ =	swait.ge [sflag:s19], $0x800  }
0x22: {  	[sflag:s19] =	ssyncset.done $0x0  }
0x23: {  	[sflag:s19] =	ssyncadd.s32 $0xFFFFF800  }
0x24: {  	[bflag:$0x0] =	sbarrier.arrive $0xFFFF  }
0x25: {  	s30 =	simm.s32 $0x0;
	s0 =	rddreg [dreg:$0x3]  }
0x26: {  	[tilespmem:s30], [sflag:$0x3] =	stream.linear.gather [hbm4b:s0+s30], $0x6400, $0x38;
	[tilespmem:$0x1A000] =	vst v63  }
0x27: {  	_ =	swait.ge [sflag:s19], $0x6400  }
0x28: {  	[sflag:s19] =	ssyncset.done $0x0  }
0x29: {  	[sflag:s19] =	ssyncadd.s32 $0xFFFF9C00  }
0x2a: {  	[tilespmem:s20], [sflag:$0x3] =	stream.linear.gather [hbm4b:s7+s30], $0x6400, $0x38;
	[tilespmem:$0x1A000] =	vst v63  }
0x2b: {  	_ =	swait.ge [sflag:s19], $0x6400  }
0x2c: {  	[sflag:s19] =	ssyncset.done $0x0  }
0x2d: {  	[sflag:s19] =	ssyncadd.s32 $0xFFFF9C00  }
0x2e: {  	[tilespmem:s18], [sflag:$0x1] =	stream.indirect.gather [hbm4b:s4+s21], $0x10, s30, s21, $0xb8;
	[tilespmem:$0x1A000] =	vst v63  }
0x2f: {  	s30 =	simm.s32 $0x80  }
0x30: {  	[tilespmem:s22], [sflag:$0x2] =	stream.indirect.gather [hbm4b:s4+s21], $0x10, s30, s21, $0xb8;
	[tilespmem:$0x1A000] =	vst v63  }
0x31: {  	_ =	swait.ge [sflag:s23], $0x800  }
0x32: {  	[sflag:s23] =	ssyncset.done $0x0  }
0x33: {  	s30 =	simm.s32 $0x6400;
	[sflag:s23] =	ssyncadd.s32 $0xFFFFF800  }
0x34: {  	[spmem:s1] =	stream.indirect.scatter.add.f32 [tilespmem:s18], [sflag:$0x3], $0x10, s30, s21, $0xb8;
	[tilespmem:$0x1A000] =	vst v63  }
0x35: {  	_ =	swait.ge [sflag:s19], $0x800  }
0x36: {  	[sflag:s19] =	ssyncset.done $0x0  }
0x37: {  	s30 =	simm.s32 $0x100;
	[sflag:s19] =	ssyncadd.s32 $0xFFFFF800  }
0x38: {  	[tilespmem:s18], [sflag:$0x1] =	stream.indirect.gather [hbm4b:s4+s21], $0x10, s30, s21, $0xb8;
	[tilespmem:$0x1A000] =	vst v63  }
0x39: {  	_ =	swait.ge [sflag:s24], $0x800  }
0x3a: {  	[sflag:s24] =	ssyncset.done $0x0  }
0x3b: {  	s30 =	simm.s32 $0x6480;
	[sflag:s24] =	ssyncadd.s32 $0xFFFFF800  }
0x3c: {  	[spmem:s1] =	stream.indirect.scatter.add.f32 [tilespmem:s22], [sflag:$0x3], $0x10, s30, s21, $0xb8;
	[tilespmem:$0x1A000] =	vst v63  }
0x3d: {  	_ =	swait.ge [sflag:s19], $0x800  }
0x3e: {  	s31 =	simm.s32 $0x800;
	s30 =	simm.s32 $0x100;
	[sflag:s19] =	ssyncset.done $0x0  }
.LBB2_6:
0x3f: {  	s0 =	sadd.s32 $0x80, s30  }
0x40: {  	[sflag:s19] =	ssyncadd.s32 $0xFFFFF800;
	s3 =	smov.u32 s31;
	s6 =	sadd.s32 $0x400, s31  }
0x41: {  	[tilespmem:s22], [sflag:$0x2] =	stream.indirect.gather [hbm4b:s4+s21], $0x10, s0, s21, $0xb8;
	[tilespmem:$0x1A000] =	vst v63  }
0x42: {  	p0 =	sne.s32 s31, $0x18800;
	_ =	swait.ge [sflag:s23], $0x800  }
0x43: {  	[sflag:s23] =	ssyncset.done $0x0  }
0x44: {  	s0 =	sadd.s32 $0x6400, s30;
	[sflag:s23] =	ssyncadd.s32 $0xFFFFF800  }
0x45: {  	[spmem:s1] =	stream.indirect.scatter.add.f32 [tilespmem:s18], [sflag:$0x3], $0x10, s0, s21, $0xb8;
	[tilespmem:$0x1A000] =	vst v63  }
0x46: {  	_ =	swait.ge [sflag:s19], $0x800  }
0x47: {  	[sflag:s19] =	ssyncset.done $0x0  }
0x48: {  	s0 =	sadd.s32 $0x100, s30;
	[sflag:s19] =	ssyncadd.s32 $0xFFFFF800  }
0x49: {  	[tilespmem:s18], [sflag:$0x1] =	stream.indirect.gather [hbm4b:s4+s21], $0x10, s0, s21, $0xb8;
	[tilespmem:$0x1A000] =	vst v63  }
0x4a: {  	_ =	swait.ge [sflag:s24], $0x800  }
.Ltmp2:
0x4b: {  	[sflag:s24] =	ssyncset.done $0x0;
	(pc) =	sbr.rel @p0 .LBB2_6-.Ltmp2, $4  }
0x4c: {  	s0 =	sadd.s32 $0x6480, s30;
	[sflag:s24] =	ssyncadd.s32 $0xFFFFF800  }
0x4d: {  	[spmem:s1] =	stream.indirect.scatter.add.f32 [tilespmem:s22], [sflag:$0x3], $0x10, s0, s21, $0xb8;
	[tilespmem:$0x1A000] =	vst v63  }
0x4e: {  	_ =	swait.ge [sflag:s19], $0x800  }
0x4f: {  	s31 =	smov.u32 s6;
	s30 =	sshra.s32 s3, $0x2;
	[sflag:s19] =	ssyncset.done $0x0  }
0x50: {  	s0 =	sadd.s32 $0x80, s30;
	[sflag:s19] =	ssyncadd.s32 $0xFFFFF800  }
0x51: {  	[tilespmem:s22], [sflag:$0x2] =	stream.indirect.gather [hbm4b:s4+s21], $0x10, s0, s21, $0xb8;
	[tilespmem:$0x1A000] =	vst v63  }
0x52: {  	_ =	swait.ge [sflag:s23], $0x800  }
0x53: {  	[sflag:s23] =	ssyncset.done $0x0  }
0x54: {  	s3 =	sadd.s32 $0x6400, s30;
	[sflag:s23] =	ssyncadd.s32 $0xFFFFF800  }
0x55: {  	[spmem:s1] =	stream.indirect.scatter.add.f32 [tilespmem:s18], [sflag:$0x3], $0x10, s3, s21, $0xb8;
	[tilespmem:$0x1A000] =	vst v63  }
0x56: {  	_ =	swait.ge [sflag:s19], $0x800  }
0x57: {  	[sflag:s19] =	ssyncset.done $0x0  }
0x58: {  	s6 =	sadd.s32 $0x100, s30;
	[sflag:s19] =	ssyncadd.s32 $0xFFFFF800  }
0x59: {  	[tilespmem:s18], [sflag:$0x1] =	stream.indirect.gather [hbm4b:s4+s21], $0x10, s6, s21, $0xb8;
	[tilespmem:$0x1A000] =	vst v63  }
0x5a: {  	_ =	swait.ge [sflag:s24], $0x800  }
0x5b: {  	[sflag:s24] =	ssyncset.done $0x0  }
0x5c: {  	s3 =	sadd.s32 $0x6480, s30;
	[sflag:s24] =	ssyncadd.s32 $0xFFFFF800  }
0x5d: {  	[spmem:s1] =	stream.indirect.scatter.add.f32 [tilespmem:s22], [sflag:$0x3], $0x10, s3, s21, $0xb8;
	[tilespmem:$0x1A000] =	vst v63  }
0x5e: {  	_ =	swait.ge [sflag:s19], $0x800  }
0x5f: {  	[sflag:s19] =	ssyncset.done $0x0  }
0x60: {  	[sflag:s19] =	ssyncadd.s32 $0xFFFFF800  }
0x61: {  	[tilespmem:s22], [sflag:$0x2] =	stream.indirect.gather [hbm4b:s4+s21], $0x10, s25, s21, $0xb8;
	[tilespmem:$0x1A000] =	vst v63  }
0x62: {  	_ =	swait.ge [sflag:s23], $0x800  }
0x63: {  	[sflag:s23] =	ssyncset.done $0x0  }
0x64: {  	[sflag:s23] =	ssyncadd.s32 $0xFFFFF800  }
0x65: {  	[spmem:s1] =	stream.indirect.scatter.add.f32 [tilespmem:s18], [sflag:$0x3], $0x10, s26, s21, $0xb8;
	[tilespmem:$0x1A000] =	vst v63  }
0x66: {  	_ =	swait.ge [sflag:s19], $0x800  }
0x67: {  	[sflag:s19] =	ssyncset.done $0x0  }
0x68: {  	[sflag:s19] =	ssyncadd.s32 $0xFFFFF800  }
0x69: {  	_ =	swait.ge [sflag:s24], $0x800  }
0x6a: {  	[sflag:s24] =	ssyncset.done $0x0  }
0x6b: {  	[sflag:s24] =	ssyncadd.s32 $0xFFFFF800  }
0x6c: {  	[spmem:s1] =	stream.indirect.scatter.add.f32 [tilespmem:s22], [sflag:$0x3], $0x10, s28, s21, $0xb8;
	[tilespmem:$0x1A000] =	vst v63  }
0x6d: {  	_ =	swait.ge [sflag:s19], $0x800  }
0x6e: {  	[sflag:s19] =	ssyncset.done $0x0  }
0x6f: {  	s6 =	simm.s32 $0x0;
	[sflag:s19] =	ssyncadd.s32 $0xFFFFF800  }
0x70: {  	[tilespmem:s6], [sflag:$0x3] =	stream.linear.gather [hbm4b:s8+s6], $0x6400, $0x38;
	[tilespmem:$0x1A000] =	vst v63  }
0x71: {  	_ =	swait.ge [sflag:s19], $0x6400  }
0x72: {  	[sflag:s19] =	ssyncset.done $0x0  }
0x73: {  	[sflag:s19] =	ssyncadd.s32 $0xFFFF9C00  }
0x74: {  	[tilespmem:s20], [sflag:$0x3] =	stream.linear.gather [hbm4b:s9+s6], $0x6400, $0x38;
	[tilespmem:$0x1A000] =	vst v63  }
0x75: {  	_ =	swait.ge [sflag:s19], $0x6400  }
0x76: {  	[sflag:s19] =	ssyncset.done $0x0  }
0x77: {  	[sflag:s19] =	ssyncadd.s32 $0xFFFF9C00  }
0x78: {  	[tilespmem:s18], [sflag:$0x1] =	stream.indirect.gather [hbm4b:s4+s21], $0x10, s6, s21, $0xb8;
	[tilespmem:$0x1A000] =	vst v63  }
0x79: {  	s3 =	simm.s32 $0x80  }
0x7a: {  	[tilespmem:s22], [sflag:$0x2] =	stream.indirect.gather [hbm4b:s4+s21], $0x10, s3, s21, $0xb8;
	[tilespmem:$0x1A000] =	vst v63  }
0x7b: {  	_ =	swait.ge [sflag:s23], $0x800  }
0x7c: {  	[sflag:s23] =	ssyncset.done $0x0  }
0x7d: {  	s6 =	simm.s32 $0x6400;
	[sflag:s23] =	ssyncadd.s32 $0xFFFFF800  }
0x7e: {  	[spmem:s1] =	stream.indirect.scatter.add.f32 [tilespmem:s18], [sflag:$0x3], $0x10, s6, s21, $0xb8;
	[tilespmem:$0x1A000] =	vst v63  }
0x7f: {  	_ =	swait.ge [sflag:s19], $0x800  }
0x80: {  	[sflag:s19] =	ssyncset.done $0x0  }
0x81: {  	s3 =	simm.s32 $0x100;
	[sflag:s19] =	ssyncadd.s32 $0xFFFFF800  }
0x82: {  	[tilespmem:s18], [sflag:$0x1] =	stream.indirect.gather [hbm4b:s4+s21], $0x10, s3, s21, $0xb8;
	[tilespmem:$0x1A000] =	vst v63  }
0x83: {  	_ =	swait.ge [sflag:s24], $0x800  }
0x84: {  	[sflag:s24] =	ssyncset.done $0x0  }
0x85: {  	s6 =	simm.s32 $0x6480;
	[sflag:s24] =	ssyncadd.s32 $0xFFFFF800  }
0x86: {  	[spmem:s1] =	stream.indirect.scatter.add.f32 [tilespmem:s22], [sflag:$0x3], $0x10, s6, s21, $0xb8;
	[tilespmem:$0x1A000] =	vst v63  }
0x87: {  	_ =	swait.ge [sflag:s19], $0x800  }
0x88: {  	s31 =	simm.s32 $0x800;
	s30 =	simm.s32 $0x100;
	[sflag:s19] =	ssyncset.done $0x0  }
.LBB2_8:
0x89: {  	s0 =	sadd.s32 $0x80, s30  }
0x8a: {  	[sflag:s19] =	ssyncadd.s32 $0xFFFFF800;
	s3 =	smov.u32 s31;
	s6 =	sadd.s32 $0x400, s31  }
0x8b: {  	[tilespmem:s22], [sflag:$0x2] =	stream.indirect.gather [hbm4b:s4+s21], $0x10, s0, s21, $0xb8;
	[tilespmem:$0x1A000] =	vst v63  }
0x8c: {  	p0 =	sne.s32 s31, $0x18800;
	_ =	swait.ge [sflag:s23], $0x800  }
0x8d: {  	[sflag:s23] =	ssyncset.done $0x0  }
0x8e: {  	s0 =	sadd.s32 $0x6400, s30;
	[sflag:s23] =	ssyncadd.s32 $0xFFFFF800  }
0x8f: {  	[spmem:s1] =	stream.indirect.scatter.add.f32 [tilespmem:s18], [sflag:$0x3], $0x10, s0, s21, $0xb8;
	[tilespmem:$0x1A000] =	vst v63  }
0x90: {  	_ =	swait.ge [sflag:s19], $0x800  }
0x91: {  	[sflag:s19] =	ssyncset.done $0x0  }
0x92: {  	s0 =	sadd.s32 $0x100, s30;
	[sflag:s19] =	ssyncadd.s32 $0xFFFFF800  }
0x93: {  	[tilespmem:s18], [sflag:$0x1] =	stream.indirect.gather [hbm4b:s4+s21], $0x10, s0, s21, $0xb8;
	[tilespmem:$0x1A000] =	vst v63  }
0x94: {  	_ =	swait.ge [sflag:s24], $0x800  }
.Ltmp3:
0x95: {  	[sflag:s24] =	ssyncset.done $0x0;
	(pc) =	sbr.rel @p0 .LBB2_8-.Ltmp3, $4  }
0x96: {  	s0 =	sadd.s32 $0x6480, s30;
	[sflag:s24] =	ssyncadd.s32 $0xFFFFF800  }
0x97: {  	[spmem:s1] =	stream.indirect.scatter.add.f32 [tilespmem:s22], [sflag:$0x3], $0x10, s0, s21, $0xb8;
	[tilespmem:$0x1A000] =	vst v63  }
0x98: {  	_ =	swait.ge [sflag:s19], $0x800  }
0x99: {  	s31 =	smov.u32 s6;
	s30 =	sshra.s32 s3, $0x2;
	[sflag:s19] =	ssyncset.done $0x0  }
0x9a: {  	s0 =	sadd.s32 $0x80, s30;
	[sflag:s19] =	ssyncadd.s32 $0xFFFFF800  }
0x9b: {  	[tilespmem:s22], [sflag:$0x2] =	stream.indirect.gather [hbm4b:s4+s21], $0x10, s0, s21, $0xb8;
	[tilespmem:$0x1A000] =	vst v63  }
0x9c: {  	_ =	swait.ge [sflag:s23], $0x800  }
0x9d: {  	[sflag:s23] =	ssyncset.done $0x0  }
0x9e: {  	s6 =	sadd.s32 $0x6400, s30;
	[sflag:s23] =	ssyncadd.s32 $0xFFFFF800  }
0x9f: {  	[spmem:s1] =	stream.indirect.scatter.add.f32 [tilespmem:s18], [sflag:$0x3], $0x10, s6, s21, $0xb8;
	[tilespmem:$0x1A000] =	vst v63  }
0xa0: {  	_ =	swait.ge [sflag:s19], $0x800  }
0xa1: {  	[sflag:s19] =	ssyncset.done $0x0  }
0xa2: {  	s3 =	sadd.s32 $0x100, s30;
	[sflag:s19] =	ssyncadd.s32 $0xFFFFF800  }
0xa3: {  	[tilespmem:s18], [sflag:$0x1] =	stream.indirect.gather [hbm4b:s4+s21], $0x10, s3, s21, $0xb8;
	[tilespmem:$0x1A000] =	vst v63  }
0xa4: {  	_ =	swait.ge [sflag:s24], $0x800  }
0xa5: {  	[sflag:s24] =	ssyncset.done $0x0  }
0xa6: {  	s6 =	sadd.s32 $0x6480, s30;
	[sflag:s24] =	ssyncadd.s32 $0xFFFFF800  }
0xa7: {  	[spmem:s1] =	stream.indirect.scatter.add.f32 [tilespmem:s22], [sflag:$0x3], $0x10, s6, s21, $0xb8;
	[tilespmem:$0x1A000] =	vst v63  }
0xa8: {  	_ =	swait.ge [sflag:s19], $0x800  }
0xa9: {  	[sflag:s19] =	ssyncset.done $0x0  }
0xaa: {  	[sflag:s19] =	ssyncadd.s32 $0xFFFFF800  }
0xab: {  	[tilespmem:s22], [sflag:$0x2] =	stream.indirect.gather [hbm4b:s4+s21], $0x10, s25, s21, $0xb8;
	[tilespmem:$0x1A000] =	vst v63  }
0xac: {  	_ =	swait.ge [sflag:s23], $0x800  }
0xad: {  	[sflag:s23] =	ssyncset.done $0x0  }
0xae: {  	[sflag:s23] =	ssyncadd.s32 $0xFFFFF800  }
0xaf: {  	[spmem:s1] =	stream.indirect.scatter.add.f32 [tilespmem:s18], [sflag:$0x3], $0x10, s26, s21, $0xb8;
	[tilespmem:$0x1A000] =	vst v63  }
0xb0: {  	_ =	swait.ge [sflag:s19], $0x800  }
0xb1: {  	[sflag:s19] =	ssyncset.done $0x0  }
0xb2: {  	[sflag:s19] =	ssyncadd.s32 $0xFFFFF800  }
0xb3: {  	_ =	swait.ge [sflag:s24], $0x800  }
0xb4: {  	[sflag:s24] =	ssyncset.done $0x0  }
0xb5: {  	[sflag:s24] =	ssyncadd.s32 $0xFFFFF800  }
0xb6: {  	[spmem:s1] =	stream.indirect.scatter.add.f32 [tilespmem:s22], [sflag:$0x3], $0x10, s28, s21, $0xb8;
	[tilespmem:$0x1A000] =	vst v63  }
0xb7: {  	_ =	swait.ge [sflag:s19], $0x800  }
0xb8: {  	[sflag:s19] =	ssyncset.done $0x0  }
0xb9: {  	[sflag:s19] =	ssyncadd.s32 $0xFFFFF800  }
0xba: {  	[bflag:$0x0] =	sbarrier.arrive $0xFFFF  }
0xbb: {  	[tilespmem:s18], [sflag:$0x3] =	stream.linear.gather [spmem:s5], $0x800, $0x38;
	[tilespmem:$0x1A000] =	vst v63  }
0xbc: {  	_ =	swait.ge [sflag:s19], $0x800  }
0xbd: {  	[sflag:s19] =	ssyncset.done $0x0  }
0xbe: {  	s3 =	simm.s32 $0x0;
	[sflag:s19] =	ssyncadd.s32 $0xFFFFF800  }
0xbf: {  	[hbm4b:s10+s3] =	stream.linear.scatter [tilespmem:s18], [sflag:$0x1], $0x800, $0x38;
	[tilespmem:$0x1A000] =	vst v63  }
0xc0: {  	_ = 	snop  }
0xc1: {  	[tilespmem:s22], [sflag:$0x3] =	stream.linear.gather [spmem:s17], $0x800, $0x38;
	[tilespmem:$0x1A000] =	vst v63  }
0xc2: {  	_ =	swait.ge [sflag:s19], $0x800  }
0xc3: {  	s0 =	sadd.s32 $0x0, s16;
	[sflag:s19] =	ssyncset.done $0x0  }
0xc4: {  	s3 =	sadd.s32 $0x100, s0;
	[sflag:s19] =	ssyncadd.s32 $0xFFFFF800  }
0xc5: {  	[hbm4b:s3+s2] =	stream.linear.scatter [tilespmem:s22], [sflag:$0x2], $0x800, $0x38;
	[tilespmem:$0x1A000] =	vst v63  }
0xc6: {  	_ =	swait.ge [sflag:s23], $0x800  }
0xc7: {  	[sflag:s23] =	ssyncset.done $0x0  }
0xc8: {  	s6 =	sadd.s32 $0x800, s17;
	[sflag:s23] =	ssyncadd.s32 $0xFFFFF800  }
0xc9: {  	[tilespmem:s18], [sflag:$0x3] =	stream.linear.gather [spmem:s6], $0x800, $0x38;
	[tilespmem:$0x1A000] =	vst v63  }
0xca: {  	_ =	swait.ge [sflag:s19], $0x800  }
0xcb: {  	[sflag:s19] =	ssyncset.done $0x0  }
0xcc: {  	s0 =	sadd.s32 $0x200, s0;
	[sflag:s19] =	ssyncadd.s32 $0xFFFFF800  }
0xcd: {  	[hbm4b:s0+s2] =	stream.linear.scatter [tilespmem:s18], [sflag:$0x1], $0x800, $0x38;
	[tilespmem:$0x1A000] =	vst v63  }
0xce: {  	_ =	swait.ge [sflag:s24], $0x800  }
0xcf: {  	s31 =	smov.u32 s17;
	s30 =	simm.s32 $0x200;
	[sflag:s24] =	ssyncset.done $0x0  }
.LBB2_10:
0xd0: {  	p0 =	sne.s32 s30, $0x1400;
	[sflag:s24] =	ssyncadd.s32 $0xFFFFF800;
	s31 =	sadd.s32 $0x1000, s31  }
0xd1: {  	[tilespmem:s22], [sflag:$0x3] =	stream.linear.gather [spmem:s31], $0x800, $0x38;
	[tilespmem:$0x1A000] =	vst v63  }
0xd2: {  	s0 =	smov.u32 s30;
	s30 =	sadd.s32 $0x200, s30;
	_ =	swait.ge [sflag:s19], $0x800  }
0xd3: {  	s0 =	sadd.s32 s0, s16;
	[sflag:s19] =	ssyncset.done $0x0  }
0xd4: {  	s3 =	sadd.s32 $0x100, s0;
	[sflag:s19] =	ssyncadd.s32 $0xFFFFF800  }
0xd5: {  	[hbm4b:s3+s2] =	stream.linear.scatter [tilespmem:s22], [sflag:$0x2], $0x800, $0x38;
	[tilespmem:$0x1A000] =	vst v63  }
0xd6: {  	_ =	swait.ge [sflag:s23], $0x800  }
0xd7: {  	[sflag:s23] =	ssyncset.done $0x0  }
0xd8: {  	s3 =	sadd.s32 $0x800, s31;
	[sflag:s23] =	ssyncadd.s32 $0xFFFFF800  }
0xd9: {  	[tilespmem:s18], [sflag:$0x3] =	stream.linear.gather [spmem:s3], $0x800, $0x38;
	[tilespmem:$0x1A000] =	vst v63  }
0xda: {  	_ =	swait.ge [sflag:s19], $0x800  }
.Ltmp4:
0xdb: {  	[sflag:s19] =	ssyncset.done $0x0;
	(pc) =	sbr.rel @p0 .LBB2_10-.Ltmp4, $4  }
0xdc: {  	s0 =	sadd.s32 $0x200, s0;
	[sflag:s19] =	ssyncadd.s32 $0xFFFFF800  }
0xdd: {  	[hbm4b:s0+s2] =	stream.linear.scatter [tilespmem:s18], [sflag:$0x1], $0x800, $0x38;
	[tilespmem:$0x1A000] =	vst v63  }
0xde: {  	_ =	swait.ge [sflag:s24], $0x800  }
0xdf: {  	[sflag:s24] =	ssyncset.done $0x0  }
0xe0: {  	[sflag:s24] =	ssyncadd.s32 $0xFFFFF800  }
0xe1: {  	[tilespmem:s22], [sflag:$0x3] =	stream.linear.gather [spmem:s14], $0x800, $0x38;
	[tilespmem:$0x1A000] =	vst v63  }
0xe2: {  	_ =	swait.ge [sflag:s19], $0x800  }
0xe3: {  	[sflag:s19] =	ssyncset.done $0x0  }
0xe4: {  	[sflag:s19] =	ssyncadd.s32 $0xFFFFF800  }
0xe5: {  	[hbm4b:s15+s2] =	stream.linear.scatter [tilespmem:s22], [sflag:$0x2], $0x800, $0x38;
	[tilespmem:$0x1A000] =	vst v63  }
0xe6: {  	_ =	swait.ge [sflag:s23], $0x800  }
0xe7: {  	[sflag:s23] =	ssyncset.done $0x0  }
0xe8: {  	[sflag:s23] =	ssyncadd.s32 $0xFFFFF800  }
0xe9: {  	_ =	swait.ge [sflag:s24], $0x800  }
0xea: {  	[sflag:s24] =	ssyncset.done $0x0  }
0xeb: {  	[sflag:s24] =	ssyncadd.s32 $0xFFFFF800  }
0xec: {  	[tilespmem:s18], [sflag:$0x3] =	stream.linear.gather [spmem:s11], $0x800, $0x38;
	[tilespmem:$0x1A000] =	vst v63  }
0xed: {  	s29 =	sadd.s32 $0x1, s29;
	_ =	swait.ge [sflag:s19], $0x800  }
0xee: {  	p0 =	sne.s32 s29, s13;
	[sflag:s19] =	ssyncset.done $0x0  }
.Ltmp5:
0xef: {  	[sflag:s19] =	ssyncadd.s32 $0xFFFFF800;
	(pc) =	sbr.rel @p0 .LBB2_1-.Ltmp5, $4  }
0xf0: {  	[hbm4b:s12+s2] =	stream.linear.scatter [tilespmem:s18], [sflag:$0x1], $0x800, $0x38;
	[tilespmem:$0x1A000] =	vst v63  }
0xf1: {  	_ =	swait.ge [sflag:s23], $0x800  }
0xf2: {  	[sflag:s23] =	ssyncset.done $0x0  }
0xf3: {  	[sflag:s23] =	ssyncadd.s32 $0xFFFFF800  }
0xf4: {  	_ =	sfence.sel $0x180000  }
0xf5: {  	[bflag:$0x0] =	sbarrier.arrive $0xFFFF  }
0xf6: {  	_ =	strace $0x9000004D  }
0xf7: {  	s0 =	stileid.u32;
	[bflag:$0x2] =	sbarrier.arrive $0xFFFF  }
0xf8: {  	p0 =	sne.s32 s0, $0x0;
	s0 =	rddreg [dreg:$0x2]  }
0xf9: {  	s0 =	sadd.s32 @!p0 $0x100000, s0  }
0xfa: {  	[sflag:s0] =	ssyncadd.tile.s32 @!p0 $0x1;
	_ =	shalt  }
.Lfunc_end2:
_tile_overlayer_lowered:
.L_overlay_start_2:
0xfb: {  	(tag) =	ssettag $0x2  }
0xfc: {  	s0 =	rddreg [dreg:$0x0];
	s2 =	stileid.u32  }
0xfd: {  	s1 =	rddreg [dreg:$0x1];
	p0 =	sne.s32 s2, $0x0  }
0xfe: {  	s3 =	rddreg [dreg:$0x2];
	[bflag:$0x3] =	sbarrier.arrive $0xFFFF;
	s2 =	simm.s32 @!p0 $0x1C03  }
0xff: {  	[timem:s3], [sflag:s2] =	dma.local @!p0 [hbm:s0], s1  }
0x100: {  	s0 =	simm.s32 @!p0 $0x3  }
0x101: {  	_ =	swait.ge @!p0 [sflag:s0], s1  }
0x102: {  	s1 =	ssub.s32 @!p0 $0x0, s1;
	[sflag:s0] =	ssyncset.done @!p0 $0x0  }
0x103: {  	[sflag:s0] =	ssyncadd.s32 @!p0 s1  }
0x104: {  	[bflag:$0x3] =	sbarrier.arrive $0xFFFF  }
0x105: {  	_ =	shalt  }

// kernel: kernel.21.cloned.1.call-start
scs
__scs_entry_jumppad:
0x0: {  	(pc) =	sbr.rel $0x88, $3  }
0x1: {  	(tag) =	ssettag $0x0;
	lr =	simm.s32 $0x1  }
0x2: {  	[smem:$0x3F96] =	sst lr;
	_ =	strace $0xD0000000  }
0x3: {  	_ = 	snop  }
0x4: {  	_ = 	snop  }
0x5: {  	_ = 	snop  }
0x6: {  	_ = 	snop  }
0x7: {  	_ = 	snop  }
__scs_overlays_trampoline_lowered:
0x8: {  	[smem:$0x3FA5] =	sst s0  }
0x9: {  	[smem:$0x3FA6] =	sst s1  }
0xa: {  	[smem:$0x3FA7] =	sst s2  }
0xb: {  	[smem:$0x3FA8] =	sst s3  }
0xc: {  	[smem:$0x3FA9] =	sst s4  }
0xd: {  	[smem:$0x3FAA] =	sst s5  }
0xe: {  	[smem:$0x3FAB] =	sst s6  }
0xf: {  	[smem:$0x3FAC] =	sst s7  }
0x10: {  	[smem:$0x3FAD] =	sst s8  }
0x11: {  	[smem:$0x3FAE] =	sst s9;
	s0 =	simm.s32 @!p0 $0x0  }
0x12: {  	s1 =	sld [smem:$0x3F94];
	s0 =	simm.s32 @p0 $0x1  }
0x13: {  	[smem:$0x3FAF] =	sst s0;
	s0 =	simm.s32 @!p1 $0x0  }
0x14: {  	s2 =	sld [smem:$0x3F93];
	s0 =	simm.s32 @p1 $0x1  }
0x15: {  	[smem:$0x3FB0] =	sst s0;
	s0 =	simm.s32 @!p2 $0x0  }
0x16: {  	s3 =	sld [smem:$0x3FDB];
	s0 =	simm.s32 @p2 $0x1  }
0x17: {  	s4 =	simm.s32 $0x1BF5;
	[smem:$0x3FB2] =	sst s0  }
0x18: {  	s0 =	sld [smem:$0x3F95];
	_ =	swait.ge [sflag:s4], $0x0  }
0x19: {  	s7 =	sld [smem:$0x3F96]  }
0x1a: {  	s8 =	sadd.s32 $0xFFFFE003, lr  }
0x1b: {  	s9 =	sadd.s32 $0xFFFFFEF7, lr;
	s5 =	simm.s32 $0xFFFFFFFF;
	p2 =	slt.u32 s8, $0xFFFFF086  }
0x1c: {  	p1 =	slt.u32 s9, $0xF7A;
	s5 =	simm.s32 @!p2 $0x0  }
0x1d: {  	s5 =	simm.s32 @p1 $0x1;
	p0 =	seq.s32 s7, s2  }
0x1e: {  	s7 =	smul.u32 @!p0 $0xF7A, s2;
	p2 =	seq.s32 @!p0 s5, $0x0  }
0x1f: {  	s9 =	smul.u32 $0xF7A, s1;
	s8 =	simm.s32 @!p0 $0x1BF5;
	p2 =	por !p2, p0  }
0x20: {  	[sflag:s8] =	ssyncset.s32 @!p0 $0xFFFFF086;
	s6 =	sadd.s32 @!p0 s3, s7;
	s7 =	simm.s32 @!p0 $0x108  }
0x21: {  	s3 =	sadd.s32 s3, s9;
	s6 =	sadd.s32 @!p0 $0x88, s6;
	s7 =	simm.s32 @p2 $0x1082  }
0x22: {  	[simem:s7], [sflag:s8] =	dma.local @!p0 [hbm:s6], $0xF7A  }
0x23: {  	s9 =	sor.u32 $0xD0000000, s2;
	s6 =	simm.s32 $0x108;
	_ =	swait.ge @!p0 [sflag:s8], $0x0  }
0x24: {  	s3 =	sadd.s32 $0x88, s3;
	s6 =	simm.s32 @!p1 $0x1082;
	[sflag:s4] =	ssyncset.s32 $0xFFFFF086  }
0x25: {  	[simem:s6], [sflag:s4] =	dma.local [hbm:s3], $0xF7A  }
0x26: {  	[smem:$0x3F96] =	sst s1;
	(tag) =	ssettag s2;
	_ =	strace s9  }
0x27: {  	s1 =	sld [smem:$0x3FA6]  }
0x28: {  	s2 =	sld [smem:$0x3FA7]  }
0x29: {  	s4 =	sld [smem:$0x3FA9]  }
0x2a: {  	p0 =	seq.s32 s5, $0x0;
	s5 =	sld [smem:$0x3FAA]  }
0x2b: {  	s6 =	sld [smem:$0x3FAB]  }
0x2c: {  	s7 =	sld [smem:$0x3FAC]  }
0x2d: {  	s3 =	simm.s32 $0x108;
	s8 =	sld [smem:$0x3FAD]  }
0x2e: {  	s3 =	simm.s32 @!p0 $0x1082;
	s9 =	sld [smem:$0x3FAE]  }
0x2f: {  	lr =	sadd.s32 s0, s3;
	s0 =	sld [smem:$0x3FA5]  }
0x30: {  	s3 =	sld [smem:$0x3FA8]  }
0x31: {  	[smem:$0x3FB1] =	sst s10  }
0x32: {  	s10 =	sld [smem:$0x3FAF];
	_ =	sdelay $0x3  }
0x33: {  	p0 =	seq.s32 s10, $0x1;
	s10 =	sld [smem:$0x3FB1];
	_ =	sdelay $0x3  }
0x34: {  	[smem:$0x3FB1] =	sst s10  }
0x35: {  	s10 =	sld [smem:$0x3FB0];
	_ =	sdelay $0x3  }
0x36: {  	p1 =	seq.s32 s10, $0x1;
	s10 =	sld [smem:$0x3FB1];
	_ =	sdelay $0x3  }
0x37: {  	[smem:$0x3FB1] =	sst s10  }
0x38: {  	s10 =	sld [smem:$0x3FB2]  }
0x39: {  	_ = 	snop;
	(pc) =	sbr.ind lr, $3  }
0x3a: {  	_ = 	snop  }
0x3b: {  	_ = 	snop  }
0x3c: {  	p2 =	seq.s32 s10, $0x1;
	s10 =	sld [smem:$0x3FB1]  }
0x3d: {  	_ =	shalt  }
0x3e: {  	_ =	shalt  }
0x3f: {  	_ =	shalt  }
0x40: {  	_ =	shalt  }
0x41: {  	_ =	shalt  }
0x42: {  	_ =	shalt  }
0x43: {  	_ =	shalt  }
0x44: {  	_ =	shalt  }
0x45: {  	_ =	shalt  }
0x46: {  	_ =	shalt  }
0x47: {  	_ =	shalt  }
0x48: {  	_ =	shalt  }
0x49: {  	_ =	shalt  }
0x4a: {  	_ =	shalt  }
0x4b: {  	_ =	shalt  }
0x4c: {  	_ =	shalt  }
0x4d: {  	_ =	shalt  }
0x4e: {  	_ =	shalt  }
0x4f: {  	_ =	shalt  }
0x50: {  	_ =	shalt  }
0x51: {  	_ =	shalt  }
0x52: {  	_ =	shalt  }
0x53: {  	_ =	shalt  }
0x54: {  	_ =	shalt  }
0x55: {  	_ =	shalt  }
0x56: {  	_ =	shalt  }
0x57: {  	_ =	shalt  }
0x58: {  	_ =	shalt  }
0x59: {  	_ =	shalt  }
0x5a: {  	_ =	shalt  }
0x5b: {  	_ =	shalt  }
0x5c: {  	_ =	shalt  }
0x5d: {  	_ =	shalt  }
0x5e: {  	_ =	shalt  }
0x5f: {  	_ =	shalt  }
0x60: {  	_ =	shalt  }
0x61: {  	_ =	shalt  }
0x62: {  	_ =	shalt  }
0x63: {  	_ =	shalt  }
0x64: {  	_ =	shalt  }
0x65: {  	_ =	shalt  }
0x66: {  	_ =	shalt  }
0x67: {  	_ =	shalt  }
0x68: {  	_ =	shalt  }
0x69: {  	_ =	shalt  }
0x6a: {  	_ =	shalt  }
0x6b: {  	_ =	shalt  }
0x6c: {  	_ =	shalt  }
0x6d: {  	_ =	shalt  }
0x6e: {  	_ =	shalt  }
0x6f: {  	_ =	shalt  }
0x70: {  	_ =	shalt  }
0x71: {  	_ =	shalt  }
0x72: {  	_ =	shalt  }
0x73: {  	_ =	shalt  }
0x74: {  	_ =	shalt  }
0x75: {  	_ =	shalt  }
0x76: {  	_ =	shalt  }
0x77: {  	_ =	shalt  }
0x78: {  	_ =	shalt  }
0x79: {  	_ =	shalt  }
0x7a: {  	_ =	shalt  }
0x7b: {  	_ =	shalt  }
0x7c: {  	_ =	shalt  }
0x7d: {  	_ =	shalt  }
0x7e: {  	_ =	shalt  }
0x7f: {  	_ =	shalt  }
0x80: {  	_ =	shalt  }
0x81: {  	_ =	shalt  }
0x82: {  	_ =	shalt  }
0x83: {  	_ =	shalt  }
0x84: {  	_ =	shalt  }
0x85: {  	_ =	shalt  }
0x86: {  	_ =	shalt  }
0x87: {  	_ =	shalt  }
.Lfunc_end0:
.L_simem_size_0:
called_computation.3_lowered:
.L_overlay_start_0:
0x88: {  	s2 =	sld [smem:$0x3FD9]  }
0x89: {  	s3 =	sld [smem:$0x3FFE];
	_ =	sdelay $0x1  }
0x8a: {  	s1 =	srdreg.scid  }
0x8b: {  	s0 =	sand.u32 $0x1, s1  }
0x8c: {  	s16 =	sshll.u32 s0, $0xA;
	s2 =	sadd.s32 s3, s2  }
0x8d: {  	s2 =	sadd.s32 s2, s16  }
0x8e: {  	[smem:$0x3FBD] =	sst s2  }
0x8f: {  	_ = 	snop  }
0x90: {  	(tm) =	ssettm $0x1  }
0x91: {  	s17 =	sld [smem:$0x3FFB];
	_ =	sdelay $0x3  }
0x92: {  	_ =	strace s17  }
0x93: {  	s2 =	sld [smem:$0x3FFC];
	_ =	sdelay $0x3  }
0x94: {  	_ =	strace s2  }
0x95: {  	s2 =	sld [smem:$0x3FFD];
	_ =	sdelay $0x3  }
0x96: {  	_ =	strace s2  }
0x97: {  	_ =	strace $0x8FFFFFFF  }
0x98: {  	s18 =	sld [smem:$0x3FDB];
	_ =	sdelay $0x1  }
0x99: {  	s19 =	simm.s32 $_scs_section_size  }
0x9a: {  	s4 =	simm.s32 $_size__tile_overlayer_lowered;
	s5 =	simm.s32 $_tile_overlayer_lowered  }
0x9b: {  	s22 =	simm.s32 $0x1BFF;
	s21 =	sshll.u32 s5, $0x1;
	s2 =	sadd.s32 s19, s18  }
0x9c: {  	s6 =	simm.s32 $0x0;
	s20 =	sshll.u32 s4, $0x1;
	s4 =	sadd.s32 s21, s2  }
0x9d: {  	[timem:s6], [sflag:s22] =	dma.local [hbm:s4], s20  }
0x9e: {  	_ =	swait.ge [sflag:s22], s20  }
0x9f: {  	s3 =	ssub.s32 $0x0, s20;
	[sflag:s22] =	ssyncset.done $0x0  }
0xa0: {  	[sflag:s22] =	ssyncadd.s32 s3;
	_ =	sdelay $0x1  }
0xa1: {  	s23 =	simm.s32 $0x1B8B  }
0xa2: {  	_ =	swait.ge [sflag:s23], $0x1  }
0xa3: {  	[sflag:s23] =	ssyncset.done $0x0  }
0xa4: {  	s25 =	simm.s32 $0x1B8E;
	s24 =	sld [smem:$0x3FFE];
	[sflag:s23] =	ssyncadd.s32 $0xFFFFFFFF  }
0xa5: {  	s26 =	simm.s32 $execute0_lowered;
	[smem:$0x3FD2] =	sst s25  }
0xa6: {  	s4 =	sshll.u32 s26, $0x1;
	_ =	strace $0x8000004F;
	[dreg:$0x1] =	wrdreg $0xFFFFFFFF  }
0xa7: {  	s28 =	simm.s32 $_size_execute0_lowered;
	s2 =	sadd.s32 s2, s4;
	[dreg:$0x0] =	wrdreg $0x0  }
0xa8: {  	s4 =	sshll.u32 s28, $0x1;
	[dreg:$0x2] =	wrdreg s2  }
0xa9: {  	[dreg:$0x3] =	wrdreg s4  }
0xaa: {  	[dreg:$0x4] =	wrdreg $0xC0  }
0xab: {  	_ =	task [dreg:s6], $0x5FFFF  }
0xac: {  	[dreg:$0x1] =	wrdreg $0xFFFFFFFF  }
0xad: {  	[dreg:$0x0] =	wrdreg $0x60  }
0xae: {  	[dreg:$0x2] =	wrdreg s24  }
0xaf: {  	[dreg:$0x3] =	wrdreg $0xD8000  }
0xb0: {  	[dreg:$0x4] =	wrdreg $0x9  }
0xb1: {  	_ =	task.clear_ibuf [dreg:s6], $0x5FFFF;
	_ =	strace $0x9000004F  }
0xb2: {  	s29 =	simm.s32 $0x9;
	_ =	strace $0x80000051  }
0xb3: {  	_ =	swait.ge [sflag:s29], $0x1  }
0xb4: {  	[sflag:s29] =	ssyncadd.s32 $0xFFFFFFFF  }
0xb5: {  	_ =	strace $0x90000051  }
0xb6: {  	_ =	sfence  }
0xb7: {  	s30 =	sld [smem:$0x0];
	_ =	sdelay $0x2  }
0xb8: {  	s31 =	sshll.u32 s1, $0xD;
	s1 =	sshrl.u32 s1, $0x2  }
0xb9: {  	s3 =	sand.u32 $0x4000, s31;
	s1 =	sadd.s32 s1, s30  }
0xba: {  	s0 =	sor.u32 s3, s0;
	s1 =	sshll.u32 s1, $0x11  }
0xbb: {  	s0 =	sor.u32 s1, s0  }
0xbc: {  	s0 =	sadd.s32 $0x8F2B, s0  }
0xbd: {  	[sflag:s0] =	ssyncadd.remote.s32 $0x1  }
0xbe: {  	_ =	sfence.sel $0xFFFF  }
0xbf: {  	[dreg:$0x0] =	wrdreg $0xFFFFFFFF;
	(pc) =	sbr.abs _section_cstart, $3  }
0xc0: {  	[dreg:$0x1] =	wrdreg $0xFFFFFFFF  }
0xc1: {  	_ =	task.clear_ibuf [dreg:s6], $0x2FFFF;
	_ =	strace $0x9FFFFFFF  }
0xc2: {  	(tm) =	ssettm $0x7FFFFFFF  }
0xc3: {  	_ =	shalt  }
tec
execute0_lowered:
.L_overlay_start_1:
0x0: {  	(tag) =	ssettag $0x1  }
0x1: {  	s5 =	rddreg [dreg:$0x0]  }
0x2: {  	s1 =	rddreg [dreg:$0x1];
	s2 =	simm.s32 $0x0;
	s3 =	srdreg.scid  }
0x3: {  	s0 =	stileid.u32;
	s18 =	simm.s32 $0xC800;
	s19 =	simm.s32 $0x3  }
0x4: {  	s20 =	simm.s32 $0x6400;
	s21 =	simm.s32 $0x80;
	s22 =	simm.s32 $0xD000  }
0x5: {  	s28 =	simm.s32 $0xC780;
	s29 =	simm.s32 $0x0;
	s7 =	smul.u32 $0x32000, s0  }
0x6: {  	[smem:$0x7FF] =	sst s2;
	s10 =	sand.u32 $0x1, s3;
	s23 =	smul.u32 $0xC80, s0  }
0x7: {  	s8 =	sadd.s32 $0x81000, s5;
	s9 =	sadd.s32 $0x176600, s5;
	s31 =	smul.u32 $0x1900, s0  }
0x8: {  	s14 =	sadd.s32 $0x4800, s5;
	s4 =	sshll.u32 s10, $0x4;
	s15 =	smul.u32 $0xC800, s10  }
0x9: {  	_ =	strace $0x80000050;
	s30 =	smul.u32 $0x19000, s10;
	s6 =	sor.u32 s0, s4  }
0xa: {  	s11 =	ssub.s32 $0x2, s10;
	s4 =	sadd.s32 $0x1A8600, s5;
	s12 =	smul.u32 $0x1900, s6  }
0xb: {  	s13 =	sshrl.u32 s11, $0x1;
	s24 =	sshrl.u32 s7, $0x2;
	s6 =	smul.u32 $0xC800, s6  }
0xc: {  	s13 =	ssub.s32 s11, s13;
	s5 =	sadd.s32 s24, s1;
	s11 =	sadd.s32 s23, s15  }
0xd: {  	s17 =	sadd.s32 s30, s14;
	s23 =	simm.s32 $0x1;
	s24 =	simm.s32 $0x2  }
0xe: {  	s11 =	sshll.u32 s11, $0x1;
	s13 =	smax.u32 s13, $0x1;
	s25 =	sshrl.u32 s6, $0x3  }
0xf: {  	s26 =	sadd.s32 s8, s12;
	s7 =	sadd.s32 s9, s12;
	s10 =	sadd.s32 s14, s11  }
0x10: {  	s11 =	sadd.s32 $0xC000, s5;
	s14 =	sadd.s32 $0xB800, s5;
	[dreg:$0x3] =	wrdreg s26  }
0x11: {  	s16 =	sadd.s32 $0xC80, s25;
	s12 =	sadd.s32 $0x1800, s10;
	s15 =	sadd.s32 $0x1700, s10  }
0x12: {  	s25 =	simm.s32 $0x6380;
	s26 =	simm.s32 $0xC700;
	s8 =	sadd.s32 s8, s16  }
0x13: {  	v0 =	vimm.f32 $0.0e+00;
	s9 =	sadd.s32 s9, s16;
	s16 =	sadd.s32 s31, s17;
	s17 =	sadd.s32 $0x800, s5  }
.LBB2_1:
0x14: {  	s30 =	simm.s32 $0x0  }
.LBB2_2:
0x15: {  	p0 =	sne.s32 s30, $0x1FC0  }
.Ltmp0:
0x16: {  	_ = 	snop;
	(pc) =	sbr.rel @p0 .LBB2_2-.Ltmp0, $3  }
0x17: {  	_ =	sdelay $0x1  }
0x18: {  	s31 =	sshra.s32 s30, $0x2  }
0x19: {  	s30 =	sadd.s32 $0x40, s30;
	[tilespmem:s31+$0xC800] =	vst v0  }
0x1a: {  	s30 =	sadd.s32 $0x0, s5  }
0x1b: {  	[spmem:s30] =	stream.linear.scatter [tilespmem:s18], [sflag:$0x3], $0x800, $0x38;
	[tilespmem:$0x1A000] =	vst v63  }
0x1c: {  	s30 =	simm.s32 $0x2000;
	_ =	swait.ge [sflag:s19], $0x800  }
.LBB2_4:
0x1d: {  	s31 =	sshra.s32 s30, $0x2;
	[sflag:s19] =	ssyncset.done $0x0;
	p0 =	sne.s32 s30, $0x30000  }
.Ltmp1:
0x1e: {  	s31 =	sadd.s32 s31, s5;
	[sflag:s19] =	ssyncadd.s32 $0xFFFFF800;
	(pc) =	sbr.rel @p0 .LBB2_4-.Ltmp1, $3  }
0x1f: {  	[spmem:s31] =	stream.linear.scatter [tilespmem:s18], [sflag:$0x3], $0x800, $0x38;
	[tilespmem:$0x1A000] =	vst v63  }
0x20: {  	s30 =	sadd.s32 $0x2000, s30;
	_ =	sdelay $0x1  }
0x21: {  	_ =	swait.ge [sflag:s19], $0x800  }
0x22: {  	[sflag:s19] =	ssyncset.done $0x0  }
0x23: {  	[sflag:s19] =	ssyncadd.s32 $0xFFFFF800  }
0x24: {  	[bflag:$0x0] =	sbarrier.arrive $0xFFFF  }
0x25: {  	s30 =	simm.s32 $0x0;
	s0 =	rddreg [dreg:$0x3]  }
0x26: {  	[tilespmem:s30], [sflag:$0x3] =	stream.linear.gather [hbm4b:s0+s30], $0x6400, $0x38;
	[tilespmem:$0x1A000] =	vst v63  }
0x27: {  	_ =	swait.ge [sflag:s19], $0x6400  }
0x28: {  	[sflag:s19] =	ssyncset.done $0x0  }
0x29: {  	[sflag:s19] =	ssyncadd.s32 $0xFFFF9C00  }
0x2a: {  	[tilespmem:s20], [sflag:$0x3] =	stream.linear.gather [hbm4b:s7+s30], $0x6400, $0x38;
	[tilespmem:$0x1A000] =	vst v63  }
0x2b: {  	_ =	swait.ge [sflag:s19], $0x6400  }
0x2c: {  	[sflag:s19] =	ssyncset.done $0x0  }
0x2d: {  	[sflag:s19] =	ssyncadd.s32 $0xFFFF9C00  }
0x2e: {  	[tilespmem:s18], [sflag:$0x1] =	stream.indirect.gather [hbm4b:s4+s21], $0x10, s30, s21, $0xb8;
	[tilespmem:$0x1A000] =	vst v63  }
0x2f: {  	s30 =	simm.s32 $0x80  }
0x30: {  	[tilespmem:s22], [sflag:$0x2] =	stream.indirect.gather [hbm4b:s4+s21], $0x10, s30, s21, $0xb8;
	[tilespmem:$0x1A000] =	vst v63  }
0x31: {  	_ =	swait.ge [sflag:s23], $0x800  }
0x32: {  	[sflag:s23] =	ssyncset.done $0x0  }
0x33: {  	s30 =	simm.s32 $0x6400;
	[sflag:s23] =	ssyncadd.s32 $0xFFFFF800  }
0x34: {  	[spmem:s1] =	stream.indirect.scatter.add.f32 [tilespmem:s18], [sflag:$0x3], $0x10, s30, s21, $0xb8;
	[tilespmem:$0x1A000] =	vst v63  }
0x35: {  	_ =	swait.ge [sflag:s19], $0x800  }
0x36: {  	[sflag:s19] =	ssyncset.done $0x0  }
0x37: {  	s30 =	simm.s32 $0x100;
	[sflag:s19] =	ssyncadd.s32 $0xFFFFF800  }
0x38: {  	[tilespmem:s18], [sflag:$0x1] =	stream.indirect.gather [hbm4b:s4+s21], $0x10, s30, s21, $0xb8;
	[tilespmem:$0x1A000] =	vst v63  }
0x39: {  	_ =	swait.ge [sflag:s24], $0x800  }
0x3a: {  	[sflag:s24] =	ssyncset.done $0x0  }
0x3b: {  	s30 =	simm.s32 $0x6480;
	[sflag:s24] =	ssyncadd.s32 $0xFFFFF800  }
0x3c: {  	[spmem:s1] =	stream.indirect.scatter.add.f32 [tilespmem:s22], [sflag:$0x3], $0x10, s30, s21, $0xb8;
	[tilespmem:$0x1A000] =	vst v63  }
0x3d: {  	_ =	swait.ge [sflag:s19], $0x800  }
0x3e: {  	s31 =	simm.s32 $0x800;
	s30 =	simm.s32 $0x100;
	[sflag:s19] =	ssyncset.done $0x0  }
.LBB2_6:
0x3f: {  	s0 =	sadd.s32 $0x80, s30  }
0x40: {  	[sflag:s19] =	ssyncadd.s32 $0xFFFFF800;
	s3 =	smov.u32 s31;
	s6 =	sadd.s32 $0x400, s31  }
0x41: {  	[tilespmem:s22], [sflag:$0x2] =	stream.indirect.gather [hbm4b:s4+s21], $0x10, s0, s21, $0xb8;
	[tilespmem:$0x1A000] =	vst v63  }
0x42: {  	p0 =	sne.s32 s31, $0x18800;
	_ =	swait.ge [sflag:s23], $0x800  }
0x43: {  	[sflag:s23] =	ssyncset.done $0x0  }
0x44: {  	s0 =	sadd.s32 $0x6400, s30;
	[sflag:s23] =	ssyncadd.s32 $0xFFFFF800  }
0x45: {  	[spmem:s1] =	stream.indirect.scatter.add.f32 [tilespmem:s18], [sflag:$0x3], $0x10, s0, s21, $0xb8;
	[tilespmem:$0x1A000] =	vst v63  }
0x46: {  	_ =	swait.ge [sflag:s19], $0x800  }
0x47: {  	[sflag:s19] =	ssyncset.done $0x0  }
0x48: {  	s0 =	sadd.s32 $0x100, s30;
	[sflag:s19] =	ssyncadd.s32 $0xFFFFF800  }
0x49: {  	[tilespmem:s18], [sflag:$0x1] =	stream.indirect.gather [hbm4b:s4+s21], $0x10, s0, s21, $0xb8;
	[tilespmem:$0x1A000] =	vst v63  }
0x4a: {  	_ =	swait.ge [sflag:s24], $0x800  }
.Ltmp2:
0x4b: {  	[sflag:s24] =	ssyncset.done $0x0;
	(pc) =	sbr.rel @p0 .LBB2_6-.Ltmp2, $4  }
0x4c: {  	s0 =	sadd.s32 $0x6480, s30;
	[sflag:s24] =	ssyncadd.s32 $0xFFFFF800  }
0x4d: {  	[spmem:s1] =	stream.indirect.scatter.add.f32 [tilespmem:s22], [sflag:$0x3], $0x10, s0, s21, $0xb8;
	[tilespmem:$0x1A000] =	vst v63  }
0x4e: {  	_ =	swait.ge [sflag:s19], $0x800  }
0x4f: {  	s31 =	smov.u32 s6;
	s30 =	sshra.s32 s3, $0x2;
	[sflag:s19] =	ssyncset.done $0x0  }
0x50: {  	s0 =	sadd.s32 $0x80, s30;
	[sflag:s19] =	ssyncadd.s32 $0xFFFFF800  }
0x51: {  	[tilespmem:s22], [sflag:$0x2] =	stream.indirect.gather [hbm4b:s4+s21], $0x10, s0, s21, $0xb8;
	[tilespmem:$0x1A000] =	vst v63  }
0x52: {  	_ =	swait.ge [sflag:s23], $0x800  }
0x53: {  	[sflag:s23] =	ssyncset.done $0x0  }
0x54: {  	s3 =	sadd.s32 $0x6400, s30;
	[sflag:s23] =	ssyncadd.s32 $0xFFFFF800  }
0x55: {  	[spmem:s1] =	stream.indirect.scatter.add.f32 [tilespmem:s18], [sflag:$0x3], $0x10, s3, s21, $0xb8;
	[tilespmem:$0x1A000] =	vst v63  }
0x56: {  	_ =	swait.ge [sflag:s19], $0x800  }
0x57: {  	[sflag:s19] =	ssyncset.done $0x0  }
0x58: {  	s6 =	sadd.s32 $0x100, s30;
	[sflag:s19] =	ssyncadd.s32 $0xFFFFF800  }
0x59: {  	[tilespmem:s18], [sflag:$0x1] =	stream.indirect.gather [hbm4b:s4+s21], $0x10, s6, s21, $0xb8;
	[tilespmem:$0x1A000] =	vst v63  }
0x5a: {  	_ =	swait.ge [sflag:s24], $0x800  }
0x5b: {  	[sflag:s24] =	ssyncset.done $0x0  }
0x5c: {  	s3 =	sadd.s32 $0x6480, s30;
	[sflag:s24] =	ssyncadd.s32 $0xFFFFF800  }
0x5d: {  	[spmem:s1] =	stream.indirect.scatter.add.f32 [tilespmem:s22], [sflag:$0x3], $0x10, s3, s21, $0xb8;
	[tilespmem:$0x1A000] =	vst v63  }
0x5e: {  	_ =	swait.ge [sflag:s19], $0x800  }
0x5f: {  	[sflag:s19] =	ssyncset.done $0x0  }
0x60: {  	[sflag:s19] =	ssyncadd.s32 $0xFFFFF800  }
0x61: {  	[tilespmem:s22], [sflag:$0x2] =	stream.indirect.gather [hbm4b:s4+s21], $0x10, s25, s21, $0xb8;
	[tilespmem:$0x1A000] =	vst v63  }
0x62: {  	_ =	swait.ge [sflag:s23], $0x800  }
0x63: {  	[sflag:s23] =	ssyncset.done $0x0  }
0x64: {  	[sflag:s23] =	ssyncadd.s32 $0xFFFFF800  }
0x65: {  	[spmem:s1] =	stream.indirect.scatter.add.f32 [tilespmem:s18], [sflag:$0x3], $0x10, s26, s21, $0xb8;
	[tilespmem:$0x1A000] =	vst v63  }
0x66: {  	_ =	swait.ge [sflag:s19], $0x800  }
0x67: {  	[sflag:s19] =	ssyncset.done $0x0  }
0x68: {  	[sflag:s19] =	ssyncadd.s32 $0xFFFFF800  }
0x69: {  	_ =	swait.ge [sflag:s24], $0x800  }
0x6a: {  	[sflag:s24] =	ssyncset.done $0x0  }
0x6b: {  	[sflag:s24] =	ssyncadd.s32 $0xFFFFF800  }
0x6c: {  	[spmem:s1] =	stream.indirect.scatter.add.f32 [tilespmem:s22], [sflag:$0x3], $0x10, s28, s21, $0xb8;
	[tilespmem:$0x1A000] =	vst v63  }
0x6d: {  	_ =	swait.ge [sflag:s19], $0x800  }
0x6e: {  	[sflag:s19] =	ssyncset.done $0x0  }
0x6f: {  	s6 =	simm.s32 $0x0;
	[sflag:s19] =	ssyncadd.s32 $0xFFFFF800  }
0x70: {  	[tilespmem:s6], [sflag:$0x3] =	stream.linear.gather [hbm4b:s8+s6], $0x6400, $0x38;
	[tilespmem:$0x1A000] =	vst v63  }
0x71: {  	_ =	swait.ge [sflag:s19], $0x6400  }
0x72: {  	[sflag:s19] =	ssyncset.done $0x0  }
0x73: {  	[sflag:s19] =	ssyncadd.s32 $0xFFFF9C00  }
0x74: {  	[tilespmem:s20], [sflag:$0x3] =	stream.linear.gather [hbm4b:s9+s6], $0x6400, $0x38;
	[tilespmem:$0x1A000] =	vst v63  }
0x75: {  	_ =	swait.ge [sflag:s19], $0x6400  }
0x76: {  	[sflag:s19] =	ssyncset.done $0x0  }
0x77: {  	[sflag:s19] =	ssyncadd.s32 $0xFFFF9C00  }
0x78: {  	[tilespmem:s18], [sflag:$0x1] =	stream.indirect.gather [hbm4b:s4+s21], $0x10, s6, s21, $0xb8;
	[tilespmem:$0x1A000] =	vst v63  }
0x79: {  	s3 =	simm.s32 $0x80  }
0x7a: {  	[tilespmem:s22], [sflag:$0x2] =	stream.indirect.gather [hbm4b:s4+s21], $0x10, s3, s21, $0xb8;
	[tilespmem:$0x1A000] =	vst v63  }
0x7b: {  	_ =	swait.ge [sflag:s23], $0x800  }
0x7c: {  	[sflag:s23] =	ssyncset.done $0x0  }
0x7d: {  	s6 =	simm.s32 $0x6400;
	[sflag:s23] =	ssyncadd.s32 $0xFFFFF800  }
0x7e: {  	[spmem:s1] =	stream.indirect.scatter.add.f32 [tilespmem:s18], [sflag:$0x3], $0x10, s6, s21, $0xb8;
	[tilespmem:$0x1A000] =	vst v63  }
0x7f: {  	_ =	swait.ge [sflag:s19], $0x800  }
0x80: {  	[sflag:s19] =	ssyncset.done $0x0  }
0x81: {  	s3 =	simm.s32 $0x100;
	[sflag:s19] =	ssyncadd.s32 $0xFFFFF800  }
0x82: {  	[tilespmem:s18], [sflag:$0x1] =	stream.indirect.gather [hbm4b:s4+s21], $0x10, s3, s21, $0xb8;
	[tilespmem:$0x1A000] =	vst v63  }
0x83: {  	_ =	swait.ge [sflag:s24], $0x800  }
0x84: {  	[sflag:s24] =	ssyncset.done $0x0  }
0x85: {  	s6 =	simm.s32 $0x6480;
	[sflag:s24] =	ssyncadd.s32 $0xFFFFF800  }
0x86: {  	[spmem:s1] =	stream.indirect.scatter.add.f32 [tilespmem:s22], [sflag:$0x3], $0x10, s6, s21, $0xb8;
	[tilespmem:$0x1A000] =	vst v63  }
0x87: {  	_ =	swait.ge [sflag:s19], $0x800  }
0x88: {  	s31 =	simm.s32 $0x800;
	s30 =	simm.s32 $0x100;
	[sflag:s19] =	ssyncset.done $0x0  }
.LBB2_8:
0x89: {  	s0 =	sadd.s32 $0x80, s30  }
0x8a: {  	[sflag:s19] =	ssyncadd.s32 $0xFFFFF800;
	s3 =	smov.u32 s31;
	s6 =	sadd.s32 $0x400, s31  }
0x8b: {  	[tilespmem:s22], [sflag:$0x2] =	stream.indirect.gather [hbm4b:s4+s21], $0x10, s0, s21, $0xb8;
	[tilespmem:$0x1A000] =	vst v63  }
0x8c: {  	p0 =	sne.s32 s31, $0x18800;
	_ =	swait.ge [sflag:s23], $0x800  }
0x8d: {  	[sflag:s23] =	ssyncset.done $0x0  }
0x8e: {  	s0 =	sadd.s32 $0x6400, s30;
	[sflag:s23] =	ssyncadd.s32 $0xFFFFF800  }
0x8f: {  	[spmem:s1] =	stream.indirect.scatter.add.f32 [tilespmem:s18], [sflag:$0x3], $0x10, s0, s21, $0xb8;
	[tilespmem:$0x1A000] =	vst v63  }
0x90: {  	_ =	swait.ge [sflag:s19], $0x800  }
0x91: {  	[sflag:s19] =	ssyncset.done $0x0  }
0x92: {  	s0 =	sadd.s32 $0x100, s30;
	[sflag:s19] =	ssyncadd.s32 $0xFFFFF800  }
0x93: {  	[tilespmem:s18], [sflag:$0x1] =	stream.indirect.gather [hbm4b:s4+s21], $0x10, s0, s21, $0xb8;
	[tilespmem:$0x1A000] =	vst v63  }
0x94: {  	_ =	swait.ge [sflag:s24], $0x800  }
.Ltmp3:
0x95: {  	[sflag:s24] =	ssyncset.done $0x0;
	(pc) =	sbr.rel @p0 .LBB2_8-.Ltmp3, $4  }
0x96: {  	s0 =	sadd.s32 $0x6480, s30;
	[sflag:s24] =	ssyncadd.s32 $0xFFFFF800  }
0x97: {  	[spmem:s1] =	stream.indirect.scatter.add.f32 [tilespmem:s22], [sflag:$0x3], $0x10, s0, s21, $0xb8;
	[tilespmem:$0x1A000] =	vst v63  }
0x98: {  	_ =	swait.ge [sflag:s19], $0x800  }
0x99: {  	s31 =	smov.u32 s6;
	s30 =	sshra.s32 s3, $0x2;
	[sflag:s19] =	ssyncset.done $0x0  }
0x9a: {  	s0 =	sadd.s32 $0x80, s30;
	[sflag:s19] =	ssyncadd.s32 $0xFFFFF800  }
0x9b: {  	[tilespmem:s22], [sflag:$0x2] =	stream.indirect.gather [hbm4b:s4+s21], $0x10, s0, s21, $0xb8;
	[tilespmem:$0x1A000] =	vst v63  }
0x9c: {  	_ =	swait.ge [sflag:s23], $0x800  }
0x9d: {  	[sflag:s23] =	ssyncset.done $0x0  }
0x9e: {  	s6 =	sadd.s32 $0x6400, s30;
	[sflag:s23] =	ssyncadd.s32 $0xFFFFF800  }
0x9f: {  	[spmem:s1] =	stream.indirect.scatter.add.f32 [tilespmem:s18], [sflag:$0x3], $0x10, s6, s21, $0xb8;
	[tilespmem:$0x1A000] =	vst v63  }
0xa0: {  	_ =	swait.ge [sflag:s19], $0x800  }
0xa1: {  	[sflag:s19] =	ssyncset.done $0x0  }
0xa2: {  	s3 =	sadd.s32 $0x100, s30;
	[sflag:s19] =	ssyncadd.s32 $0xFFFFF800  }
0xa3: {  	[tilespmem:s18], [sflag:$0x1] =	stream.indirect.gather [hbm4b:s4+s21], $0x10, s3, s21, $0xb8;
	[tilespmem:$0x1A000] =	vst v63  }
0xa4: {  	_ =	swait.ge [sflag:s24], $0x800  }
0xa5: {  	[sflag:s24] =	ssyncset.done $0x0  }
0xa6: {  	s6 =	sadd.s32 $0x6480, s30;
	[sflag:s24] =	ssyncadd.s32 $0xFFFFF800  }
0xa7: {  	[spmem:s1] =	stream.indirect.scatter.add.f32 [tilespmem:s22], [sflag:$0x3], $0x10, s6, s21, $0xb8;
	[tilespmem:$0x1A000] =	vst v63  }
0xa8: {  	_ =	swait.ge [sflag:s19], $0x800  }
0xa9: {  	[sflag:s19] =	ssyncset.done $0x0  }
0xaa: {  	[sflag:s19] =	ssyncadd.s32 $0xFFFFF800  }
0xab: {  	[tilespmem:s22], [sflag:$0x2] =	stream.indirect.gather [hbm4b:s4+s21], $0x10, s25, s21, $0xb8;
	[tilespmem:$0x1A000] =	vst v63  }
0xac: {  	_ =	swait.ge [sflag:s23], $0x800  }
0xad: {  	[sflag:s23] =	ssyncset.done $0x0  }
0xae: {  	[sflag:s23] =	ssyncadd.s32 $0xFFFFF800  }
0xaf: {  	[spmem:s1] =	stream.indirect.scatter.add.f32 [tilespmem:s18], [sflag:$0x3], $0x10, s26, s21, $0xb8;
	[tilespmem:$0x1A000] =	vst v63  }
0xb0: {  	_ =	swait.ge [sflag:s19], $0x800  }
0xb1: {  	[sflag:s19] =	ssyncset.done $0x0  }
0xb2: {  	[sflag:s19] =	ssyncadd.s32 $0xFFFFF800  }
0xb3: {  	_ =	swait.ge [sflag:s24], $0x800  }
0xb4: {  	[sflag:s24] =	ssyncset.done $0x0  }
0xb5: {  	[sflag:s24] =	ssyncadd.s32 $0xFFFFF800  }
0xb6: {  	[spmem:s1] =	stream.indirect.scatter.add.f32 [tilespmem:s22], [sflag:$0x3], $0x10, s28, s21, $0xb8;
	[tilespmem:$0x1A000] =	vst v63  }
0xb7: {  	_ =	swait.ge [sflag:s19], $0x800  }
0xb8: {  	[sflag:s19] =	ssyncset.done $0x0  }
0xb9: {  	[sflag:s19] =	ssyncadd.s32 $0xFFFFF800  }
0xba: {  	[bflag:$0x0] =	sbarrier.arrive $0xFFFF  }
0xbb: {  	[tilespmem:s18], [sflag:$0x3] =	stream.linear.gather [spmem:s5], $0x800, $0x38;
	[tilespmem:$0x1A000] =	vst v63  }
0xbc: {  	_ =	swait.ge [sflag:s19], $0x800  }
0xbd: {  	[sflag:s19] =	ssyncset.done $0x0  }
0xbe: {  	s3 =	simm.s32 $0x0;
	[sflag:s19] =	ssyncadd.s32 $0xFFFFF800  }
0xbf: {  	[hbm4b:s10+s3] =	stream.linear.scatter [tilespmem:s18], [sflag:$0x1], $0x800, $0x38;
	[tilespmem:$0x1A000] =	vst v63  }
0xc0: {  	_ = 	snop  }
0xc1: {  	[tilespmem:s22], [sflag:$0x3] =	stream.linear.gather [spmem:s17], $0x800, $0x38;
	[tilespmem:$0x1A000] =	vst v63  }
0xc2: {  	_ =	swait.ge [sflag:s19], $0x800  }
0xc3: {  	s0 =	sadd.s32 $0x0, s16;
	[sflag:s19] =	ssyncset.done $0x0  }
0xc4: {  	s3 =	sadd.s32 $0x100, s0;
	[sflag:s19] =	ssyncadd.s32 $0xFFFFF800  }
0xc5: {  	[hbm4b:s3+s2] =	stream.linear.scatter [tilespmem:s22], [sflag:$0x2], $0x800, $0x38;
	[tilespmem:$0x1A000] =	vst v63  }
0xc6: {  	_ =	swait.ge [sflag:s23], $0x800  }
0xc7: {  	[sflag:s23] =	ssyncset.done $0x0  }
0xc8: {  	s6 =	sadd.s32 $0x800, s17;
	[sflag:s23] =	ssyncadd.s32 $0xFFFFF800  }
0xc9: {  	[tilespmem:s18], [sflag:$0x3] =	stream.linear.gather [spmem:s6], $0x800, $0x38;
	[tilespmem:$0x1A000] =	vst v63  }
0xca: {  	_ =	swait.ge [sflag:s19], $0x800  }
0xcb: {  	[sflag:s19] =	ssyncset.done $0x0  }
0xcc: {  	s0 =	sadd.s32 $0x200, s0;
	[sflag:s19] =	ssyncadd.s32 $0xFFFFF800  }
0xcd: {  	[hbm4b:s0+s2] =	stream.linear.scatter [tilespmem:s18], [sflag:$0x1], $0x800, $0x38;
	[tilespmem:$0x1A000] =	vst v63  }
0xce: {  	_ =	swait.ge [sflag:s24], $0x800  }
0xcf: {  	s31 =	smov.u32 s17;
	s30 =	simm.s32 $0x200;
	[sflag:s24] =	ssyncset.done $0x0  }
.LBB2_10:
0xd0: {  	p0 =	sne.s32 s30, $0x1400;
	[sflag:s24] =	ssyncadd.s32 $0xFFFFF800;
	s31 =	sadd.s32 $0x1000, s31  }
0xd1: {  	[tilespmem:s22], [sflag:$0x3] =	stream.linear.gather [spmem:s31], $0x800, $0x38;
	[tilespmem:$0x1A000] =	vst v63  }
0xd2: {  	s0 =	smov.u32 s30;
	s30 =	sadd.s32 $0x200, s30;
	_ =	swait.ge [sflag:s19], $0x800  }
0xd3: {  	s0 =	sadd.s32 s0, s16;
	[sflag:s19] =	ssyncset.done $0x0  }
0xd4: {  	s3 =	sadd.s32 $0x100, s0;
	[sflag:s19] =	ssyncadd.s32 $0xFFFFF800  }
0xd5: {  	[hbm4b:s3+s2] =	stream.linear.scatter [tilespmem:s22], [sflag:$0x2], $0x800, $0x38;
	[tilespmem:$0x1A000] =	vst v63  }
0xd6: {  	_ =	swait.ge [sflag:s23], $0x800  }
0xd7: {  	[sflag:s23] =	ssyncset.done $0x0  }
0xd8: {  	s3 =	sadd.s32 $0x800, s31;
	[sflag:s23] =	ssyncadd.s32 $0xFFFFF800  }
0xd9: {  	[tilespmem:s18], [sflag:$0x3] =	stream.linear.gather [spmem:s3], $0x800, $0x38;
	[tilespmem:$0x1A000] =	vst v63  }
0xda: {  	_ =	swait.ge [sflag:s19], $0x800  }
.Ltmp4:
0xdb: {  	[sflag:s19] =	ssyncset.done $0x0;
	(pc) =	sbr.rel @p0 .LBB2_10-.Ltmp4, $4  }
0xdc: {  	s0 =	sadd.s32 $0x200, s0;
	[sflag:s19] =	ssyncadd.s32 $0xFFFFF800  }
0xdd: {  	[hbm4b:s0+s2] =	stream.linear.scatter [tilespmem:s18], [sflag:$0x1], $0x800, $0x38;
	[tilespmem:$0x1A000] =	vst v63  }
0xde: {  	_ =	swait.ge [sflag:s24], $0x800  }
0xdf: {  	[sflag:s24] =	ssyncset.done $0x0  }
0xe0: {  	[sflag:s24] =	ssyncadd.s32 $0xFFFFF800  }
0xe1: {  	[tilespmem:s22], [sflag:$0x3] =	stream.linear.gather [spmem:s14], $0x800, $0x38;
	[tilespmem:$0x1A000] =	vst v63  }
0xe2: {  	_ =	swait.ge [sflag:s19], $0x800  }
0xe3: {  	[sflag:s19] =	ssyncset.done $0x0  }
0xe4: {  	[sflag:s19] =	ssyncadd.s32 $0xFFFFF800  }
0xe5: {  	[hbm4b:s15+s2] =	stream.linear.scatter [tilespmem:s22], [sflag:$0x2], $0x800, $0x38;
	[tilespmem:$0x1A000] =	vst v63  }
0xe6: {  	_ =	swait.ge [sflag:s23], $0x800  }
0xe7: {  	[sflag:s23] =	ssyncset.done $0x0  }
0xe8: {  	[sflag:s23] =	ssyncadd.s32 $0xFFFFF800  }
0xe9: {  	_ =	swait.ge [sflag:s24], $0x800  }
0xea: {  	[sflag:s24] =	ssyncset.done $0x0  }
0xeb: {  	[sflag:s24] =	ssyncadd.s32 $0xFFFFF800  }
0xec: {  	[tilespmem:s18], [sflag:$0x3] =	stream.linear.gather [spmem:s11], $0x800, $0x38;
	[tilespmem:$0x1A000] =	vst v63  }
0xed: {  	s29 =	sadd.s32 $0x1, s29;
	_ =	swait.ge [sflag:s19], $0x800  }
0xee: {  	p0 =	sne.s32 s29, s13;
	[sflag:s19] =	ssyncset.done $0x0  }
.Ltmp5:
0xef: {  	[sflag:s19] =	ssyncadd.s32 $0xFFFFF800;
	(pc) =	sbr.rel @p0 .LBB2_1-.Ltmp5, $4  }
0xf0: {  	[hbm4b:s12+s2] =	stream.linear.scatter [tilespmem:s18], [sflag:$0x1], $0x800, $0x38;
	[tilespmem:$0x1A000] =	vst v63  }
0xf1: {  	_ =	swait.ge [sflag:s23], $0x800  }
0xf2: {  	[sflag:s23] =	ssyncset.done $0x0  }
0xf3: {  	[sflag:s23] =	ssyncadd.s32 $0xFFFFF800  }
0xf4: {  	_ =	sfence.sel $0x180000  }
0xf5: {  	[bflag:$0x0] =	sbarrier.arrive $0xFFFF  }
0xf6: {  	_ =	strace $0x90000050  }
0xf7: {  	s0 =	stileid.u32;
	[bflag:$0x2] =	sbarrier.arrive $0xFFFF  }
0xf8: {  	p0 =	sne.s32 s0, $0x0;
	s0 =	rddreg [dreg:$0x2]  }
0xf9: {  	s0 =	sadd.s32 @!p0 $0x100000, s0  }
0xfa: {  	[sflag:s0] =	ssyncadd.tile.s32 @!p0 $0x1;
	_ =	shalt  }
.Lfunc_end2:
_tile_overlayer_lowered:
.L_overlay_start_2:
0xfb: {  	(tag) =	ssettag $0x2  }
0xfc: {  	s0 =	rddreg [dreg:$0x0];
	s2 =	stileid.u32  }
0xfd: {  	s1 =	rddreg [dreg:$0x1];
	p0 =	sne.s32 s2, $0x0  }
0xfe: {  	s3 =	rddreg [dreg:$0x2];
	[bflag:$0x3] =	sbarrier.arrive $0xFFFF;
	s2 =	simm.s32 @!p0 $0x1C03  }
0xff: {  	[timem:s3], [sflag:s2] =	dma.local @!p0 [hbm:s0], s1  }
0x100: {  	s0 =	simm.s32 @!p0 $0x3  }
0x101: {  	_ =	swait.ge @!p0 [sflag:s0], s1  }
0x102: {  	s1 =	ssub.s32 @!p0 $0x0, s1;
	[sflag:s0] =	ssyncset.done @!p0 $0x0  }
0x103: {  	[sflag:s0] =	ssyncadd.s32 @!p0 s1  }
0x104: {  	[bflag:$0x3] =	sbarrier.arrive $0xFFFF  }
0x105: {  	_ =	shalt  }

// kernel: kernel.24.cloned.1.call-start
scs
__scs_entry_jumppad:
0x0: {  	(pc) =	sbr.rel $0x88, $3  }
0x1: {  	(tag) =	ssettag $0x0;
	lr =	simm.s32 $0x1  }
0x2: {  	[smem:$0x3F96] =	sst lr;
	_ =	strace $0xD0000000  }
0x3: {  	_ = 	snop  }
0x4: {  	_ = 	snop  }
0x5: {  	_ = 	snop  }
0x6: {  	_ = 	snop  }
0x7: {  	_ = 	snop  }
__scs_overlays_trampoline_lowered:
0x8: {  	[smem:$0x3FA5] =	sst s0  }
0x9: {  	[smem:$0x3FA6] =	sst s1  }
0xa: {  	[smem:$0x3FA7] =	sst s2  }
0xb: {  	[smem:$0x3FA8] =	sst s3  }
0xc: {  	[smem:$0x3FA9] =	sst s4  }
0xd: {  	[smem:$0x3FAA] =	sst s5  }
0xe: {  	[smem:$0x3FAB] =	sst s6  }
0xf: {  	[smem:$0x3FAC] =	sst s7  }
0x10: {  	[smem:$0x3FAD] =	sst s8  }
0x11: {  	[smem:$0x3FAE] =	sst s9;
	s0 =	simm.s32 @!p0 $0x0  }
0x12: {  	s1 =	sld [smem:$0x3F94];
	s0 =	simm.s32 @p0 $0x1  }
0x13: {  	[smem:$0x3FAF] =	sst s0;
	s0 =	simm.s32 @!p1 $0x0  }
0x14: {  	s2 =	sld [smem:$0x3F93];
	s0 =	simm.s32 @p1 $0x1  }
0x15: {  	[smem:$0x3FB0] =	sst s0;
	s0 =	simm.s32 @!p2 $0x0  }
0x16: {  	s3 =	sld [smem:$0x3FDB];
	s0 =	simm.s32 @p2 $0x1  }
0x17: {  	s4 =	simm.s32 $0x1BF5;
	[smem:$0x3FB2] =	sst s0  }
0x18: {  	s0 =	sld [smem:$0x3F95];
	_ =	swait.ge [sflag:s4], $0x0  }
0x19: {  	s7 =	sld [smem:$0x3F96]  }
0x1a: {  	s8 =	sadd.s32 $0xFFFFE003, lr  }
0x1b: {  	s9 =	sadd.s32 $0xFFFFFEF7, lr;
	s5 =	simm.s32 $0xFFFFFFFF;
	p2 =	slt.u32 s8, $0xFFFFF086  }
0x1c: {  	p1 =	slt.u32 s9, $0xF7A;
	s5 =	simm.s32 @!p2 $0x0  }
0x1d: {  	s5 =	simm.s32 @p1 $0x1;
	p0 =	seq.s32 s7, s2  }
0x1e: {  	s7 =	smul.u32 @!p0 $0xF7A, s2;
	p2 =	seq.s32 @!p0 s5, $0x0  }
0x1f: {  	s9 =	smul.u32 $0xF7A, s1;
	s8 =	simm.s32 @!p0 $0x1BF5;
	p2 =	por !p2, p0  }
0x20: {  	[sflag:s8] =	ssyncset.s32 @!p0 $0xFFFFF086;
	s6 =	sadd.s32 @!p0 s3, s7;
	s7 =	simm.s32 @!p0 $0x108  }
0x21: {  	s3 =	sadd.s32 s3, s9;
	s6 =	sadd.s32 @!p0 $0x88, s6;
	s7 =	simm.s32 @p2 $0x1082  }
0x22: {  	[simem:s7], [sflag:s8] =	dma.local @!p0 [hbm:s6], $0xF7A  }
0x23: {  	s9 =	sor.u32 $0xD0000000, s2;
	s6 =	simm.s32 $0x108;
	_ =	swait.ge @!p0 [sflag:s8], $0x0  }
0x24: {  	s3 =	sadd.s32 $0x88, s3;
	s6 =	simm.s32 @!p1 $0x1082;
	[sflag:s4] =	ssyncset.s32 $0xFFFFF086  }
0x25: {  	[simem:s6], [sflag:s4] =	dma.local [hbm:s3], $0xF7A  }
0x26: {  	[smem:$0x3F96] =	sst s1;
	(tag) =	ssettag s2;
	_ =	strace s9  }
0x27: {  	s1 =	sld [smem:$0x3FA6]  }
0x28: {  	s2 =	sld [smem:$0x3FA7]  }
0x29: {  	s4 =	sld [smem:$0x3FA9]  }
0x2a: {  	p0 =	seq.s32 s5, $0x0;
	s5 =	sld [smem:$0x3FAA]  }
0x2b: {  	s6 =	sld [smem:$0x3FAB]  }
0x2c: {  	s7 =	sld [smem:$0x3FAC]  }
0x2d: {  	s3 =	simm.s32 $0x108;
	s8 =	sld [smem:$0x3FAD]  }
0x2e: {  	s3 =	simm.s32 @!p0 $0x1082;
	s9 =	sld [smem:$0x3FAE]  }
0x2f: {  	lr =	sadd.s32 s0, s3;
	s0 =	sld [smem:$0x3FA5]  }
0x30: {  	s3 =	sld [smem:$0x3FA8]  }
0x31: {  	[smem:$0x3FB1] =	sst s10  }
0x32: {  	s10 =	sld [smem:$0x3FAF];
	_ =	sdelay $0x3  }
0x33: {  	p0 =	seq.s32 s10, $0x1;
	s10 =	sld [smem:$0x3FB1];
	_ =	sdelay $0x3  }
0x34: {  	[smem:$0x3FB1] =	sst s10  }
0x35: {  	s10 =	sld [smem:$0x3FB0];
	_ =	sdelay $0x3  }
0x36: {  	p1 =	seq.s32 s10, $0x1;
	s10 =	sld [smem:$0x3FB1];
	_ =	sdelay $0x3  }
0x37: {  	[smem:$0x3FB1] =	sst s10  }
0x38: {  	s10 =	sld [smem:$0x3FB2]  }
0x39: {  	_ = 	snop;
	(pc) =	sbr.ind lr, $3  }
0x3a: {  	_ = 	snop  }
0x3b: {  	_ = 	snop  }
0x3c: {  	p2 =	seq.s32 s10, $0x1;
	s10 =	sld [smem:$0x3FB1]  }
0x3d: {  	_ =	shalt  }
0x3e: {  	_ =	shalt  }
0x3f: {  	_ =	shalt  }
0x40: {  	_ =	shalt  }
0x41: {  	_ =	shalt  }
0x42: {  	_ =	shalt  }
0x43: {  	_ =	shalt  }
0x44: {  	_ =	shalt  }
0x45: {  	_ =	shalt  }
0x46: {  	_ =	shalt  }
0x47: {  	_ =	shalt  }
0x48: {  	_ =	shalt  }
0x49: {  	_ =	shalt  }
0x4a: {  	_ =	shalt  }
0x4b: {  	_ =	shalt  }
0x4c: {  	_ =	shalt  }
0x4d: {  	_ =	shalt  }
0x4e: {  	_ =	shalt  }
0x4f: {  	_ =	shalt  }
0x50: {  	_ =	shalt  }
0x51: {  	_ =	shalt  }
0x52: {  	_ =	shalt  }
0x53: {  	_ =	shalt  }
0x54: {  	_ =	shalt  }
0x55: {  	_ =	shalt  }
0x56: {  	_ =	shalt  }
0x57: {  	_ =	shalt  }
0x58: {  	_ =	shalt  }
0x59: {  	_ =	shalt  }
0x5a: {  	_ =	shalt  }
0x5b: {  	_ =	shalt  }
0x5c: {  	_ =	shalt  }
0x5d: {  	_ =	shalt  }
0x5e: {  	_ =	shalt  }
0x5f: {  	_ =	shalt  }
0x60: {  	_ =	shalt  }
0x61: {  	_ =	shalt  }
0x62: {  	_ =	shalt  }
0x63: {  	_ =	shalt  }
0x64: {  	_ =	shalt  }
0x65: {  	_ =	shalt  }
0x66: {  	_ =	shalt  }
0x67: {  	_ =	shalt  }
0x68: {  	_ =	shalt  }
0x69: {  	_ =	shalt  }
0x6a: {  	_ =	shalt  }
0x6b: {  	_ =	shalt  }
0x6c: {  	_ =	shalt  }
0x6d: {  	_ =	shalt  }
0x6e: {  	_ =	shalt  }
0x6f: {  	_ =	shalt  }
0x70: {  	_ =	shalt  }
0x71: {  	_ =	shalt  }
0x72: {  	_ =	shalt  }
0x73: {  	_ =	shalt  }
0x74: {  	_ =	shalt  }
0x75: {  	_ =	shalt  }
0x76: {  	_ =	shalt  }
0x77: {  	_ =	shalt  }
0x78: {  	_ =	shalt  }
0x79: {  	_ =	shalt  }
0x7a: {  	_ =	shalt  }
0x7b: {  	_ =	shalt  }
0x7c: {  	_ =	shalt  }
0x7d: {  	_ =	shalt  }
0x7e: {  	_ =	shalt  }
0x7f: {  	_ =	shalt  }
0x80: {  	_ =	shalt  }
0x81: {  	_ =	shalt  }
0x82: {  	_ =	shalt  }
0x83: {  	_ =	shalt  }
0x84: {  	_ =	shalt  }
0x85: {  	_ =	shalt  }
0x86: {  	_ =	shalt  }
0x87: {  	_ =	shalt  }
.Lfunc_end0:
.L_simem_size_0:
called_computation.4_lowered:
.L_overlay_start_0:
0x88: {  	s2 =	sld [smem:$0x3FD9]  }
0x89: {  	s3 =	sld [smem:$0x3FFE];
	_ =	sdelay $0x1  }
0x8a: {  	s1 =	srdreg.scid  }
0x8b: {  	s0 =	sand.u32 $0x1, s1  }
0x8c: {  	s17 =	sshll.u32 s0, $0xA;
	s2 =	sadd.s32 s3, s2  }
0x8d: {  	s2 =	sadd.s32 s2, s17  }
0x8e: {  	[smem:$0x3FBD] =	sst s2  }
0x8f: {  	_ = 	snop  }
0x90: {  	(tm) =	ssettm $0x1  }
0x91: {  	s18 =	sld [smem:$0x3FFB];
	_ =	sdelay $0x3  }
0x92: {  	_ =	strace s18  }
0x93: {  	s2 =	sld [smem:$0x3FFC];
	_ =	sdelay $0x3  }
0x94: {  	_ =	strace s2  }
0x95: {  	s2 =	sld [smem:$0x3FFD];
	_ =	sdelay $0x3  }
0x96: {  	_ =	strace s2  }
0x97: {  	_ =	strace $0x8FFFFFFF  }
0x98: {  	s19 =	sld [smem:$0x3FDB];
	_ =	sdelay $0x1  }
0x99: {  	s20 =	simm.s32 $_scs_section_size  }
0x9a: {  	s4 =	simm.s32 $_size__tile_overlayer_lowered;
	s5 =	simm.s32 $_tile_overlayer_lowered  }
0x9b: {  	s6 =	simm.s32 $0x1BFF;
	s21 =	sshll.u32 s5, $0x1;
	s3 =	sadd.s32 s20, s19  }
0x9c: {  	s22 =	simm.s32 $0x0;
	s4 =	sshll.u32 s4, $0x1;
	s5 =	sadd.s32 s21, s3  }
0x9d: {  	[timem:s22], [sflag:s6] =	dma.local [hbm:s5], s4  }
0x9e: {  	_ =	swait.ge [sflag:s6], s4  }
0x9f: {  	s4 =	ssub.s32 $0x0, s4;
	[sflag:s6] =	ssyncset.done $0x0  }
0xa0: {  	[sflag:s6] =	ssyncadd.s32 s4;
	_ =	sdelay $0x1  }
0xa1: {  	s23 =	simm.s32 $0x1B8B  }
0xa2: {  	_ =	swait.ge [sflag:s23], $0x1  }
0xa3: {  	[sflag:s23] =	ssyncset.done $0x0  }
0xa4: {  	[sflag:s23] =	ssyncadd.s32 $0xFFFFFFFF  }
0xa5: {  	s4 =	sld [smem:$0x0]  }
0xa6: {  	s5 =	sand.u32 $0xFFFFFFFE, s1  }
0xa7: {  	p0 =	sne.s32 s1, s5  }
0xa8: {  	s5 =	sshll.u32 @p0 s5, $0xE  }
0xa9: {  	s5 =	sadd.s32 @p0 $0x11B8D, s5;
	s6 =	sshll.u32 @p0 s4, $0x11  }
0xaa: {  	s5 =	sor.u32 @p0 s6, s5  }
0xab: {  	[sflag:s5] =	ssyncadd.remote.s32 @p0 $0x1;
	_ =	sdelay $0x1  }
0xac: {  	s5 =	simm.s32 @p0 $0x1B8D  }
0xad: {  	_ =	swait.eq @p0 [sflag:s5], $0x1  }
0xae: {  	[sflag:s5] =	ssyncadd.s32 @p0 $0xFFFFFFFF  }
0xaf: {  	s6 =	sshll.u32 @!p0 s1, $0xE  }
0xb0: {  	s6 =	sor.u32 @!p0 $0x4000, s6;
	s5 =	simm.s32 @!p0 $0x1B8D  }
0xb1: {  	s4 =	sshll.u32 @!p0 s4, $0x11;
	s6 =	sadd.s32 @!p0 $0x11B8D, s6;
	_ =	swait.eq @!p0 [sflag:s5], $0x1  }
0xb2: {  	s4 =	sor.u32 @!p0 s4, s6;
	[sflag:s5] =	ssyncadd.s32 @!p0 $0xFFFFFFFF  }
0xb3: {  	s25 =	simm.s32 $0x1B8E;
	s24 =	sld [smem:$0x3FFE];
	[sflag:s4] =	ssyncadd.remote.s32 @!p0 $0x1  }
0xb4: {  	s26 =	simm.s32 $execute0_lowered;
	[smem:$0x3FD2] =	sst s25  }
0xb5: {  	s5 =	sshll.u32 s26, $0x1;
	_ =	strace $0x80000052;
	[dreg:$0x1] =	wrdreg $0xFFFFFFFF  }
0xb6: {  	s28 =	simm.s32 $_size_execute0_lowered;
	s3 =	sadd.s32 s3, s5;
	[dreg:$0x0] =	wrdreg $0x0  }
0xb7: {  	s5 =	sshll.u32 s28, $0x1;
	[dreg:$0x2] =	wrdreg s3  }
0xb8: {  	[dreg:$0x3] =	wrdreg s5  }
0xb9: {  	[dreg:$0x4] =	wrdreg $0xC0  }
0xba: {  	_ =	task [dreg:s22], $0x5FFFF  }
0xbb: {  	[dreg:$0x1] =	wrdreg $0xFFFFFFFF  }
0xbc: {  	[dreg:$0x0] =	wrdreg $0x60  }
0xbd: {  	[dreg:$0x2] =	wrdreg s24  }
0xbe: {  	[dreg:$0x3] =	wrdreg $0xD8000  }
0xbf: {  	[dreg:$0x4] =	wrdreg $0xA  }
0xc0: {  	_ =	task.clear_ibuf [dreg:s22], $0x5FFFF;
	_ =	strace $0x90000052  }
0xc1: {  	s29 =	simm.s32 $0xA;
	_ =	strace $0x80000054  }
0xc2: {  	_ =	swait.ge [sflag:s29], $0x1  }
0xc3: {  	[sflag:s29] =	ssyncadd.s32 $0xFFFFFFFF  }
0xc4: {  	_ =	strace $0x90000054  }
0xc5: {  	_ =	sfence  }
0xc6: {  	s30 =	sld [smem:$0x0];
	_ =	sdelay $0x2  }
0xc7: {  	s31 =	sshll.u32 s1, $0xD;
	s1 =	sshrl.u32 s1, $0x2  }
0xc8: {  	s4 =	sand.u32 $0x4000, s31;
	s1 =	sadd.s32 s1, s30  }
0xc9: {  	s0 =	sor.u32 s4, s0;
	s1 =	sshll.u32 s1, $0x11  }
0xca: {  	s0 =	sor.u32 s1, s0  }
0xcb: {  	s0 =	sadd.s32 $0x8F2B, s0  }
0xcc: {  	[sflag:s0] =	ssyncadd.remote.s32 $0x1  }
0xcd: {  	_ =	sfence.sel $0xFFFF  }
0xce: {  	[dreg:$0x0] =	wrdreg $0xFFFFFFFF;
	(pc) =	sbr.abs _section_cstart, $3  }
0xcf: {  	[dreg:$0x1] =	wrdreg $0xFFFFFFFF  }
0xd0: {  	_ =	task.clear_ibuf [dreg:s22], $0x2FFFF;
	_ =	strace $0x9FFFFFFF  }
0xd1: {  	(tm) =	ssettm $0x7FFFFFFF  }
tec
execute0_lowered:
.L_overlay_start_1:
0x0: {  	(tag) =	ssettag $0x1  }
0x1: {  	s5 =	rddreg [dreg:$0x0]  }
0x2: {  	s1 =	rddreg [dreg:$0x1];
	s2 =	simm.s32 $0x0;
	s3 =	srdreg.scid  }
0x3: {  	s0 =	stileid.u32;
	s18 =	simm.s32 $0xC800;
	s19 =	simm.s32 $0x3  }
0x4: {  	s20 =	simm.s32 $0x6400;
	s21 =	simm.s32 $0x80;
	s22 =	simm.s32 $0xD000  }
0x5: {  	s28 =	simm.s32 $0xC780;
	s29 =	simm.s32 $0x0;
	s7 =	smul.u32 $0x32000, s0  }
0x6: {  	[smem:$0x7FF] =	sst s2;
	s10 =	sand.u32 $0x1, s3;
	s23 =	smul.u32 $0xC80, s0  }
0x7: {  	s8 =	sadd.s32 $0x36800, s5;
	s9 =	sadd.s32 $0x176600, s5;
	s31 =	smul.u32 $0x1900, s0  }
0x8: {  	s14 =	sadd.s32 $0x20A200, s5;
	s4 =	sshll.u32 s10, $0x4;
	s15 =	smul.u32 $0xC800, s10  }
0x9: {  	_ =	strace $0x80000053;
	s30 =	smul.u32 $0x19000, s10;
	s6 =	sor.u32 s0, s4  }
0xa: {  	s11 =	ssub.s32 $0x2, s10;
	s4 =	sadd.s32 $0x1A8600, s5;
	s12 =	smul.u32 $0x1900, s6  }
0xb: {  	s13 =	sshrl.u32 s11, $0x1;
	s24 =	sshrl.u32 s7, $0x2;
	s6 =	smul.u32 $0xC800, s6  }
0xc: {  	s13 =	ssub.s32 s11, s13;
	s5 =	sadd.s32 s24, s1;
	s11 =	sadd.s32 s23, s15  }
0xd: {  	s17 =	sadd.s32 s30, s14;
	s23 =	simm.s32 $0x1;
	s24 =	simm.s32 $0x2  }
0xe: {  	s11 =	sshll.u32 s11, $0x1;
	s13 =	smax.u32 s13, $0x1;
	s25 =	sshrl.u32 s6, $0x3  }
0xf: {  	s26 =	sadd.s32 s8, s12;
	s7 =	sadd.s32 s9, s12;
	s10 =	sadd.s32 s14, s11  }
0x10: {  	s11 =	sadd.s32 $0xC000, s5;
	s14 =	sadd.s32 $0xB800, s5;
	[dreg:$0x3] =	wrdreg s26  }
0x11: {  	s16 =	sadd.s32 $0xC80, s25;
	s12 =	sadd.s32 $0x1800, s10;
	s15 =	sadd.s32 $0x1700, s10  }
0x12: {  	s25 =	simm.s32 $0x6380;
	s26 =	simm.s32 $0xC700;
	s8 =	sadd.s32 s8, s16  }
0x13: {  	v0 =	vimm.f32 $0.0e+00;
	s9 =	sadd.s32 s9, s16;
	s16 =	sadd.s32 s31, s17;
	s17 =	sadd.s32 $0x800, s5  }
.LBB2_1:
0x14: {  	s30 =	simm.s32 $0x0  }
.LBB2_2:
0x15: {  	p0 =	sne.s32 s30, $0x1FC0  }
.Ltmp0:
0x16: {  	_ = 	snop;
	(pc) =	sbr.rel @p0 .LBB2_2-.Ltmp0, $3  }
0x17: {  	_ =	sdelay $0x1  }
0x18: {  	s31 =	sshra.s32 s30, $0x2  }
0x19: {  	s30 =	sadd.s32 $0x40, s30;
	[tilespmem:s31+$0xC800] =	vst v0  }
0x1a: {  	s30 =	sadd.s32 $0x0, s5  }
0x1b: {  	[spmem:s30] =	stream.linear.scatter [tilespmem:s18], [sflag:$0x3], $0x800, $0x38;
	[tilespmem:$0x1A000] =	vst v63  }
0x1c: {  	s30 =	simm.s32 $0x2000;
	_ =	swait.ge [sflag:s19], $0x800  }
.LBB2_4:
0x1d: {  	s31 =	sshra.s32 s30, $0x2;
	[sflag:s19] =	ssyncset.done $0x0;
	p0 =	sne.s32 s30, $0x30000  }
.Ltmp1:
0x1e: {  	s31 =	sadd.s32 s31, s5;
	[sflag:s19] =	ssyncadd.s32 $0xFFFFF800;
	(pc) =	sbr.rel @p0 .LBB2_4-.Ltmp1, $3  }
0x1f: {  	[spmem:s31] =	stream.linear.scatter [tilespmem:s18], [sflag:$0x3], $0x800, $0x38;
	[tilespmem:$0x1A000] =	vst v63  }
0x20: {  	s30 =	sadd.s32 $0x2000, s30;
	_ =	sdelay $0x1  }
0x21: {  	_ =	swait.ge [sflag:s19], $0x800  }
0x22: {  	[sflag:s19] =	ssyncset.done $0x0  }
0x23: {  	[sflag:s19] =	ssyncadd.s32 $0xFFFFF800  }
0x24: {  	[bflag:$0x0] =	sbarrier.arrive $0xFFFF  }
0x25: {  	s30 =	simm.s32 $0x0;
	s0 =	rddreg [dreg:$0x3]  }
0x26: {  	[tilespmem:s30], [sflag:$0x3] =	stream.linear.gather [hbm4b:s0+s30], $0x6400, $0x38;
	[tilespmem:$0x1A000] =	vst v63  }
0x27: {  	_ =	swait.ge [sflag:s19], $0x6400  }
0x28: {  	[sflag:s19] =	ssyncset.done $0x0  }
0x29: {  	[sflag:s19] =	ssyncadd.s32 $0xFFFF9C00  }
0x2a: {  	[tilespmem:s20], [sflag:$0x3] =	stream.linear.gather [hbm4b:s7+s30], $0x6400, $0x38;
	[tilespmem:$0x1A000] =	vst v63  }
0x2b: {  	_ =	swait.ge [sflag:s19], $0x6400  }
0x2c: {  	[sflag:s19] =	ssyncset.done $0x0  }
0x2d: {  	[sflag:s19] =	ssyncadd.s32 $0xFFFF9C00  }
0x2e: {  	[tilespmem:s18], [sflag:$0x1] =	stream.indirect.gather [hbm4b:s4+s21], $0x10, s30, s21, $0xb8;
	[tilespmem:$0x1A000] =	vst v63  }
0x2f: {  	s30 =	simm.s32 $0x80  }
0x30: {  	[tilespmem:s22], [sflag:$0x2] =	stream.indirect.gather [hbm4b:s4+s21], $0x10, s30, s21, $0xb8;
	[tilespmem:$0x1A000] =	vst v63  }
0x31: {  	_ =	swait.ge [sflag:s23], $0x800  }
0x32: {  	[sflag:s23] =	ssyncset.done $0x0  }
0x33: {  	s30 =	simm.s32 $0x6400;
	[sflag:s23] =	ssyncadd.s32 $0xFFFFF800  }
0x34: {  	[spmem:s1] =	stream.indirect.scatter.add.f32 [tilespmem:s18], [sflag:$0x3], $0x10, s30, s21, $0xb8;
	[tilespmem:$0x1A000] =	vst v63  }
0x35: {  	_ =	swait.ge [sflag:s19], $0x800  }
0x36: {  	[sflag:s19] =	ssyncset.done $0x0  }
0x37: {  	s30 =	simm.s32 $0x100;
	[sflag:s19] =	ssyncadd.s32 $0xFFFFF800  }
0x38: {  	[tilespmem:s18], [sflag:$0x1] =	stream.indirect.gather [hbm4b:s4+s21], $0x10, s30, s21, $0xb8;
	[tilespmem:$0x1A000] =	vst v63  }
0x39: {  	_ =	swait.ge [sflag:s24], $0x800  }
0x3a: {  	[sflag:s24] =	ssyncset.done $0x0  }
0x3b: {  	s30 =	simm.s32 $0x6480;
	[sflag:s24] =	ssyncadd.s32 $0xFFFFF800  }
0x3c: {  	[spmem:s1] =	stream.indirect.scatter.add.f32 [tilespmem:s22], [sflag:$0x3], $0x10, s30, s21, $0xb8;
	[tilespmem:$0x1A000] =	vst v63  }
0x3d: {  	_ =	swait.ge [sflag:s19], $0x800  }
0x3e: {  	s31 =	simm.s32 $0x800;
	s30 =	simm.s32 $0x100;
	[sflag:s19] =	ssyncset.done $0x0  }
.LBB2_6:
0x3f: {  	s0 =	sadd.s32 $0x80, s30  }
0x40: {  	[sflag:s19] =	ssyncadd.s32 $0xFFFFF800;
	s3 =	smov.u32 s31;
	s6 =	sadd.s32 $0x400, s31  }
0x41: {  	[tilespmem:s22], [sflag:$0x2] =	stream.indirect.gather [hbm4b:s4+s21], $0x10, s0, s21, $0xb8;
	[tilespmem:$0x1A000] =	vst v63  }
0x42: {  	p0 =	sne.s32 s31, $0x18800;
	_ =	swait.ge [sflag:s23], $0x800  }
0x43: {  	[sflag:s23] =	ssyncset.done $0x0  }
0x44: {  	s0 =	sadd.s32 $0x6400, s30;
	[sflag:s23] =	ssyncadd.s32 $0xFFFFF800  }
0x45: {  	[spmem:s1] =	stream.indirect.scatter.add.f32 [tilespmem:s18], [sflag:$0x3], $0x10, s0, s21, $0xb8;
	[tilespmem:$0x1A000] =	vst v63  }
0x46: {  	_ =	swait.ge [sflag:s19], $0x800  }
0x47: {  	[sflag:s19] =	ssyncset.done $0x0  }
0x48: {  	s0 =	sadd.s32 $0x100, s30;
	[sflag:s19] =	ssyncadd.s32 $0xFFFFF800  }
0x49: {  	[tilespmem:s18], [sflag:$0x1] =	stream.indirect.gather [hbm4b:s4+s21], $0x10, s0, s21, $0xb8;
	[tilespmem:$0x1A000] =	vst v63  }
0x4a: {  	_ =	swait.ge [sflag:s24], $0x800  }
.Ltmp2:
0x4b: {  	[sflag:s24] =	ssyncset.done $0x0;
	(pc) =	sbr.rel @p0 .LBB2_6-.Ltmp2, $4  }
0x4c: {  	s0 =	sadd.s32 $0x6480, s30;
	[sflag:s24] =	ssyncadd.s32 $0xFFFFF800  }
0x4d: {  	[spmem:s1] =	stream.indirect.scatter.add.f32 [tilespmem:s22], [sflag:$0x3], $0x10, s0, s21, $0xb8;
	[tilespmem:$0x1A000] =	vst v63  }
0x4e: {  	_ =	swait.ge [sflag:s19], $0x800  }
0x4f: {  	s31 =	smov.u32 s6;
	s30 =	sshra.s32 s3, $0x2;
	[sflag:s19] =	ssyncset.done $0x0  }
0x50: {  	s0 =	sadd.s32 $0x80, s30;
	[sflag:s19] =	ssyncadd.s32 $0xFFFFF800  }
0x51: {  	[tilespmem:s22], [sflag:$0x2] =	stream.indirect.gather [hbm4b:s4+s21], $0x10, s0, s21, $0xb8;
	[tilespmem:$0x1A000] =	vst v63  }
0x52: {  	_ =	swait.ge [sflag:s23], $0x800  }
0x53: {  	[sflag:s23] =	ssyncset.done $0x0  }
0x54: {  	s3 =	sadd.s32 $0x6400, s30;
	[sflag:s23] =	ssyncadd.s32 $0xFFFFF800  }
0x55: {  	[spmem:s1] =	stream.indirect.scatter.add.f32 [tilespmem:s18], [sflag:$0x3], $0x10, s3, s21, $0xb8;
	[tilespmem:$0x1A000] =	vst v63  }
0x56: {  	_ =	swait.ge [sflag:s19], $0x800  }
0x57: {  	[sflag:s19] =	ssyncset.done $0x0  }
0x58: {  	s6 =	sadd.s32 $0x100, s30;
	[sflag:s19] =	ssyncadd.s32 $0xFFFFF800  }
0x59: {  	[tilespmem:s18], [sflag:$0x1] =	stream.indirect.gather [hbm4b:s4+s21], $0x10, s6, s21, $0xb8;
	[tilespmem:$0x1A000] =	vst v63  }
0x5a: {  	_ =	swait.ge [sflag:s24], $0x800  }
0x5b: {  	[sflag:s24] =	ssyncset.done $0x0  }
0x5c: {  	s3 =	sadd.s32 $0x6480, s30;
	[sflag:s24] =	ssyncadd.s32 $0xFFFFF800  }
0x5d: {  	[spmem:s1] =	stream.indirect.scatter.add.f32 [tilespmem:s22], [sflag:$0x3], $0x10, s3, s21, $0xb8;
	[tilespmem:$0x1A000] =	vst v63  }
0x5e: {  	_ =	swait.ge [sflag:s19], $0x800  }
0x5f: {  	[sflag:s19] =	ssyncset.done $0x0  }
0x60: {  	[sflag:s19] =	ssyncadd.s32 $0xFFFFF800  }
0x61: {  	[tilespmem:s22], [sflag:$0x2] =	stream.indirect.gather [hbm4b:s4+s21], $0x10, s25, s21, $0xb8;
	[tilespmem:$0x1A000] =	vst v63  }
0x62: {  	_ =	swait.ge [sflag:s23], $0x800  }
0x63: {  	[sflag:s23] =	ssyncset.done $0x0  }
0x64: {  	[sflag:s23] =	ssyncadd.s32 $0xFFFFF800  }
0x65: {  	[spmem:s1] =	stream.indirect.scatter.add.f32 [tilespmem:s18], [sflag:$0x3], $0x10, s26, s21, $0xb8;
	[tilespmem:$0x1A000] =	vst v63  }
0x66: {  	_ =	swait.ge [sflag:s19], $0x800  }
0x67: {  	[sflag:s19] =	ssyncset.done $0x0  }
0x68: {  	[sflag:s19] =	ssyncadd.s32 $0xFFFFF800  }
0x69: {  	_ =	swait.ge [sflag:s24], $0x800  }
0x6a: {  	[sflag:s24] =	ssyncset.done $0x0  }
0x6b: {  	[sflag:s24] =	ssyncadd.s32 $0xFFFFF800  }
0x6c: {  	[spmem:s1] =	stream.indirect.scatter.add.f32 [tilespmem:s22], [sflag:$0x3], $0x10, s28, s21, $0xb8;
	[tilespmem:$0x1A000] =	vst v63  }
0x6d: {  	_ =	swait.ge [sflag:s19], $0x800  }
0x6e: {  	[sflag:s19] =	ssyncset.done $0x0  }
0x6f: {  	s6 =	simm.s32 $0x0;
	[sflag:s19] =	ssyncadd.s32 $0xFFFFF800  }
0x70: {  	[tilespmem:s6], [sflag:$0x3] =	stream.linear.gather [hbm4b:s8+s6], $0x6400, $0x38;
	[tilespmem:$0x1A000] =	vst v63  }
0x71: {  	_ =	swait.ge [sflag:s19], $0x6400  }
0x72: {  	[sflag:s19] =	ssyncset.done $0x0  }
0x73: {  	[sflag:s19] =	ssyncadd.s32 $0xFFFF9C00  }
0x74: {  	[tilespmem:s20], [sflag:$0x3] =	stream.linear.gather [hbm4b:s9+s6], $0x6400, $0x38;
	[tilespmem:$0x1A000] =	vst v63  }
0x75: {  	_ =	swait.ge [sflag:s19], $0x6400  }
0x76: {  	[sflag:s19] =	ssyncset.done $0x0  }
0x77: {  	[sflag:s19] =	ssyncadd.s32 $0xFFFF9C00  }
0x78: {  	[tilespmem:s18], [sflag:$0x1] =	stream.indirect.gather [hbm4b:s4+s21], $0x10, s6, s21, $0xb8;
	[tilespmem:$0x1A000] =	vst v63  }
0x79: {  	s3 =	simm.s32 $0x80  }
0x7a: {  	[tilespmem:s22], [sflag:$0x2] =	stream.indirect.gather [hbm4b:s4+s21], $0x10, s3, s21, $0xb8;
	[tilespmem:$0x1A000] =	vst v63  }
0x7b: {  	_ =	swait.ge [sflag:s23], $0x800  }
0x7c: {  	[sflag:s23] =	ssyncset.done $0x0  }
0x7d: {  	s6 =	simm.s32 $0x6400;
	[sflag:s23] =	ssyncadd.s32 $0xFFFFF800  }
0x7e: {  	[spmem:s1] =	stream.indirect.scatter.add.f32 [tilespmem:s18], [sflag:$0x3], $0x10, s6, s21, $0xb8;
	[tilespmem:$0x1A000] =	vst v63  }
0x7f: {  	_ =	swait.ge [sflag:s19], $0x800  }
0x80: {  	[sflag:s19] =	ssyncset.done $0x0  }
0x81: {  	s3 =	simm.s32 $0x100;
	[sflag:s19] =	ssyncadd.s32 $0xFFFFF800  }
0x82: {  	[tilespmem:s18], [sflag:$0x1] =	stream.indirect.gather [hbm4b:s4+s21], $0x10, s3, s21, $0xb8;
	[tilespmem:$0x1A000] =	vst v63  }
0x83: {  	_ =	swait.ge [sflag:s24], $0x800  }
0x84: {  	[sflag:s24] =	ssyncset.done $0x0  }
0x85: {  	s6 =	simm.s32 $0x6480;
	[sflag:s24] =	ssyncadd.s32 $0xFFFFF800  }
0x86: {  	[spmem:s1] =	stream.indirect.scatter.add.f32 [tilespmem:s22], [sflag:$0x3], $0x10, s6, s21, $0xb8;
	[tilespmem:$0x1A000] =	vst v63  }
0x87: {  	_ =	swait.ge [sflag:s19], $0x800  }
0x88: {  	s31 =	simm.s32 $0x800;
	s30 =	simm.s32 $0x100;
	[sflag:s19] =	ssyncset.done $0x0  }
.LBB2_8:
0x89: {  	s0 =	sadd.s32 $0x80, s30  }
0x8a: {  	[sflag:s19] =	ssyncadd.s32 $0xFFFFF800;
	s3 =	smov.u32 s31;
	s6 =	sadd.s32 $0x400, s31  }
0x8b: {  	[tilespmem:s22], [sflag:$0x2] =	stream.indirect.gather [hbm4b:s4+s21], $0x10, s0, s21, $0xb8;
	[tilespmem:$0x1A000] =	vst v63  }
0x8c: {  	p0 =	sne.s32 s31, $0x18800;
	_ =	swait.ge [sflag:s23], $0x800  }
0x8d: {  	[sflag:s23] =	ssyncset.done $0x0  }
0x8e: {  	s0 =	sadd.s32 $0x6400, s30;
	[sflag:s23] =	ssyncadd.s32 $0xFFFFF800  }
0x8f: {  	[spmem:s1] =	stream.indirect.scatter.add.f32 [tilespmem:s18], [sflag:$0x3], $0x10, s0, s21, $0xb8;
	[tilespmem:$0x1A000] =	vst v63  }
0x90: {  	_ =	swait.ge [sflag:s19], $0x800  }
0x91: {  	[sflag:s19] =	ssyncset.done $0x0  }
0x92: {  	s0 =	sadd.s32 $0x100, s30;
	[sflag:s19] =	ssyncadd.s32 $0xFFFFF800  }
0x93: {  	[tilespmem:s18], [sflag:$0x1] =	stream.indirect.gather [hbm4b:s4+s21], $0x10, s0, s21, $0xb8;
	[tilespmem:$0x1A000] =	vst v63  }
0x94: {  	_ =	swait.ge [sflag:s24], $0x800  }
.Ltmp3:
0x95: {  	[sflag:s24] =	ssyncset.done $0x0;
	(pc) =	sbr.rel @p0 .LBB2_8-.Ltmp3, $4  }
0x96: {  	s0 =	sadd.s32 $0x6480, s30;
	[sflag:s24] =	ssyncadd.s32 $0xFFFFF800  }
0x97: {  	[spmem:s1] =	stream.indirect.scatter.add.f32 [tilespmem:s22], [sflag:$0x3], $0x10, s0, s21, $0xb8;
	[tilespmem:$0x1A000] =	vst v63  }
0x98: {  	_ =	swait.ge [sflag:s19], $0x800  }
0x99: {  	s31 =	smov.u32 s6;
	s30 =	sshra.s32 s3, $0x2;
	[sflag:s19] =	ssyncset.done $0x0  }
0x9a: {  	s0 =	sadd.s32 $0x80, s30;
	[sflag:s19] =	ssyncadd.s32 $0xFFFFF800  }
0x9b: {  	[tilespmem:s22], [sflag:$0x2] =	stream.indirect.gather [hbm4b:s4+s21], $0x10, s0, s21, $0xb8;
	[tilespmem:$0x1A000] =	vst v63  }
0x9c: {  	_ =	swait.ge [sflag:s23], $0x800  }
0x9d: {  	[sflag:s23] =	ssyncset.done $0x0  }
0x9e: {  	s6 =	sadd.s32 $0x6400, s30;
	[sflag:s23] =	ssyncadd.s32 $0xFFFFF800  }
0x9f: {  	[spmem:s1] =	stream.indirect.scatter.add.f32 [tilespmem:s18], [sflag:$0x3], $0x10, s6, s21, $0xb8;
	[tilespmem:$0x1A000] =	vst v63  }
0xa0: {  	_ =	swait.ge [sflag:s19], $0x800  }
0xa1: {  	[sflag:s19] =	ssyncset.done $0x0  }
0xa2: {  	s3 =	sadd.s32 $0x100, s30;
	[sflag:s19] =	ssyncadd.s32 $0xFFFFF800  }
0xa3: {  	[tilespmem:s18], [sflag:$0x1] =	stream.indirect.gather [hbm4b:s4+s21], $0x10, s3, s21, $0xb8;
	[tilespmem:$0x1A000] =	vst v63  }
0xa4: {  	_ =	swait.ge [sflag:s24], $0x800  }
0xa5: {  	[sflag:s24] =	ssyncset.done $0x0  }
0xa6: {  	s6 =	sadd.s32 $0x6480, s30;
	[sflag:s24] =	ssyncadd.s32 $0xFFFFF800  }
0xa7: {  	[spmem:s1] =	stream.indirect.scatter.add.f32 [tilespmem:s22], [sflag:$0x3], $0x10, s6, s21, $0xb8;
	[tilespmem:$0x1A000] =	vst v63  }
0xa8: {  	_ =	swait.ge [sflag:s19], $0x800  }
0xa9: {  	[sflag:s19] =	ssyncset.done $0x0  }
0xaa: {  	[sflag:s19] =	ssyncadd.s32 $0xFFFFF800  }
0xab: {  	[tilespmem:s22], [sflag:$0x2] =	stream.indirect.gather [hbm4b:s4+s21], $0x10, s25, s21, $0xb8;
	[tilespmem:$0x1A000] =	vst v63  }
0xac: {  	_ =	swait.ge [sflag:s23], $0x800  }
0xad: {  	[sflag:s23] =	ssyncset.done $0x0  }
0xae: {  	[sflag:s23] =	ssyncadd.s32 $0xFFFFF800  }
0xaf: {  	[spmem:s1] =	stream.indirect.scatter.add.f32 [tilespmem:s18], [sflag:$0x3], $0x10, s26, s21, $0xb8;
	[tilespmem:$0x1A000] =	vst v63  }
0xb0: {  	_ =	swait.ge [sflag:s19], $0x800  }
0xb1: {  	[sflag:s19] =	ssyncset.done $0x0  }
0xb2: {  	[sflag:s19] =	ssyncadd.s32 $0xFFFFF800  }
0xb3: {  	_ =	swait.ge [sflag:s24], $0x800  }
0xb4: {  	[sflag:s24] =	ssyncset.done $0x0  }
0xb5: {  	[sflag:s24] =	ssyncadd.s32 $0xFFFFF800  }
0xb6: {  	[spmem:s1] =	stream.indirect.scatter.add.f32 [tilespmem:s22], [sflag:$0x3], $0x10, s28, s21, $0xb8;
	[tilespmem:$0x1A000] =	vst v63  }
0xb7: {  	_ =	swait.ge [sflag:s19], $0x800  }
0xb8: {  	[sflag:s19] =	ssyncset.done $0x0  }
0xb9: {  	[sflag:s19] =	ssyncadd.s32 $0xFFFFF800  }
0xba: {  	[bflag:$0x0] =	sbarrier.arrive $0xFFFF  }
0xbb: {  	[tilespmem:s18], [sflag:$0x3] =	stream.linear.gather [spmem:s5], $0x800, $0x38;
	[tilespmem:$0x1A000] =	vst v63  }
0xbc: {  	_ =	swait.ge [sflag:s19], $0x800  }
0xbd: {  	[sflag:s19] =	ssyncset.done $0x0  }
0xbe: {  	s3 =	simm.s32 $0x0;
	[sflag:s19] =	ssyncadd.s32 $0xFFFFF800  }
0xbf: {  	[hbm4b:s10+s3] =	stream.linear.scatter [tilespmem:s18], [sflag:$0x1], $0x800, $0x38;
	[tilespmem:$0x1A000] =	vst v63  }
0xc0: {  	_ = 	snop  }
0xc1: {  	[tilespmem:s22], [sflag:$0x3] =	stream.linear.gather [spmem:s17], $0x800, $0x38;
	[tilespmem:$0x1A000] =	vst v63  }
0xc2: {  	_ =	swait.ge [sflag:s19], $0x800  }
0xc3: {  	s0 =	sadd.s32 $0x0, s16;
	[sflag:s19] =	ssyncset.done $0x0  }
0xc4: {  	s3 =	sadd.s32 $0x100, s0;
	[sflag:s19] =	ssyncadd.s32 $0xFFFFF800  }
0xc5: {  	[hbm4b:s3+s2] =	stream.linear.scatter [tilespmem:s22], [sflag:$0x2], $0x800, $0x38;
	[tilespmem:$0x1A000] =	vst v63  }
0xc6: {  	_ =	swait.ge [sflag:s23], $0x800  }
0xc7: {  	[sflag:s23] =	ssyncset.done $0x0  }
0xc8: {  	s6 =	sadd.s32 $0x800, s17;
	[sflag:s23] =	ssyncadd.s32 $0xFFFFF800  }
0xc9: {  	[tilespmem:s18], [sflag:$0x3] =	stream.linear.gather [spmem:s6], $0x800, $0x38;
	[tilespmem:$0x1A000] =	vst v63  }
0xca: {  	_ =	swait.ge [sflag:s19], $0x800  }
0xcb: {  	[sflag:s19] =	ssyncset.done $0x0  }
0xcc: {  	s0 =	sadd.s32 $0x200, s0;
	[sflag:s19] =	ssyncadd.s32 $0xFFFFF800  }
0xcd: {  	[hbm4b:s0+s2] =	stream.linear.scatter [tilespmem:s18], [sflag:$0x1], $0x800, $0x38;
	[tilespmem:$0x1A000] =	vst v63  }
0xce: {  	_ =	swait.ge [sflag:s24], $0x800  }
0xcf: {  	s31 =	smov.u32 s17;
	s30 =	simm.s32 $0x200;
	[sflag:s24] =	ssyncset.done $0x0  }
.LBB2_10:
0xd0: {  	p0 =	sne.s32 s30, $0x1400;
	[sflag:s24] =	ssyncadd.s32 $0xFFFFF800;
	s31 =	sadd.s32 $0x1000, s31  }
0xd1: {  	[tilespmem:s22], [sflag:$0x3] =	stream.linear.gather [spmem:s31], $0x800, $0x38;
	[tilespmem:$0x1A000] =	vst v63  }
0xd2: {  	s0 =	smov.u32 s30;
	s30 =	sadd.s32 $0x200, s30;
	_ =	swait.ge [sflag:s19], $0x800  }
0xd3: {  	s0 =	sadd.s32 s0, s16;
	[sflag:s19] =	ssyncset.done $0x0  }
0xd4: {  	s3 =	sadd.s32 $0x100, s0;
	[sflag:s19] =	ssyncadd.s32 $0xFFFFF800  }
0xd5: {  	[hbm4b:s3+s2] =	stream.linear.scatter [tilespmem:s22], [sflag:$0x2], $0x800, $0x38;
	[tilespmem:$0x1A000] =	vst v63  }
0xd6: {  	_ =	swait.ge [sflag:s23], $0x800  }
0xd7: {  	[sflag:s23] =	ssyncset.done $0x0  }
0xd8: {  	s3 =	sadd.s32 $0x800, s31;
	[sflag:s23] =	ssyncadd.s32 $0xFFFFF800  }
0xd9: {  	[tilespmem:s18], [sflag:$0x3] =	stream.linear.gather [spmem:s3], $0x800, $0x38;
	[tilespmem:$0x1A000] =	vst v63  }
0xda: {  	_ =	swait.ge [sflag:s19], $0x800  }
.Ltmp4:
0xdb: {  	[sflag:s19] =	ssyncset.done $0x0;
	(pc) =	sbr.rel @p0 .LBB2_10-.Ltmp4, $4  }
0xdc: {  	s0 =	sadd.s32 $0x200, s0;
	[sflag:s19] =	ssyncadd.s32 $0xFFFFF800  }
0xdd: {  	[hbm4b:s0+s2] =	stream.linear.scatter [tilespmem:s18], [sflag:$0x1], $0x800, $0x38;
	[tilespmem:$0x1A000] =	vst v63  }
0xde: {  	_ =	swait.ge [sflag:s24], $0x800  }
0xdf: {  	[sflag:s24] =	ssyncset.done $0x0  }
0xe0: {  	[sflag:s24] =	ssyncadd.s32 $0xFFFFF800  }
0xe1: {  	[tilespmem:s22], [sflag:$0x3] =	stream.linear.gather [spmem:s14], $0x800, $0x38;
	[tilespmem:$0x1A000] =	vst v63  }
0xe2: {  	_ =	swait.ge [sflag:s19], $0x800  }
0xe3: {  	[sflag:s19] =	ssyncset.done $0x0  }
0xe4: {  	[sflag:s19] =	ssyncadd.s32 $0xFFFFF800  }
0xe5: {  	[hbm4b:s15+s2] =	stream.linear.scatter [tilespmem:s22], [sflag:$0x2], $0x800, $0x38;
	[tilespmem:$0x1A000] =	vst v63  }
0xe6: {  	_ =	swait.ge [sflag:s23], $0x800  }
0xe7: {  	[sflag:s23] =	ssyncset.done $0x0  }
0xe8: {  	[sflag:s23] =	ssyncadd.s32 $0xFFFFF800  }
0xe9: {  	_ =	swait.ge [sflag:s24], $0x800  }
0xea: {  	[sflag:s24] =	ssyncset.done $0x0  }
0xeb: {  	[sflag:s24] =	ssyncadd.s32 $0xFFFFF800  }
0xec: {  	[tilespmem:s18], [sflag:$0x3] =	stream.linear.gather [spmem:s11], $0x800, $0x38;
	[tilespmem:$0x1A000] =	vst v63  }
0xed: {  	s29 =	sadd.s32 $0x1, s29;
	_ =	swait.ge [sflag:s19], $0x800  }
0xee: {  	p0 =	sne.s32 s29, s13;
	[sflag:s19] =	ssyncset.done $0x0  }
.Ltmp5:
0xef: {  	[sflag:s19] =	ssyncadd.s32 $0xFFFFF800;
	(pc) =	sbr.rel @p0 .LBB2_1-.Ltmp5, $4  }
0xf0: {  	[hbm4b:s12+s2] =	stream.linear.scatter [tilespmem:s18], [sflag:$0x1], $0x800, $0x38;
	[tilespmem:$0x1A000] =	vst v63  }
0xf1: {  	_ =	swait.ge [sflag:s23], $0x800  }
0xf2: {  	[sflag:s23] =	ssyncset.done $0x0  }
0xf3: {  	[sflag:s23] =	ssyncadd.s32 $0xFFFFF800  }
0xf4: {  	_ =	sfence.sel $0x180000  }
0xf5: {  	[bflag:$0x0] =	sbarrier.arrive $0xFFFF  }
0xf6: {  	_ =	strace $0x90000053  }
0xf7: {  	s0 =	stileid.u32;
	[bflag:$0x2] =	sbarrier.arrive $0xFFFF  }
0xf8: {  	p0 =	sne.s32 s0, $0x0;
	s0 =	rddreg [dreg:$0x2]  }
0xf9: {  	s0 =	sadd.s32 @!p0 $0x100000, s0  }
0xfa: {  	[sflag:s0] =	ssyncadd.tile.s32 @!p0 $0x1;
	_ =	shalt  }
.Lfunc_end2:
_tile_overlayer_lowered:
.L_overlay_start_2:
0xfb: {  	(tag) =	ssettag $0x2  }
0xfc: {  	s0 =	rddreg [dreg:$0x0];
	s2 =	stileid.u32  }
0xfd: {  	s1 =	rddreg [dreg:$0x1];
	p0 =	sne.s32 s2, $0x0  }
0xfe: {  	s3 =	rddreg [dreg:$0x2];
	[bflag:$0x3] =	sbarrier.arrive $0xFFFF;
	s2 =	simm.s32 @!p0 $0x1C03  }
0xff: {  	[timem:s3], [sflag:s2] =	dma.local @!p0 [hbm:s0], s1  }
0x100: {  	s0 =	simm.s32 @!p0 $0x3  }
0x101: {  	_ =	swait.ge @!p0 [sflag:s0], s1  }
0x102: {  	s1 =	ssub.s32 @!p0 $0x0, s1;
	[sflag:s0] =	ssyncset.done @!p0 $0x0  }
0x103: {  	[sflag:s0] =	ssyncadd.s32 @!p0 s1  }
0x104: {  	[bflag:$0x3] =	sbarrier.arrive $0xFFFF  }
0x105: {  	_ =	shalt  }

// kernel: kernel.27.cloned.1.call-start
scs
__scs_entry_jumppad:
0x0: {  	(pc) =	sbr.rel $0x88, $3  }
0x1: {  	(tag) =	ssettag $0x0;
	lr =	simm.s32 $0x1  }
0x2: {  	[smem:$0x3F96] =	sst lr;
	_ =	strace $0xD0000000  }
0x3: {  	_ = 	snop  }
0x4: {  	_ = 	snop  }
0x5: {  	_ = 	snop  }
0x6: {  	_ = 	snop  }
0x7: {  	_ = 	snop  }
__scs_overlays_trampoline_lowered:
0x8: {  	[smem:$0x3FA5] =	sst s0  }
0x9: {  	[smem:$0x3FA6] =	sst s1  }
0xa: {  	[smem:$0x3FA7] =	sst s2  }
0xb: {  	[smem:$0x3FA8] =	sst s3  }
0xc: {  	[smem:$0x3FA9] =	sst s4  }
0xd: {  	[smem:$0x3FAA] =	sst s5  }
0xe: {  	[smem:$0x3FAB] =	sst s6  }
0xf: {  	[smem:$0x3FAC] =	sst s7  }
0x10: {  	[smem:$0x3FAD] =	sst s8  }
0x11: {  	[smem:$0x3FAE] =	sst s9;
	s0 =	simm.s32 @!p0 $0x0  }
0x12: {  	s1 =	sld [smem:$0x3F94];
	s0 =	simm.s32 @p0 $0x1  }
0x13: {  	[smem:$0x3FAF] =	sst s0;
	s0 =	simm.s32 @!p1 $0x0  }
0x14: {  	s2 =	sld [smem:$0x3F93];
	s0 =	simm.s32 @p1 $0x1  }
0x15: {  	[smem:$0x3FB0] =	sst s0;
	s0 =	simm.s32 @!p2 $0x0  }
0x16: {  	s3 =	sld [smem:$0x3FDB];
	s0 =	simm.s32 @p2 $0x1  }
0x17: {  	s4 =	simm.s32 $0x1BF5;
	[smem:$0x3FB2] =	sst s0  }
0x18: {  	s0 =	sld [smem:$0x3F95];
	_ =	swait.ge [sflag:s4], $0x0  }
0x19: {  	s7 =	sld [smem:$0x3F96]  }
0x1a: {  	s8 =	sadd.s32 $0xFFFFE003, lr  }
0x1b: {  	s9 =	sadd.s32 $0xFFFFFEF7, lr;
	s5 =	simm.s32 $0xFFFFFFFF;
	p2 =	slt.u32 s8, $0xFFFFF086  }
0x1c: {  	p1 =	slt.u32 s9, $0xF7A;
	s5 =	simm.s32 @!p2 $0x0  }
0x1d: {  	s5 =	simm.s32 @p1 $0x1;
	p0 =	seq.s32 s7, s2  }
0x1e: {  	s7 =	smul.u32 @!p0 $0xF7A, s2;
	p2 =	seq.s32 @!p0 s5, $0x0  }
0x1f: {  	s9 =	smul.u32 $0xF7A, s1;
	s8 =	simm.s32 @!p0 $0x1BF5;
	p2 =	por !p2, p0  }
0x20: {  	[sflag:s8] =	ssyncset.s32 @!p0 $0xFFFFF086;
	s6 =	sadd.s32 @!p0 s3, s7;
	s7 =	simm.s32 @!p0 $0x108  }
0x21: {  	s3 =	sadd.s32 s3, s9;
	s6 =	sadd.s32 @!p0 $0x88, s6;
	s7 =	simm.s32 @p2 $0x1082  }
0x22: {  	[simem:s7], [sflag:s8] =	dma.local @!p0 [hbm:s6], $0xF7A  }
0x23: {  	s9 =	sor.u32 $0xD0000000, s2;
	s6 =	simm.s32 $0x108;
	_ =	swait.ge @!p0 [sflag:s8], $0x0  }
0x24: {  	s3 =	sadd.s32 $0x88, s3;
	s6 =	simm.s32 @!p1 $0x1082;
	[sflag:s4] =	ssyncset.s32 $0xFFFFF086  }
0x25: {  	[simem:s6], [sflag:s4] =	dma.local [hbm:s3], $0xF7A  }
0x26: {  	[smem:$0x3F96] =	sst s1;
	(tag) =	ssettag s2;
	_ =	strace s9  }
0x27: {  	s1 =	sld [smem:$0x3FA6]  }
0x28: {  	s2 =	sld [smem:$0x3FA7]  }
0x29: {  	s4 =	sld [smem:$0x3FA9]  }
0x2a: {  	p0 =	seq.s32 s5, $0x0;
	s5 =	sld [smem:$0x3FAA]  }
0x2b: {  	s6 =	sld [smem:$0x3FAB]  }
0x2c: {  	s7 =	sld [smem:$0x3FAC]  }
0x2d: {  	s3 =	simm.s32 $0x108;
	s8 =	sld [smem:$0x3FAD]  }
0x2e: {  	s3 =	simm.s32 @!p0 $0x1082;
	s9 =	sld [smem:$0x3FAE]  }
0x2f: {  	lr =	sadd.s32 s0, s3;
	s0 =	sld [smem:$0x3FA5]  }
0x30: {  	s3 =	sld [smem:$0x3FA8]  }
0x31: {  	[smem:$0x3FB1] =	sst s10  }
0x32: {  	s10 =	sld [smem:$0x3FAF];
	_ =	sdelay $0x3  }
0x33: {  	p0 =	seq.s32 s10, $0x1;
	s10 =	sld [smem:$0x3FB1];
	_ =	sdelay $0x3  }
0x34: {  	[smem:$0x3FB1] =	sst s10  }
0x35: {  	s10 =	sld [smem:$0x3FB0];
	_ =	sdelay $0x3  }
0x36: {  	p1 =	seq.s32 s10, $0x1;
	s10 =	sld [smem:$0x3FB1];
	_ =	sdelay $0x3  }
0x37: {  	[smem:$0x3FB1] =	sst s10  }
0x38: {  	s10 =	sld [smem:$0x3FB2]  }
0x39: {  	_ = 	snop;
	(pc) =	sbr.ind lr, $3  }
0x3a: {  	_ = 	snop  }
0x3b: {  	_ = 	snop  }
0x3c: {  	p2 =	seq.s32 s10, $0x1;
	s10 =	sld [smem:$0x3FB1]  }
0x3d: {  	_ =	shalt  }
0x3e: {  	_ =	shalt  }
0x3f: {  	_ =	shalt  }
0x40: {  	_ =	shalt  }
0x41: {  	_ =	shalt  }
0x42: {  	_ =	shalt  }
0x43: {  	_ =	shalt  }
0x44: {  	_ =	shalt  }
0x45: {  	_ =	shalt  }
0x46: {  	_ =	shalt  }
0x47: {  	_ =	shalt  }
0x48: {  	_ =	shalt  }
0x49: {  	_ =	shalt  }
0x4a: {  	_ =	shalt  }
0x4b: {  	_ =	shalt  }
0x4c: {  	_ =	shalt  }
0x4d: {  	_ =	shalt  }
0x4e: {  	_ =	shalt  }
0x4f: {  	_ =	shalt  }
0x50: {  	_ =	shalt  }
0x51: {  	_ =	shalt  }
0x52: {  	_ =	shalt  }
0x53: {  	_ =	shalt  }
0x54: {  	_ =	shalt  }
0x55: {  	_ =	shalt  }
0x56: {  	_ =	shalt  }
0x57: {  	_ =	shalt  }
0x58: {  	_ =	shalt  }
0x59: {  	_ =	shalt  }
0x5a: {  	_ =	shalt  }
0x5b: {  	_ =	shalt  }
0x5c: {  	_ =	shalt  }
0x5d: {  	_ =	shalt  }
0x5e: {  	_ =	shalt  }
0x5f: {  	_ =	shalt  }
0x60: {  	_ =	shalt  }
0x61: {  	_ =	shalt  }
0x62: {  	_ =	shalt  }
0x63: {  	_ =	shalt  }
0x64: {  	_ =	shalt  }
0x65: {  	_ =	shalt  }
0x66: {  	_ =	shalt  }
0x67: {  	_ =	shalt  }
0x68: {  	_ =	shalt  }
0x69: {  	_ =	shalt  }
0x6a: {  	_ =	shalt  }
0x6b: {  	_ =	shalt  }
0x6c: {  	_ =	shalt  }
0x6d: {  	_ =	shalt  }
0x6e: {  	_ =	shalt  }
0x6f: {  	_ =	shalt  }
0x70: {  	_ =	shalt  }
0x71: {  	_ =	shalt  }
0x72: {  	_ =	shalt  }
0x73: {  	_ =	shalt  }
0x74: {  	_ =	shalt  }
0x75: {  	_ =	shalt  }
0x76: {  	_ =	shalt  }
0x77: {  	_ =	shalt  }
0x78: {  	_ =	shalt  }
0x79: {  	_ =	shalt  }
0x7a: {  	_ =	shalt  }
0x7b: {  	_ =	shalt  }
0x7c: {  	_ =	shalt  }
0x7d: {  	_ =	shalt  }
0x7e: {  	_ =	shalt  }
0x7f: {  	_ =	shalt  }
0x80: {  	_ =	shalt  }
0x81: {  	_ =	shalt  }
0x82: {  	_ =	shalt  }
0x83: {  	_ =	shalt  }
0x84: {  	_ =	shalt  }
0x85: {  	_ =	shalt  }
0x86: {  	_ =	shalt  }
0x87: {  	_ =	shalt  }
.Lfunc_end0:
.L_simem_size_0:
called_computation.5_lowered:
.L_overlay_start_0:
0x88: {  	s2 =	sld [smem:$0x3FD9]  }
0x89: {  	s3 =	sld [smem:$0x3FFE];
	_ =	sdelay $0x1  }
0x8a: {  	s1 =	srdreg.scid  }
0x8b: {  	s0 =	sand.u32 $0x1, s1  }
0x8c: {  	s17 =	sshll.u32 s0, $0xA;
	s2 =	sadd.s32 s3, s2  }
0x8d: {  	s2 =	sadd.s32 s2, s17  }
0x8e: {  	[smem:$0x3FBD] =	sst s2  }
0x8f: {  	_ = 	snop  }
0x90: {  	s2 =	sld [smem:$0x3FD0];
	(tm) =	ssettm $0x1  }
0x91: {  	s18 =	sld [smem:$0x3FFB];
	_ =	sdelay $0x3  }
0x92: {  	_ =	strace s18  }
0x93: {  	s3 =	sld [smem:$0x3FFC];
	_ =	sdelay $0x3  }
0x94: {  	_ =	strace s3  }
0x95: {  	s3 =	sld [smem:$0x3FFD];
	_ =	sdelay $0x3  }
0x96: {  	_ =	strace s3  }
0x97: {  	_ =	strace $0x8FFFFFFF  }
0x98: {  	s19 =	sld [smem:$0x3FDB];
	_ =	sdelay $0x1  }
0x99: {  	s4 =	simm.s32 $_scs_section_size  }
0x9a: {  	s5 =	simm.s32 $_size__tile_overlayer_lowered;
	s6 =	simm.s32 $_tile_overlayer_lowered  }
0x9b: {  	s22 =	simm.s32 $0x1BFF;
	s21 =	sshll.u32 s6, $0x1;
	s3 =	sadd.s32 s4, s19  }
0x9c: {  	s7 =	simm.s32 $0x0;
	s20 =	sshll.u32 s5, $0x1;
	s5 =	sadd.s32 s21, s3  }
0x9d: {  	[timem:s7], [sflag:s22] =	dma.local [hbm:s5], s20  }
0x9e: {  	_ =	swait.ge [sflag:s22], s20  }
0x9f: {  	s4 =	ssub.s32 $0x0, s20;
	[sflag:s22] =	ssyncset.done $0x0  }
0xa0: {  	[sflag:s22] =	ssyncadd.s32 s4;
	_ =	sdelay $0x1  }
0xa1: {  	s23 =	simm.s32 $0x1B8B  }
0xa2: {  	_ =	swait.ge [sflag:s23], $0x1  }
0xa3: {  	[sflag:s23] =	ssyncset.done $0x0  }
0xa4: {  	s25 =	simm.s32 $0x1B8E;
	s24 =	sld [smem:$0x3FFE];
	[sflag:s23] =	ssyncadd.s32 $0xFFFFFFFF  }
0xa5: {  	s26 =	simm.s32 $execute0_lowered;
	[smem:$0x3FD2] =	sst s25  }
0xa6: {  	s5 =	sshll.u32 s26, $0x1;
	_ =	strace $0x80000055;
	[dreg:$0x1] =	wrdreg $0xFFFFFFFF  }
0xa7: {  	s28 =	simm.s32 $_size_execute0_lowered;
	s3 =	sadd.s32 s3, s5;
	[dreg:$0x0] =	wrdreg $0x0  }
0xa8: {  	s5 =	sshll.u32 s28, $0x1;
	[dreg:$0x2] =	wrdreg s3  }
0xa9: {  	[dreg:$0x3] =	wrdreg s5  }
0xaa: {  	[dreg:$0x4] =	wrdreg $0xC0  }
0xab: {  	_ =	task [dreg:s7], $0x5FFFF  }
0xac: {  	[dreg:$0x1] =	wrdreg $0xFFFFFFFF  }
0xad: {  	[dreg:$0x0] =	wrdreg $0x60  }
0xae: {  	[dreg:$0x2] =	wrdreg s24  }
0xaf: {  	[dreg:$0x3] =	wrdreg s2  }
0xb0: {  	[dreg:$0x4] =	wrdreg $0x32000  }
0xb1: {  	[dreg:$0x5] =	wrdreg $0x37000  }
0xb2: {  	[dreg:$0x6] =	wrdreg $0x9  }
0xb3: {  	_ =	task.clear_ibuf [dreg:s7], $0x7FFFF;
	_ =	strace $0x90000055  }
0xb4: {  	s29 =	simm.s32 $0x9;
	_ =	strace $0x80000057  }
0xb5: {  	_ =	swait.ge [sflag:s29], $0x1  }
0xb6: {  	[sflag:s29] =	ssyncadd.s32 $0xFFFFFFFF  }
0xb7: {  	_ =	strace $0x90000057  }
0xb8: {  	_ =	sfence  }
0xb9: {  	s30 =	sld [smem:$0x0];
	_ =	sdelay $0x2  }
0xba: {  	s31 =	sshll.u32 s1, $0xD;
	s1 =	sshrl.u32 s1, $0x2  }
0xbb: {  	s3 =	sand.u32 $0x4000, s31;
	s1 =	sadd.s32 s1, s30  }
0xbc: {  	s0 =	sor.u32 s3, s0;
	s1 =	sshll.u32 s1, $0x11  }
0xbd: {  	s0 =	sor.u32 s1, s0  }
0xbe: {  	s0 =	sadd.s32 $0x8F2B, s0  }
0xbf: {  	[sflag:s0] =	ssyncadd.remote.s32 $0x1  }
0xc0: {  	_ =	sfence.sel $0xFFFF  }
0xc1: {  	[dreg:$0x0] =	wrdreg $0xFFFFFFFF;
	(pc) =	sbr.abs _section_cstart, $3  }
0xc2: {  	[dreg:$0x1] =	wrdreg $0xFFFFFFFF  }
0xc3: {  	_ =	task.clear_ibuf [dreg:s7], $0x2FFFF;
	_ =	strace $0x9FFFFFFF  }
0xc4: {  	(tm) =	ssettm $0x7FFFFFFF  }
0xc5: {  	_ =	shalt  }
tec
execute0_lowered:
.L_overlay_start_1:
0x0: {  	(tag) =	ssettag $0x1  }
0x1: {  	s5 =	rddreg [dreg:$0x0]  }
0x2: {  	s10 =	rddreg [dreg:$0x1]  }
0x3: {  	s0 =	srdreg.scid;
	s2 =	rddreg [dreg:$0x2]  }
0x4: {  	s3 =	rddreg [dreg:$0x3];
	s1 =	stileid.u32;
	s4 =	simm.s32 $0x0  }
0x5: {  	s19 =	simm.s32 $0x2;
	s20 =	simm.s32 $0x80;
	s21 =	simm.s32 $0xC00  }
0x6: {  	s18 =	sand.u32 $0x1, s0;
	s0 =	rddreg [dreg:$0x4];
	s9 =	smul.u32 $0xC35, s1  }
0x7: {  	s22 =	simm.s32 $0x2C00;
	[smem:$0x7FF] =	sst s4;
	s14 =	smul.u32 $0x1400, s1  }
0x8: {  	s13 =	sadd.s32 $0x4800, s5;
	s11 =	sshll.u32 s1, $0x6;
	s23 =	smul.u32 $0xA00, s1  }
0x9: {  	s26 =	sshll.u32 s1, $0xA;
	s28 =	sshll.u32 s1, $0x7;
	s31 =	sshll.u32 s1, $0x9  }
0xa: {  	s17 =	smul.u32 $0x30D4, s1;
	s6 =	sshll.u32 s18, $0x4;
	_ =	strace $0x80000056  }
0xb: {  	s7 =	smul.u32 $0xC350, s18;
	s8 =	ssub.s32 $0x2, s18;
	s15 =	sadd.s32 s11, s5  }
0xc: {  	s29 =	sshll.u32 s18, $0xB;
	s10 =	sadd.s32 s10, s28;
	s30 =	smul.u32 $0x30D40, s18  }
0xd: {  	s11 =	sadd.s32 s31, s3;
	p0 =	sne.s32 s18, $0x0;
	s18 =	simm.s32 $0xC80  }
0xe: {  	s6 =	sor.u32 s1, s6;
	s12 =	sshrl.u32 s8, $0x1;
	s24 =	sshrl.u32 s14, $0x2  }
0xf: {  	s10 =	sadd.s32 s29, s10;
	s6 =	smul.u32 $0x190, s6;
	s16 =	ssub.s32 s8, s12  }
0x10: {  	s7 =	sadd.s32 s9, s7;
	s8 =	sshrl.u32 s23, $0x2;
	s12 =	sadd.s32 $0x66400, s15  }
0x11: {  	s14 =	sadd.s32 s30, s13;
	s15 =	simm.s32 $0x1;
	s23 =	simm.s32 $0x0  }
0x12: {  	s9 =	sshll.u32 s7, $0x2;
	s7 =	sadd.s32 s8, s3;
	s14 =	sadd.s32 s17, s14  }
0x13: {  	s17 =	simm.s32 $0x2980;
	s6 =	sadd.s32 s6, s5;
	s25 =	sadd.s32 s9, s13  }
0x14: {  	s9 =	sadd.s32 s26, s2;
	s13 =	smax.u32 s16, $0x1;
	s16 =	simm.s32 $0x2480  }
0x15: {  	v0 =	vimm.f32 $1.000000000e+00;
	v1 =	vimm.f32 $0.0e+00;
	s5 =	sadd.s32 $0x68800, s6;
	s6 =	sadd.s32 s24, s2;
	s8 =	sadd.s32 $0x2ED4, s25  }
.LBB2_1:
0x16: {  	s24 =	simm.s32 $0x40;
	s25 =	simm.s32 $0x0  }
.LBB2_2:
0x17: {  	p1 =	sne.s32 s24, $0x1FC0;
	[tilespmem:s25+$0x1C80] =	vst v0;
	s25 =	smov.u32 s24;
	s24 =	sadd.s32 $0x40, s24  }
.Ltmp0:
0x18: {  	(pc) =	sbr.rel @p1 .LBB2_2-.Ltmp0, $2  }
0x19: {  	_ =	sdelay $0x2  }
0x1a: {  	s25 =	sshra.s32 s25, $0x2  }
0x1b: {  	[tilespmem:s25+$0x1C80] =	vst v0  }
0x1c: {  	[tilespmem:$0x2480] =	vst v1  }
0x1d: {  	[tilespmem:$0x24A0] =	vst v1  }
0x1e: {  	[tilespmem:$0x24C0] =	vst v1  }
0x1f: {  	[tilespmem:$0x24E0] =	vst v1  }
0x20: {  	[tilespmem:$0x2500] =	vst v1  }
0x21: {  	[tilespmem:$0x2520] =	vst v1  }
0x22: {  	[tilespmem:$0x2540] =	vst v1  }
0x23: {  	[tilespmem:$0x2560] =	vst v1  }
0x24: {  	[tilespmem:$0x2580] =	vst v1  }
0x25: {  	[tilespmem:$0x25A0] =	vst v1  }
0x26: {  	[tilespmem:$0x25C0] =	vst v1  }
0x27: {  	[tilespmem:$0x25E0] =	vst v1  }
0x28: {  	[tilespmem:$0x2600] =	vst v1  }
0x29: {  	[tilespmem:$0x2620] =	vst v1  }
0x2a: {  	[tilespmem:$0x2640] =	vst v1  }
0x2b: {  	[tilespmem:$0x2660] =	vst v1  }
0x2c: {  	[tilespmem:$0x2680] =	vst v1  }
0x2d: {  	[tilespmem:$0x26A0] =	vst v1  }
0x2e: {  	[tilespmem:$0x26C0] =	vst v1  }
0x2f: {  	[tilespmem:$0x26E0] =	vst v1  }
0x30: {  	[tilespmem:$0x2700] =	vst v1  }
0x31: {  	[tilespmem:$0x2720] =	vst v1  }
0x32: {  	[tilespmem:$0x2740] =	vst v1  }
0x33: {  	[tilespmem:$0x2760] =	vst v1  }
0x34: {  	[tilespmem:$0x2780] =	vst v1  }
0x35: {  	[tilespmem:$0x27A0] =	vst v1  }
0x36: {  	[tilespmem:$0x27C0] =	vst v1  }
0x37: {  	[tilespmem:$0x27E0] =	vst v1  }
0x38: {  	[tilespmem:$0x2800] =	vst v1  }
0x39: {  	[tilespmem:$0x2820] =	vst v1  }
0x3a: {  	[tilespmem:$0x2840] =	vst v1  }
0x3b: {  	[tilespmem:$0x2860] =	vst v1  }
0x3c: {  	[tilespmem:$0x2880] =	vst v1  }
0x3d: {  	[tilespmem:$0x28A0] =	vst v1  }
0x3e: {  	[tilespmem:$0x28C0] =	vst v1  }
0x3f: {  	[tilespmem:$0x28E0] =	vst v1  }
0x40: {  	[tilespmem:$0x2900] =	vst v1  }
0x41: {  	[tilespmem:$0x2920] =	vst v1  }
0x42: {  	[tilespmem:$0x2940] =	vst v1  }
0x43: {  	[tilespmem:$0x2960] =	vst v1  }
0x44: {  	[tilespmem:$0x2490] =	vst v1  }
0x45: {  	[tilespmem:$0x24B0] =	vst v1  }
0x46: {  	[tilespmem:$0x24D0] =	vst v1  }
0x47: {  	[tilespmem:$0x24F0] =	vst v1  }
0x48: {  	[tilespmem:$0x2510] =	vst v1  }
0x49: {  	[tilespmem:$0x2530] =	vst v1  }
0x4a: {  	[tilespmem:$0x2550] =	vst v1  }
0x4b: {  	[tilespmem:$0x2570] =	vst v1  }
0x4c: {  	[tilespmem:$0x2590] =	vst v1  }
0x4d: {  	[tilespmem:$0x25B0] =	vst v1  }
0x4e: {  	[tilespmem:$0x25D0] =	vst v1  }
0x4f: {  	[tilespmem:$0x25F0] =	vst v1  }
0x50: {  	[tilespmem:$0x2610] =	vst v1  }
0x51: {  	[tilespmem:$0x2630] =	vst v1  }
0x52: {  	[tilespmem:$0x2650] =	vst v1  }
0x53: {  	[tilespmem:$0x2670] =	vst v1  }
0x54: {  	[tilespmem:$0x2690] =	vst v1  }
0x55: {  	[tilespmem:$0x26B0] =	vst v1  }
0x56: {  	[tilespmem:$0x26D0] =	vst v1  }
0x57: {  	[tilespmem:$0x26F0] =	vst v1  }
0x58: {  	[tilespmem:$0x2710] =	vst v1  }
0x59: {  	[tilespmem:$0x2730] =	vst v1  }
0x5a: {  	[tilespmem:$0x2750] =	vst v1  }
0x5b: {  	[tilespmem:$0x2770] =	vst v1  }
0x5c: {  	[tilespmem:$0x2790] =	vst v1  }
0x5d: {  	[tilespmem:$0x27B0] =	vst v1  }
0x5e: {  	[tilespmem:$0x27D0] =	vst v1  }
0x5f: {  	[tilespmem:$0x27F0] =	vst v1  }
0x60: {  	[tilespmem:$0x2810] =	vst v1  }
0x61: {  	[tilespmem:$0x2830] =	vst v1  }
0x62: {  	[tilespmem:$0x2850] =	vst v1  }
0x63: {  	[tilespmem:$0x2870] =	vst v1  }
0x64: {  	[tilespmem:$0x2890] =	vst v1  }
0x65: {  	[tilespmem:$0x28B0] =	vst v1  }
0x66: {  	[tilespmem:$0x28D0] =	vst v1  }
0x67: {  	[tilespmem:$0x28F0] =	vst v1  }
0x68: {  	[tilespmem:$0x2910] =	vst v1  }
0x69: {  	[tilespmem:$0x2930] =	vst v1  }
0x6a: {  	[tilespmem:$0x2950] =	vst v1  }
0x6b: {  	[tilespmem:$0x2970] =	vst v1  }
0x6c: {  	[tilespmem:$0x2980] =	vst v1  }
0x6d: {  	[tilespmem:$0x2990] =	vst v1  }
0x6e: {  	[tilespmem:$0x29A0] =	vst v1  }
0x6f: {  	[tilespmem:$0x29B0] =	vst v1  }
0x70: {  	[tilespmem:$0x29C0] =	vst v1  }
0x71: {  	[tilespmem:$0x29D0] =	vst v1  }
0x72: {  	[tilespmem:$0x29E0] =	vst v1  }
0x73: {  	[tilespmem:$0x29F0] =	vst v1  }
0x74: {  	[tilespmem:$0x2A00] =	vst v1  }
0x75: {  	[tilespmem:$0x2A10] =	vst v1  }
0x76: {  	[tilespmem:$0x2A20] =	vst v1  }
0x77: {  	[tilespmem:$0x2A30] =	vst v1  }
0x78: {  	[tilespmem:$0x2A40] =	vst v1  }
0x79: {  	[tilespmem:$0x2A50] =	vst v1  }
0x7a: {  	[tilespmem:$0x2A60] =	vst v1  }
0x7b: {  	[tilespmem:$0x2A70] =	vst v1  }
0x7c: {  	[tilespmem:$0x2A80] =	vst v1  }
0x7d: {  	[tilespmem:$0x2A90] =	vst v1  }
0x7e: {  	[tilespmem:$0x2AA0] =	vst v1  }
0x7f: {  	[tilespmem:$0x2AB0] =	vst v1  }
0x80: {  	[tilespmem:$0x2AC0] =	vst v1  }
0x81: {  	[tilespmem:$0x2AD0] =	vst v1  }
0x82: {  	[tilespmem:$0x2AE0] =	vst v1  }
0x83: {  	[tilespmem:$0x2AF0] =	vst v1  }
0x84: {  	[tilespmem:$0x2B00] =	vst v1  }
0x85: {  	[tilespmem:$0x2B10] =	vst v1  }
0x86: {  	[tilespmem:$0x2B20] =	vst v1  }
0x87: {  	[tilespmem:$0x2B30] =	vst v1  }
0x88: {  	[tilespmem:$0x2B40] =	vst v1  }
0x89: {  	[tilespmem:$0x2B50] =	vst v1  }
0x8a: {  	[tilespmem:$0x2B60] =	vst v1  }
0x8b: {  	[tilespmem:$0x2B70] =	vst v1  }
0x8c: {  	[tilespmem:$0x2B80] =	vst v1  }
0x8d: {  	[tilespmem:$0x2B90] =	vst v1  }
0x8e: {  	[tilespmem:$0x2BA0] =	vst v1  }
0x8f: {  	[tilespmem:$0x2BB0] =	vst v1  }
0x90: {  	[tilespmem:$0x2BC0] =	vst v1  }
0x91: {  	[tilespmem:$0x2BD0] =	vst v1  }
0x92: {  	[tilespmem:$0x2BE0] =	vst v1  }
0x93: {  	s24 =	simm.s32 $0x0;
	[tilespmem:$0x2BF0] =	vst v1  }
0x94: {  	[tilespmem:s24], [sflag:$0x1] =	stream.linear.gather [hbm4b:s5+s24], $0xC80, $0x38;
	[tilespmem:$0x3980] =	vst v63  }
0x95: {  	_ =	swait.ge [sflag:s15], $0xC80  }
0x96: {  	[sflag:s15] =	ssyncset.done $0x0  }
0x97: {  	[sflag:s15] =	ssyncadd.s32 $0xFFFFF380  }
0x98: {  	[spmem:s6] =	stream.linear.scatter [tilespmem:s16], [sflag:$0x1], $0x500, $0x38;
	[tilespmem:$0x3980] =	vst v63  }
0x99: {  	_ =	swait.ge [sflag:s15], $0x500  }
0x9a: {  	[sflag:s15] =	ssyncset.done $0x0  }
0x9b: {  	[sflag:s15] =	ssyncadd.s32 $0xFFFFFB00  }
0x9c: {  	[spmem:s7] =	stream.linear.scatter [tilespmem:s17], [sflag:$0x1], $0x280, $0x38;
	[tilespmem:$0x3980] =	vst v63  }
0x9d: {  	_ =	swait.ge [sflag:s15], $0x280  }
0x9e: {  	[sflag:s15] =	ssyncset.done $0x0  }
0x9f: {  	[sflag:s15] =	ssyncadd.s32 $0xFFFFFD80  }
0xa0: {  	s31 =	sadd.s32 $0x0, s14;
	[bflag:$0x0] =	sbarrier.arrive $0xFFFF  }
0xa1: {  	[tilespmem:s18], [sflag:$0x2] =	stream.linear.gather [hbm4b:s31+s4], $0x1000, $0x38;
	[tilespmem:$0x3980] =	vst v63  }
0xa2: {  	_ =	swait.ge [sflag:s19], $0x1000  }
0xa3: {  	[sflag:s19] =	ssyncset.done $0x0  }
0xa4: {  	s25 =	simm.s32 $0x0;
	[sflag:s19] =	ssyncadd.s32 $0xFFFFF000  }
0xa5: {  	[spmem:s2] =	stream.indirect.scatter.add.f32 [tilespmem:s18], [sflag:$0x2], $0x20, s25, s20, $0xb8;
	[tilespmem:$0x3980] =	vst v63  }
0xa6: {  	_ =	swait.ge [sflag:s19], $0x1000  }
0xa7: {  	s26 =	simm.s32 @!p0 $0x80;
	[sflag:s19] =	ssyncset.done $0x0  }
0xa8: {  	s28 =	simm.s32 @!p0 $0x1C80;
	s24 =	simm.s32 @!p0 $0x1;
	[sflag:s19] =	ssyncadd.s32 $0xFFFFF000  }
0xa9: {  	[spmem:s3] =	stream.indirect.scatter.add.f32 @!p0 [tilespmem:s28], [sflag:$0x1], $0x10, s25, s26, $0xb8;
	[tilespmem:$0x3980] =	vst v63  }
0xaa: {  	_ =	swait.ge @!p0 [sflag:s24], $0x800  }
0xab: {  	s29 =	simm.s32 $0x400;
	s25 =	simm.s32 $0x200;
	[sflag:s24] =	ssyncset.done @!p0 $0x0  }
.LBB2_4:
0xac: {  	s30 =	sadd.s32 s25, s14  }
0xad: {  	[sflag:s24] =	ssyncadd.s32 @!p0 $0xFFFFF800;
	s31 =	smov.u32 s29;
	s29 =	sadd.s32 $0x200, s29  }
0xae: {  	[tilespmem:s18], [sflag:$0x2] =	stream.linear.gather [hbm4b:s30+s4], $0x1000, $0x38;
	[tilespmem:$0x3980] =	vst v63  }
0xaf: {  	p1 =	sne.s32 s29, $0x3000;
	_ =	swait.ge [sflag:s19], $0x1000  }
0xb0: {  	[sflag:s19] =	ssyncset.done $0x0  }
0xb1: {  	s30 =	sshra.s32 s25, $0x2;
	s25 =	smov.u32 s31;
	[sflag:s19] =	ssyncadd.s32 $0xFFFFF000  }
0xb2: {  	[spmem:s2] =	stream.indirect.scatter.add.f32 [tilespmem:s18], [sflag:$0x2], $0x20, s30, s20, $0xb8;
	[tilespmem:$0x3980] =	vst v63  }
0xb3: {  	_ =	swait.ge [sflag:s19], $0x1000  }
.Ltmp1:
0xb4: {  	[sflag:s19] =	ssyncset.done $0x0;
	(pc) =	sbr.rel @p1 .LBB2_4-.Ltmp1, $4  }
0xb5: {  	[sflag:s19] =	ssyncadd.s32 $0xFFFFF000  }
0xb6: {  	[spmem:s3] =	stream.indirect.scatter.add.f32 @!p0 [tilespmem:s28], [sflag:$0x1], $0x10, s30, s26, $0xb8;
	[tilespmem:$0x3980] =	vst v63  }
0xb7: {  	_ =	swait.ge @!p0 [sflag:s24], $0x800  }
0xb8: {  	[sflag:s24] =	ssyncset.done @!p0 $0x0  }
0xb9: {  	s26 =	sadd.s32 s25, s14;
	[sflag:s24] =	ssyncadd.s32 @!p0 $0xFFFFF800  }
0xba: {  	[tilespmem:s18], [sflag:$0x2] =	stream.linear.gather [hbm4b:s26+s4], $0x1000, $0x38;
	[tilespmem:$0x3980] =	vst v63  }
0xbb: {  	_ =	swait.ge [sflag:s19], $0x1000  }
0xbc: {  	[sflag:s19] =	ssyncset.done $0x0  }
0xbd: {  	s24 =	sshra.s32 s25, $0x2;
	[sflag:s19] =	ssyncadd.s32 $0xFFFFF000  }
0xbe: {  	[spmem:s2] =	stream.indirect.scatter.add.f32 [tilespmem:s18], [sflag:$0x2], $0x20, s24, s20, $0xb8;
	[tilespmem:$0x3980] =	vst v63  }
0xbf: {  	_ =	swait.ge [sflag:s19], $0x1000  }
0xc0: {  	s25 =	simm.s32 @!p0 $0x1;
	[sflag:s19] =	ssyncset.done $0x0  }
0xc1: {  	s28 =	simm.s32 @!p0 $0x1C80;
	s26 =	simm.s32 @!p0 $0x80;
	[sflag:s19] =	ssyncadd.s32 $0xFFFFF000  }
0xc2: {  	[spmem:s3] =	stream.indirect.scatter.add.f32 @!p0 [tilespmem:s28], [sflag:$0x1], $0x10, s24, s26, $0xb8;
	[tilespmem:$0x3980] =	vst v63  }
0xc3: {  	_ =	swait.ge @!p0 [sflag:s25], $0x800  }
0xc4: {  	[sflag:s25] =	ssyncset.done @!p0 $0x0  }
0xc5: {  	[sflag:s25] =	ssyncadd.s32 @!p0 $0xFFFFF800  }
0xc6: {  	[tilespmem:s18], [sflag:$0x1] =	stream.linear.gather [hbm4b:s8+s4], $0x1000, $0x38;
	[tilespmem:$0x3980] =	vst v63  }
0xc7: {  	_ =	swait.ge [sflag:s15], $0x1000  }
0xc8: {  	[sflag:s15] =	ssyncset.done $0x0  }
0xc9: {  	[sflag:s15] =	ssyncadd.s32 $0xFFFFF000  }
0xca: {  	[spmem:s2] =	stream.indirect.scatter.add.f32 [tilespmem:s18], [sflag:$0x1], $0x20, s21, s20, $0xb8;
	[tilespmem:$0x3980] =	vst v63  }
0xcb: {  	_ =	swait.ge [sflag:s15], $0x1000  }
0xcc: {  	[sflag:s15] =	ssyncset.done $0x0  }
0xcd: {  	s24 =	simm.s32 @!p0 $0xC00;
	[sflag:s15] =	ssyncadd.s32 $0xFFFFF000  }
0xce: {  	[spmem:s3] =	stream.indirect.scatter.add.f32 @!p0 [tilespmem:s28], [sflag:$0x1], $0x10, s24, s26, $0xb8;
	[tilespmem:$0x3980] =	vst v63  }
0xcf: {  	_ =	swait.ge @!p0 [sflag:s25], $0x800  }
0xd0: {  	[sflag:s25] =	ssyncset.done @!p0 $0x0  }
0xd1: {  	[sflag:s25] =	ssyncadd.s32 @!p0 $0xFFFFF800  }
0xd2: {  	[bflag:$0x0] =	sbarrier.arrive $0xFFFF  }
0xd3: {  	[tilespmem:s22], [sflag:$0x1] =	stream.linear.gather [spmem:s9], $0x400, $0x38;
	[tilespmem:$0x3980] =	vst v63  }
0xd4: {  	_ =	swait.ge [sflag:s15], $0x400  }
0xd5: {  	[sflag:s15] =	ssyncset.done $0x0  }
0xd6: {  	[sflag:s15] =	ssyncadd.s32 $0xFFFFFC00  }
0xd7: {  	[hbm4b:s10+s4] =	stream.linear.scatter [tilespmem:s22], [sflag:$0x1], $0x400, $0x38;
	[tilespmem:$0x3980] =	vst v63  }
0xd8: {  	_ =	swait.ge [sflag:s15], $0x400  }
0xd9: {  	[sflag:s15] =	ssyncset.done $0x0  }
0xda: {  	s24 =	simm.s32 @!p0 $0x3000;
	[sflag:s15] =	ssyncadd.s32 $0xFFFFFC00  }
0xdb: {  	[tilespmem:s24], [sflag:$0x1] =	stream.linear.gather @!p0 [spmem:s11], $0x200, $0x38;
	[tilespmem:$0x3980] =	vst v63  }
0xdc: {  	s23 =	sadd.s32 $0x1, s23;
	_ =	swait.ge @!p0 [sflag:s25], $0x200  }
0xdd: {  	p1 =	sne.s32 s23, s13;
	[sflag:s25] =	ssyncset.done @!p0 $0x0  }
.Ltmp2:
0xde: {  	s26 =	simm.s32 @!p0 $0x0;
	[sflag:s25] =	ssyncadd.s32 @!p0 $0xFFFFFE00;
	(pc) =	sbr.rel @p1 .LBB2_1-.Ltmp2, $4  }
0xdf: {  	[hbm4b:s12+s26] =	stream.linear.scatter @!p0 [tilespmem:s24], [sflag:$0x1], $0x200, $0x38;
	[tilespmem:$0x3980] =	vst v63  }
0xe0: {  	_ =	swait.ge @!p0 [sflag:s25], $0x200  }
0xe1: {  	[sflag:s25] =	ssyncset.done @!p0 $0x0  }
0xe2: {  	[sflag:s25] =	ssyncadd.s32 @!p0 $0xFFFFFE00  }
0xe3: {  	_ =	sfence.sel $0x180000  }
0xe4: {  	[bflag:$0x0] =	sbarrier.arrive $0xFFFF  }
0xe5: {  	p0 =	sne.s32 s1, $0x0;
	_ =	strace $0x90000056  }
0xe6: {  	s0 =	sadd.s32 @!p0 $0x100000, s0;
	[bflag:$0x2] =	sbarrier.arrive $0xFFFF  }
0xe7: {  	[sflag:s0] =	ssyncadd.tile.s32 @!p0 $0x1;
	_ =	shalt  }
.Lfunc_end2:
_tile_overlayer_lowered:
.L_overlay_start_2:
0xe8: {  	(tag) =	ssettag $0x2  }
0xe9: {  	s0 =	rddreg [dreg:$0x0];
	s2 =	stileid.u32  }
0xea: {  	s1 =	rddreg [dreg:$0x1];
	p0 =	sne.s32 s2, $0x0  }
0xeb: {  	s3 =	rddreg [dreg:$0x2];
	[bflag:$0x3] =	sbarrier.arrive $0xFFFF;
	s2 =	simm.s32 @!p0 $0x1C01  }
0xec: {  	[timem:s3], [sflag:s2] =	dma.local @!p0 [hbm:s0], s1  }
0xed: {  	s0 =	simm.s32 @!p0 $0x1  }
0xee: {  	_ =	swait.ge @!p0 [sflag:s0], s1  }
0xef: {  	s1 =	ssub.s32 @!p0 $0x0, s1;
	[sflag:s0] =	ssyncset.done @!p0 $0x0  }
0xf0: {  	[sflag:s0] =	ssyncadd.s32 @!p0 s1  }
0xf1: {  	[bflag:$0x3] =	sbarrier.arrive $0xFFFF  }
0xf2: {  	_ =	shalt  }

</sc_bundles>
